<compile_context>
chip_gen: v7x
topology: tpu7x:2x2x1
jax: 0.10.2.dev20260603
libtpu: 0.0.44.dev20260713+nightly
codegen_flags: <defaults>
</compile_context>

<pallas_src>
import functools

import jax
import jax.numpy as jnp
from jax import lax
from jax.experimental import pallas as pl
from jax.experimental.pallas import tpu as pltpu
from jax.experimental.pallas import tpu_sc as plsc

N = 100000
TOPK = 64
NW = 16
NPAD = 100352
CH = NPAD // NW
NV = CH // 16
NTAIL = N - (NW - 1) * CH
NVTAIL = NTAIL // 16
SLOT = 256
NEG = float("-inf")


_mesh = plsc.VectorSubcoreMesh(core_axis_name="c", subcore_axis_name="s",
                               num_cores=1)


@functools.partial(
    pl.kernel,
    out_type=(jax.ShapeDtypeStruct((16,), jnp.float32),
              jax.ShapeDtypeStruct((NW * SLOT,), jnp.float32)),
    mesh=_mesh,
    compiler_params=pltpu.CompilerParams(needs_layout_passes=False),
    scratch_types=[
        pltpu.VMEM((CH,), jnp.float32),
        pltpu.VMEM((CH,), jnp.float32),
        pltpu.VMEM((CH,), jnp.float32),
        pltpu.VMEM((CH,), jnp.float32),
        pltpu.VMEM((CH,), jnp.float32),
        pltpu.VMEM((16,), jnp.float32),
        pltpu.VMEM((TOPK,), jnp.float32),
        pltpu.VMEM((TOPK,), jnp.float32),
        pltpu.VMEM((SLOT,), jnp.float32),
        pltpu.VMEM((NW * SLOT,), jnp.float32),
        pltpu.VMEM((16,), jnp.float32),
    ],
)
def _sc_knn(scal_hbm, rd_hbm, rq_hbm, rb_hbm, p_hbm, res_hbm, cand_hbm,
            rd, rq, rb, pv, sv, scb, selv, selp, stage, mbuf, obuf):
    wid = lax.axis_index("s")
    base = wid * CH
    lanes = lax.iota(jnp.int32, 16)

    pltpu.sync_copy(scal_hbm, scb)

    @pl.when(wid < NW - 1)
    def _():
        pltpu.sync_copy(rd_hbm.at[pl.ds(base, CH)], rd)
        pltpu.sync_copy(rq_hbm.at[pl.ds(base, CH)], rq)
        pltpu.sync_copy(rb_hbm.at[pl.ds(base, CH)], rb)
        pltpu.sync_copy(p_hbm.at[pl.ds(base, CH)], pv)

    @pl.when(wid == NW - 1)
    def _():
        tb = (NW - 1) * CH
        pltpu.sync_copy(rd_hbm.at[pl.ds(tb, NTAIL)], rd.at[pl.ds(0, NTAIL)])
        pltpu.sync_copy(rq_hbm.at[pl.ds(tb, NTAIL)], rq.at[pl.ds(0, NTAIL)])
        pltpu.sync_copy(rb_hbm.at[pl.ds(tb, NTAIL)], rb.at[pl.ds(0, NTAIL)])
        pltpu.sync_copy(p_hbm.at[pl.ds(tb, NTAIL)], pv.at[pl.ds(0, NTAIL)])

    s = scb[...]
    w0 = jnp.sum(jnp.where(lanes == 0, s, 0.0))
    w1 = jnp.sum(jnp.where(lanes == 1, s, 0.0))
    w2 = jnp.sum(jnp.where(lanes == 2, s, 0.0))
    qd = jnp.sum(jnp.where(lanes == 3, s, 0.0))
    qq = jnp.sum(jnp.where(lanes == 4, s, 0.0))
    qb = jnp.sum(jnp.where(lanes == 5, s, 0.0))

    def sim_body(j, c):
        s0 = w0 * (-jnp.abs(qd - rd[pl.ds(j * 16, 16)]))
        s1 = w1 * (-jnp.abs(qq - rq[pl.ds(j * 16, 16)]))
        s2 = w2 * (-jnp.abs(qb - rb[pl.ds(j * 16, 16)]))
        m = jnp.maximum(jnp.maximum(s0, s1), s2)
        e0 = jnp.exp(s0 - m)
        e1 = jnp.exp(s1 - m)
        e2 = jnp.exp(s2 - m)
        t = (e0 + e2) + e1
        sv[pl.ds(j * 16, 16)] = ((e0 / t + e2 / t) + e1 / t) / 3.0
        return c
    lax.fori_loop(0, NV, sim_body, jnp.int32(0))

    @pl.when(wid == NW - 1)
    def _():
        for k in range(NVTAIL, NV):
            sv[pl.ds(k * 16, 16)] = jnp.full((16,), NEG, jnp.float32)

    def mx_body(j, acc):
        a = jnp.maximum(acc, sv[pl.ds(j * 32, 16)])
        return jnp.maximum(a, sv[pl.ds(j * 32 + 16, 16)])
    accm = lax.fori_loop(0, NV // 2, mx_body,
                         jnp.full((16,), NEG, jnp.float32))
    g0 = jnp.max(accm)

    def lvl_pass(g):
        def body(j, carry):
            cnt, nmax = carry
            x = sv[pl.ds(j * 32, 16)]
            y = sv[pl.ds(j * 32 + 16, 16)]
            cnt = cnt + (x == g).astype(jnp.int32)
            cnt = cnt + (y == g).astype(jnp.int32)
            nmax = jnp.maximum(nmax, jnp.where(x < g, x, NEG))
            nmax = jnp.maximum(nmax, jnp.where(y < g, y, NEG))
            return cnt, nmax
        cnt, nmax = lax.fori_loop(
            0, NV // 2, body,
            (jnp.zeros((16,), jnp.int32), jnp.full((16,), NEG, jnp.float32)))
        return jnp.sum(cnt), jnp.max(nmax)

    def w_cond(st):
        return st[0]

    def w_body(st):
        _, g, cum = st
        c_w, m2_w = lvl_pass(g)
        done = (cum + c_w) >= TOPK
        g_next = jnp.where(done, g, m2_w)
        cum_next = jnp.where(done, cum, cum + c_w)
        return (~done, g_next, cum_next)

    _, g_fin, cum_prev = lax.while_loop(
        w_cond, w_body, (jnp.bool_(True), g0, jnp.int32(0)))
    quota = TOPK - cum_prev

    def sel_one(j, carry):
        cursor, rem = carry
        x = sv[pl.ds(j * 16, 16)]
        hit = x >= g_fin

        def slow(c):
            cur, rm = c
            pr = pv[pl.ds(j * 16, 16)]
            gt = x > g_fin
            eq = x == g_fin
            eqrank = plsc.cumsum(eq.astype(jnp.int32))
            eq_take = eq & (eqrank <= rm)
            take = gt | eq_take
            tvec = take.astype(jnp.int32)
            pos = cur + plsc.cumsum(tvec) - 1
            plsc.store_scatter(selv, [pos], x, mask=take)
            plsc.store_scatter(selp, [pos], pr, mask=take)
            return (cur + jnp.sum(tvec),
                    rm - jnp.sum(eq_take.astype(jnp.int32)))

        return lax.cond(jnp.any(hit), slow, lambda c: c, (cursor, rem))

    lax.fori_loop(0, NV, sel_one, (jnp.int32(0), quota))

    for k in range(TOPK // 16):
        stage[pl.ds(k * 16, 16)] = selv[pl.ds(k * 16, 16)]
        stage[pl.ds(TOPK + k * 16, 16)] = selp[pl.ds(k * 16, 16)]
    for k in range(2 * TOPK, SLOT, 16):
        stage[pl.ds(k, 16)] = jnp.zeros((16,), jnp.float32)
    pltpu.sync_copy(stage, cand_hbm.at[pl.ds(wid * SLOT, SLOT)])
    plsc.subcore_barrier()

    @pl.when(wid == 0)
    def _():
        pltpu.sync_copy(cand_hbm, mbuf)

        def cvec(w, k):
            return mbuf[pl.ds(w * SLOT + k * 16, 16)]

        def cprice(w, k):
            return mbuf[pl.ds(w * SLOT + TOPK + k * 16, 16)]

        gacc = jnp.full((16,), NEG, jnp.float32)
        for w in range(NW):
            for k in range(TOPK // 16):
                gacc = jnp.maximum(gacc, cvec(w, k))
        gg0 = jnp.max(gacc)

        def glvl(g):
            cnt = jnp.zeros((16,), jnp.int32)
            nmax = jnp.full((16,), NEG, jnp.float32)
            for w in range(NW):
                for k in range(TOPK // 16):
                    x = cvec(w, k)
                    cnt = cnt + (x == g).astype(jnp.int32)
                    nmax = jnp.maximum(nmax, jnp.where(x < g, x, NEG))
            return jnp.sum(cnt), jnp.max(nmax)

        def gw_body(st):
            _, g, cum = st
            c_w, m2_w = glvl(g)
            done = (cum + c_w) >= TOPK
            return (~done, jnp.where(done, g, m2_w),
                    jnp.where(done, cum, cum + c_w))

        _, gg_fin, gcum = lax.while_loop(
            w_cond, gw_body, (jnp.bool_(True), gg0, jnp.int32(0)))
        need = TOPK - gcum

        accw = jnp.zeros((16,), jnp.float32)
        accpw = jnp.zeros((16,), jnp.float32)
        prefix = jnp.int32(0)
        for w in range(NW):
            eqs = []
            ec = jnp.int32(0)
            for k in range(TOPK // 16):
                e = cvec(w, k) == gg_fin
                eqs.append(e)
                ec = ec + jnp.sum(e.astype(jnp.int32))
            quota_w = jnp.clip(need - prefix, 0, ec)
            prefix = prefix + ec
            roff = jnp.int32(0)
            for k in range(TOPK // 16):
                x = cvec(w, k)
                p = cprice(w, k)
                e = eqs[k]
                gt = x > gg_fin
                eqr = plsc.cumsum(e.astype(jnp.int32)) + roff
                roff = roff + jnp.sum(e.astype(jnp.int32))
                take = gt | (e & (eqr <= quota_w))
                wgt = 1.0 / ((1.0 - x) + 1e-6)
                accw = accw + jnp.where(take, wgt, 0.0)
                accpw = accpw + jnp.where(take, wgt * p, 0.0)

        obuf[...] = (jnp.full((16,), jnp.sum(accpw))
                     / jnp.full((16,), jnp.sum(accw)))
        pltpu.sync_copy(obuf, res_hbm)


def kernel(weights, query_distances, query_quantities, query_bid_size,
           reference_distances, reference_quantities, reference_bid_size,
           reference_prices):
    scal = jnp.concatenate([weights, query_distances, query_quantities,
                            query_bid_size, jnp.zeros((10,), jnp.float32)])
    res, _ = _sc_knn(scal, reference_distances.reshape(-1),
                     reference_quantities.reshape(-1),
                     reference_bid_size.reshape(-1),
                     reference_prices.reshape(-1))
    return res[0]

# --- scband reference (transcript-rebuilt; emitter-appended) ---
"""Pipeline reference for scband-weighted-knnregression-39256001086068 (READ-ONLY COPY).

The authoritative reference and input builder live on the scoring server;
editing this copy changes nothing except your own understanding.
"""

import jax, jax.numpy as jnp
import numpy as np

N = 100000
K = 64

def setup_inputs(seed: int = 0) -> dict:
    key = jax.random.key(seed)
    ks = jax.random.split(key, 8)
    return {
        "weights": jnp.ones((3,), dtype=jnp.float32),
        "query_distances": jax.random.normal(ks[0], (1,), dtype=jnp.float32),
        "query_quantities": jax.random.normal(ks[1], (1,), dtype=jnp.float32),
        "query_bid_size": jax.random.normal(ks[2], (1,), dtype=jnp.float32),
        "reference_distances": jax.random.normal(ks[3], (N, 1), dtype=jnp.float32),
        "reference_quantities": jax.random.normal(ks[4], (N, 1), dtype=jnp.float32),
        "reference_bid_size": jax.random.normal(ks[5], (N, 1), dtype=jnp.float32),
        "reference_prices": jax.random.normal(ks[6], (N,), dtype=jnp.float32),
    }

def _neg_cdist_1d(q, ref):
    # torch.cdist(q.view(1,1), ref[N,1]).squeeze(0) with p=2 on 1-d == |q - ref|
    return -jnp.abs(q.reshape(1, 1) - ref.reshape(1, -1))[0]

def reference(weights, query_distances, query_quantities, query_bid_size,
              reference_distances, reference_quantities, reference_bid_size,
              reference_prices):
    distance_sim = _neg_cdist_1d(query_distances, reference_distances)
    quantity_sim = _neg_cdist_1d(query_quantities, reference_quantities)
    bid_size_sim = _neg_cdist_1d(query_bid_size, reference_bid_size)
    similarities = jnp.stack([
        weights[0] * distance_sim,
        weights[1] * quantity_sim,
        weights[2] * bid_size_sim,
    ])
    final_similarity = jnp.mean(jax.nn.softmax(similarities, axis=0), axis=0)
    k = min(K, final_similarity.shape[0])
    top_k_sims, indices = jax.lax.top_k(final_similarity, k)
    prices = reference_prices.reshape(-1)
    top_k_prices = prices[indices]
    w = 1.0 / (1.0 - top_k_sims + 1e-06)
    w = w / w.sum()
    return jnp.dot(top_k_prices, w)

if __name__ == "__main__":
    import jax
    _d = setup_inputs()
    print(jax.jit(kernel)(*tuple(_d.values())))

</pallas_src>

<mosaic_0001>
#map = affine_map<(d0, d1) -> (0)>
module attributes {stable_mosaic.version = 14 : i64} {
  func.func @_sc_knn(%arg0: i32, %arg1: i32, %arg2: memref<16xf32, #tpu.memory_space<hbm>>, %arg3: memref<100000xf32, #tpu.memory_space<hbm>>, %arg4: memref<100000xf32, #tpu.memory_space<hbm>>, %arg5: memref<100000xf32, #tpu.memory_space<hbm>>, %arg6: memref<100000xf32, #tpu.memory_space<hbm>>, %arg7: memref<16xf32, #tpu.memory_space<hbm>>, %arg8: memref<4096xf32, #tpu.memory_space<hbm>>, %arg9: memref<6272xf32, #tpu.memory_space<vmem>>, %arg10: memref<6272xf32, #tpu.memory_space<vmem>>, %arg11: memref<6272xf32, #tpu.memory_space<vmem>>, %arg12: memref<6272xf32, #tpu.memory_space<vmem>>, %arg13: memref<6272xf32, #tpu.memory_space<vmem>>, %arg14: memref<16xf32, #tpu.memory_space<vmem>>, %arg15: memref<64xf32, #tpu.memory_space<vmem>>, %arg16: memref<64xf32, #tpu.memory_space<vmem>>, %arg17: memref<256xf32, #tpu.memory_space<vmem>>, %arg18: memref<4096xf32, #tpu.memory_space<vmem>>, %arg19: memref<16xf32, #tpu.memory_space<vmem>>) attributes {dimension_semantics = [#tpu.dimension_semantics<core_parallel>, #tpu.dimension_semantics<subcore_parallel>], iteration_bounds = array<i64: 1, 16>, scalar_prefetch = 0 : i64, scratch_operands = 11 : i64, tpu.core_type = #tpu.core_type<sc_vector_subcore>, window_params = [{transform_indices = #map}, {transform_indices = #map}, {transform_indices = #map}, {transform_indices = #map}, {transform_indices = #map}, {transform_indices = #map}, {transform_indices = #map}]} {
    %mul3A = arith.constant 6272 : i32
    %mul3A_0 = arith.muli %arg1, %mul3A : i32
    %iota3A = tpu.iota {dimensions = array<i32: 0>} : vector<16xi32>
    "tpu.region"() ({
      %run_scoped3A = tpu.sem_alloc : memref<!tpu.dma_semaphore, #tpu.memory_space<semaphore_mem>>
      tpu.enqueue_dma source(%arg2 : memref<16xf32, #tpu.memory_space<hbm>>) target(%arg14 : memref<16xf32, #tpu.memory_space<vmem>>) target_semaphore(%run_scoped3A : memref<!tpu.dma_semaphore, #tpu.memory_space<semaphore_mem>>)
      tpu.wait_dma2 semaphore(%run_scoped3A : memref<!tpu.dma_semaphore, #tpu.memory_space<semaphore_mem>>) src(%arg2 : memref<16xf32, #tpu.memory_space<hbm>>) dst(%arg14 : memref<16xf32, #tpu.memory_space<vmem>>)
      tpu.yield
    }) : () -> ()
    %lt3A = arith.constant 15 : i32
    %lt3A_1 = arith.cmpi slt, %arg1, %lt3A : i32
    %convert_element_type3A = arith.extui %lt3A_1 : i1 to i32
    %cond3A = arith.constant 0 : i32
    %cond3A_2 = arith.cmpi ne, %convert_element_type3A, %cond3A : i32
    scf.if %cond3A_2 {
      "tpu.region"() ({
        %run_scoped3A = tpu.sem_alloc : memref<!tpu.dma_semaphore, #tpu.memory_space<semaphore_mem>>
        %dma_start3A = tpu.memref_slice %arg3[%mul3A_0] : memref<100000xf32, #tpu.memory_space<hbm>> -> memref<6272xf32, #tpu.memory_space<hbm>>
        %dma_start3A_165 = tpu.memref_slice %arg3[%mul3A_0] : memref<100000xf32, #tpu.memory_space<hbm>> -> memref<6272xf32, #tpu.memory_space<hbm>>
        tpu.enqueue_dma source(%dma_start3A_165 : memref<6272xf32, #tpu.memory_space<hbm>>) target(%arg9 : memref<6272xf32, #tpu.memory_space<vmem>>) target_semaphore(%run_scoped3A : memref<!tpu.dma_semaphore, #tpu.memory_space<semaphore_mem>>)
        %dma_wait3A = tpu.memref_slice %arg3[%mul3A_0] : memref<100000xf32, #tpu.memory_space<hbm>> -> memref<6272xf32, #tpu.memory_space<hbm>>
        %dma_wait3A_166 = tpu.memref_slice %arg3[%mul3A_0] : memref<100000xf32, #tpu.memory_space<hbm>> -> memref<6272xf32, #tpu.memory_space<hbm>>
        tpu.wait_dma2 semaphore(%run_scoped3A : memref<!tpu.dma_semaphore, #tpu.memory_space<semaphore_mem>>) src(%dma_wait3A_166 : memref<6272xf32, #tpu.memory_space<hbm>>) dst(%arg9 : memref<6272xf32, #tpu.memory_space<vmem>>)
        tpu.yield
      }) : () -> ()
      "tpu.region"() ({
        %run_scoped3A = tpu.sem_alloc : memref<!tpu.dma_semaphore, #tpu.memory_space<semaphore_mem>>
        %dma_start3A = tpu.memref_slice %arg4[%mul3A_0] : memref<100000xf32, #tpu.memory_space<hbm>> -> memref<6272xf32, #tpu.memory_space<hbm>>
        %dma_start3A_165 = tpu.memref_slice %arg4[%mul3A_0] : memref<100000xf32, #tpu.memory_space<hbm>> -> memref<6272xf32, #tpu.memory_space<hbm>>
        tpu.enqueue_dma source(%dma_start3A_165 : memref<6272xf32, #tpu.memory_space<hbm>>) target(%arg10 : memref<6272xf32, #tpu.memory_space<vmem>>) target_semaphore(%run_scoped3A : memref<!tpu.dma_semaphore, #tpu.memory_space<semaphore_mem>>)
        %dma_wait3A = tpu.memref_slice %arg4[%mul3A_0] : memref<100000xf32, #tpu.memory_space<hbm>> -> memref<6272xf32, #tpu.memory_space<hbm>>
        %dma_wait3A_166 = tpu.memref_slice %arg4[%mul3A_0] : memref<100000xf32, #tpu.memory_space<hbm>> -> memref<6272xf32, #tpu.memory_space<hbm>>
        tpu.wait_dma2 semaphore(%run_scoped3A : memref<!tpu.dma_semaphore, #tpu.memory_space<semaphore_mem>>) src(%dma_wait3A_166 : memref<6272xf32, #tpu.memory_space<hbm>>) dst(%arg10 : memref<6272xf32, #tpu.memory_space<vmem>>)
        tpu.yield
      }) : () -> ()
      "tpu.region"() ({
        %run_scoped3A = tpu.sem_alloc : memref<!tpu.dma_semaphore, #tpu.memory_space<semaphore_mem>>
        %dma_start3A = tpu.memref_slice %arg5[%mul3A_0] : memref<100000xf32, #tpu.memory_space<hbm>> -> memref<6272xf32, #tpu.memory_space<hbm>>
        %dma_start3A_165 = tpu.memref_slice %arg5[%mul3A_0] : memref<100000xf32, #tpu.memory_space<hbm>> -> memref<6272xf32, #tpu.memory_space<hbm>>
        tpu.enqueue_dma source(%dma_start3A_165 : memref<6272xf32, #tpu.memory_space<hbm>>) target(%arg11 : memref<6272xf32, #tpu.memory_space<vmem>>) target_semaphore(%run_scoped3A : memref<!tpu.dma_semaphore, #tpu.memory_space<semaphore_mem>>)
        %dma_wait3A = tpu.memref_slice %arg5[%mul3A_0] : memref<100000xf32, #tpu.memory_space<hbm>> -> memref<6272xf32, #tpu.memory_space<hbm>>
        %dma_wait3A_166 = tpu.memref_slice %arg5[%mul3A_0] : memref<100000xf32, #tpu.memory_space<hbm>> -> memref<6272xf32, #tpu.memory_space<hbm>>
        tpu.wait_dma2 semaphore(%run_scoped3A : memref<!tpu.dma_semaphore, #tpu.memory_space<semaphore_mem>>) src(%dma_wait3A_166 : memref<6272xf32, #tpu.memory_space<hbm>>) dst(%arg11 : memref<6272xf32, #tpu.memory_space<vmem>>)
        tpu.yield
      }) : () -> ()
      "tpu.region"() ({
        %run_scoped3A = tpu.sem_alloc : memref<!tpu.dma_semaphore, #tpu.memory_space<semaphore_mem>>
        %dma_start3A = tpu.memref_slice %arg6[%mul3A_0] : memref<100000xf32, #tpu.memory_space<hbm>> -> memref<6272xf32, #tpu.memory_space<hbm>>
        %dma_start3A_165 = tpu.memref_slice %arg6[%mul3A_0] : memref<100000xf32, #tpu.memory_space<hbm>> -> memref<6272xf32, #tpu.memory_space<hbm>>
        tpu.enqueue_dma source(%dma_start3A_165 : memref<6272xf32, #tpu.memory_space<hbm>>) target(%arg12 : memref<6272xf32, #tpu.memory_space<vmem>>) target_semaphore(%run_scoped3A : memref<!tpu.dma_semaphore, #tpu.memory_space<semaphore_mem>>)
        %dma_wait3A = tpu.memref_slice %arg6[%mul3A_0] : memref<100000xf32, #tpu.memory_space<hbm>> -> memref<6272xf32, #tpu.memory_space<hbm>>
        %dma_wait3A_166 = tpu.memref_slice %arg6[%mul3A_0] : memref<100000xf32, #tpu.memory_space<hbm>> -> memref<6272xf32, #tpu.memory_space<hbm>>
        tpu.wait_dma2 semaphore(%run_scoped3A : memref<!tpu.dma_semaphore, #tpu.memory_space<semaphore_mem>>) src(%dma_wait3A_166 : memref<6272xf32, #tpu.memory_space<hbm>>) dst(%arg12 : memref<6272xf32, #tpu.memory_space<vmem>>)
        tpu.yield
      }) : () -> ()
    } else {
    }
    %eq3A = arith.constant 15 : i32
    %eq3A_3 = arith.cmpi eq, %arg1, %eq3A : i32
    %convert_element_type3A_4 = arith.extui %eq3A_3 : i1 to i32
    %cond3A_5 = arith.constant 0 : i32
    %cond3A_6 = arith.cmpi ne, %convert_element_type3A_4, %cond3A_5 : i32
    scf.if %cond3A_6 {
      "tpu.region"() ({
        %run_scoped3A = tpu.sem_alloc : memref<!tpu.dma_semaphore, #tpu.memory_space<semaphore_mem>>
        %dma_start3A = arith.constant 0 : i32
        %dma_start3A_165 = tpu.memref_slice %arg9[%dma_start3A] : memref<6272xf32, #tpu.memory_space<vmem>> -> memref<5920xf32, #tpu.memory_space<vmem>>
        %dma_start3A_166 = arith.constant 94080 : i32
        %dma_start3A_167 = tpu.memref_slice %arg3[%dma_start3A_166] : memref<100000xf32, #tpu.memory_space<hbm>> -> memref<5920xf32, #tpu.memory_space<hbm>>
        %dma_start3A_168 = arith.constant 0 : i32
        %dma_start3A_169 = tpu.memref_slice %arg9[%dma_start3A_168] : memref<6272xf32, #tpu.memory_space<vmem>> -> memref<5920xf32, #tpu.memory_space<vmem>>
        %dma_start3A_170 = arith.constant 94080 : i32
        %dma_start3A_171 = tpu.memref_slice %arg3[%dma_start3A_170] : memref<100000xf32, #tpu.memory_space<hbm>> -> memref<5920xf32, #tpu.memory_space<hbm>>
        tpu.enqueue_dma source(%dma_start3A_171 : memref<5920xf32, #tpu.memory_space<hbm>>) target(%dma_start3A_169 : memref<5920xf32, #tpu.memory_space<vmem>>) target_semaphore(%run_scoped3A : memref<!tpu.dma_semaphore, #tpu.memory_space<semaphore_mem>>)
        %dma_wait3A = arith.constant 0 : i32
        %dma_wait3A_172 = tpu.memref_slice %arg9[%dma_wait3A] : memref<6272xf32, #tpu.memory_space<vmem>> -> memref<5920xf32, #tpu.memory_space<vmem>>
        %dma_wait3A_173 = arith.constant 94080 : i32
        %dma_wait3A_174 = tpu.memref_slice %arg3[%dma_wait3A_173] : memref<100000xf32, #tpu.memory_space<hbm>> -> memref<5920xf32, #tpu.memory_space<hbm>>
        %dma_wait3A_175 = arith.constant 0 : i32
        %dma_wait3A_176 = tpu.memref_slice %arg9[%dma_wait3A_175] : memref<6272xf32, #tpu.memory_space<vmem>> -> memref<5920xf32, #tpu.memory_space<vmem>>
        %dma_wait3A_177 = arith.constant 94080 : i32
        %dma_wait3A_178 = tpu.memref_slice %arg3[%dma_wait3A_177] : memref<100000xf32, #tpu.memory_space<hbm>> -> memref<5920xf32, #tpu.memory_space<hbm>>
        tpu.wait_dma2 semaphore(%run_scoped3A : memref<!tpu.dma_semaphore, #tpu.memory_space<semaphore_mem>>) src(%dma_wait3A_178 : memref<5920xf32, #tpu.memory_space<hbm>>) dst(%dma_wait3A_176 : memref<5920xf32, #tpu.memory_space<vmem>>)
        tpu.yield
      }) : () -> ()
      "tpu.region"() ({
        %run_scoped3A = tpu.sem_alloc : memref<!tpu.dma_semaphore, #tpu.memory_space<semaphore_mem>>
        %dma_start3A = arith.constant 0 : i32
        %dma_start3A_165 = tpu.memref_slice %arg10[%dma_start3A] : memref<6272xf32, #tpu.memory_space<vmem>> -> memref<5920xf32, #tpu.memory_space<vmem>>
        %dma_start3A_166 = arith.constant 94080 : i32
        %dma_start3A_167 = tpu.memref_slice %arg4[%dma_start3A_166] : memref<100000xf32, #tpu.memory_space<hbm>> -> memref<5920xf32, #tpu.memory_space<hbm>>
        %dma_start3A_168 = arith.constant 0 : i32
        %dma_start3A_169 = tpu.memref_slice %arg10[%dma_start3A_168] : memref<6272xf32, #tpu.memory_space<vmem>> -> memref<5920xf32, #tpu.memory_space<vmem>>
        %dma_start3A_170 = arith.constant 94080 : i32
        %dma_start3A_171 = tpu.memref_slice %arg4[%dma_start3A_170] : memref<100000xf32, #tpu.memory_space<hbm>> -> memref<5920xf32, #tpu.memory_space<hbm>>
        tpu.enqueue_dma source(%dma_start3A_171 : memref<5920xf32, #tpu.memory_space<hbm>>) target(%dma_start3A_169 : memref<5920xf32, #tpu.memory_space<vmem>>) target_semaphore(%run_scoped3A : memref<!tpu.dma_semaphore, #tpu.memory_space<semaphore_mem>>)
        %dma_wait3A = arith.constant 0 : i32
        %dma_wait3A_172 = tpu.memref_slice %arg10[%dma_wait3A] : memref<6272xf32, #tpu.memory_space<vmem>> -> memref<5920xf32, #tpu.memory_space<vmem>>
        %dma_wait3A_173 = arith.constant 94080 : i32
        %dma_wait3A_174 = tpu.memref_slice %arg4[%dma_wait3A_173] : memref<100000xf32, #tpu.memory_space<hbm>> -> memref<5920xf32, #tpu.memory_space<hbm>>
        %dma_wait3A_175 = arith.constant 0 : i32
        %dma_wait3A_176 = tpu.memref_slice %arg10[%dma_wait3A_175] : memref<6272xf32, #tpu.memory_space<vmem>> -> memref<5920xf32, #tpu.memory_space<vmem>>
        %dma_wait3A_177 = arith.constant 94080 : i32
        %dma_wait3A_178 = tpu.memref_slice %arg4[%dma_wait3A_177] : memref<100000xf32, #tpu.memory_space<hbm>> -> memref<5920xf32, #tpu.memory_space<hbm>>
        tpu.wait_dma2 semaphore(%run_scoped3A : memref<!tpu.dma_semaphore, #tpu.memory_space<semaphore_mem>>) src(%dma_wait3A_178 : memref<5920xf32, #tpu.memory_space<hbm>>) dst(%dma_wait3A_176 : memref<5920xf32, #tpu.memory_space<vmem>>)
        tpu.yield
      }) : () -> ()
      "tpu.region"() ({
        %run_scoped3A = tpu.sem_alloc : memref<!tpu.dma_semaphore, #tpu.memory_space<semaphore_mem>>
        %dma_start3A = arith.constant 0 : i32
        %dma_start3A_165 = tpu.memref_slice %arg11[%dma_start3A] : memref<6272xf32, #tpu.memory_space<vmem>> -> memref<5920xf32, #tpu.memory_space<vmem>>
        %dma_start3A_166 = arith.constant 94080 : i32
        %dma_start3A_167 = tpu.memref_slice %arg5[%dma_start3A_166] : memref<100000xf32, #tpu.memory_space<hbm>> -> memref<5920xf32, #tpu.memory_space<hbm>>
        %dma_start3A_168 = arith.constant 0 : i32
        %dma_start3A_169 = tpu.memref_slice %arg11[%dma_start3A_168] : memref<6272xf32, #tpu.memory_space<vmem>> -> memref<5920xf32, #tpu.memory_space<vmem>>
        %dma_start3A_170 = arith.constant 94080 : i32
        %dma_start3A_171 = tpu.memref_slice %arg5[%dma_start3A_170] : memref<100000xf32, #tpu.memory_space<hbm>> -> memref<5920xf32, #tpu.memory_space<hbm>>
        tpu.enqueue_dma source(%dma_start3A_171 : memref<5920xf32, #tpu.memory_space<hbm>>) target(%dma_start3A_169 : memref<5920xf32, #tpu.memory_space<vmem>>) target_semaphore(%run_scoped3A : memref<!tpu.dma_semaphore, #tpu.memory_space<semaphore_mem>>)
        %dma_wait3A = arith.constant 0 : i32
        %dma_wait3A_172 = tpu.memref_slice %arg11[%dma_wait3A] : memref<6272xf32, #tpu.memory_space<vmem>> -> memref<5920xf32, #tpu.memory_space<vmem>>
        %dma_wait3A_173 = arith.constant 94080 : i32
        %dma_wait3A_174 = tpu.memref_slice %arg5[%dma_wait3A_173] : memref<100000xf32, #tpu.memory_space<hbm>> -> memref<5920xf32, #tpu.memory_space<hbm>>
        %dma_wait3A_175 = arith.constant 0 : i32
        %dma_wait3A_176 = tpu.memref_slice %arg11[%dma_wait3A_175] : memref<6272xf32, #tpu.memory_space<vmem>> -> memref<5920xf32, #tpu.memory_space<vmem>>
        %dma_wait3A_177 = arith.constant 94080 : i32
        %dma_wait3A_178 = tpu.memref_slice %arg5[%dma_wait3A_177] : memref<100000xf32, #tpu.memory_space<hbm>> -> memref<5920xf32, #tpu.memory_space<hbm>>
        tpu.wait_dma2 semaphore(%run_scoped3A : memref<!tpu.dma_semaphore, #tpu.memory_space<semaphore_mem>>) src(%dma_wait3A_178 : memref<5920xf32, #tpu.memory_space<hbm>>) dst(%dma_wait3A_176 : memref<5920xf32, #tpu.memory_space<vmem>>)
        tpu.yield
      }) : () -> ()
      "tpu.region"() ({
        %run_scoped3A = tpu.sem_alloc : memref<!tpu.dma_semaphore, #tpu.memory_space<semaphore_mem>>
        %dma_start3A = arith.constant 0 : i32
        %dma_start3A_165 = tpu.memref_slice %arg12[%dma_start3A] : memref<6272xf32, #tpu.memory_space<vmem>> -> memref<5920xf32, #tpu.memory_space<vmem>>
        %dma_start3A_166 = arith.constant 94080 : i32
        %dma_start3A_167 = tpu.memref_slice %arg6[%dma_start3A_166] : memref<100000xf32, #tpu.memory_space<hbm>> -> memref<5920xf32, #tpu.memory_space<hbm>>
        %dma_start3A_168 = arith.constant 0 : i32
        %dma_start3A_169 = tpu.memref_slice %arg12[%dma_start3A_168] : memref<6272xf32, #tpu.memory_space<vmem>> -> memref<5920xf32, #tpu.memory_space<vmem>>
        %dma_start3A_170 = arith.constant 94080 : i32
        %dma_start3A_171 = tpu.memref_slice %arg6[%dma_start3A_170] : memref<100000xf32, #tpu.memory_space<hbm>> -> memref<5920xf32, #tpu.memory_space<hbm>>
        tpu.enqueue_dma source(%dma_start3A_171 : memref<5920xf32, #tpu.memory_space<hbm>>) target(%dma_start3A_169 : memref<5920xf32, #tpu.memory_space<vmem>>) target_semaphore(%run_scoped3A : memref<!tpu.dma_semaphore, #tpu.memory_space<semaphore_mem>>)
        %dma_wait3A = arith.constant 0 : i32
        %dma_wait3A_172 = tpu.memref_slice %arg12[%dma_wait3A] : memref<6272xf32, #tpu.memory_space<vmem>> -> memref<5920xf32, #tpu.memory_space<vmem>>
        %dma_wait3A_173 = arith.constant 94080 : i32
        %dma_wait3A_174 = tpu.memref_slice %arg6[%dma_wait3A_173] : memref<100000xf32, #tpu.memory_space<hbm>> -> memref<5920xf32, #tpu.memory_space<hbm>>
        %dma_wait3A_175 = arith.constant 0 : i32
        %dma_wait3A_176 = tpu.memref_slice %arg12[%dma_wait3A_175] : memref<6272xf32, #tpu.memory_space<vmem>> -> memref<5920xf32, #tpu.memory_space<vmem>>
        %dma_wait3A_177 = arith.constant 94080 : i32
        %dma_wait3A_178 = tpu.memref_slice %arg6[%dma_wait3A_177] : memref<100000xf32, #tpu.memory_space<hbm>> -> memref<5920xf32, #tpu.memory_space<hbm>>
        tpu.wait_dma2 semaphore(%run_scoped3A : memref<!tpu.dma_semaphore, #tpu.memory_space<semaphore_mem>>) src(%dma_wait3A_178 : memref<5920xf32, #tpu.memory_space<hbm>>) dst(%dma_wait3A_176 : memref<5920xf32, #tpu.memory_space<vmem>>)
        tpu.yield
      }) : () -> ()
    } else {
    }
    %get3A = arith.constant 0 : index
    %get3A_7 = tpu.vector_load %arg14[%get3A] {strides = array<i32>} : memref<16xf32, #tpu.memory_space<vmem>>, vector<16xf32>,
    %eq3A_8 = arith.constant 0 : i32
    %eq3A_9 = vector.broadcast %eq3A_8 : i32 to vector<16xi32>
    %eq3A_10 = arith.cmpi eq, %iota3A, %eq3A_9 : vector<16xi32>
    %jit3A = arith.constant 0.000000e+00 : f32
    %broadcast_in_dim3A = vector.broadcast %jit3A : f32 to vector<16xf32>
    %select_n3A = arith.select %eq3A_10, %get3A_7, %broadcast_in_dim3A : vector<16xi1>, vector<16xf32>
    %reduce_sum3A = arith.constant true
    %reduce_sum3A_11 = vector.broadcast %reduce_sum3A : i1 to vector<16xi1>
    %reduce_sum3A_12 = tpu.scan <sum>, %select_n3A masked %reduce_sum3A_11 : vector<16xf32>, vector<16xi1> -> vector<16xf32>
    %reduce_sum3A_13 = vector.extract %reduce_sum3A_12[15] : f32 from vector<16xf32>
    %eq3A_14 = arith.constant 1 : i32
    %eq3A_15 = vector.broadcast %eq3A_14 : i32 to vector<16xi32>
    %eq3A_16 = arith.cmpi eq, %iota3A, %eq3A_15 : vector<16xi32>
    %jit3A_17 = arith.constant 0.000000e+00 : f32
    %broadcast_in_dim3A_18 = vector.broadcast %jit3A_17 : f32 to vector<16xf32>
    %select_n3A_19 = arith.select %eq3A_16, %get3A_7, %broadcast_in_dim3A_18 : vector<16xi1>, vector<16xf32>
    %reduce_sum3A_20 = arith.constant true
    %reduce_sum3A_21 = vector.broadcast %reduce_sum3A_20 : i1 to vector<16xi1>
    %reduce_sum3A_22 = tpu.scan <sum>, %select_n3A_19 masked %reduce_sum3A_21 : vector<16xf32>, vector<16xi1> -> vector<16xf32>
    %reduce_sum3A_23 = vector.extract %reduce_sum3A_22[15] : f32 from vector<16xf32>
    %eq3A_24 = arith.constant 2 : i32
    %eq3A_25 = vector.broadcast %eq3A_24 : i32 to vector<16xi32>
    %eq3A_26 = arith.cmpi eq, %iota3A, %eq3A_25 : vector<16xi32>
    %jit3A_27 = arith.constant 0.000000e+00 : f32
    %broadcast_in_dim3A_28 = vector.broadcast %jit3A_27 : f32 to vector<16xf32>
    %select_n3A_29 = arith.select %eq3A_26, %get3A_7, %broadcast_in_dim3A_28 : vector<16xi1>, vector<16xf32>
    %reduce_sum3A_30 = arith.constant true
    %reduce_sum3A_31 = vector.broadcast %reduce_sum3A_30 : i1 to vector<16xi1>
    %reduce_sum3A_32 = tpu.scan <sum>, %select_n3A_29 masked %reduce_sum3A_31 : vector<16xf32>, vector<16xi1> -> vector<16xf32>
    %reduce_sum3A_33 = vector.extract %reduce_sum3A_32[15] : f32 from vector<16xf32>
    %eq3A_34 = arith.constant 3 : i32
    %eq3A_35 = vector.broadcast %eq3A_34 : i32 to vector<16xi32>
    %eq3A_36 = arith.cmpi eq, %iota3A, %eq3A_35 : vector<16xi32>
    %jit3A_37 = arith.constant 0.000000e+00 : f32
    %broadcast_in_dim3A_38 = vector.broadcast %jit3A_37 : f32 to vector<16xf32>
    %select_n3A_39 = arith.select %eq3A_36, %get3A_7, %broadcast_in_dim3A_38 : vector<16xi1>, vector<16xf32>
    %reduce_sum3A_40 = arith.constant true
    %reduce_sum3A_41 = vector.broadcast %reduce_sum3A_40 : i1 to vector<16xi1>
    %reduce_sum3A_42 = tpu.scan <sum>, %select_n3A_39 masked %reduce_sum3A_41 : vector<16xf32>, vector<16xi1> -> vector<16xf32>
    %reduce_sum3A_43 = vector.extract %reduce_sum3A_42[15] : f32 from vector<16xf32>
    %eq3A_44 = arith.constant 4 : i32
    %eq3A_45 = vector.broadcast %eq3A_44 : i32 to vector<16xi32>
    %eq3A_46 = arith.cmpi eq, %iota3A, %eq3A_45 : vector<16xi32>
    %jit3A_47 = arith.constant 0.000000e+00 : f32
    %broadcast_in_dim3A_48 = vector.broadcast %jit3A_47 : f32 to vector<16xf32>
    %select_n3A_49 = arith.select %eq3A_46, %get3A_7, %broadcast_in_dim3A_48 : vector<16xi1>, vector<16xf32>
    %reduce_sum3A_50 = arith.constant true
    %reduce_sum3A_51 = vector.broadcast %reduce_sum3A_50 : i1 to vector<16xi1>
    %reduce_sum3A_52 = tpu.scan <sum>, %select_n3A_49 masked %reduce_sum3A_51 : vector<16xf32>, vector<16xi1> -> vector<16xf32>
    %reduce_sum3A_53 = vector.extract %reduce_sum3A_52[15] : f32 from vector<16xf32>
    %eq3A_54 = arith.constant 5 : i32
    %eq3A_55 = vector.broadcast %eq3A_54 : i32 to vector<16xi32>
    %eq3A_56 = arith.cmpi eq, %iota3A, %eq3A_55 : vector<16xi32>
    %jit3A_57 = arith.constant 0.000000e+00 : f32
    %broadcast_in_dim3A_58 = vector.broadcast %jit3A_57 : f32 to vector<16xf32>
    %select_n3A_59 = arith.select %eq3A_56, %get3A_7, %broadcast_in_dim3A_58 : vector<16xi1>, vector<16xf32>
    %reduce_sum3A_60 = arith.constant true
    %reduce_sum3A_61 = vector.broadcast %reduce_sum3A_60 : i1 to vector<16xi1>
    %reduce_sum3A_62 = tpu.scan <sum>, %select_n3A_59 masked %reduce_sum3A_61 : vector<16xf32>, vector<16xi1> -> vector<16xf32>
    %reduce_sum3A_63 = vector.extract %reduce_sum3A_62[15] : f32 from vector<16xf32>
    %scan3A = arith.constant 0 : i32
    %scan3A_64 = arith.constant 0 : i32
    %scan3A_65 = arith.constant 392 : i32
    %scan3A_66 = arith.addi %scan3A_64, %scan3A_65 : i32
    %scan3A_67 = arith.constant 1 : i32
    scf.for %scan3A_165 = %scan3A_64 to %scan3A_66 step %scan3A_67  : i32 {
      %mul3A_166 = arith.constant 16 : i32
      %mul3A_167 = arith.muli %scan3A_165, %mul3A_166 : i32
      %get3A_168 = arith.index_cast %mul3A_167 : i32 to index
      %get3A_169 = tpu.vector_load %arg9[%get3A_168] {strides = array<i32>} : memref<6272xf32, #tpu.memory_space<vmem>>, vector<16xf32>,
      %sub3A_170 = vector.broadcast %reduce_sum3A_43 : f32 to vector<16xf32>
      %sub3A_171 = arith.subf %sub3A_170, %get3A_169 : vector<16xf32>
      %abs3A = math.absf %sub3A_171 : vector<16xf32>
      %neg3A = arith.constant 0.000000e+00 : f32
      %neg3A_172 = vector.broadcast %neg3A : f32 to vector<16xf32>
      %neg3A_173 = arith.subf %neg3A_172, %abs3A : vector<16xf32>
      %mul3A_174 = vector.broadcast %reduce_sum3A_13 : f32 to vector<16xf32>
      %mul3A_175 = arith.mulf %mul3A_174, %neg3A_173 : vector<16xf32>
      %mul3A_176 = arith.constant 16 : i32
      %mul3A_177 = arith.muli %scan3A_165, %mul3A_176 : i32
      %get3A_178 = arith.index_cast %mul3A_177 : i32 to index
      %get3A_179 = tpu.vector_load %arg10[%get3A_178] {strides = array<i32>} : memref<6272xf32, #tpu.memory_space<vmem>>, vector<16xf32>,
      %sub3A_180 = vector.broadcast %reduce_sum3A_53 : f32 to vector<16xf32>
      %sub3A_181 = arith.subf %sub3A_180, %get3A_179 : vector<16xf32>
      %abs3A_182 = math.absf %sub3A_181 : vector<16xf32>
      %neg3A_183 = arith.constant 0.000000e+00 : f32
      %neg3A_184 = vector.broadcast %neg3A_183 : f32 to vector<16xf32>
      %neg3A_185 = arith.subf %neg3A_184, %abs3A_182 : vector<16xf32>
      %mul3A_186 = vector.broadcast %reduce_sum3A_23 : f32 to vector<16xf32>
      %mul3A_187 = arith.mulf %mul3A_186, %neg3A_185 : vector<16xf32>
      %mul3A_188 = arith.constant 16 : i32
      %mul3A_189 = arith.muli %scan3A_165, %mul3A_188 : i32
      %get3A_190 = arith.index_cast %mul3A_189 : i32 to index
      %get3A_191 = tpu.vector_load %arg11[%get3A_190] {strides = array<i32>} : memref<6272xf32, #tpu.memory_space<vmem>>, vector<16xf32>,
      %sub3A_192 = vector.broadcast %reduce_sum3A_63 : f32 to vector<16xf32>
      %sub3A_193 = arith.subf %sub3A_192, %get3A_191 : vector<16xf32>
      %abs3A_194 = math.absf %sub3A_193 : vector<16xf32>
      %neg3A_195 = arith.constant 0.000000e+00 : f32
      %neg3A_196 = vector.broadcast %neg3A_195 : f32 to vector<16xf32>
      %neg3A_197 = arith.subf %neg3A_196, %abs3A_194 : vector<16xf32>
      %mul3A_198 = vector.broadcast %reduce_sum3A_33 : f32 to vector<16xf32>
      %mul3A_199 = arith.mulf %mul3A_198, %neg3A_197 : vector<16xf32>
      %max3A = arith.maximumf %mul3A_175, %mul3A_187 : vector<16xf32>
      %max3A_200 = arith.maximumf %max3A, %mul3A_199 : vector<16xf32>
      %sub3A_201 = arith.subf %mul3A_175, %max3A_200 : vector<16xf32>
      %exp3A = math.exp %sub3A_201 : vector<16xf32>
      %sub3A_202 = arith.subf %mul3A_187, %max3A_200 : vector<16xf32>
      %exp3A_203 = math.exp %sub3A_202 : vector<16xf32>
      %sub3A_204 = arith.subf %mul3A_199, %max3A_200 : vector<16xf32>
      %exp3A_205 = math.exp %sub3A_204 : vector<16xf32>
      %add3A = arith.addf %exp3A, %exp3A_205 : vector<16xf32>
      %add3A_206 = arith.addf %add3A, %exp3A_203 : vector<16xf32>
      %div3A = arith.divf %exp3A, %add3A_206 : vector<16xf32>
      %div3A_207 = arith.divf %exp3A_205, %add3A_206 : vector<16xf32>
      %add3A_208 = arith.addf %div3A, %div3A_207 : vector<16xf32>
      %div3A_209 = arith.divf %exp3A_203, %add3A_206 : vector<16xf32>
      %add3A_210 = arith.addf %add3A_208, %div3A_209 : vector<16xf32>
      %div3A_211 = arith.constant 3.000000e+00 : f32
      %div3A_212 = vector.broadcast %div3A_211 : f32 to vector<16xf32>
      %div3A_213 = arith.divf %add3A_210, %div3A_212 : vector<16xf32>
      %mul3A_214 = arith.constant 16 : i32
      %mul3A_215 = arith.muli %scan3A_165, %mul3A_214 : i32
      %swap3A_216 = arith.index_cast %mul3A_215 : i32 to index
      %swap3A_217 = tpu.vector_load %arg13[%swap3A_216] {strides = array<i32>} : memref<6272xf32, #tpu.memory_space<vmem>>, vector<16xf32>,
      tpu.vector_store %arg13[%swap3A_216], %div3A_213 {strides = array<i32>} : memref<6272xf32, #tpu.memory_space<vmem>>, vector<16xf32>,
    }
    %scan3A_68 = arith.constant 392 : i32
    %eq3A_69 = arith.constant 15 : i32
    %eq3A_70 = arith.cmpi eq, %arg1, %eq3A_69 : i32
    %convert_element_type3A_71 = arith.extui %eq3A_70 : i1 to i32
    %cond3A_72 = arith.constant 0 : i32
    %cond3A_73 = arith.cmpi ne, %convert_element_type3A_71, %cond3A_72 : i32
    scf.if %cond3A_73 {
      %broadcast_in_dim3A_165 = arith.constant 0xFF800000 : f32
      %broadcast_in_dim3A_166 = vector.broadcast %broadcast_in_dim3A_165 : f32 to vector<16xf32>
      %swap3A_167 = arith.constant 5920 : index
      %swap3A_168 = tpu.vector_load %arg13[%swap3A_167] {strides = array<i32>} : memref<6272xf32, #tpu.memory_space<vmem>>, vector<16xf32>,
      tpu.vector_store %arg13[%swap3A_167], %broadcast_in_dim3A_166 {strides = array<i32>} : memref<6272xf32, #tpu.memory_space<vmem>>, vector<16xf32>,
      %broadcast_in_dim3A_169 = arith.constant 0xFF800000 : f32
      %broadcast_in_dim3A_170 = vector.broadcast %broadcast_in_dim3A_169 : f32 to vector<16xf32>
      %swap3A_171 = arith.constant 5936 : index
      %swap3A_172 = tpu.vector_load %arg13[%swap3A_171] {strides = array<i32>} : memref<6272xf32, #tpu.memory_space<vmem>>, vector<16xf32>,
      tpu.vector_store %arg13[%swap3A_171], %broadcast_in_dim3A_170 {strides = array<i32>} : memref<6272xf32, #tpu.memory_space<vmem>>, vector<16xf32>,
      %broadcast_in_dim3A_173 = arith.constant 0xFF800000 : f32
      %broadcast_in_dim3A_174 = vector.broadcast %broadcast_in_dim3A_173 : f32 to vector<16xf32>
      %swap3A_175 = arith.constant 5952 : index
      %swap3A_176 = tpu.vector_load %arg13[%swap3A_175] {strides = array<i32>} : memref<6272xf32, #tpu.memory_space<vmem>>, vector<16xf32>,
      tpu.vector_store %arg13[%swap3A_175], %broadcast_in_dim3A_174 {strides = array<i32>} : memref<6272xf32, #tpu.memory_space<vmem>>, vector<16xf32>,
      %broadcast_in_dim3A_177 = arith.constant 0xFF800000 : f32
      %broadcast_in_dim3A_178 = vector.broadcast %broadcast_in_dim3A_177 : f32 to vector<16xf32>
      %swap3A_179 = arith.constant 5968 : index
      %swap3A_180 = tpu.vector_load %arg13[%swap3A_179] {strides = array<i32>} : memref<6272xf32, #tpu.memory_space<vmem>>, vector<16xf32>,
      tpu.vector_store %arg13[%swap3A_179], %broadcast_in_dim3A_178 {strides = array<i32>} : memref<6272xf32, #tpu.memory_space<vmem>>, vector<16xf32>,
      %broadcast_in_dim3A_181 = arith.constant 0xFF800000 : f32
      %broadcast_in_dim3A_182 = vector.broadcast %broadcast_in_dim3A_181 : f32 to vector<16xf32>
      %swap3A_183 = arith.constant 5984 : index
      %swap3A_184 = tpu.vector_load %arg13[%swap3A_183] {strides = array<i32>} : memref<6272xf32, #tpu.memory_space<vmem>>, vector<16xf32>,
      tpu.vector_store %arg13[%swap3A_183], %broadcast_in_dim3A_182 {strides = array<i32>} : memref<6272xf32, #tpu.memory_space<vmem>>, vector<16xf32>,
      %broadcast_in_dim3A_185 = arith.constant 0xFF800000 : f32
      %broadcast_in_dim3A_186 = vector.broadcast %broadcast_in_dim3A_185 : f32 to vector<16xf32>
      %swap3A_187 = arith.constant 6000 : index
      %swap3A_188 = tpu.vector_load %arg13[%swap3A_187] {strides = array<i32>} : memref<6272xf32, #tpu.memory_space<vmem>>, vector<16xf32>,
      tpu.vector_store %arg13[%swap3A_187], %broadcast_in_dim3A_186 {strides = array<i32>} : memref<6272xf32, #tpu.memory_space<vmem>>, vector<16xf32>,
      %broadcast_in_dim3A_189 = arith.constant 0xFF800000 : f32
      %broadcast_in_dim3A_190 = vector.broadcast %broadcast_in_dim3A_189 : f32 to vector<16xf32>
      %swap3A_191 = arith.constant 6016 : index
      %swap3A_192 = tpu.vector_load %arg13[%swap3A_191] {strides = array<i32>} : memref<6272xf32, #tpu.memory_space<vmem>>, vector<16xf32>,
      tpu.vector_store %arg13[%swap3A_191], %broadcast_in_dim3A_190 {strides = array<i32>} : memref<6272xf32, #tpu.memory_space<vmem>>, vector<16xf32>,
      %broadcast_in_dim3A_193 = arith.constant 0xFF800000 : f32
      %broadcast_in_dim3A_194 = vector.broadcast %broadcast_in_dim3A_193 : f32 to vector<16xf32>
      %swap3A_195 = arith.constant 6032 : index
      %swap3A_196 = tpu.vector_load %arg13[%swap3A_195] {strides = array<i32>} : memref<6272xf32, #tpu.memory_space<vmem>>, vector<16xf32>,
      tpu.vector_store %arg13[%swap3A_195], %broadcast_in_dim3A_194 {strides = array<i32>} : memref<6272xf32, #tpu.memory_space<vmem>>, vector<16xf32>,
      %broadcast_in_dim3A_197 = arith.constant 0xFF800000 : f32
      %broadcast_in_dim3A_198 = vector.broadcast %broadcast_in_dim3A_197 : f32 to vector<16xf32>
      %swap3A_199 = arith.constant 6048 : index
      %swap3A_200 = tpu.vector_load %arg13[%swap3A_199] {strides = array<i32>} : memref<6272xf32, #tpu.memory_space<vmem>>, vector<16xf32>,
      tpu.vector_store %arg13[%swap3A_199], %broadcast_in_dim3A_198 {strides = array<i32>} : memref<6272xf32, #tpu.memory_space<vmem>>, vector<16xf32>,
      %broadcast_in_dim3A_201 = arith.constant 0xFF800000 : f32
      %broadcast_in_dim3A_202 = vector.broadcast %broadcast_in_dim3A_201 : f32 to vector<16xf32>
      %swap3A_203 = arith.constant 6064 : index
      %swap3A_204 = tpu.vector_load %arg13[%swap3A_203] {strides = array<i32>} : memref<6272xf32, #tpu.memory_space<vmem>>, vector<16xf32>,
      tpu.vector_store %arg13[%swap3A_203], %broadcast_in_dim3A_202 {strides = array<i32>} : memref<6272xf32, #tpu.memory_space<vmem>>, vector<16xf32>,
      %broadcast_in_dim3A_205 = arith.constant 0xFF800000 : f32
      %broadcast_in_dim3A_206 = vector.broadcast %broadcast_in_dim3A_205 : f32 to vector<16xf32>
      %swap3A_207 = arith.constant 6080 : index
      %swap3A_208 = tpu.vector_load %arg13[%swap3A_207] {strides = array<i32>} : memref<6272xf32, #tpu.memory_space<vmem>>, vector<16xf32>,
      tpu.vector_store %arg13[%swap3A_207], %broadcast_in_dim3A_206 {strides = array<i32>} : memref<6272xf32, #tpu.memory_space<vmem>>, vector<16xf32>,
      %broadcast_in_dim3A_209 = arith.constant 0xFF800000 : f32
      %broadcast_in_dim3A_210 = vector.broadcast %broadcast_in_dim3A_209 : f32 to vector<16xf32>
      %swap3A_211 = arith.constant 6096 : index
      %swap3A_212 = tpu.vector_load %arg13[%swap3A_211] {strides = array<i32>} : memref<6272xf32, #tpu.memory_space<vmem>>, vector<16xf32>,
      tpu.vector_store %arg13[%swap3A_211], %broadcast_in_dim3A_210 {strides = array<i32>} : memref<6272xf32, #tpu.memory_space<vmem>>, vector<16xf32>,
      %broadcast_in_dim3A_213 = arith.constant 0xFF800000 : f32
      %broadcast_in_dim3A_214 = vector.broadcast %broadcast_in_dim3A_213 : f32 to vector<16xf32>
      %swap3A_215 = arith.constant 6112 : index
      %swap3A_216 = tpu.vector_load %arg13[%swap3A_215] {strides = array<i32>} : memref<6272xf32, #tpu.memory_space<vmem>>, vector<16xf32>,
      tpu.vector_store %arg13[%swap3A_215], %broadcast_in_dim3A_214 {strides = array<i32>} : memref<6272xf32, #tpu.memory_space<vmem>>, vector<16xf32>,
      %broadcast_in_dim3A_217 = arith.constant 0xFF800000 : f32
      %broadcast_in_dim3A_218 = vector.broadcast %broadcast_in_dim3A_217 : f32 to vector<16xf32>
      %swap3A_219 = arith.constant 6128 : index
      %swap3A_220 = tpu.vector_load %arg13[%swap3A_219] {strides = array<i32>} : memref<6272xf32, #tpu.memory_space<vmem>>, vector<16xf32>,
      tpu.vector_store %arg13[%swap3A_219], %broadcast_in_dim3A_218 {strides = array<i32>} : memref<6272xf32, #tpu.memory_space<vmem>>, vector<16xf32>,
      %broadcast_in_dim3A_221 = arith.constant 0xFF800000 : f32
      %broadcast_in_dim3A_222 = vector.broadcast %broadcast_in_dim3A_221 : f32 to vector<16xf32>
      %swap3A_223 = arith.constant 6144 : index
      %swap3A_224 = tpu.vector_load %arg13[%swap3A_223] {strides = array<i32>} : memref<6272xf32, #tpu.memory_space<vmem>>, vector<16xf32>,
      tpu.vector_store %arg13[%swap3A_223], %broadcast_in_dim3A_222 {strides = array<i32>} : memref<6272xf32, #tpu.memory_space<vmem>>, vector<16xf32>,
      %broadcast_in_dim3A_225 = arith.constant 0xFF800000 : f32
      %broadcast_in_dim3A_226 = vector.broadcast %broadcast_in_dim3A_225 : f32 to vector<16xf32>
      %swap3A_227 = arith.constant 6160 : index
      %swap3A_228 = tpu.vector_load %arg13[%swap3A_227] {strides = array<i32>} : memref<6272xf32, #tpu.memory_space<vmem>>, vector<16xf32>,
      tpu.vector_store %arg13[%swap3A_227], %broadcast_in_dim3A_226 {strides = array<i32>} : memref<6272xf32, #tpu.memory_space<vmem>>, vector<16xf32>,
      %broadcast_in_dim3A_229 = arith.constant 0xFF800000 : f32
      %broadcast_in_dim3A_230 = vector.broadcast %broadcast_in_dim3A_229 : f32 to vector<16xf32>
      %swap3A_231 = arith.constant 6176 : index
      %swap3A_232 = tpu.vector_load %arg13[%swap3A_231] {strides = array<i32>} : memref<6272xf32, #tpu.memory_space<vmem>>, vector<16xf32>,
      tpu.vector_store %arg13[%swap3A_231], %broadcast_in_dim3A_230 {strides = array<i32>} : memref<6272xf32, #tpu.memory_space<vmem>>, vector<16xf32>,
      %broadcast_in_dim3A_233 = arith.constant 0xFF800000 : f32
      %broadcast_in_dim3A_234 = vector.broadcast %broadcast_in_dim3A_233 : f32 to vector<16xf32>
      %swap3A_235 = arith.constant 6192 : index
      %swap3A_236 = tpu.vector_load %arg13[%swap3A_235] {strides = array<i32>} : memref<6272xf32, #tpu.memory_space<vmem>>, vector<16xf32>,
      tpu.vector_store %arg13[%swap3A_235], %broadcast_in_dim3A_234 {strides = array<i32>} : memref<6272xf32, #tpu.memory_space<vmem>>, vector<16xf32>,
      %broadcast_in_dim3A_237 = arith.constant 0xFF800000 : f32
      %broadcast_in_dim3A_238 = vector.broadcast %broadcast_in_dim3A_237 : f32 to vector<16xf32>
      %swap3A_239 = arith.constant 6208 : index
      %swap3A_240 = tpu.vector_load %arg13[%swap3A_239] {strides = array<i32>} : memref<6272xf32, #tpu.memory_space<vmem>>, vector<16xf32>,
      tpu.vector_store %arg13[%swap3A_239], %broadcast_in_dim3A_238 {strides = array<i32>} : memref<6272xf32, #tpu.memory_space<vmem>>, vector<16xf32>,
      %broadcast_in_dim3A_241 = arith.constant 0xFF800000 : f32
      %broadcast_in_dim3A_242 = vector.broadcast %broadcast_in_dim3A_241 : f32 to vector<16xf32>
      %swap3A_243 = arith.constant 6224 : index
      %swap3A_244 = tpu.vector_load %arg13[%swap3A_243] {strides = array<i32>} : memref<6272xf32, #tpu.memory_space<vmem>>, vector<16xf32>,
      tpu.vector_store %arg13[%swap3A_243], %broadcast_in_dim3A_242 {strides = array<i32>} : memref<6272xf32, #tpu.memory_space<vmem>>, vector<16xf32>,
      %broadcast_in_dim3A_245 = arith.constant 0xFF800000 : f32
      %broadcast_in_dim3A_246 = vector.broadcast %broadcast_in_dim3A_245 : f32 to vector<16xf32>
      %swap3A_247 = arith.constant 6240 : index
      %swap3A_248 = tpu.vector_load %arg13[%swap3A_247] {strides = array<i32>} : memref<6272xf32, #tpu.memory_space<vmem>>, vector<16xf32>,
      tpu.vector_store %arg13[%swap3A_247], %broadcast_in_dim3A_246 {strides = array<i32>} : memref<6272xf32, #tpu.memory_space<vmem>>, vector<16xf32>,
      %broadcast_in_dim3A_249 = arith.constant 0xFF800000 : f32
      %broadcast_in_dim3A_250 = vector.broadcast %broadcast_in_dim3A_249 : f32 to vector<16xf32>
      %swap3A_251 = arith.constant 6256 : index
      %swap3A_252 = tpu.vector_load %arg13[%swap3A_251] {strides = array<i32>} : memref<6272xf32, #tpu.memory_space<vmem>>, vector<16xf32>,
      tpu.vector_store %arg13[%swap3A_251], %broadcast_in_dim3A_250 {strides = array<i32>} : memref<6272xf32, #tpu.memory_space<vmem>>, vector<16xf32>,
    } else {
    }
    %broadcast_in_dim3A_74 = arith.constant 0xFF800000 : f32
    %broadcast_in_dim3A_75 = vector.broadcast %broadcast_in_dim3A_74 : f32 to vector<16xf32>
    %scan3A_76 = arith.constant 0 : i32
    %scan3A_77 = arith.constant 196 : i32
    %scan3A_78 = arith.addi %scan3A_76, %scan3A_77 : i32
    %scan3A_79 = arith.constant 1 : i32
    %scan3A_80 = scf.for %scan3A_165 = %scan3A_76 to %scan3A_78 step %scan3A_79 iter_args(%scan3A_166 = %broadcast_in_dim3A_75) -> (vector<16xf32>)  : i32 {
      %mul3A_167 = arith.constant 32 : i32
      %mul3A_168 = arith.muli %scan3A_165, %mul3A_167 : i32
      %get3A_169 = arith.index_cast %mul3A_168 : i32 to index
      %get3A_170 = tpu.vector_load %arg13[%get3A_169] {strides = array<i32>} : memref<6272xf32, #tpu.memory_space<vmem>>, vector<16xf32>,
      %max3A = arith.maximumf %scan3A_166, %get3A_170 : vector<16xf32>
      %mul3A_171 = arith.constant 32 : i32
      %mul3A_172 = arith.muli %scan3A_165, %mul3A_171 : i32
      %add3A = arith.constant 16 : i32
      %add3A_173 = arith.addi %mul3A_172, %add3A : i32
      %get3A_174 = arith.index_cast %add3A_173 : i32 to index
      %get3A_175 = tpu.vector_load %arg13[%get3A_174] {strides = array<i32>} : memref<6272xf32, #tpu.memory_space<vmem>>, vector<16xf32>,
      %max3A_176 = arith.maximumf %max3A, %get3A_175 : vector<16xf32>
      scf.yield %max3A_176 : vector<16xf32>
    }
    %scan3A_81 = arith.constant 196 : i32
    %reduce_max3A = arith.constant true
    %reduce_max3A_82 = vector.broadcast %reduce_max3A : i1 to vector<16xi1>
    %reduce_max3A_83 = tpu.scan <max>, %scan3A_80 masked %reduce_max3A_82 : vector<16xf32>, vector<16xi1> -> vector<16xf32>
    %reduce_max3A_84 = vector.extract %reduce_max3A_83[15] : f32 from vector<16xf32>
    %while3A = arith.constant true
    %while3A_85 = arith.constant 0 : i32
    %while3A_86:3 = scf.while (%while3A_165 = %while3A, %while3A_166 = %reduce_max3A_84, %while3A_167 = %while3A_85) : (i1, f32, i32) -> (i1, f32, i32) {
      scf.condition(%while3A_165) %while3A_165, %while3A_166, %while3A_167 : i1, f32, i32
    } do {
    ^bb0(%while3A_165: i1, %while3A_166: f32, %while3A_167: i32):
      %broadcast_in_dim3A_168 = arith.constant 0 : i32
      %broadcast_in_dim3A_169 = vector.broadcast %broadcast_in_dim3A_168 : i32 to vector<16xi32>
      %broadcast_in_dim3A_170 = arith.constant 0xFF800000 : f32
      %broadcast_in_dim3A_171 = vector.broadcast %broadcast_in_dim3A_170 : f32 to vector<16xf32>
      %scan3A_172 = arith.constant 0 : i32
      %scan3A_173 = arith.constant 196 : i32
      %scan3A_174 = arith.addi %scan3A_172, %scan3A_173 : i32
      %scan3A_175 = arith.constant 1 : i32
      %scan3A_176:2 = scf.for %scan3A_191 = %scan3A_172 to %scan3A_174 step %scan3A_175 iter_args(%scan3A_192 = %broadcast_in_dim3A_169, %scan3A_193 = %broadcast_in_dim3A_171) -> (vector<16xi32>, vector<16xf32>)  : i32 {
        %mul3A_194 = arith.constant 32 : i32
        %mul3A_195 = arith.muli %scan3A_191, %mul3A_194 : i32
        %get3A_196 = arith.index_cast %mul3A_195 : i32 to index
        %get3A_197 = tpu.vector_load %arg13[%get3A_196] {strides = array<i32>} : memref<6272xf32, #tpu.memory_space<vmem>>, vector<16xf32>,
        %mul3A_198 = arith.constant 32 : i32
        %mul3A_199 = arith.muli %scan3A_191, %mul3A_198 : i32
        %add3A_200 = arith.constant 16 : i32
        %add3A_201 = arith.addi %mul3A_199, %add3A_200 : i32
        %get3A_202 = arith.index_cast %add3A_201 : i32 to index
        %get3A_203 = tpu.vector_load %arg13[%get3A_202] {strides = array<i32>} : memref<6272xf32, #tpu.memory_space<vmem>>, vector<16xf32>,
        %eq3A_204 = vector.broadcast %while3A_166 : f32 to vector<16xf32>
        %eq3A_205 = arith.cmpf oeq, %get3A_197, %eq3A_204 : vector<16xf32>
        %convert_element_type3A_206 = arith.extui %eq3A_205 : vector<16xi1> to vector<16xi32>
        %add3A_207 = arith.addi %scan3A_192, %convert_element_type3A_206 : vector<16xi32>
        %eq3A_208 = vector.broadcast %while3A_166 : f32 to vector<16xf32>
        %eq3A_209 = arith.cmpf oeq, %get3A_203, %eq3A_208 : vector<16xf32>
        %convert_element_type3A_210 = arith.extui %eq3A_209 : vector<16xi1> to vector<16xi32>
        %add3A_211 = arith.addi %add3A_207, %convert_element_type3A_210 : vector<16xi32>
        %lt3A_212 = vector.broadcast %while3A_166 : f32 to vector<16xf32>
        %lt3A_213 = arith.cmpf olt, %get3A_197, %lt3A_212 : vector<16xf32>
        %jit3A_214 = arith.constant 0xFF800000 : f32
        %broadcast_in_dim3A_215 = vector.broadcast %jit3A_214 : f32 to vector<16xf32>
        %select_n3A_216 = arith.select %lt3A_213, %get3A_197, %broadcast_in_dim3A_215 : vector<16xi1>, vector<16xf32>
        %max3A = arith.maximumf %scan3A_193, %select_n3A_216 : vector<16xf32>
        %lt3A_217 = vector.broadcast %while3A_166 : f32 to vector<16xf32>
        %lt3A_218 = arith.cmpf olt, %get3A_203, %lt3A_217 : vector<16xf32>
        %jit3A_219 = arith.constant 0xFF800000 : f32
        %broadcast_in_dim3A_220 = vector.broadcast %jit3A_219 : f32 to vector<16xf32>
        %select_n3A_221 = arith.select %lt3A_218, %get3A_203, %broadcast_in_dim3A_220 : vector<16xi1>, vector<16xf32>
        %max3A_222 = arith.maximumf %max3A, %select_n3A_221 : vector<16xf32>
        scf.yield %add3A_211, %max3A_222 : vector<16xi32>, vector<16xf32>
      }
      %scan3A_177 = arith.constant 196 : i32
      %reduce_sum3A_178 = arith.constant true
      %reduce_sum3A_179 = vector.broadcast %reduce_sum3A_178 : i1 to vector<16xi1>
      %reduce_sum3A_180 = tpu.scan <sum>, %scan3A_176#0 masked %reduce_sum3A_179 : vector<16xi32>, vector<16xi1> -> vector<16xi32>
      %reduce_sum3A_181 = vector.extract %reduce_sum3A_180[15] : i32 from vector<16xi32>
      %reduce_max3A_182 = arith.constant true
      %reduce_max3A_183 = vector.broadcast %reduce_max3A_182 : i1 to vector<16xi1>
      %reduce_max3A_184 = tpu.scan <max>, %scan3A_176#1 masked %reduce_max3A_183 : vector<16xf32>, vector<16xi1> -> vector<16xf32>
      %reduce_max3A_185 = vector.extract %reduce_max3A_184[15] : f32 from vector<16xf32>
      %add3A = arith.addi %while3A_167, %reduce_sum3A_181 : i32
      %ge3A = arith.constant 64 : i32
      %ge3A_186 = arith.cmpi sge, %add3A, %ge3A : i32
      %select_n3A_187 = arith.select %ge3A_186, %while3A_166, %reduce_max3A_185 : f32
      %add3A_188 = arith.addi %while3A_167, %reduce_sum3A_181 : i32
      %select_n3A_189 = arith.select %ge3A_186, %while3A_167, %add3A_188 : i32
      %not3A = arith.constant true
      %not3A_190 = arith.xori %ge3A_186, %not3A : i1
      scf.yield %not3A_190, %select_n3A_187, %select_n3A_189 : i1, f32, i32
    }
    %sub3A = arith.constant 64 : i32
    %sub3A_87 = arith.subi %sub3A, %while3A_86#2 : i32
    %scan3A_88 = arith.constant 0 : i32
    %scan3A_89 = arith.constant 0 : i32
    %scan3A_90 = arith.constant 392 : i32
    %scan3A_91 = arith.addi %scan3A_89, %scan3A_90 : i32
    %scan3A_92 = arith.constant 1 : i32
    %scan3A_93:2 = scf.for %scan3A_165 = %scan3A_89 to %scan3A_91 step %scan3A_92 iter_args(%scan3A_166 = %scan3A_88, %scan3A_167 = %sub3A_87) -> (i32, i32)  : i32 {
      %mul3A_168 = arith.constant 16 : i32
      %mul3A_169 = arith.muli %scan3A_165, %mul3A_168 : i32
      %get3A_170 = arith.index_cast %mul3A_169 : i32 to index
      %get3A_171 = tpu.vector_load %arg13[%get3A_170] {strides = array<i32>} : memref<6272xf32, #tpu.memory_space<vmem>>, vector<16xf32>,
      %ge3A = vector.broadcast %while3A_86#1 : f32 to vector<16xf32>
      %ge3A_172 = arith.cmpf oge, %get3A_171, %ge3A : vector<16xf32>
      %reduce_or3A = arith.constant 1.000000e+00 : f32
      %reduce_or3A_173 = arith.constant 0.000000e+00 : f32
      %reduce_or3A_174 = vector.broadcast %reduce_or3A : f32 to vector<16xf32>
      %reduce_or3A_175 = vector.broadcast %reduce_or3A_173 : f32 to vector<16xf32>
      %reduce_or3A_176 = arith.select %ge3A_172, %reduce_or3A_174, %reduce_or3A_175 : vector<16xi1>, vector<16xf32>
      %reduce_or3A_177 = arith.constant true
      %reduce_or3A_178 = vector.broadcast %reduce_or3A_177 : i1 to vector<16xi1>
      %reduce_or3A_179 = tpu.scan <max>, %reduce_or3A_176 masked %reduce_or3A_178 : vector<16xf32>, vector<16xi1> -> vector<16xf32>
      %reduce_or3A_180 = vector.extract %reduce_or3A_179[15] : f32 from vector<16xf32>
      %reduce_or3A_181 = arith.constant 0.000000e+00 : f32
      %reduce_or3A_182 = arith.cmpf ogt, %reduce_or3A_180, %reduce_or3A_181 : f32
      %convert_element_type3A_183 = arith.extui %reduce_or3A_182 : i1 to i32
      %cond3A_184 = arith.constant 0 : i32
      %cond3A_185 = arith.cmpi ne, %convert_element_type3A_183, %cond3A_184 : i32
      %cond3A_186:2 = scf.if %cond3A_185 -> (i32, i32) {
        %mul3A_187 = arith.constant 16 : i32
        %mul3A_188 = arith.muli %scan3A_165, %mul3A_187 : i32
        %get3A_189 = arith.index_cast %mul3A_188 : i32 to index
        %get3A_190 = tpu.vector_load %arg12[%get3A_189] {strides = array<i32>} : memref<6272xf32, #tpu.memory_space<vmem>>, vector<16xf32>,
        %gt3A = vector.broadcast %while3A_86#1 : f32 to vector<16xf32>
        %gt3A_191 = arith.cmpf ogt, %get3A_171, %gt3A : vector<16xf32>
        %eq3A_192 = vector.broadcast %while3A_86#1 : f32 to vector<16xf32>
        %eq3A_193 = arith.cmpf oeq, %get3A_171, %eq3A_192 : vector<16xf32>
        %convert_element_type3A_194 = arith.extui %eq3A_193 : vector<16xi1> to vector<16xi32>
        %broadcast_in_dim3A_195 = arith.constant true
        %broadcast_in_dim3A_196 = vector.broadcast %broadcast_in_dim3A_195 : i1 to vector<16xi1>
        %masked_cumsum3A = tpu.scan <sum>, %convert_element_type3A_194 masked %broadcast_in_dim3A_196 : vector<16xi32>, vector<16xi1> -> vector<16xi32>
        %le3A = vector.broadcast %scan3A_167 : i32 to vector<16xi32>
        %le3A_197 = arith.cmpi sle, %masked_cumsum3A, %le3A : vector<16xi32>
        %and3A = arith.andi %eq3A_193, %le3A_197 : vector<16xi1>
        %or3A = arith.ori %gt3A_191, %and3A : vector<16xi1>
        %convert_element_type3A_198 = arith.extui %or3A : vector<16xi1> to vector<16xi32>
        %broadcast_in_dim3A_199 = arith.constant true
        %broadcast_in_dim3A_200 = vector.broadcast %broadcast_in_dim3A_199 : i1 to vector<16xi1>
        %masked_cumsum3A_201 = tpu.scan <sum>, %convert_element_type3A_198 masked %broadcast_in_dim3A_200 : vector<16xi32>, vector<16xi1> -> vector<16xi32>
        %add3A = vector.broadcast %scan3A_166 : i32 to vector<16xi32>
        %add3A_202 = arith.addi %add3A, %masked_cumsum3A_201 : vector<16xi32>
        %sub3A_203 = arith.constant 1 : i32
        %sub3A_204 = vector.broadcast %sub3A_203 : i32 to vector<16xi32>
        %sub3A_205 = arith.subi %add3A_202, %sub3A_204 : vector<16xi32>
        tpu.vector_store_idx %arg15[%sub3A_205], %get3A_171 masked %or3A : memref<64xf32, #tpu.memory_space<vmem>>[vector<16xi32>], vector<16xf32>, vector<16xi1>
        tpu.vector_store_idx %arg16[%sub3A_205], %get3A_190 masked %or3A : memref<64xf32, #tpu.memory_space<vmem>>[vector<16xi32>], vector<16xf32>, vector<16xi1>
        %reduce_sum3A_206 = arith.constant true
        %reduce_sum3A_207 = vector.broadcast %reduce_sum3A_206 : i1 to vector<16xi1>
        %reduce_sum3A_208 = tpu.scan <sum>, %convert_element_type3A_198 masked %reduce_sum3A_207 : vector<16xi32>, vector<16xi1> -> vector<16xi32>
        %reduce_sum3A_209 = vector.extract %reduce_sum3A_208[15] : i32 from vector<16xi32>
        %add3A_210 = arith.addi %scan3A_166, %reduce_sum3A_209 : i32
        %convert_element_type3A_211 = arith.extui %and3A : vector<16xi1> to vector<16xi32>
        %reduce_sum3A_212 = arith.constant true
        %reduce_sum3A_213 = vector.broadcast %reduce_sum3A_212 : i1 to vector<16xi1>
        %reduce_sum3A_214 = tpu.scan <sum>, %convert_element_type3A_211 masked %reduce_sum3A_213 : vector<16xi32>, vector<16xi1> -> vector<16xi32>
        %reduce_sum3A_215 = vector.extract %reduce_sum3A_214[15] : i32 from vector<16xi32>
        %sub3A_216 = arith.subi %scan3A_167, %reduce_sum3A_215 : i32
        scf.yield %add3A_210, %sub3A_216 : i32, i32
      } else {
        scf.yield %scan3A_166, %scan3A_167 : i32, i32
      }
      scf.yield %cond3A_186#0, %cond3A_186#1 : i32, i32
    }
    %scan3A_94 = arith.constant 392 : i32
    %get3A_95 = arith.constant 0 : index
    %get3A_96 = tpu.vector_load %arg15[%get3A_95] {strides = array<i32>} : memref<64xf32, #tpu.memory_space<vmem>>, vector<16xf32>,
    %swap3A = arith.constant 0 : index
    %swap3A_97 = tpu.vector_load %arg17[%swap3A] {strides = array<i32>} : memref<256xf32, #tpu.memory_space<vmem>>, vector<16xf32>,
    tpu.vector_store %arg17[%swap3A], %get3A_96 {strides = array<i32>} : memref<256xf32, #tpu.memory_space<vmem>>, vector<16xf32>,
    %get3A_98 = arith.constant 0 : index
    %get3A_99 = tpu.vector_load %arg16[%get3A_98] {strides = array<i32>} : memref<64xf32, #tpu.memory_space<vmem>>, vector<16xf32>,
    %swap3A_100 = arith.constant 64 : index
    %swap3A_101 = tpu.vector_load %arg17[%swap3A_100] {strides = array<i32>} : memref<256xf32, #tpu.memory_space<vmem>>, vector<16xf32>,
    tpu.vector_store %arg17[%swap3A_100], %get3A_99 {strides = array<i32>} : memref<256xf32, #tpu.memory_space<vmem>>, vector<16xf32>,
    %get3A_102 = arith.constant 16 : index
    %get3A_103 = tpu.vector_load %arg15[%get3A_102] {strides = array<i32>} : memref<64xf32, #tpu.memory_space<vmem>>, vector<16xf32>,
    %swap3A_104 = arith.constant 16 : index
    %swap3A_105 = tpu.vector_load %arg17[%swap3A_104] {strides = array<i32>} : memref<256xf32, #tpu.memory_space<vmem>>, vector<16xf32>,
    tpu.vector_store %arg17[%swap3A_104], %get3A_103 {strides = array<i32>} : memref<256xf32, #tpu.memory_space<vmem>>, vector<16xf32>,
    %get3A_106 = arith.constant 16 : index
    %get3A_107 = tpu.vector_load %arg16[%get3A_106] {strides = array<i32>} : memref<64xf32, #tpu.memory_space<vmem>>, vector<16xf32>,
    %swap3A_108 = arith.constant 80 : index
    %swap3A_109 = tpu.vector_load %arg17[%swap3A_108] {strides = array<i32>} : memref<256xf32, #tpu.memory_space<vmem>>, vector<16xf32>,
    tpu.vector_store %arg17[%swap3A_108], %get3A_107 {strides = array<i32>} : memref<256xf32, #tpu.memory_space<vmem>>, vector<16xf32>,
    %get3A_110 = arith.constant 32 : index
    %get3A_111 = tpu.vector_load %arg15[%get3A_110] {strides = array<i32>} : memref<64xf32, #tpu.memory_space<vmem>>, vector<16xf32>,
    %swap3A_112 = arith.constant 32 : index
    %swap3A_113 = tpu.vector_load %arg17[%swap3A_112] {strides = array<i32>} : memref<256xf32, #tpu.memory_space<vmem>>, vector<16xf32>,
    tpu.vector_store %arg17[%swap3A_112], %get3A_111 {strides = array<i32>} : memref<256xf32, #tpu.memory_space<vmem>>, vector<16xf32>,
    %get3A_114 = arith.constant 32 : index
    %get3A_115 = tpu.vector_load %arg16[%get3A_114] {strides = array<i32>} : memref<64xf32, #tpu.memory_space<vmem>>, vector<16xf32>,
    %swap3A_116 = arith.constant 96 : index
    %swap3A_117 = tpu.vector_load %arg17[%swap3A_116] {strides = array<i32>} : memref<256xf32, #tpu.memory_space<vmem>>, vector<16xf32>,
    tpu.vector_store %arg17[%swap3A_116], %get3A_115 {strides = array<i32>} : memref<256xf32, #tpu.memory_space<vmem>>, vector<16xf32>,
    %get3A_118 = arith.constant 48 : index
    %get3A_119 = tpu.vector_load %arg15[%get3A_118] {strides = array<i32>} : memref<64xf32, #tpu.memory_space<vmem>>, vector<16xf32>,
    %swap3A_120 = arith.constant 48 : index
    %swap3A_121 = tpu.vector_load %arg17[%swap3A_120] {strides = array<i32>} : memref<256xf32, #tpu.memory_space<vmem>>, vector<16xf32>,
    tpu.vector_store %arg17[%swap3A_120], %get3A_119 {strides = array<i32>} : memref<256xf32, #tpu.memory_space<vmem>>, vector<16xf32>,
    %get3A_122 = arith.constant 48 : index
    %get3A_123 = tpu.vector_load %arg16[%get3A_122] {strides = array<i32>} : memref<64xf32, #tpu.memory_space<vmem>>, vector<16xf32>,
    %swap3A_124 = arith.constant 112 : index
    %swap3A_125 = tpu.vector_load %arg17[%swap3A_124] {strides = array<i32>} : memref<256xf32, #tpu.memory_space<vmem>>, vector<16xf32>,
    tpu.vector_store %arg17[%swap3A_124], %get3A_123 {strides = array<i32>} : memref<256xf32, #tpu.memory_space<vmem>>, vector<16xf32>,
    %broadcast_in_dim3A_126 = arith.constant 0.000000e+00 : f32
    %broadcast_in_dim3A_127 = vector.broadcast %broadcast_in_dim3A_126 : f32 to vector<16xf32>
    %swap3A_128 = arith.constant 128 : index
    %swap3A_129 = tpu.vector_load %arg17[%swap3A_128] {strides = array<i32>} : memref<256xf32, #tpu.memory_space<vmem>>, vector<16xf32>,
    tpu.vector_store %arg17[%swap3A_128], %broadcast_in_dim3A_127 {strides = array<i32>} : memref<256xf32, #tpu.memory_space<vmem>>, vector<16xf32>,
    %broadcast_in_dim3A_130 = arith.constant 0.000000e+00 : f32
    %broadcast_in_dim3A_131 = vector.broadcast %broadcast_in_dim3A_130 : f32 to vector<16xf32>
    %swap3A_132 = arith.constant 144 : index
    %swap3A_133 = tpu.vector_load %arg17[%swap3A_132] {strides = array<i32>} : memref<256xf32, #tpu.memory_space<vmem>>, vector<16xf32>,
    tpu.vector_store %arg17[%swap3A_132], %broadcast_in_dim3A_131 {strides = array<i32>} : memref<256xf32, #tpu.memory_space<vmem>>, vector<16xf32>,
    %broadcast_in_dim3A_134 = arith.constant 0.000000e+00 : f32
    %broadcast_in_dim3A_135 = vector.broadcast %broadcast_in_dim3A_134 : f32 to vector<16xf32>
    %swap3A_136 = arith.constant 160 : index
    %swap3A_137 = tpu.vector_load %arg17[%swap3A_136] {strides = array<i32>} : memref<256xf32, #tpu.memory_space<vmem>>, vector<16xf32>,
    tpu.vector_store %arg17[%swap3A_136], %broadcast_in_dim3A_135 {strides = array<i32>} : memref<256xf32, #tpu.memory_space<vmem>>, vector<16xf32>,
    %broadcast_in_dim3A_138 = arith.constant 0.000000e+00 : f32
    %broadcast_in_dim3A_139 = vector.broadcast %broadcast_in_dim3A_138 : f32 to vector<16xf32>
    %swap3A_140 = arith.constant 176 : index
    %swap3A_141 = tpu.vector_load %arg17[%swap3A_140] {strides = array<i32>} : memref<256xf32, #tpu.memory_space<vmem>>, vector<16xf32>,
    tpu.vector_store %arg17[%swap3A_140], %broadcast_in_dim3A_139 {strides = array<i32>} : memref<256xf32, #tpu.memory_space<vmem>>, vector<16xf32>,
    %broadcast_in_dim3A_142 = arith.constant 0.000000e+00 : f32
    %broadcast_in_dim3A_143 = vector.broadcast %broadcast_in_dim3A_142 : f32 to vector<16xf32>
    %swap3A_144 = arith.constant 192 : index
    %swap3A_145 = tpu.vector_load %arg17[%swap3A_144] {strides = array<i32>} : memref<256xf32, #tpu.memory_space<vmem>>, vector<16xf32>,
    tpu.vector_store %arg17[%swap3A_144], %broadcast_in_dim3A_143 {strides = array<i32>} : memref<256xf32, #tpu.memory_space<vmem>>, vector<16xf32>,
    %broadcast_in_dim3A_146 = arith.constant 0.000000e+00 : f32
    %broadcast_in_dim3A_147 = vector.broadcast %broadcast_in_dim3A_146 : f32 to vector<16xf32>
    %swap3A_148 = arith.constant 208 : index
    %swap3A_149 = tpu.vector_load %arg17[%swap3A_148] {strides = array<i32>} : memref<256xf32, #tpu.memory_space<vmem>>, vector<16xf32>,
    tpu.vector_store %arg17[%swap3A_148], %broadcast_in_dim3A_147 {strides = array<i32>} : memref<256xf32, #tpu.memory_space<vmem>>, vector<16xf32>,
    %broadcast_in_dim3A_150 = arith.constant 0.000000e+00 : f32
    %broadcast_in_dim3A_151 = vector.broadcast %broadcast_in_dim3A_150 : f32 to vector<16xf32>
    %swap3A_152 = arith.constant 224 : index
    %swap3A_153 = tpu.vector_load %arg17[%swap3A_152] {strides = array<i32>} : memref<256xf32, #tpu.memory_space<vmem>>, vector<16xf32>,
    tpu.vector_store %arg17[%swap3A_152], %broadcast_in_dim3A_151 {strides = array<i32>} : memref<256xf32, #tpu.memory_space<vmem>>, vector<16xf32>,
    %broadcast_in_dim3A_154 = arith.constant 0.000000e+00 : f32
    %broadcast_in_dim3A_155 = vector.broadcast %broadcast_in_dim3A_154 : f32 to vector<16xf32>
    %swap3A_156 = arith.constant 240 : index
    %swap3A_157 = tpu.vector_load %arg17[%swap3A_156] {strides = array<i32>} : memref<256xf32, #tpu.memory_space<vmem>>, vector<16xf32>,
    tpu.vector_store %arg17[%swap3A_156], %broadcast_in_dim3A_155 {strides = array<i32>} : memref<256xf32, #tpu.memory_space<vmem>>, vector<16xf32>,
    %mul3A_158 = arith.constant 256 : i32
    %mul3A_159 = arith.muli %arg1, %mul3A_158 : i32
    "tpu.region"() ({
      %run_scoped3A = tpu.sem_alloc : memref<!tpu.dma_semaphore, #tpu.memory_space<semaphore_mem>>
      %dma_start3A = tpu.memref_slice %arg8[%mul3A_159] : memref<4096xf32, #tpu.memory_space<hbm>> -> memref<256xf32, #tpu.memory_space<hbm>>
      %dma_start3A_165 = tpu.memref_slice %arg8[%mul3A_159] : memref<4096xf32, #tpu.memory_space<hbm>> -> memref<256xf32, #tpu.memory_space<hbm>>
      tpu.enqueue_dma source(%arg17 : memref<256xf32, #tpu.memory_space<vmem>>) target(%dma_start3A_165 : memref<256xf32, #tpu.memory_space<hbm>>) target_semaphore(%run_scoped3A : memref<!tpu.dma_semaphore, #tpu.memory_space<semaphore_mem>>)
      %dma_wait3A = tpu.memref_slice %arg8[%mul3A_159] : memref<4096xf32, #tpu.memory_space<hbm>> -> memref<256xf32, #tpu.memory_space<hbm>>
      %dma_wait3A_166 = tpu.memref_slice %arg8[%mul3A_159] : memref<4096xf32, #tpu.memory_space<hbm>> -> memref<256xf32, #tpu.memory_space<hbm>>
      tpu.wait_dma2 semaphore(%run_scoped3A : memref<!tpu.dma_semaphore, #tpu.memory_space<semaphore_mem>>) src(%arg17 : memref<256xf32, #tpu.memory_space<vmem>>) dst(%dma_wait3A_166 : memref<256xf32, #tpu.memory_space<hbm>>)
      tpu.yield
    }) : () -> ()
    %barrier3A = arith.constant 0 : index
    tpu.barrier barrier_id(%barrier3A)
    %eq3A_160 = arith.constant 0 : i32
    %eq3A_161 = arith.cmpi eq, %arg1, %eq3A_160 : i32
    %convert_element_type3A_162 = arith.extui %eq3A_161 : i1 to i32
    %cond3A_163 = arith.constant 0 : i32
    %cond3A_164 = arith.cmpi ne, %convert_element_type3A_162, %cond3A_163 : i32
    scf.if %cond3A_164 {
      "tpu.region"() ({
        %run_scoped3A = tpu.sem_alloc : memref<!tpu.dma_semaphore, #tpu.memory_space<semaphore_mem>>
        tpu.enqueue_dma source(%arg8 : memref<4096xf32, #tpu.memory_space<hbm>>) target(%arg18 : memref<4096xf32, #tpu.memory_space<vmem>>) target_semaphore(%run_scoped3A : memref<!tpu.dma_semaphore, #tpu.memory_space<semaphore_mem>>)
        tpu.wait_dma2 semaphore(%run_scoped3A : memref<!tpu.dma_semaphore, #tpu.memory_space<semaphore_mem>>) src(%arg8 : memref<4096xf32, #tpu.memory_space<hbm>>) dst(%arg18 : memref<4096xf32, #tpu.memory_space<vmem>>)
        tpu.yield
      }) : () -> ()
      %broadcast_in_dim3A_165 = arith.constant 0xFF800000 : f32
      %broadcast_in_dim3A_166 = vector.broadcast %broadcast_in_dim3A_165 : f32 to vector<16xf32>
      %get3A_167 = arith.constant 0 : index
      %get3A_168 = tpu.vector_load %arg18[%get3A_167] {strides = array<i32>} : memref<4096xf32, #tpu.memory_space<vmem>>, vector<16xf32>,
      %max3A = arith.maximumf %broadcast_in_dim3A_166, %get3A_168 : vector<16xf32>
      %get3A_169 = arith.constant 16 : index
      %get3A_170 = tpu.vector_load %arg18[%get3A_169] {strides = array<i32>} : memref<4096xf32, #tpu.memory_space<vmem>>, vector<16xf32>,
      %max3A_171 = arith.maximumf %max3A, %get3A_170 : vector<16xf32>
      %get3A_172 = arith.constant 32 : index
      %get3A_173 = tpu.vector_load %arg18[%get3A_172] {strides = array<i32>} : memref<4096xf32, #tpu.memory_space<vmem>>, vector<16xf32>,
      %max3A_174 = arith.maximumf %max3A_171, %get3A_173 : vector<16xf32>
      %get3A_175 = arith.constant 48 : index
      %get3A_176 = tpu.vector_load %arg18[%get3A_175] {strides = array<i32>} : memref<4096xf32, #tpu.memory_space<vmem>>, vector<16xf32>,
      %max3A_177 = arith.maximumf %max3A_174, %get3A_176 : vector<16xf32>
      %get3A_178 = arith.constant 256 : index
      %get3A_179 = tpu.vector_load %arg18[%get3A_178] {strides = array<i32>} : memref<4096xf32, #tpu.memory_space<vmem>>, vector<16xf32>,
      %max3A_180 = arith.maximumf %max3A_177, %get3A_179 : vector<16xf32>
      %get3A_181 = arith.constant 272 : index
      %get3A_182 = tpu.vector_load %arg18[%get3A_181] {strides = array<i32>} : memref<4096xf32, #tpu.memory_space<vmem>>, vector<16xf32>,
      %max3A_183 = arith.maximumf %max3A_180, %get3A_182 : vector<16xf32>
      %get3A_184 = arith.constant 288 : index
      %get3A_185 = tpu.vector_load %arg18[%get3A_184] {strides = array<i32>} : memref<4096xf32, #tpu.memory_space<vmem>>, vector<16xf32>,
      %max3A_186 = arith.maximumf %max3A_183, %get3A_185 : vector<16xf32>
      %get3A_187 = arith.constant 304 : index
      %get3A_188 = tpu.vector_load %arg18[%get3A_187] {strides = array<i32>} : memref<4096xf32, #tpu.memory_space<vmem>>, vector<16xf32>,
      %max3A_189 = arith.maximumf %max3A_186, %get3A_188 : vector<16xf32>
      %get3A_190 = arith.constant 512 : index
      %get3A_191 = tpu.vector_load %arg18[%get3A_190] {strides = array<i32>} : memref<4096xf32, #tpu.memory_space<vmem>>, vector<16xf32>,
      %max3A_192 = arith.maximumf %max3A_189, %get3A_191 : vector<16xf32>
      %get3A_193 = arith.constant 528 : index
      %get3A_194 = tpu.vector_load %arg18[%get3A_193] {strides = array<i32>} : memref<4096xf32, #tpu.memory_space<vmem>>, vector<16xf32>,
      %max3A_195 = arith.maximumf %max3A_192, %get3A_194 : vector<16xf32>
      %get3A_196 = arith.constant 544 : index
      %get3A_197 = tpu.vector_load %arg18[%get3A_196] {strides = array<i32>} : memref<4096xf32, #tpu.memory_space<vmem>>, vector<16xf32>,
      %max3A_198 = arith.maximumf %max3A_195, %get3A_197 : vector<16xf32>
      %get3A_199 = arith.constant 560 : index
      %get3A_200 = tpu.vector_load %arg18[%get3A_199] {strides = array<i32>} : memref<4096xf32, #tpu.memory_space<vmem>>, vector<16xf32>,
      %max3A_201 = arith.maximumf %max3A_198, %get3A_200 : vector<16xf32>
      %get3A_202 = arith.constant 768 : index
      %get3A_203 = tpu.vector_load %arg18[%get3A_202] {strides = array<i32>} : memref<4096xf32, #tpu.memory_space<vmem>>, vector<16xf32>,
      %max3A_204 = arith.maximumf %max3A_201, %get3A_203 : vector<16xf32>
      %get3A_205 = arith.constant 784 : index
      %get3A_206 = tpu.vector_load %arg18[%get3A_205] {strides = array<i32>} : memref<4096xf32, #tpu.memory_space<vmem>>, vector<16xf32>,
      %max3A_207 = arith.maximumf %max3A_204, %get3A_206 : vector<16xf32>
      %get3A_208 = arith.constant 800 : index
      %get3A_209 = tpu.vector_load %arg18[%get3A_208] {strides = array<i32>} : memref<4096xf32, #tpu.memory_space<vmem>>, vector<16xf32>,
      %max3A_210 = arith.maximumf %max3A_207, %get3A_209 : vector<16xf32>
      %get3A_211 = arith.constant 816 : index
      %get3A_212 = tpu.vector_load %arg18[%get3A_211] {strides = array<i32>} : memref<4096xf32, #tpu.memory_space<vmem>>, vector<16xf32>,
      %max3A_213 = arith.maximumf %max3A_210, %get3A_212 : vector<16xf32>
      %get3A_214 = arith.constant 1024 : index
      %get3A_215 = tpu.vector_load %arg18[%get3A_214] {strides = array<i32>} : memref<4096xf32, #tpu.memory_space<vmem>>, vector<16xf32>,
      %max3A_216 = arith.maximumf %max3A_213, %get3A_215 : vector<16xf32>
      %get3A_217 = arith.constant 1040 : index
      %get3A_218 = tpu.vector_load %arg18[%get3A_217] {strides = array<i32>} : memref<4096xf32, #tpu.memory_space<vmem>>, vector<16xf32>,
      %max3A_219 = arith.maximumf %max3A_216, %get3A_218 : vector<16xf32>
      %get3A_220 = arith.constant 1056 : index
      %get3A_221 = tpu.vector_load %arg18[%get3A_220] {strides = array<i32>} : memref<4096xf32, #tpu.memory_space<vmem>>, vector<16xf32>,
      %max3A_222 = arith.maximumf %max3A_219, %get3A_221 : vector<16xf32>
      %get3A_223 = arith.constant 1072 : index
      %get3A_224 = tpu.vector_load %arg18[%get3A_223] {strides = array<i32>} : memref<4096xf32, #tpu.memory_space<vmem>>, vector<16xf32>,
      %max3A_225 = arith.maximumf %max3A_222, %get3A_224 : vector<16xf32>
      %get3A_226 = arith.constant 1280 : index
      %get3A_227 = tpu.vector_load %arg18[%get3A_226] {strides = array<i32>} : memref<4096xf32, #tpu.memory_space<vmem>>, vector<16xf32>,
      %max3A_228 = arith.maximumf %max3A_225, %get3A_227 : vector<16xf32>
      %get3A_229 = arith.constant 1296 : index
      %get3A_230 = tpu.vector_load %arg18[%get3A_229] {strides = array<i32>} : memref<4096xf32, #tpu.memory_space<vmem>>, vector<16xf32>,
      %max3A_231 = arith.maximumf %max3A_228, %get3A_230 : vector<16xf32>
      %get3A_232 = arith.constant 1312 : index
      %get3A_233 = tpu.vector_load %arg18[%get3A_232] {strides = array<i32>} : memref<4096xf32, #tpu.memory_space<vmem>>, vector<16xf32>,
      %max3A_234 = arith.maximumf %max3A_231, %get3A_233 : vector<16xf32>
      %get3A_235 = arith.constant 1328 : index
      %get3A_236 = tpu.vector_load %arg18[%get3A_235] {strides = array<i32>} : memref<4096xf32, #tpu.memory_space<vmem>>, vector<16xf32>,
      %max3A_237 = arith.maximumf %max3A_234, %get3A_236 : vector<16xf32>
      %get3A_238 = arith.constant 1536 : index
      %get3A_239 = tpu.vector_load %arg18[%get3A_238] {strides = array<i32>} : memref<4096xf32, #tpu.memory_space<vmem>>, vector<16xf32>,
      %max3A_240 = arith.maximumf %max3A_237, %get3A_239 : vector<16xf32>
      %get3A_241 = arith.constant 1552 : index
      %get3A_242 = tpu.vector_load %arg18[%get3A_241] {strides = array<i32>} : memref<4096xf32, #tpu.memory_space<vmem>>, vector<16xf32>,
      %max3A_243 = arith.maximumf %max3A_240, %get3A_242 : vector<16xf32>
      %get3A_244 = arith.constant 1568 : index
      %get3A_245 = tpu.vector_load %arg18[%get3A_244] {strides = array<i32>} : memref<4096xf32, #tpu.memory_space<vmem>>, vector<16xf32>,
      %max3A_246 = arith.maximumf %max3A_243, %get3A_245 : vector<16xf32>
      %get3A_247 = arith.constant 1584 : index
      %get3A_248 = tpu.vector_load %arg18[%get3A_247] {strides = array<i32>} : memref<4096xf32, #tpu.memory_space<vmem>>, vector<16xf32>,
      %max3A_249 = arith.maximumf %max3A_246, %get3A_248 : vector<16xf32>
      %get3A_250 = arith.constant 1792 : index
      %get3A_251 = tpu.vector_load %arg18[%get3A_250] {strides = array<i32>} : memref<4096xf32, #tpu.memory_space<vmem>>, vector<16xf32>,
      %max3A_252 = arith.maximumf %max3A_249, %get3A_251 : vector<16xf32>
      %get3A_253 = arith.constant 1808 : index
      %get3A_254 = tpu.vector_load %arg18[%get3A_253] {strides = array<i32>} : memref<4096xf32, #tpu.memory_space<vmem>>, vector<16xf32>,
      %max3A_255 = arith.maximumf %max3A_252, %get3A_254 : vector<16xf32>
      %get3A_256 = arith.constant 1824 : index
      %get3A_257 = tpu.vector_load %arg18[%get3A_256] {strides = array<i32>} : memref<4096xf32, #tpu.memory_space<vmem>>, vector<16xf32>,
      %max3A_258 = arith.maximumf %max3A_255, %get3A_257 : vector<16xf32>
      %get3A_259 = arith.constant 1840 : index
      %get3A_260 = tpu.vector_load %arg18[%get3A_259] {strides = array<i32>} : memref<4096xf32, #tpu.memory_space<vmem>>, vector<16xf32>,
      %max3A_261 = arith.maximumf %max3A_258, %get3A_260 : vector<16xf32>
      %get3A_262 = arith.constant 2048 : index
      %get3A_263 = tpu.vector_load %arg18[%get3A_262] {strides = array<i32>} : memref<4096xf32, #tpu.memory_space<vmem>>, vector<16xf32>,
      %max3A_264 = arith.maximumf %max3A_261, %get3A_263 : vector<16xf32>
      %get3A_265 = arith.constant 2064 : index
      %get3A_266 = tpu.vector_load %arg18[%get3A_265] {strides = array<i32>} : memref<4096xf32, #tpu.memory_space<vmem>>, vector<16xf32>,
      %max3A_267 = arith.maximumf %max3A_264, %get3A_266 : vector<16xf32>
      %get3A_268 = arith.constant 2080 : index
      %get3A_269 = tpu.vector_load %arg18[%get3A_268] {strides = array<i32>} : memref<4096xf32, #tpu.memory_space<vmem>>, vector<16xf32>,
      %max3A_270 = arith.maximumf %max3A_267, %get3A_269 : vector<16xf32>
      %get3A_271 = arith.constant 2096 : index
      %get3A_272 = tpu.vector_load %arg18[%get3A_271] {strides = array<i32>} : memref<4096xf32, #tpu.memory_space<vmem>>, vector<16xf32>,
      %max3A_273 = arith.maximumf %max3A_270, %get3A_272 : vector<16xf32>
      %get3A_274 = arith.constant 2304 : index
      %get3A_275 = tpu.vector_load %arg18[%get3A_274] {strides = array<i32>} : memref<4096xf32, #tpu.memory_space<vmem>>, vector<16xf32>,
      %max3A_276 = arith.maximumf %max3A_273, %get3A_275 : vector<16xf32>
      %get3A_277 = arith.constant 2320 : index
      %get3A_278 = tpu.vector_load %arg18[%get3A_277] {strides = array<i32>} : memref<4096xf32, #tpu.memory_space<vmem>>, vector<16xf32>,
      %max3A_279 = arith.maximumf %max3A_276, %get3A_278 : vector<16xf32>
      %get3A_280 = arith.constant 2336 : index
      %get3A_281 = tpu.vector_load %arg18[%get3A_280] {strides = array<i32>} : memref<4096xf32, #tpu.memory_space<vmem>>, vector<16xf32>,
      %max3A_282 = arith.maximumf %max3A_279, %get3A_281 : vector<16xf32>
      %get3A_283 = arith.constant 2352 : index
      %get3A_284 = tpu.vector_load %arg18[%get3A_283] {strides = array<i32>} : memref<4096xf32, #tpu.memory_space<vmem>>, vector<16xf32>,
      %max3A_285 = arith.maximumf %max3A_282, %get3A_284 : vector<16xf32>
      %get3A_286 = arith.constant 2560 : index
      %get3A_287 = tpu.vector_load %arg18[%get3A_286] {strides = array<i32>} : memref<4096xf32, #tpu.memory_space<vmem>>, vector<16xf32>,
      %max3A_288 = arith.maximumf %max3A_285, %get3A_287 : vector<16xf32>
      %get3A_289 = arith.constant 2576 : index
      %get3A_290 = tpu.vector_load %arg18[%get3A_289] {strides = array<i32>} : memref<4096xf32, #tpu.memory_space<vmem>>, vector<16xf32>,
      %max3A_291 = arith.maximumf %max3A_288, %get3A_290 : vector<16xf32>
      %get3A_292 = arith.constant 2592 : index
      %get3A_293 = tpu.vector_load %arg18[%get3A_292] {strides = array<i32>} : memref<4096xf32, #tpu.memory_space<vmem>>, vector<16xf32>,
      %max3A_294 = arith.maximumf %max3A_291, %get3A_293 : vector<16xf32>
      %get3A_295 = arith.constant 2608 : index
      %get3A_296 = tpu.vector_load %arg18[%get3A_295] {strides = array<i32>} : memref<4096xf32, #tpu.memory_space<vmem>>, vector<16xf32>,
      %max3A_297 = arith.maximumf %max3A_294, %get3A_296 : vector<16xf32>
      %get3A_298 = arith.constant 2816 : index
      %get3A_299 = tpu.vector_load %arg18[%get3A_298] {strides = array<i32>} : memref<4096xf32, #tpu.memory_space<vmem>>, vector<16xf32>,
      %max3A_300 = arith.maximumf %max3A_297, %get3A_299 : vector<16xf32>
      %get3A_301 = arith.constant 2832 : index
      %get3A_302 = tpu.vector_load %arg18[%get3A_301] {strides = array<i32>} : memref<4096xf32, #tpu.memory_space<vmem>>, vector<16xf32>,
      %max3A_303 = arith.maximumf %max3A_300, %get3A_302 : vector<16xf32>
      %get3A_304 = arith.constant 2848 : index
      %get3A_305 = tpu.vector_load %arg18[%get3A_304] {strides = array<i32>} : memref<4096xf32, #tpu.memory_space<vmem>>, vector<16xf32>,
      %max3A_306 = arith.maximumf %max3A_303, %get3A_305 : vector<16xf32>
      %get3A_307 = arith.constant 2864 : index
      %get3A_308 = tpu.vector_load %arg18[%get3A_307] {strides = array<i32>} : memref<4096xf32, #tpu.memory_space<vmem>>, vector<16xf32>,
      %max3A_309 = arith.maximumf %max3A_306, %get3A_308 : vector<16xf32>
      %get3A_310 = arith.constant 3072 : index
      %get3A_311 = tpu.vector_load %arg18[%get3A_310] {strides = array<i32>} : memref<4096xf32, #tpu.memory_space<vmem>>, vector<16xf32>,
      %max3A_312 = arith.maximumf %max3A_309, %get3A_311 : vector<16xf32>
      %get3A_313 = arith.constant 3088 : index
      %get3A_314 = tpu.vector_load %arg18[%get3A_313] {strides = array<i32>} : memref<4096xf32, #tpu.memory_space<vmem>>, vector<16xf32>,
      %max3A_315 = arith.maximumf %max3A_312, %get3A_314 : vector<16xf32>
      %get3A_316 = arith.constant 3104 : index
      %get3A_317 = tpu.vector_load %arg18[%get3A_316] {strides = array<i32>} : memref<4096xf32, #tpu.memory_space<vmem>>, vector<16xf32>,
      %max3A_318 = arith.maximumf %max3A_315, %get3A_317 : vector<16xf32>
      %get3A_319 = arith.constant 3120 : index
      %get3A_320 = tpu.vector_load %arg18[%get3A_319] {strides = array<i32>} : memref<4096xf32, #tpu.memory_space<vmem>>, vector<16xf32>,
      %max3A_321 = arith.maximumf %max3A_318, %get3A_320 : vector<16xf32>
      %get3A_322 = arith.constant 3328 : index
      %get3A_323 = tpu.vector_load %arg18[%get3A_322] {strides = array<i32>} : memref<4096xf32, #tpu.memory_space<vmem>>, vector<16xf32>,
      %max3A_324 = arith.maximumf %max3A_321, %get3A_323 : vector<16xf32>
      %get3A_325 = arith.constant 3344 : index
      %get3A_326 = tpu.vector_load %arg18[%get3A_325] {strides = array<i32>} : memref<4096xf32, #tpu.memory_space<vmem>>, vector<16xf32>,
      %max3A_327 = arith.maximumf %max3A_324, %get3A_326 : vector<16xf32>
      %get3A_328 = arith.constant 3360 : index
      %get3A_329 = tpu.vector_load %arg18[%get3A_328] {strides = array<i32>} : memref<4096xf32, #tpu.memory_space<vmem>>, vector<16xf32>,
      %max3A_330 = arith.maximumf %max3A_327, %get3A_329 : vector<16xf32>
      %get3A_331 = arith.constant 3376 : index
      %get3A_332 = tpu.vector_load %arg18[%get3A_331] {strides = array<i32>} : memref<4096xf32, #tpu.memory_space<vmem>>, vector<16xf32>,
      %max3A_333 = arith.maximumf %max3A_330, %get3A_332 : vector<16xf32>
      %get3A_334 = arith.constant 3584 : index
      %get3A_335 = tpu.vector_load %arg18[%get3A_334] {strides = array<i32>} : memref<4096xf32, #tpu.memory_space<vmem>>, vector<16xf32>,
      %max3A_336 = arith.maximumf %max3A_333, %get3A_335 : vector<16xf32>
      %get3A_337 = arith.constant 3600 : index
      %get3A_338 = tpu.vector_load %arg18[%get3A_337] {strides = array<i32>} : memref<4096xf32, #tpu.memory_space<vmem>>, vector<16xf32>,
      %max3A_339 = arith.maximumf %max3A_336, %get3A_338 : vector<16xf32>
      %get3A_340 = arith.constant 3616 : index
      %get3A_341 = tpu.vector_load %arg18[%get3A_340] {strides = array<i32>} : memref<4096xf32, #tpu.memory_space<vmem>>, vector<16xf32>,
      %max3A_342 = arith.maximumf %max3A_339, %get3A_341 : vector<16xf32>
      %get3A_343 = arith.constant 3632 : index
      %get3A_344 = tpu.vector_load %arg18[%get3A_343] {strides = array<i32>} : memref<4096xf32, #tpu.memory_space<vmem>>, vector<16xf32>,
      %max3A_345 = arith.maximumf %max3A_342, %get3A_344 : vector<16xf32>
      %get3A_346 = arith.constant 3840 : index
      %get3A_347 = tpu.vector_load %arg18[%get3A_346] {strides = array<i32>} : memref<4096xf32, #tpu.memory_space<vmem>>, vector<16xf32>,
      %max3A_348 = arith.maximumf %max3A_345, %get3A_347 : vector<16xf32>
      %get3A_349 = arith.constant 3856 : index
      %get3A_350 = tpu.vector_load %arg18[%get3A_349] {strides = array<i32>} : memref<4096xf32, #tpu.memory_space<vmem>>, vector<16xf32>,
      %max3A_351 = arith.maximumf %max3A_348, %get3A_350 : vector<16xf32>
      %get3A_352 = arith.constant 3872 : index
      %get3A_353 = tpu.vector_load %arg18[%get3A_352] {strides = array<i32>} : memref<4096xf32, #tpu.memory_space<vmem>>, vector<16xf32>,
      %max3A_354 = arith.maximumf %max3A_351, %get3A_353 : vector<16xf32>
      %get3A_355 = arith.constant 3888 : index
      %get3A_356 = tpu.vector_load %arg18[%get3A_355] {strides = array<i32>} : memref<4096xf32, #tpu.memory_space<vmem>>, vector<16xf32>,
      %max3A_357 = arith.maximumf %max3A_354, %get3A_356 : vector<16xf32>
      %reduce_max3A_358 = arith.constant true
      %reduce_max3A_359 = vector.broadcast %reduce_max3A_358 : i1 to vector<16xi1>
      %reduce_max3A_360 = tpu.scan <max>, %max3A_357 masked %reduce_max3A_359 : vector<16xf32>, vector<16xi1> -> vector<16xf32>
      %reduce_max3A_361 = vector.extract %reduce_max3A_360[15] : f32 from vector<16xf32>
      %while3A_362 = arith.constant true
      %while3A_363 = arith.constant 0 : i32
      %while3A_364:3 = scf.while (%while3A_3706 = %while3A_362, %while3A_3707 = %reduce_max3A_361, %while3A_3708 = %while3A_363) : (i1, f32, i32) -> (i1, f32, i32) {
        scf.condition(%while3A_3706) %while3A_3706, %while3A_3707, %while3A_3708 : i1, f32, i32
      } do {
      ^bb0(%while3A_3706: i1, %while3A_3707: f32, %while3A_3708: i32):
        %broadcast_in_dim3A_3709 = arith.constant 0 : i32
        %broadcast_in_dim3A_3710 = vector.broadcast %broadcast_in_dim3A_3709 : i32 to vector<16xi32>
        %broadcast_in_dim3A_3711 = arith.constant 0xFF800000 : f32
        %broadcast_in_dim3A_3712 = vector.broadcast %broadcast_in_dim3A_3711 : f32 to vector<16xf32>
        %get3A_3713 = arith.constant 0 : index
        %get3A_3714 = tpu.vector_load %arg18[%get3A_3713] {strides = array<i32>} : memref<4096xf32, #tpu.memory_space<vmem>>, vector<16xf32>,
        %eq3A_3715 = vector.broadcast %while3A_3707 : f32 to vector<16xf32>
        %eq3A_3716 = arith.cmpf oeq, %get3A_3714, %eq3A_3715 : vector<16xf32>
        %convert_element_type3A_3717 = arith.extui %eq3A_3716 : vector<16xi1> to vector<16xi32>
        %add3A_3718 = arith.addi %broadcast_in_dim3A_3710, %convert_element_type3A_3717 : vector<16xi32>
        %lt3A_3719 = vector.broadcast %while3A_3707 : f32 to vector<16xf32>
        %lt3A_3720 = arith.cmpf olt, %get3A_3714, %lt3A_3719 : vector<16xf32>
        %jit3A_3721 = arith.constant 0xFF800000 : f32
        %broadcast_in_dim3A_3722 = vector.broadcast %jit3A_3721 : f32 to vector<16xf32>
        %select_n3A_3723 = arith.select %lt3A_3720, %get3A_3714, %broadcast_in_dim3A_3722 : vector<16xi1>, vector<16xf32>
        %max3A_3724 = arith.maximumf %broadcast_in_dim3A_3712, %select_n3A_3723 : vector<16xf32>
        %get3A_3725 = arith.constant 16 : index
        %get3A_3726 = tpu.vector_load %arg18[%get3A_3725] {strides = array<i32>} : memref<4096xf32, #tpu.memory_space<vmem>>, vector<16xf32>,
        %eq3A_3727 = vector.broadcast %while3A_3707 : f32 to vector<16xf32>
        %eq3A_3728 = arith.cmpf oeq, %get3A_3726, %eq3A_3727 : vector<16xf32>
        %convert_element_type3A_3729 = arith.extui %eq3A_3728 : vector<16xi1> to vector<16xi32>
        %add3A_3730 = arith.addi %add3A_3718, %convert_element_type3A_3729 : vector<16xi32>
        %lt3A_3731 = vector.broadcast %while3A_3707 : f32 to vector<16xf32>
        %lt3A_3732 = arith.cmpf olt, %get3A_3726, %lt3A_3731 : vector<16xf32>
        %jit3A_3733 = arith.constant 0xFF800000 : f32
        %broadcast_in_dim3A_3734 = vector.broadcast %jit3A_3733 : f32 to vector<16xf32>
        %select_n3A_3735 = arith.select %lt3A_3732, %get3A_3726, %broadcast_in_dim3A_3734 : vector<16xi1>, vector<16xf32>
        %max3A_3736 = arith.maximumf %max3A_3724, %select_n3A_3735 : vector<16xf32>
        %get3A_3737 = arith.constant 32 : index
        %get3A_3738 = tpu.vector_load %arg18[%get3A_3737] {strides = array<i32>} : memref<4096xf32, #tpu.memory_space<vmem>>, vector<16xf32>,
        %eq3A_3739 = vector.broadcast %while3A_3707 : f32 to vector<16xf32>
        %eq3A_3740 = arith.cmpf oeq, %get3A_3738, %eq3A_3739 : vector<16xf32>
        %convert_element_type3A_3741 = arith.extui %eq3A_3740 : vector<16xi1> to vector<16xi32>
        %add3A_3742 = arith.addi %add3A_3730, %convert_element_type3A_3741 : vector<16xi32>
        %lt3A_3743 = vector.broadcast %while3A_3707 : f32 to vector<16xf32>
        %lt3A_3744 = arith.cmpf olt, %get3A_3738, %lt3A_3743 : vector<16xf32>
        %jit3A_3745 = arith.constant 0xFF800000 : f32
        %broadcast_in_dim3A_3746 = vector.broadcast %jit3A_3745 : f32 to vector<16xf32>
        %select_n3A_3747 = arith.select %lt3A_3744, %get3A_3738, %broadcast_in_dim3A_3746 : vector<16xi1>, vector<16xf32>
        %max3A_3748 = arith.maximumf %max3A_3736, %select_n3A_3747 : vector<16xf32>
        %get3A_3749 = arith.constant 48 : index
        %get3A_3750 = tpu.vector_load %arg18[%get3A_3749] {strides = array<i32>} : memref<4096xf32, #tpu.memory_space<vmem>>, vector<16xf32>,
        %eq3A_3751 = vector.broadcast %while3A_3707 : f32 to vector<16xf32>
        %eq3A_3752 = arith.cmpf oeq, %get3A_3750, %eq3A_3751 : vector<16xf32>
        %convert_element_type3A_3753 = arith.extui %eq3A_3752 : vector<16xi1> to vector<16xi32>
        %add3A_3754 = arith.addi %add3A_3742, %convert_element_type3A_3753 : vector<16xi32>
        %lt3A_3755 = vector.broadcast %while3A_3707 : f32 to vector<16xf32>
        %lt3A_3756 = arith.cmpf olt, %get3A_3750, %lt3A_3755 : vector<16xf32>
        %jit3A_3757 = arith.constant 0xFF800000 : f32
        %broadcast_in_dim3A_3758 = vector.broadcast %jit3A_3757 : f32 to vector<16xf32>
        %select_n3A_3759 = arith.select %lt3A_3756, %get3A_3750, %broadcast_in_dim3A_3758 : vector<16xi1>, vector<16xf32>
        %max3A_3760 = arith.maximumf %max3A_3748, %select_n3A_3759 : vector<16xf32>
        %get3A_3761 = arith.constant 256 : index
        %get3A_3762 = tpu.vector_load %arg18[%get3A_3761] {strides = array<i32>} : memref<4096xf32, #tpu.memory_space<vmem>>, vector<16xf32>,
        %eq3A_3763 = vector.broadcast %while3A_3707 : f32 to vector<16xf32>
        %eq3A_3764 = arith.cmpf oeq, %get3A_3762, %eq3A_3763 : vector<16xf32>
        %convert_element_type3A_3765 = arith.extui %eq3A_3764 : vector<16xi1> to vector<16xi32>
        %add3A_3766 = arith.addi %add3A_3754, %convert_element_type3A_3765 : vector<16xi32>
        %lt3A_3767 = vector.broadcast %while3A_3707 : f32 to vector<16xf32>
        %lt3A_3768 = arith.cmpf olt, %get3A_3762, %lt3A_3767 : vector<16xf32>
        %jit3A_3769 = arith.constant 0xFF800000 : f32
        %broadcast_in_dim3A_3770 = vector.broadcast %jit3A_3769 : f32 to vector<16xf32>
        %select_n3A_3771 = arith.select %lt3A_3768, %get3A_3762, %broadcast_in_dim3A_3770 : vector<16xi1>, vector<16xf32>
        %max3A_3772 = arith.maximumf %max3A_3760, %select_n3A_3771 : vector<16xf32>
        %get3A_3773 = arith.constant 272 : index
        %get3A_3774 = tpu.vector_load %arg18[%get3A_3773] {strides = array<i32>} : memref<4096xf32, #tpu.memory_space<vmem>>, vector<16xf32>,
        %eq3A_3775 = vector.broadcast %while3A_3707 : f32 to vector<16xf32>
        %eq3A_3776 = arith.cmpf oeq, %get3A_3774, %eq3A_3775 : vector<16xf32>
        %convert_element_type3A_3777 = arith.extui %eq3A_3776 : vector<16xi1> to vector<16xi32>
        %add3A_3778 = arith.addi %add3A_3766, %convert_element_type3A_3777 : vector<16xi32>
        %lt3A_3779 = vector.broadcast %while3A_3707 : f32 to vector<16xf32>
        %lt3A_3780 = arith.cmpf olt, %get3A_3774, %lt3A_3779 : vector<16xf32>
        %jit3A_3781 = arith.constant 0xFF800000 : f32
        %broadcast_in_dim3A_3782 = vector.broadcast %jit3A_3781 : f32 to vector<16xf32>
        %select_n3A_3783 = arith.select %lt3A_3780, %get3A_3774, %broadcast_in_dim3A_3782 : vector<16xi1>, vector<16xf32>
        %max3A_3784 = arith.maximumf %max3A_3772, %select_n3A_3783 : vector<16xf32>
        %get3A_3785 = arith.constant 288 : index
        %get3A_3786 = tpu.vector_load %arg18[%get3A_3785] {strides = array<i32>} : memref<4096xf32, #tpu.memory_space<vmem>>, vector<16xf32>,
        %eq3A_3787 = vector.broadcast %while3A_3707 : f32 to vector<16xf32>
        %eq3A_3788 = arith.cmpf oeq, %get3A_3786, %eq3A_3787 : vector<16xf32>
        %convert_element_type3A_3789 = arith.extui %eq3A_3788 : vector<16xi1> to vector<16xi32>
        %add3A_3790 = arith.addi %add3A_3778, %convert_element_type3A_3789 : vector<16xi32>
        %lt3A_3791 = vector.broadcast %while3A_3707 : f32 to vector<16xf32>
        %lt3A_3792 = arith.cmpf olt, %get3A_3786, %lt3A_3791 : vector<16xf32>
        %jit3A_3793 = arith.constant 0xFF800000 : f32
        %broadcast_in_dim3A_3794 = vector.broadcast %jit3A_3793 : f32 to vector<16xf32>
        %select_n3A_3795 = arith.select %lt3A_3792, %get3A_3786, %broadcast_in_dim3A_3794 : vector<16xi1>, vector<16xf32>
        %max3A_3796 = arith.maximumf %max3A_3784, %select_n3A_3795 : vector<16xf32>
        %get3A_3797 = arith.constant 304 : index
        %get3A_3798 = tpu.vector_load %arg18[%get3A_3797] {strides = array<i32>} : memref<4096xf32, #tpu.memory_space<vmem>>, vector<16xf32>,
        %eq3A_3799 = vector.broadcast %while3A_3707 : f32 to vector<16xf32>
        %eq3A_3800 = arith.cmpf oeq, %get3A_3798, %eq3A_3799 : vector<16xf32>
        %convert_element_type3A_3801 = arith.extui %eq3A_3800 : vector<16xi1> to vector<16xi32>
        %add3A_3802 = arith.addi %add3A_3790, %convert_element_type3A_3801 : vector<16xi32>
        %lt3A_3803 = vector.broadcast %while3A_3707 : f32 to vector<16xf32>
        %lt3A_3804 = arith.cmpf olt, %get3A_3798, %lt3A_3803 : vector<16xf32>
        %jit3A_3805 = arith.constant 0xFF800000 : f32
        %broadcast_in_dim3A_3806 = vector.broadcast %jit3A_3805 : f32 to vector<16xf32>
        %select_n3A_3807 = arith.select %lt3A_3804, %get3A_3798, %broadcast_in_dim3A_3806 : vector<16xi1>, vector<16xf32>
        %max3A_3808 = arith.maximumf %max3A_3796, %select_n3A_3807 : vector<16xf32>
        %get3A_3809 = arith.constant 512 : index
        %get3A_3810 = tpu.vector_load %arg18[%get3A_3809] {strides = array<i32>} : memref<4096xf32, #tpu.memory_space<vmem>>, vector<16xf32>,
        %eq3A_3811 = vector.broadcast %while3A_3707 : f32 to vector<16xf32>
        %eq3A_3812 = arith.cmpf oeq, %get3A_3810, %eq3A_3811 : vector<16xf32>
        %convert_element_type3A_3813 = arith.extui %eq3A_3812 : vector<16xi1> to vector<16xi32>
        %add3A_3814 = arith.addi %add3A_3802, %convert_element_type3A_3813 : vector<16xi32>
        %lt3A_3815 = vector.broadcast %while3A_3707 : f32 to vector<16xf32>
        %lt3A_3816 = arith.cmpf olt, %get3A_3810, %lt3A_3815 : vector<16xf32>
        %jit3A_3817 = arith.constant 0xFF800000 : f32
        %broadcast_in_dim3A_3818 = vector.broadcast %jit3A_3817 : f32 to vector<16xf32>
        %select_n3A_3819 = arith.select %lt3A_3816, %get3A_3810, %broadcast_in_dim3A_3818 : vector<16xi1>, vector<16xf32>
        %max3A_3820 = arith.maximumf %max3A_3808, %select_n3A_3819 : vector<16xf32>
        %get3A_3821 = arith.constant 528 : index
        %get3A_3822 = tpu.vector_load %arg18[%get3A_3821] {strides = array<i32>} : memref<4096xf32, #tpu.memory_space<vmem>>, vector<16xf32>,
        %eq3A_3823 = vector.broadcast %while3A_3707 : f32 to vector<16xf32>
        %eq3A_3824 = arith.cmpf oeq, %get3A_3822, %eq3A_3823 : vector<16xf32>
        %convert_element_type3A_3825 = arith.extui %eq3A_3824 : vector<16xi1> to vector<16xi32>
        %add3A_3826 = arith.addi %add3A_3814, %convert_element_type3A_3825 : vector<16xi32>
        %lt3A_3827 = vector.broadcast %while3A_3707 : f32 to vector<16xf32>
        %lt3A_3828 = arith.cmpf olt, %get3A_3822, %lt3A_3827 : vector<16xf32>
        %jit3A_3829 = arith.constant 0xFF800000 : f32
        %broadcast_in_dim3A_3830 = vector.broadcast %jit3A_3829 : f32 to vector<16xf32>
        %select_n3A_3831 = arith.select %lt3A_3828, %get3A_3822, %broadcast_in_dim3A_3830 : vector<16xi1>, vector<16xf32>
        %max3A_3832 = arith.maximumf %max3A_3820, %select_n3A_3831 : vector<16xf32>
        %get3A_3833 = arith.constant 544 : index
        %get3A_3834 = tpu.vector_load %arg18[%get3A_3833] {strides = array<i32>} : memref<4096xf32, #tpu.memory_space<vmem>>, vector<16xf32>,
        %eq3A_3835 = vector.broadcast %while3A_3707 : f32 to vector<16xf32>
        %eq3A_3836 = arith.cmpf oeq, %get3A_3834, %eq3A_3835 : vector<16xf32>
        %convert_element_type3A_3837 = arith.extui %eq3A_3836 : vector<16xi1> to vector<16xi32>
        %add3A_3838 = arith.addi %add3A_3826, %convert_element_type3A_3837 : vector<16xi32>
        %lt3A_3839 = vector.broadcast %while3A_3707 : f32 to vector<16xf32>
        %lt3A_3840 = arith.cmpf olt, %get3A_3834, %lt3A_3839 : vector<16xf32>
        %jit3A_3841 = arith.constant 0xFF800000 : f32
        %broadcast_in_dim3A_3842 = vector.broadcast %jit3A_3841 : f32 to vector<16xf32>
        %select_n3A_3843 = arith.select %lt3A_3840, %get3A_3834, %broadcast_in_dim3A_3842 : vector<16xi1>, vector<16xf32>
        %max3A_3844 = arith.maximumf %max3A_3832, %select_n3A_3843 : vector<16xf32>
        %get3A_3845 = arith.constant 560 : index
        %get3A_3846 = tpu.vector_load %arg18[%get3A_3845] {strides = array<i32>} : memref<4096xf32, #tpu.memory_space<vmem>>, vector<16xf32>,
        %eq3A_3847 = vector.broadcast %while3A_3707 : f32 to vector<16xf32>
        %eq3A_3848 = arith.cmpf oeq, %get3A_3846, %eq3A_3847 : vector<16xf32>
        %convert_element_type3A_3849 = arith.extui %eq3A_3848 : vector<16xi1> to vector<16xi32>
        %add3A_3850 = arith.addi %add3A_3838, %convert_element_type3A_3849 : vector<16xi32>
        %lt3A_3851 = vector.broadcast %while3A_3707 : f32 to vector<16xf32>
        %lt3A_3852 = arith.cmpf olt, %get3A_3846, %lt3A_3851 : vector<16xf32>
        %jit3A_3853 = arith.constant 0xFF800000 : f32
        %broadcast_in_dim3A_3854 = vector.broadcast %jit3A_3853 : f32 to vector<16xf32>
        %select_n3A_3855 = arith.select %lt3A_3852, %get3A_3846, %broadcast_in_dim3A_3854 : vector<16xi1>, vector<16xf32>
        %max3A_3856 = arith.maximumf %max3A_3844, %select_n3A_3855 : vector<16xf32>
        %get3A_3857 = arith.constant 768 : index
        %get3A_3858 = tpu.vector_load %arg18[%get3A_3857] {strides = array<i32>} : memref<4096xf32, #tpu.memory_space<vmem>>, vector<16xf32>,
        %eq3A_3859 = vector.broadcast %while3A_3707 : f32 to vector<16xf32>
        %eq3A_3860 = arith.cmpf oeq, %get3A_3858, %eq3A_3859 : vector<16xf32>
        %convert_element_type3A_3861 = arith.extui %eq3A_3860 : vector<16xi1> to vector<16xi32>
        %add3A_3862 = arith.addi %add3A_3850, %convert_element_type3A_3861 : vector<16xi32>
        %lt3A_3863 = vector.broadcast %while3A_3707 : f32 to vector<16xf32>
        %lt3A_3864 = arith.cmpf olt, %get3A_3858, %lt3A_3863 : vector<16xf32>
        %jit3A_3865 = arith.constant 0xFF800000 : f32
        %broadcast_in_dim3A_3866 = vector.broadcast %jit3A_3865 : f32 to vector<16xf32>
        %select_n3A_3867 = arith.select %lt3A_3864, %get3A_3858, %broadcast_in_dim3A_3866 : vector<16xi1>, vector<16xf32>
        %max3A_3868 = arith.maximumf %max3A_3856, %select_n3A_3867 : vector<16xf32>
        %get3A_3869 = arith.constant 784 : index
        %get3A_3870 = tpu.vector_load %arg18[%get3A_3869] {strides = array<i32>} : memref<4096xf32, #tpu.memory_space<vmem>>, vector<16xf32>,
        %eq3A_3871 = vector.broadcast %while3A_3707 : f32 to vector<16xf32>
        %eq3A_3872 = arith.cmpf oeq, %get3A_3870, %eq3A_3871 : vector<16xf32>
        %convert_element_type3A_3873 = arith.extui %eq3A_3872 : vector<16xi1> to vector<16xi32>
        %add3A_3874 = arith.addi %add3A_3862, %convert_element_type3A_3873 : vector<16xi32>
        %lt3A_3875 = vector.broadcast %while3A_3707 : f32 to vector<16xf32>
        %lt3A_3876 = arith.cmpf olt, %get3A_3870, %lt3A_3875 : vector<16xf32>
        %jit3A_3877 = arith.constant 0xFF800000 : f32
        %broadcast_in_dim3A_3878 = vector.broadcast %jit3A_3877 : f32 to vector<16xf32>
        %select_n3A_3879 = arith.select %lt3A_3876, %get3A_3870, %broadcast_in_dim3A_3878 : vector<16xi1>, vector<16xf32>
        %max3A_3880 = arith.maximumf %max3A_3868, %select_n3A_3879 : vector<16xf32>
        %get3A_3881 = arith.constant 800 : index
        %get3A_3882 = tpu.vector_load %arg18[%get3A_3881] {strides = array<i32>} : memref<4096xf32, #tpu.memory_space<vmem>>, vector<16xf32>,
        %eq3A_3883 = vector.broadcast %while3A_3707 : f32 to vector<16xf32>
        %eq3A_3884 = arith.cmpf oeq, %get3A_3882, %eq3A_3883 : vector<16xf32>
        %convert_element_type3A_3885 = arith.extui %eq3A_3884 : vector<16xi1> to vector<16xi32>
        %add3A_3886 = arith.addi %add3A_3874, %convert_element_type3A_3885 : vector<16xi32>
        %lt3A_3887 = vector.broadcast %while3A_3707 : f32 to vector<16xf32>
        %lt3A_3888 = arith.cmpf olt, %get3A_3882, %lt3A_3887 : vector<16xf32>
        %jit3A_3889 = arith.constant 0xFF800000 : f32
        %broadcast_in_dim3A_3890 = vector.broadcast %jit3A_3889 : f32 to vector<16xf32>
        %select_n3A_3891 = arith.select %lt3A_3888, %get3A_3882, %broadcast_in_dim3A_3890 : vector<16xi1>, vector<16xf32>
        %max3A_3892 = arith.maximumf %max3A_3880, %select_n3A_3891 : vector<16xf32>
        %get3A_3893 = arith.constant 816 : index
        %get3A_3894 = tpu.vector_load %arg18[%get3A_3893] {strides = array<i32>} : memref<4096xf32, #tpu.memory_space<vmem>>, vector<16xf32>,
        %eq3A_3895 = vector.broadcast %while3A_3707 : f32 to vector<16xf32>
        %eq3A_3896 = arith.cmpf oeq, %get3A_3894, %eq3A_3895 : vector<16xf32>
        %convert_element_type3A_3897 = arith.extui %eq3A_3896 : vector<16xi1> to vector<16xi32>
        %add3A_3898 = arith.addi %add3A_3886, %convert_element_type3A_3897 : vector<16xi32>
        %lt3A_3899 = vector.broadcast %while3A_3707 : f32 to vector<16xf32>
        %lt3A_3900 = arith.cmpf olt, %get3A_3894, %lt3A_3899 : vector<16xf32>
        %jit3A_3901 = arith.constant 0xFF800000 : f32
        %broadcast_in_dim3A_3902 = vector.broadcast %jit3A_3901 : f32 to vector<16xf32>
        %select_n3A_3903 = arith.select %lt3A_3900, %get3A_3894, %broadcast_in_dim3A_3902 : vector<16xi1>, vector<16xf32>
        %max3A_3904 = arith.maximumf %max3A_3892, %select_n3A_3903 : vector<16xf32>
        %get3A_3905 = arith.constant 1024 : index
        %get3A_3906 = tpu.vector_load %arg18[%get3A_3905] {strides = array<i32>} : memref<4096xf32, #tpu.memory_space<vmem>>, vector<16xf32>,
        %eq3A_3907 = vector.broadcast %while3A_3707 : f32 to vector<16xf32>
        %eq3A_3908 = arith.cmpf oeq, %get3A_3906, %eq3A_3907 : vector<16xf32>
        %convert_element_type3A_3909 = arith.extui %eq3A_3908 : vector<16xi1> to vector<16xi32>
        %add3A_3910 = arith.addi %add3A_3898, %convert_element_type3A_3909 : vector<16xi32>
        %lt3A_3911 = vector.broadcast %while3A_3707 : f32 to vector<16xf32>
        %lt3A_3912 = arith.cmpf olt, %get3A_3906, %lt3A_3911 : vector<16xf32>
        %jit3A_3913 = arith.constant 0xFF800000 : f32
        %broadcast_in_dim3A_3914 = vector.broadcast %jit3A_3913 : f32 to vector<16xf32>
        %select_n3A_3915 = arith.select %lt3A_3912, %get3A_3906, %broadcast_in_dim3A_3914 : vector<16xi1>, vector<16xf32>
        %max3A_3916 = arith.maximumf %max3A_3904, %select_n3A_3915 : vector<16xf32>
        %get3A_3917 = arith.constant 1040 : index
        %get3A_3918 = tpu.vector_load %arg18[%get3A_3917] {strides = array<i32>} : memref<4096xf32, #tpu.memory_space<vmem>>, vector<16xf32>,
        %eq3A_3919 = vector.broadcast %while3A_3707 : f32 to vector<16xf32>
        %eq3A_3920 = arith.cmpf oeq, %get3A_3918, %eq3A_3919 : vector<16xf32>
        %convert_element_type3A_3921 = arith.extui %eq3A_3920 : vector<16xi1> to vector<16xi32>
        %add3A_3922 = arith.addi %add3A_3910, %convert_element_type3A_3921 : vector<16xi32>
        %lt3A_3923 = vector.broadcast %while3A_3707 : f32 to vector<16xf32>
        %lt3A_3924 = arith.cmpf olt, %get3A_3918, %lt3A_3923 : vector<16xf32>
        %jit3A_3925 = arith.constant 0xFF800000 : f32
        %broadcast_in_dim3A_3926 = vector.broadcast %jit3A_3925 : f32 to vector<16xf32>
        %select_n3A_3927 = arith.select %lt3A_3924, %get3A_3918, %broadcast_in_dim3A_3926 : vector<16xi1>, vector<16xf32>
        %max3A_3928 = arith.maximumf %max3A_3916, %select_n3A_3927 : vector<16xf32>
        %get3A_3929 = arith.constant 1056 : index
        %get3A_3930 = tpu.vector_load %arg18[%get3A_3929] {strides = array<i32>} : memref<4096xf32, #tpu.memory_space<vmem>>, vector<16xf32>,
        %eq3A_3931 = vector.broadcast %while3A_3707 : f32 to vector<16xf32>
        %eq3A_3932 = arith.cmpf oeq, %get3A_3930, %eq3A_3931 : vector<16xf32>
        %convert_element_type3A_3933 = arith.extui %eq3A_3932 : vector<16xi1> to vector<16xi32>
        %add3A_3934 = arith.addi %add3A_3922, %convert_element_type3A_3933 : vector<16xi32>
        %lt3A_3935 = vector.broadcast %while3A_3707 : f32 to vector<16xf32>
        %lt3A_3936 = arith.cmpf olt, %get3A_3930, %lt3A_3935 : vector<16xf32>
        %jit3A_3937 = arith.constant 0xFF800000 : f32
        %broadcast_in_dim3A_3938 = vector.broadcast %jit3A_3937 : f32 to vector<16xf32>
        %select_n3A_3939 = arith.select %lt3A_3936, %get3A_3930, %broadcast_in_dim3A_3938 : vector<16xi1>, vector<16xf32>
        %max3A_3940 = arith.maximumf %max3A_3928, %select_n3A_3939 : vector<16xf32>
        %get3A_3941 = arith.constant 1072 : index
        %get3A_3942 = tpu.vector_load %arg18[%get3A_3941] {strides = array<i32>} : memref<4096xf32, #tpu.memory_space<vmem>>, vector<16xf32>,
        %eq3A_3943 = vector.broadcast %while3A_3707 : f32 to vector<16xf32>
        %eq3A_3944 = arith.cmpf oeq, %get3A_3942, %eq3A_3943 : vector<16xf32>
        %convert_element_type3A_3945 = arith.extui %eq3A_3944 : vector<16xi1> to vector<16xi32>
        %add3A_3946 = arith.addi %add3A_3934, %convert_element_type3A_3945 : vector<16xi32>
        %lt3A_3947 = vector.broadcast %while3A_3707 : f32 to vector<16xf32>
        %lt3A_3948 = arith.cmpf olt, %get3A_3942, %lt3A_3947 : vector<16xf32>
        %jit3A_3949 = arith.constant 0xFF800000 : f32
        %broadcast_in_dim3A_3950 = vector.broadcast %jit3A_3949 : f32 to vector<16xf32>
        %select_n3A_3951 = arith.select %lt3A_3948, %get3A_3942, %broadcast_in_dim3A_3950 : vector<16xi1>, vector<16xf32>
        %max3A_3952 = arith.maximumf %max3A_3940, %select_n3A_3951 : vector<16xf32>
        %get3A_3953 = arith.constant 1280 : index
        %get3A_3954 = tpu.vector_load %arg18[%get3A_3953] {strides = array<i32>} : memref<4096xf32, #tpu.memory_space<vmem>>, vector<16xf32>,
        %eq3A_3955 = vector.broadcast %while3A_3707 : f32 to vector<16xf32>
        %eq3A_3956 = arith.cmpf oeq, %get3A_3954, %eq3A_3955 : vector<16xf32>
        %convert_element_type3A_3957 = arith.extui %eq3A_3956 : vector<16xi1> to vector<16xi32>
        %add3A_3958 = arith.addi %add3A_3946, %convert_element_type3A_3957 : vector<16xi32>
        %lt3A_3959 = vector.broadcast %while3A_3707 : f32 to vector<16xf32>
        %lt3A_3960 = arith.cmpf olt, %get3A_3954, %lt3A_3959 : vector<16xf32>
        %jit3A_3961 = arith.constant 0xFF800000 : f32
        %broadcast_in_dim3A_3962 = vector.broadcast %jit3A_3961 : f32 to vector<16xf32>
        %select_n3A_3963 = arith.select %lt3A_3960, %get3A_3954, %broadcast_in_dim3A_3962 : vector<16xi1>, vector<16xf32>
        %max3A_3964 = arith.maximumf %max3A_3952, %select_n3A_3963 : vector<16xf32>
        %get3A_3965 = arith.constant 1296 : index
        %get3A_3966 = tpu.vector_load %arg18[%get3A_3965] {strides = array<i32>} : memref<4096xf32, #tpu.memory_space<vmem>>, vector<16xf32>,
        %eq3A_3967 = vector.broadcast %while3A_3707 : f32 to vector<16xf32>
        %eq3A_3968 = arith.cmpf oeq, %get3A_3966, %eq3A_3967 : vector<16xf32>
        %convert_element_type3A_3969 = arith.extui %eq3A_3968 : vector<16xi1> to vector<16xi32>
        %add3A_3970 = arith.addi %add3A_3958, %convert_element_type3A_3969 : vector<16xi32>
        %lt3A_3971 = vector.broadcast %while3A_3707 : f32 to vector<16xf32>
        %lt3A_3972 = arith.cmpf olt, %get3A_3966, %lt3A_3971 : vector<16xf32>
        %jit3A_3973 = arith.constant 0xFF800000 : f32
        %broadcast_in_dim3A_3974 = vector.broadcast %jit3A_3973 : f32 to vector<16xf32>
        %select_n3A_3975 = arith.select %lt3A_3972, %get3A_3966, %broadcast_in_dim3A_3974 : vector<16xi1>, vector<16xf32>
        %max3A_3976 = arith.maximumf %max3A_3964, %select_n3A_3975 : vector<16xf32>
        %get3A_3977 = arith.constant 1312 : index
        %get3A_3978 = tpu.vector_load %arg18[%get3A_3977] {strides = array<i32>} : memref<4096xf32, #tpu.memory_space<vmem>>, vector<16xf32>,
        %eq3A_3979 = vector.broadcast %while3A_3707 : f32 to vector<16xf32>
        %eq3A_3980 = arith.cmpf oeq, %get3A_3978, %eq3A_3979 : vector<16xf32>
        %convert_element_type3A_3981 = arith.extui %eq3A_3980 : vector<16xi1> to vector<16xi32>
        %add3A_3982 = arith.addi %add3A_3970, %convert_element_type3A_3981 : vector<16xi32>
        %lt3A_3983 = vector.broadcast %while3A_3707 : f32 to vector<16xf32>
        %lt3A_3984 = arith.cmpf olt, %get3A_3978, %lt3A_3983 : vector<16xf32>
        %jit3A_3985 = arith.constant 0xFF800000 : f32
        %broadcast_in_dim3A_3986 = vector.broadcast %jit3A_3985 : f32 to vector<16xf32>
        %select_n3A_3987 = arith.select %lt3A_3984, %get3A_3978, %broadcast_in_dim3A_3986 : vector<16xi1>, vector<16xf32>
        %max3A_3988 = arith.maximumf %max3A_3976, %select_n3A_3987 : vector<16xf32>
        %get3A_3989 = arith.constant 1328 : index
        %get3A_3990 = tpu.vector_load %arg18[%get3A_3989] {strides = array<i32>} : memref<4096xf32, #tpu.memory_space<vmem>>, vector<16xf32>,
        %eq3A_3991 = vector.broadcast %while3A_3707 : f32 to vector<16xf32>
        %eq3A_3992 = arith.cmpf oeq, %get3A_3990, %eq3A_3991 : vector<16xf32>
        %convert_element_type3A_3993 = arith.extui %eq3A_3992 : vector<16xi1> to vector<16xi32>
        %add3A_3994 = arith.addi %add3A_3982, %convert_element_type3A_3993 : vector<16xi32>
        %lt3A_3995 = vector.broadcast %while3A_3707 : f32 to vector<16xf32>
        %lt3A_3996 = arith.cmpf olt, %get3A_3990, %lt3A_3995 : vector<16xf32>
        %jit3A_3997 = arith.constant 0xFF800000 : f32
        %broadcast_in_dim3A_3998 = vector.broadcast %jit3A_3997 : f32 to vector<16xf32>
        %select_n3A_3999 = arith.select %lt3A_3996, %get3A_3990, %broadcast_in_dim3A_3998 : vector<16xi1>, vector<16xf32>
        %max3A_4000 = arith.maximumf %max3A_3988, %select_n3A_3999 : vector<16xf32>
        %get3A_4001 = arith.constant 1536 : index
        %get3A_4002 = tpu.vector_load %arg18[%get3A_4001] {strides = array<i32>} : memref<4096xf32, #tpu.memory_space<vmem>>, vector<16xf32>,
        %eq3A_4003 = vector.broadcast %while3A_3707 : f32 to vector<16xf32>
        %eq3A_4004 = arith.cmpf oeq, %get3A_4002, %eq3A_4003 : vector<16xf32>
        %convert_element_type3A_4005 = arith.extui %eq3A_4004 : vector<16xi1> to vector<16xi32>
        %add3A_4006 = arith.addi %add3A_3994, %convert_element_type3A_4005 : vector<16xi32>
        %lt3A_4007 = vector.broadcast %while3A_3707 : f32 to vector<16xf32>
        %lt3A_4008 = arith.cmpf olt, %get3A_4002, %lt3A_4007 : vector<16xf32>
        %jit3A_4009 = arith.constant 0xFF800000 : f32
        %broadcast_in_dim3A_4010 = vector.broadcast %jit3A_4009 : f32 to vector<16xf32>
        %select_n3A_4011 = arith.select %lt3A_4008, %get3A_4002, %broadcast_in_dim3A_4010 : vector<16xi1>, vector<16xf32>
        %max3A_4012 = arith.maximumf %max3A_4000, %select_n3A_4011 : vector<16xf32>
        %get3A_4013 = arith.constant 1552 : index
        %get3A_4014 = tpu.vector_load %arg18[%get3A_4013] {strides = array<i32>} : memref<4096xf32, #tpu.memory_space<vmem>>, vector<16xf32>,
        %eq3A_4015 = vector.broadcast %while3A_3707 : f32 to vector<16xf32>
        %eq3A_4016 = arith.cmpf oeq, %get3A_4014, %eq3A_4015 : vector<16xf32>
        %convert_element_type3A_4017 = arith.extui %eq3A_4016 : vector<16xi1> to vector<16xi32>
        %add3A_4018 = arith.addi %add3A_4006, %convert_element_type3A_4017 : vector<16xi32>
        %lt3A_4019 = vector.broadcast %while3A_3707 : f32 to vector<16xf32>
        %lt3A_4020 = arith.cmpf olt, %get3A_4014, %lt3A_4019 : vector<16xf32>
        %jit3A_4021 = arith.constant 0xFF800000 : f32
        %broadcast_in_dim3A_4022 = vector.broadcast %jit3A_4021 : f32 to vector<16xf32>
        %select_n3A_4023 = arith.select %lt3A_4020, %get3A_4014, %broadcast_in_dim3A_4022 : vector<16xi1>, vector<16xf32>
        %max3A_4024 = arith.maximumf %max3A_4012, %select_n3A_4023 : vector<16xf32>
        %get3A_4025 = arith.constant 1568 : index
        %get3A_4026 = tpu.vector_load %arg18[%get3A_4025] {strides = array<i32>} : memref<4096xf32, #tpu.memory_space<vmem>>, vector<16xf32>,
        %eq3A_4027 = vector.broadcast %while3A_3707 : f32 to vector<16xf32>
        %eq3A_4028 = arith.cmpf oeq, %get3A_4026, %eq3A_4027 : vector<16xf32>
        %convert_element_type3A_4029 = arith.extui %eq3A_4028 : vector<16xi1> to vector<16xi32>
        %add3A_4030 = arith.addi %add3A_4018, %convert_element_type3A_4029 : vector<16xi32>
        %lt3A_4031 = vector.broadcast %while3A_3707 : f32 to vector<16xf32>
        %lt3A_4032 = arith.cmpf olt, %get3A_4026, %lt3A_4031 : vector<16xf32>
        %jit3A_4033 = arith.constant 0xFF800000 : f32
        %broadcast_in_dim3A_4034 = vector.broadcast %jit3A_4033 : f32 to vector<16xf32>
        %select_n3A_4035 = arith.select %lt3A_4032, %get3A_4026, %broadcast_in_dim3A_4034 : vector<16xi1>, vector<16xf32>
        %max3A_4036 = arith.maximumf %max3A_4024, %select_n3A_4035 : vector<16xf32>
        %get3A_4037 = arith.constant 1584 : index
        %get3A_4038 = tpu.vector_load %arg18[%get3A_4037] {strides = array<i32>} : memref<4096xf32, #tpu.memory_space<vmem>>, vector<16xf32>,
        %eq3A_4039 = vector.broadcast %while3A_3707 : f32 to vector<16xf32>
        %eq3A_4040 = arith.cmpf oeq, %get3A_4038, %eq3A_4039 : vector<16xf32>
        %convert_element_type3A_4041 = arith.extui %eq3A_4040 : vector<16xi1> to vector<16xi32>
        %add3A_4042 = arith.addi %add3A_4030, %convert_element_type3A_4041 : vector<16xi32>
        %lt3A_4043 = vector.broadcast %while3A_3707 : f32 to vector<16xf32>
        %lt3A_4044 = arith.cmpf olt, %get3A_4038, %lt3A_4043 : vector<16xf32>
        %jit3A_4045 = arith.constant 0xFF800000 : f32
        %broadcast_in_dim3A_4046 = vector.broadcast %jit3A_4045 : f32 to vector<16xf32>
        %select_n3A_4047 = arith.select %lt3A_4044, %get3A_4038, %broadcast_in_dim3A_4046 : vector<16xi1>, vector<16xf32>
        %max3A_4048 = arith.maximumf %max3A_4036, %select_n3A_4047 : vector<16xf32>
        %get3A_4049 = arith.constant 1792 : index
        %get3A_4050 = tpu.vector_load %arg18[%get3A_4049] {strides = array<i32>} : memref<4096xf32, #tpu.memory_space<vmem>>, vector<16xf32>,
        %eq3A_4051 = vector.broadcast %while3A_3707 : f32 to vector<16xf32>
        %eq3A_4052 = arith.cmpf oeq, %get3A_4050, %eq3A_4051 : vector<16xf32>
        %convert_element_type3A_4053 = arith.extui %eq3A_4052 : vector<16xi1> to vector<16xi32>
        %add3A_4054 = arith.addi %add3A_4042, %convert_element_type3A_4053 : vector<16xi32>
        %lt3A_4055 = vector.broadcast %while3A_3707 : f32 to vector<16xf32>
        %lt3A_4056 = arith.cmpf olt, %get3A_4050, %lt3A_4055 : vector<16xf32>
        %jit3A_4057 = arith.constant 0xFF800000 : f32
        %broadcast_in_dim3A_4058 = vector.broadcast %jit3A_4057 : f32 to vector<16xf32>
        %select_n3A_4059 = arith.select %lt3A_4056, %get3A_4050, %broadcast_in_dim3A_4058 : vector<16xi1>, vector<16xf32>
        %max3A_4060 = arith.maximumf %max3A_4048, %select_n3A_4059 : vector<16xf32>
        %get3A_4061 = arith.constant 1808 : index
        %get3A_4062 = tpu.vector_load %arg18[%get3A_4061] {strides = array<i32>} : memref<4096xf32, #tpu.memory_space<vmem>>, vector<16xf32>,
        %eq3A_4063 = vector.broadcast %while3A_3707 : f32 to vector<16xf32>
        %eq3A_4064 = arith.cmpf oeq, %get3A_4062, %eq3A_4063 : vector<16xf32>
        %convert_element_type3A_4065 = arith.extui %eq3A_4064 : vector<16xi1> to vector<16xi32>
        %add3A_4066 = arith.addi %add3A_4054, %convert_element_type3A_4065 : vector<16xi32>
        %lt3A_4067 = vector.broadcast %while3A_3707 : f32 to vector<16xf32>
        %lt3A_4068 = arith.cmpf olt, %get3A_4062, %lt3A_4067 : vector<16xf32>
        %jit3A_4069 = arith.constant 0xFF800000 : f32
        %broadcast_in_dim3A_4070 = vector.broadcast %jit3A_4069 : f32 to vector<16xf32>
        %select_n3A_4071 = arith.select %lt3A_4068, %get3A_4062, %broadcast_in_dim3A_4070 : vector<16xi1>, vector<16xf32>
        %max3A_4072 = arith.maximumf %max3A_4060, %select_n3A_4071 : vector<16xf32>
        %get3A_4073 = arith.constant 1824 : index
        %get3A_4074 = tpu.vector_load %arg18[%get3A_4073] {strides = array<i32>} : memref<4096xf32, #tpu.memory_space<vmem>>, vector<16xf32>,
        %eq3A_4075 = vector.broadcast %while3A_3707 : f32 to vector<16xf32>
        %eq3A_4076 = arith.cmpf oeq, %get3A_4074, %eq3A_4075 : vector<16xf32>
        %convert_element_type3A_4077 = arith.extui %eq3A_4076 : vector<16xi1> to vector<16xi32>
        %add3A_4078 = arith.addi %add3A_4066, %convert_element_type3A_4077 : vector<16xi32>
        %lt3A_4079 = vector.broadcast %while3A_3707 : f32 to vector<16xf32>
        %lt3A_4080 = arith.cmpf olt, %get3A_4074, %lt3A_4079 : vector<16xf32>
        %jit3A_4081 = arith.constant 0xFF800000 : f32
        %broadcast_in_dim3A_4082 = vector.broadcast %jit3A_4081 : f32 to vector<16xf32>
        %select_n3A_4083 = arith.select %lt3A_4080, %get3A_4074, %broadcast_in_dim3A_4082 : vector<16xi1>, vector<16xf32>
        %max3A_4084 = arith.maximumf %max3A_4072, %select_n3A_4083 : vector<16xf32>
        %get3A_4085 = arith.constant 1840 : index
        %get3A_4086 = tpu.vector_load %arg18[%get3A_4085] {strides = array<i32>} : memref<4096xf32, #tpu.memory_space<vmem>>, vector<16xf32>,
        %eq3A_4087 = vector.broadcast %while3A_3707 : f32 to vector<16xf32>
        %eq3A_4088 = arith.cmpf oeq, %get3A_4086, %eq3A_4087 : vector<16xf32>
        %convert_element_type3A_4089 = arith.extui %eq3A_4088 : vector<16xi1> to vector<16xi32>
        %add3A_4090 = arith.addi %add3A_4078, %convert_element_type3A_4089 : vector<16xi32>
        %lt3A_4091 = vector.broadcast %while3A_3707 : f32 to vector<16xf32>
        %lt3A_4092 = arith.cmpf olt, %get3A_4086, %lt3A_4091 : vector<16xf32>
        %jit3A_4093 = arith.constant 0xFF800000 : f32
        %broadcast_in_dim3A_4094 = vector.broadcast %jit3A_4093 : f32 to vector<16xf32>
        %select_n3A_4095 = arith.select %lt3A_4092, %get3A_4086, %broadcast_in_dim3A_4094 : vector<16xi1>, vector<16xf32>
        %max3A_4096 = arith.maximumf %max3A_4084, %select_n3A_4095 : vector<16xf32>
        %get3A_4097 = arith.constant 2048 : index
        %get3A_4098 = tpu.vector_load %arg18[%get3A_4097] {strides = array<i32>} : memref<4096xf32, #tpu.memory_space<vmem>>, vector<16xf32>,
        %eq3A_4099 = vector.broadcast %while3A_3707 : f32 to vector<16xf32>
        %eq3A_4100 = arith.cmpf oeq, %get3A_4098, %eq3A_4099 : vector<16xf32>
        %convert_element_type3A_4101 = arith.extui %eq3A_4100 : vector<16xi1> to vector<16xi32>
        %add3A_4102 = arith.addi %add3A_4090, %convert_element_type3A_4101 : vector<16xi32>
        %lt3A_4103 = vector.broadcast %while3A_3707 : f32 to vector<16xf32>
        %lt3A_4104 = arith.cmpf olt, %get3A_4098, %lt3A_4103 : vector<16xf32>
        %jit3A_4105 = arith.constant 0xFF800000 : f32
        %broadcast_in_dim3A_4106 = vector.broadcast %jit3A_4105 : f32 to vector<16xf32>
        %select_n3A_4107 = arith.select %lt3A_4104, %get3A_4098, %broadcast_in_dim3A_4106 : vector<16xi1>, vector<16xf32>
        %max3A_4108 = arith.maximumf %max3A_4096, %select_n3A_4107 : vector<16xf32>
        %get3A_4109 = arith.constant 2064 : index
        %get3A_4110 = tpu.vector_load %arg18[%get3A_4109] {strides = array<i32>} : memref<4096xf32, #tpu.memory_space<vmem>>, vector<16xf32>,
        %eq3A_4111 = vector.broadcast %while3A_3707 : f32 to vector<16xf32>
        %eq3A_4112 = arith.cmpf oeq, %get3A_4110, %eq3A_4111 : vector<16xf32>
        %convert_element_type3A_4113 = arith.extui %eq3A_4112 : vector<16xi1> to vector<16xi32>
        %add3A_4114 = arith.addi %add3A_4102, %convert_element_type3A_4113 : vector<16xi32>
        %lt3A_4115 = vector.broadcast %while3A_3707 : f32 to vector<16xf32>
        %lt3A_4116 = arith.cmpf olt, %get3A_4110, %lt3A_4115 : vector<16xf32>
        %jit3A_4117 = arith.constant 0xFF800000 : f32
        %broadcast_in_dim3A_4118 = vector.broadcast %jit3A_4117 : f32 to vector<16xf32>
        %select_n3A_4119 = arith.select %lt3A_4116, %get3A_4110, %broadcast_in_dim3A_4118 : vector<16xi1>, vector<16xf32>
        %max3A_4120 = arith.maximumf %max3A_4108, %select_n3A_4119 : vector<16xf32>
        %get3A_4121 = arith.constant 2080 : index
        %get3A_4122 = tpu.vector_load %arg18[%get3A_4121] {strides = array<i32>} : memref<4096xf32, #tpu.memory_space<vmem>>, vector<16xf32>,
        %eq3A_4123 = vector.broadcast %while3A_3707 : f32 to vector<16xf32>
        %eq3A_4124 = arith.cmpf oeq, %get3A_4122, %eq3A_4123 : vector<16xf32>
        %convert_element_type3A_4125 = arith.extui %eq3A_4124 : vector<16xi1> to vector<16xi32>
        %add3A_4126 = arith.addi %add3A_4114, %convert_element_type3A_4125 : vector<16xi32>
        %lt3A_4127 = vector.broadcast %while3A_3707 : f32 to vector<16xf32>
        %lt3A_4128 = arith.cmpf olt, %get3A_4122, %lt3A_4127 : vector<16xf32>
        %jit3A_4129 = arith.constant 0xFF800000 : f32
        %broadcast_in_dim3A_4130 = vector.broadcast %jit3A_4129 : f32 to vector<16xf32>
        %select_n3A_4131 = arith.select %lt3A_4128, %get3A_4122, %broadcast_in_dim3A_4130 : vector<16xi1>, vector<16xf32>
        %max3A_4132 = arith.maximumf %max3A_4120, %select_n3A_4131 : vector<16xf32>
        %get3A_4133 = arith.constant 2096 : index
        %get3A_4134 = tpu.vector_load %arg18[%get3A_4133] {strides = array<i32>} : memref<4096xf32, #tpu.memory_space<vmem>>, vector<16xf32>,
        %eq3A_4135 = vector.broadcast %while3A_3707 : f32 to vector<16xf32>
        %eq3A_4136 = arith.cmpf oeq, %get3A_4134, %eq3A_4135 : vector<16xf32>
        %convert_element_type3A_4137 = arith.extui %eq3A_4136 : vector<16xi1> to vector<16xi32>
        %add3A_4138 = arith.addi %add3A_4126, %convert_element_type3A_4137 : vector<16xi32>
        %lt3A_4139 = vector.broadcast %while3A_3707 : f32 to vector<16xf32>
        %lt3A_4140 = arith.cmpf olt, %get3A_4134, %lt3A_4139 : vector<16xf32>
        %jit3A_4141 = arith.constant 0xFF800000 : f32
        %broadcast_in_dim3A_4142 = vector.broadcast %jit3A_4141 : f32 to vector<16xf32>
        %select_n3A_4143 = arith.select %lt3A_4140, %get3A_4134, %broadcast_in_dim3A_4142 : vector<16xi1>, vector<16xf32>
        %max3A_4144 = arith.maximumf %max3A_4132, %select_n3A_4143 : vector<16xf32>
        %get3A_4145 = arith.constant 2304 : index
        %get3A_4146 = tpu.vector_load %arg18[%get3A_4145] {strides = array<i32>} : memref<4096xf32, #tpu.memory_space<vmem>>, vector<16xf32>,
        %eq3A_4147 = vector.broadcast %while3A_3707 : f32 to vector<16xf32>
        %eq3A_4148 = arith.cmpf oeq, %get3A_4146, %eq3A_4147 : vector<16xf32>
        %convert_element_type3A_4149 = arith.extui %eq3A_4148 : vector<16xi1> to vector<16xi32>
        %add3A_4150 = arith.addi %add3A_4138, %convert_element_type3A_4149 : vector<16xi32>
        %lt3A_4151 = vector.broadcast %while3A_3707 : f32 to vector<16xf32>
        %lt3A_4152 = arith.cmpf olt, %get3A_4146, %lt3A_4151 : vector<16xf32>
        %jit3A_4153 = arith.constant 0xFF800000 : f32
        %broadcast_in_dim3A_4154 = vector.broadcast %jit3A_4153 : f32 to vector<16xf32>
        %select_n3A_4155 = arith.select %lt3A_4152, %get3A_4146, %broadcast_in_dim3A_4154 : vector<16xi1>, vector<16xf32>
        %max3A_4156 = arith.maximumf %max3A_4144, %select_n3A_4155 : vector<16xf32>
        %get3A_4157 = arith.constant 2320 : index
        %get3A_4158 = tpu.vector_load %arg18[%get3A_4157] {strides = array<i32>} : memref<4096xf32, #tpu.memory_space<vmem>>, vector<16xf32>,
        %eq3A_4159 = vector.broadcast %while3A_3707 : f32 to vector<16xf32>
        %eq3A_4160 = arith.cmpf oeq, %get3A_4158, %eq3A_4159 : vector<16xf32>
        %convert_element_type3A_4161 = arith.extui %eq3A_4160 : vector<16xi1> to vector<16xi32>
        %add3A_4162 = arith.addi %add3A_4150, %convert_element_type3A_4161 : vector<16xi32>
        %lt3A_4163 = vector.broadcast %while3A_3707 : f32 to vector<16xf32>
        %lt3A_4164 = arith.cmpf olt, %get3A_4158, %lt3A_4163 : vector<16xf32>
        %jit3A_4165 = arith.constant 0xFF800000 : f32
        %broadcast_in_dim3A_4166 = vector.broadcast %jit3A_4165 : f32 to vector<16xf32>
        %select_n3A_4167 = arith.select %lt3A_4164, %get3A_4158, %broadcast_in_dim3A_4166 : vector<16xi1>, vector<16xf32>
        %max3A_4168 = arith.maximumf %max3A_4156, %select_n3A_4167 : vector<16xf32>
        %get3A_4169 = arith.constant 2336 : index
        %get3A_4170 = tpu.vector_load %arg18[%get3A_4169] {strides = array<i32>} : memref<4096xf32, #tpu.memory_space<vmem>>, vector<16xf32>,
        %eq3A_4171 = vector.broadcast %while3A_3707 : f32 to vector<16xf32>
        %eq3A_4172 = arith.cmpf oeq, %get3A_4170, %eq3A_4171 : vector<16xf32>
        %convert_element_type3A_4173 = arith.extui %eq3A_4172 : vector<16xi1> to vector<16xi32>
        %add3A_4174 = arith.addi %add3A_4162, %convert_element_type3A_4173 : vector<16xi32>
        %lt3A_4175 = vector.broadcast %while3A_3707 : f32 to vector<16xf32>
        %lt3A_4176 = arith.cmpf olt, %get3A_4170, %lt3A_4175 : vector<16xf32>
        %jit3A_4177 = arith.constant 0xFF800000 : f32
        %broadcast_in_dim3A_4178 = vector.broadcast %jit3A_4177 : f32 to vector<16xf32>
        %select_n3A_4179 = arith.select %lt3A_4176, %get3A_4170, %broadcast_in_dim3A_4178 : vector<16xi1>, vector<16xf32>
        %max3A_4180 = arith.maximumf %max3A_4168, %select_n3A_4179 : vector<16xf32>
        %get3A_4181 = arith.constant 2352 : index
        %get3A_4182 = tpu.vector_load %arg18[%get3A_4181] {strides = array<i32>} : memref<4096xf32, #tpu.memory_space<vmem>>, vector<16xf32>,
        %eq3A_4183 = vector.broadcast %while3A_3707 : f32 to vector<16xf32>
        %eq3A_4184 = arith.cmpf oeq, %get3A_4182, %eq3A_4183 : vector<16xf32>
        %convert_element_type3A_4185 = arith.extui %eq3A_4184 : vector<16xi1> to vector<16xi32>
        %add3A_4186 = arith.addi %add3A_4174, %convert_element_type3A_4185 : vector<16xi32>
        %lt3A_4187 = vector.broadcast %while3A_3707 : f32 to vector<16xf32>
        %lt3A_4188 = arith.cmpf olt, %get3A_4182, %lt3A_4187 : vector<16xf32>
        %jit3A_4189 = arith.constant 0xFF800000 : f32
        %broadcast_in_dim3A_4190 = vector.broadcast %jit3A_4189 : f32 to vector<16xf32>
        %select_n3A_4191 = arith.select %lt3A_4188, %get3A_4182, %broadcast_in_dim3A_4190 : vector<16xi1>, vector<16xf32>
        %max3A_4192 = arith.maximumf %max3A_4180, %select_n3A_4191 : vector<16xf32>
        %get3A_4193 = arith.constant 2560 : index
        %get3A_4194 = tpu.vector_load %arg18[%get3A_4193] {strides = array<i32>} : memref<4096xf32, #tpu.memory_space<vmem>>, vector<16xf32>,
        %eq3A_4195 = vector.broadcast %while3A_3707 : f32 to vector<16xf32>
        %eq3A_4196 = arith.cmpf oeq, %get3A_4194, %eq3A_4195 : vector<16xf32>
        %convert_element_type3A_4197 = arith.extui %eq3A_4196 : vector<16xi1> to vector<16xi32>
        %add3A_4198 = arith.addi %add3A_4186, %convert_element_type3A_4197 : vector<16xi32>
        %lt3A_4199 = vector.broadcast %while3A_3707 : f32 to vector<16xf32>
        %lt3A_4200 = arith.cmpf olt, %get3A_4194, %lt3A_4199 : vector<16xf32>
        %jit3A_4201 = arith.constant 0xFF800000 : f32
        %broadcast_in_dim3A_4202 = vector.broadcast %jit3A_4201 : f32 to vector<16xf32>
        %select_n3A_4203 = arith.select %lt3A_4200, %get3A_4194, %broadcast_in_dim3A_4202 : vector<16xi1>, vector<16xf32>
        %max3A_4204 = arith.maximumf %max3A_4192, %select_n3A_4203 : vector<16xf32>
        %get3A_4205 = arith.constant 2576 : index
        %get3A_4206 = tpu.vector_load %arg18[%get3A_4205] {strides = array<i32>} : memref<4096xf32, #tpu.memory_space<vmem>>, vector<16xf32>,
        %eq3A_4207 = vector.broadcast %while3A_3707 : f32 to vector<16xf32>
        %eq3A_4208 = arith.cmpf oeq, %get3A_4206, %eq3A_4207 : vector<16xf32>
        %convert_element_type3A_4209 = arith.extui %eq3A_4208 : vector<16xi1> to vector<16xi32>
        %add3A_4210 = arith.addi %add3A_4198, %convert_element_type3A_4209 : vector<16xi32>
        %lt3A_4211 = vector.broadcast %while3A_3707 : f32 to vector<16xf32>
        %lt3A_4212 = arith.cmpf olt, %get3A_4206, %lt3A_4211 : vector<16xf32>
        %jit3A_4213 = arith.constant 0xFF800000 : f32
        %broadcast_in_dim3A_4214 = vector.broadcast %jit3A_4213 : f32 to vector<16xf32>
        %select_n3A_4215 = arith.select %lt3A_4212, %get3A_4206, %broadcast_in_dim3A_4214 : vector<16xi1>, vector<16xf32>
        %max3A_4216 = arith.maximumf %max3A_4204, %select_n3A_4215 : vector<16xf32>
        %get3A_4217 = arith.constant 2592 : index
        %get3A_4218 = tpu.vector_load %arg18[%get3A_4217] {strides = array<i32>} : memref<4096xf32, #tpu.memory_space<vmem>>, vector<16xf32>,
        %eq3A_4219 = vector.broadcast %while3A_3707 : f32 to vector<16xf32>
        %eq3A_4220 = arith.cmpf oeq, %get3A_4218, %eq3A_4219 : vector<16xf32>
        %convert_element_type3A_4221 = arith.extui %eq3A_4220 : vector<16xi1> to vector<16xi32>
        %add3A_4222 = arith.addi %add3A_4210, %convert_element_type3A_4221 : vector<16xi32>
        %lt3A_4223 = vector.broadcast %while3A_3707 : f32 to vector<16xf32>
        %lt3A_4224 = arith.cmpf olt, %get3A_4218, %lt3A_4223 : vector<16xf32>
        %jit3A_4225 = arith.constant 0xFF800000 : f32
        %broadcast_in_dim3A_4226 = vector.broadcast %jit3A_4225 : f32 to vector<16xf32>
        %select_n3A_4227 = arith.select %lt3A_4224, %get3A_4218, %broadcast_in_dim3A_4226 : vector<16xi1>, vector<16xf32>
        %max3A_4228 = arith.maximumf %max3A_4216, %select_n3A_4227 : vector<16xf32>
        %get3A_4229 = arith.constant 2608 : index
        %get3A_4230 = tpu.vector_load %arg18[%get3A_4229] {strides = array<i32>} : memref<4096xf32, #tpu.memory_space<vmem>>, vector<16xf32>,
        %eq3A_4231 = vector.broadcast %while3A_3707 : f32 to vector<16xf32>
        %eq3A_4232 = arith.cmpf oeq, %get3A_4230, %eq3A_4231 : vector<16xf32>
        %convert_element_type3A_4233 = arith.extui %eq3A_4232 : vector<16xi1> to vector<16xi32>
        %add3A_4234 = arith.addi %add3A_4222, %convert_element_type3A_4233 : vector<16xi32>
        %lt3A_4235 = vector.broadcast %while3A_3707 : f32 to vector<16xf32>
        %lt3A_4236 = arith.cmpf olt, %get3A_4230, %lt3A_4235 : vector<16xf32>
        %jit3A_4237 = arith.constant 0xFF800000 : f32
        %broadcast_in_dim3A_4238 = vector.broadcast %jit3A_4237 : f32 to vector<16xf32>
        %select_n3A_4239 = arith.select %lt3A_4236, %get3A_4230, %broadcast_in_dim3A_4238 : vector<16xi1>, vector<16xf32>
        %max3A_4240 = arith.maximumf %max3A_4228, %select_n3A_4239 : vector<16xf32>
        %get3A_4241 = arith.constant 2816 : index
        %get3A_4242 = tpu.vector_load %arg18[%get3A_4241] {strides = array<i32>} : memref<4096xf32, #tpu.memory_space<vmem>>, vector<16xf32>,
        %eq3A_4243 = vector.broadcast %while3A_3707 : f32 to vector<16xf32>
        %eq3A_4244 = arith.cmpf oeq, %get3A_4242, %eq3A_4243 : vector<16xf32>
        %convert_element_type3A_4245 = arith.extui %eq3A_4244 : vector<16xi1> to vector<16xi32>
        %add3A_4246 = arith.addi %add3A_4234, %convert_element_type3A_4245 : vector<16xi32>
        %lt3A_4247 = vector.broadcast %while3A_3707 : f32 to vector<16xf32>
        %lt3A_4248 = arith.cmpf olt, %get3A_4242, %lt3A_4247 : vector<16xf32>
        %jit3A_4249 = arith.constant 0xFF800000 : f32
        %broadcast_in_dim3A_4250 = vector.broadcast %jit3A_4249 : f32 to vector<16xf32>
        %select_n3A_4251 = arith.select %lt3A_4248, %get3A_4242, %broadcast_in_dim3A_4250 : vector<16xi1>, vector<16xf32>
        %max3A_4252 = arith.maximumf %max3A_4240, %select_n3A_4251 : vector<16xf32>
        %get3A_4253 = arith.constant 2832 : index
        %get3A_4254 = tpu.vector_load %arg18[%get3A_4253] {strides = array<i32>} : memref<4096xf32, #tpu.memory_space<vmem>>, vector<16xf32>,
        %eq3A_4255 = vector.broadcast %while3A_3707 : f32 to vector<16xf32>
        %eq3A_4256 = arith.cmpf oeq, %get3A_4254, %eq3A_4255 : vector<16xf32>
        %convert_element_type3A_4257 = arith.extui %eq3A_4256 : vector<16xi1> to vector<16xi32>
        %add3A_4258 = arith.addi %add3A_4246, %convert_element_type3A_4257 : vector<16xi32>
        %lt3A_4259 = vector.broadcast %while3A_3707 : f32 to vector<16xf32>
        %lt3A_4260 = arith.cmpf olt, %get3A_4254, %lt3A_4259 : vector<16xf32>
        %jit3A_4261 = arith.constant 0xFF800000 : f32
        %broadcast_in_dim3A_4262 = vector.broadcast %jit3A_4261 : f32 to vector<16xf32>
        %select_n3A_4263 = arith.select %lt3A_4260, %get3A_4254, %broadcast_in_dim3A_4262 : vector<16xi1>, vector<16xf32>
        %max3A_4264 = arith.maximumf %max3A_4252, %select_n3A_4263 : vector<16xf32>
        %get3A_4265 = arith.constant 2848 : index
        %get3A_4266 = tpu.vector_load %arg18[%get3A_4265] {strides = array<i32>} : memref<4096xf32, #tpu.memory_space<vmem>>, vector<16xf32>,
        %eq3A_4267 = vector.broadcast %while3A_3707 : f32 to vector<16xf32>
        %eq3A_4268 = arith.cmpf oeq, %get3A_4266, %eq3A_4267 : vector<16xf32>
        %convert_element_type3A_4269 = arith.extui %eq3A_4268 : vector<16xi1> to vector<16xi32>
        %add3A_4270 = arith.addi %add3A_4258, %convert_element_type3A_4269 : vector<16xi32>
        %lt3A_4271 = vector.broadcast %while3A_3707 : f32 to vector<16xf32>
        %lt3A_4272 = arith.cmpf olt, %get3A_4266, %lt3A_4271 : vector<16xf32>
        %jit3A_4273 = arith.constant 0xFF800000 : f32
        %broadcast_in_dim3A_4274 = vector.broadcast %jit3A_4273 : f32 to vector<16xf32>
        %select_n3A_4275 = arith.select %lt3A_4272, %get3A_4266, %broadcast_in_dim3A_4274 : vector<16xi1>, vector<16xf32>
        %max3A_4276 = arith.maximumf %max3A_4264, %select_n3A_4275 : vector<16xf32>
        %get3A_4277 = arith.constant 2864 : index
        %get3A_4278 = tpu.vector_load %arg18[%get3A_4277] {strides = array<i32>} : memref<4096xf32, #tpu.memory_space<vmem>>, vector<16xf32>,
        %eq3A_4279 = vector.broadcast %while3A_3707 : f32 to vector<16xf32>
        %eq3A_4280 = arith.cmpf oeq, %get3A_4278, %eq3A_4279 : vector<16xf32>
        %convert_element_type3A_4281 = arith.extui %eq3A_4280 : vector<16xi1> to vector<16xi32>
        %add3A_4282 = arith.addi %add3A_4270, %convert_element_type3A_4281 : vector<16xi32>
        %lt3A_4283 = vector.broadcast %while3A_3707 : f32 to vector<16xf32>
        %lt3A_4284 = arith.cmpf olt, %get3A_4278, %lt3A_4283 : vector<16xf32>
        %jit3A_4285 = arith.constant 0xFF800000 : f32
        %broadcast_in_dim3A_4286 = vector.broadcast %jit3A_4285 : f32 to vector<16xf32>
        %select_n3A_4287 = arith.select %lt3A_4284, %get3A_4278, %broadcast_in_dim3A_4286 : vector<16xi1>, vector<16xf32>
        %max3A_4288 = arith.maximumf %max3A_4276, %select_n3A_4287 : vector<16xf32>
        %get3A_4289 = arith.constant 3072 : index
        %get3A_4290 = tpu.vector_load %arg18[%get3A_4289] {strides = array<i32>} : memref<4096xf32, #tpu.memory_space<vmem>>, vector<16xf32>,
        %eq3A_4291 = vector.broadcast %while3A_3707 : f32 to vector<16xf32>
        %eq3A_4292 = arith.cmpf oeq, %get3A_4290, %eq3A_4291 : vector<16xf32>
        %convert_element_type3A_4293 = arith.extui %eq3A_4292 : vector<16xi1> to vector<16xi32>
        %add3A_4294 = arith.addi %add3A_4282, %convert_element_type3A_4293 : vector<16xi32>
        %lt3A_4295 = vector.broadcast %while3A_3707 : f32 to vector<16xf32>
        %lt3A_4296 = arith.cmpf olt, %get3A_4290, %lt3A_4295 : vector<16xf32>
        %jit3A_4297 = arith.constant 0xFF800000 : f32
        %broadcast_in_dim3A_4298 = vector.broadcast %jit3A_4297 : f32 to vector<16xf32>
        %select_n3A_4299 = arith.select %lt3A_4296, %get3A_4290, %broadcast_in_dim3A_4298 : vector<16xi1>, vector<16xf32>
        %max3A_4300 = arith.maximumf %max3A_4288, %select_n3A_4299 : vector<16xf32>
        %get3A_4301 = arith.constant 3088 : index
        %get3A_4302 = tpu.vector_load %arg18[%get3A_4301] {strides = array<i32>} : memref<4096xf32, #tpu.memory_space<vmem>>, vector<16xf32>,
        %eq3A_4303 = vector.broadcast %while3A_3707 : f32 to vector<16xf32>
        %eq3A_4304 = arith.cmpf oeq, %get3A_4302, %eq3A_4303 : vector<16xf32>
        %convert_element_type3A_4305 = arith.extui %eq3A_4304 : vector<16xi1> to vector<16xi32>
        %add3A_4306 = arith.addi %add3A_4294, %convert_element_type3A_4305 : vector<16xi32>
        %lt3A_4307 = vector.broadcast %while3A_3707 : f32 to vector<16xf32>
        %lt3A_4308 = arith.cmpf olt, %get3A_4302, %lt3A_4307 : vector<16xf32>
        %jit3A_4309 = arith.constant 0xFF800000 : f32
        %broadcast_in_dim3A_4310 = vector.broadcast %jit3A_4309 : f32 to vector<16xf32>
        %select_n3A_4311 = arith.select %lt3A_4308, %get3A_4302, %broadcast_in_dim3A_4310 : vector<16xi1>, vector<16xf32>
        %max3A_4312 = arith.maximumf %max3A_4300, %select_n3A_4311 : vector<16xf32>
        %get3A_4313 = arith.constant 3104 : index
        %get3A_4314 = tpu.vector_load %arg18[%get3A_4313] {strides = array<i32>} : memref<4096xf32, #tpu.memory_space<vmem>>, vector<16xf32>,
        %eq3A_4315 = vector.broadcast %while3A_3707 : f32 to vector<16xf32>
        %eq3A_4316 = arith.cmpf oeq, %get3A_4314, %eq3A_4315 : vector<16xf32>
        %convert_element_type3A_4317 = arith.extui %eq3A_4316 : vector<16xi1> to vector<16xi32>
        %add3A_4318 = arith.addi %add3A_4306, %convert_element_type3A_4317 : vector<16xi32>
        %lt3A_4319 = vector.broadcast %while3A_3707 : f32 to vector<16xf32>
        %lt3A_4320 = arith.cmpf olt, %get3A_4314, %lt3A_4319 : vector<16xf32>
        %jit3A_4321 = arith.constant 0xFF800000 : f32
        %broadcast_in_dim3A_4322 = vector.broadcast %jit3A_4321 : f32 to vector<16xf32>
        %select_n3A_4323 = arith.select %lt3A_4320, %get3A_4314, %broadcast_in_dim3A_4322 : vector<16xi1>, vector<16xf32>
        %max3A_4324 = arith.maximumf %max3A_4312, %select_n3A_4323 : vector<16xf32>
        %get3A_4325 = arith.constant 3120 : index
        %get3A_4326 = tpu.vector_load %arg18[%get3A_4325] {strides = array<i32>} : memref<4096xf32, #tpu.memory_space<vmem>>, vector<16xf32>,
        %eq3A_4327 = vector.broadcast %while3A_3707 : f32 to vector<16xf32>
        %eq3A_4328 = arith.cmpf oeq, %get3A_4326, %eq3A_4327 : vector<16xf32>
        %convert_element_type3A_4329 = arith.extui %eq3A_4328 : vector<16xi1> to vector<16xi32>
        %add3A_4330 = arith.addi %add3A_4318, %convert_element_type3A_4329 : vector<16xi32>
        %lt3A_4331 = vector.broadcast %while3A_3707 : f32 to vector<16xf32>
        %lt3A_4332 = arith.cmpf olt, %get3A_4326, %lt3A_4331 : vector<16xf32>
        %jit3A_4333 = arith.constant 0xFF800000 : f32
        %broadcast_in_dim3A_4334 = vector.broadcast %jit3A_4333 : f32 to vector<16xf32>
        %select_n3A_4335 = arith.select %lt3A_4332, %get3A_4326, %broadcast_in_dim3A_4334 : vector<16xi1>, vector<16xf32>
        %max3A_4336 = arith.maximumf %max3A_4324, %select_n3A_4335 : vector<16xf32>
        %get3A_4337 = arith.constant 3328 : index
        %get3A_4338 = tpu.vector_load %arg18[%get3A_4337] {strides = array<i32>} : memref<4096xf32, #tpu.memory_space<vmem>>, vector<16xf32>,
        %eq3A_4339 = vector.broadcast %while3A_3707 : f32 to vector<16xf32>
        %eq3A_4340 = arith.cmpf oeq, %get3A_4338, %eq3A_4339 : vector<16xf32>
        %convert_element_type3A_4341 = arith.extui %eq3A_4340 : vector<16xi1> to vector<16xi32>
        %add3A_4342 = arith.addi %add3A_4330, %convert_element_type3A_4341 : vector<16xi32>
        %lt3A_4343 = vector.broadcast %while3A_3707 : f32 to vector<16xf32>
        %lt3A_4344 = arith.cmpf olt, %get3A_4338, %lt3A_4343 : vector<16xf32>
        %jit3A_4345 = arith.constant 0xFF800000 : f32
        %broadcast_in_dim3A_4346 = vector.broadcast %jit3A_4345 : f32 to vector<16xf32>
        %select_n3A_4347 = arith.select %lt3A_4344, %get3A_4338, %broadcast_in_dim3A_4346 : vector<16xi1>, vector<16xf32>
        %max3A_4348 = arith.maximumf %max3A_4336, %select_n3A_4347 : vector<16xf32>
        %get3A_4349 = arith.constant 3344 : index
        %get3A_4350 = tpu.vector_load %arg18[%get3A_4349] {strides = array<i32>} : memref<4096xf32, #tpu.memory_space<vmem>>, vector<16xf32>,
        %eq3A_4351 = vector.broadcast %while3A_3707 : f32 to vector<16xf32>
        %eq3A_4352 = arith.cmpf oeq, %get3A_4350, %eq3A_4351 : vector<16xf32>
        %convert_element_type3A_4353 = arith.extui %eq3A_4352 : vector<16xi1> to vector<16xi32>
        %add3A_4354 = arith.addi %add3A_4342, %convert_element_type3A_4353 : vector<16xi32>
        %lt3A_4355 = vector.broadcast %while3A_3707 : f32 to vector<16xf32>
        %lt3A_4356 = arith.cmpf olt, %get3A_4350, %lt3A_4355 : vector<16xf32>
        %jit3A_4357 = arith.constant 0xFF800000 : f32
        %broadcast_in_dim3A_4358 = vector.broadcast %jit3A_4357 : f32 to vector<16xf32>
        %select_n3A_4359 = arith.select %lt3A_4356, %get3A_4350, %broadcast_in_dim3A_4358 : vector<16xi1>, vector<16xf32>
        %max3A_4360 = arith.maximumf %max3A_4348, %select_n3A_4359 : vector<16xf32>
        %get3A_4361 = arith.constant 3360 : index
        %get3A_4362 = tpu.vector_load %arg18[%get3A_4361] {strides = array<i32>} : memref<4096xf32, #tpu.memory_space<vmem>>, vector<16xf32>,
        %eq3A_4363 = vector.broadcast %while3A_3707 : f32 to vector<16xf32>
        %eq3A_4364 = arith.cmpf oeq, %get3A_4362, %eq3A_4363 : vector<16xf32>
        %convert_element_type3A_4365 = arith.extui %eq3A_4364 : vector<16xi1> to vector<16xi32>
        %add3A_4366 = arith.addi %add3A_4354, %convert_element_type3A_4365 : vector<16xi32>
        %lt3A_4367 = vector.broadcast %while3A_3707 : f32 to vector<16xf32>
        %lt3A_4368 = arith.cmpf olt, %get3A_4362, %lt3A_4367 : vector<16xf32>
        %jit3A_4369 = arith.constant 0xFF800000 : f32
        %broadcast_in_dim3A_4370 = vector.broadcast %jit3A_4369 : f32 to vector<16xf32>
        %select_n3A_4371 = arith.select %lt3A_4368, %get3A_4362, %broadcast_in_dim3A_4370 : vector<16xi1>, vector<16xf32>
        %max3A_4372 = arith.maximumf %max3A_4360, %select_n3A_4371 : vector<16xf32>
        %get3A_4373 = arith.constant 3376 : index
        %get3A_4374 = tpu.vector_load %arg18[%get3A_4373] {strides = array<i32>} : memref<4096xf32, #tpu.memory_space<vmem>>, vector<16xf32>,
        %eq3A_4375 = vector.broadcast %while3A_3707 : f32 to vector<16xf32>
        %eq3A_4376 = arith.cmpf oeq, %get3A_4374, %eq3A_4375 : vector<16xf32>
        %convert_element_type3A_4377 = arith.extui %eq3A_4376 : vector<16xi1> to vector<16xi32>
        %add3A_4378 = arith.addi %add3A_4366, %convert_element_type3A_4377 : vector<16xi32>
        %lt3A_4379 = vector.broadcast %while3A_3707 : f32 to vector<16xf32>
        %lt3A_4380 = arith.cmpf olt, %get3A_4374, %lt3A_4379 : vector<16xf32>
        %jit3A_4381 = arith.constant 0xFF800000 : f32
        %broadcast_in_dim3A_4382 = vector.broadcast %jit3A_4381 : f32 to vector<16xf32>
        %select_n3A_4383 = arith.select %lt3A_4380, %get3A_4374, %broadcast_in_dim3A_4382 : vector<16xi1>, vector<16xf32>
        %max3A_4384 = arith.maximumf %max3A_4372, %select_n3A_4383 : vector<16xf32>
        %get3A_4385 = arith.constant 3584 : index
        %get3A_4386 = tpu.vector_load %arg18[%get3A_4385] {strides = array<i32>} : memref<4096xf32, #tpu.memory_space<vmem>>, vector<16xf32>,
        %eq3A_4387 = vector.broadcast %while3A_3707 : f32 to vector<16xf32>
        %eq3A_4388 = arith.cmpf oeq, %get3A_4386, %eq3A_4387 : vector<16xf32>
        %convert_element_type3A_4389 = arith.extui %eq3A_4388 : vector<16xi1> to vector<16xi32>
        %add3A_4390 = arith.addi %add3A_4378, %convert_element_type3A_4389 : vector<16xi32>
        %lt3A_4391 = vector.broadcast %while3A_3707 : f32 to vector<16xf32>
        %lt3A_4392 = arith.cmpf olt, %get3A_4386, %lt3A_4391 : vector<16xf32>
        %jit3A_4393 = arith.constant 0xFF800000 : f32
        %broadcast_in_dim3A_4394 = vector.broadcast %jit3A_4393 : f32 to vector<16xf32>
        %select_n3A_4395 = arith.select %lt3A_4392, %get3A_4386, %broadcast_in_dim3A_4394 : vector<16xi1>, vector<16xf32>
        %max3A_4396 = arith.maximumf %max3A_4384, %select_n3A_4395 : vector<16xf32>
        %get3A_4397 = arith.constant 3600 : index
        %get3A_4398 = tpu.vector_load %arg18[%get3A_4397] {strides = array<i32>} : memref<4096xf32, #tpu.memory_space<vmem>>, vector<16xf32>,
        %eq3A_4399 = vector.broadcast %while3A_3707 : f32 to vector<16xf32>
        %eq3A_4400 = arith.cmpf oeq, %get3A_4398, %eq3A_4399 : vector<16xf32>
        %convert_element_type3A_4401 = arith.extui %eq3A_4400 : vector<16xi1> to vector<16xi32>
        %add3A_4402 = arith.addi %add3A_4390, %convert_element_type3A_4401 : vector<16xi32>
        %lt3A_4403 = vector.broadcast %while3A_3707 : f32 to vector<16xf32>
        %lt3A_4404 = arith.cmpf olt, %get3A_4398, %lt3A_4403 : vector<16xf32>
        %jit3A_4405 = arith.constant 0xFF800000 : f32
        %broadcast_in_dim3A_4406 = vector.broadcast %jit3A_4405 : f32 to vector<16xf32>
        %select_n3A_4407 = arith.select %lt3A_4404, %get3A_4398, %broadcast_in_dim3A_4406 : vector<16xi1>, vector<16xf32>
        %max3A_4408 = arith.maximumf %max3A_4396, %select_n3A_4407 : vector<16xf32>
        %get3A_4409 = arith.constant 3616 : index
        %get3A_4410 = tpu.vector_load %arg18[%get3A_4409] {strides = array<i32>} : memref<4096xf32, #tpu.memory_space<vmem>>, vector<16xf32>,
        %eq3A_4411 = vector.broadcast %while3A_3707 : f32 to vector<16xf32>
        %eq3A_4412 = arith.cmpf oeq, %get3A_4410, %eq3A_4411 : vector<16xf32>
        %convert_element_type3A_4413 = arith.extui %eq3A_4412 : vector<16xi1> to vector<16xi32>
        %add3A_4414 = arith.addi %add3A_4402, %convert_element_type3A_4413 : vector<16xi32>
        %lt3A_4415 = vector.broadcast %while3A_3707 : f32 to vector<16xf32>
        %lt3A_4416 = arith.cmpf olt, %get3A_4410, %lt3A_4415 : vector<16xf32>
        %jit3A_4417 = arith.constant 0xFF800000 : f32
        %broadcast_in_dim3A_4418 = vector.broadcast %jit3A_4417 : f32 to vector<16xf32>
        %select_n3A_4419 = arith.select %lt3A_4416, %get3A_4410, %broadcast_in_dim3A_4418 : vector<16xi1>, vector<16xf32>
        %max3A_4420 = arith.maximumf %max3A_4408, %select_n3A_4419 : vector<16xf32>
        %get3A_4421 = arith.constant 3632 : index
        %get3A_4422 = tpu.vector_load %arg18[%get3A_4421] {strides = array<i32>} : memref<4096xf32, #tpu.memory_space<vmem>>, vector<16xf32>,
        %eq3A_4423 = vector.broadcast %while3A_3707 : f32 to vector<16xf32>
        %eq3A_4424 = arith.cmpf oeq, %get3A_4422, %eq3A_4423 : vector<16xf32>
        %convert_element_type3A_4425 = arith.extui %eq3A_4424 : vector<16xi1> to vector<16xi32>
        %add3A_4426 = arith.addi %add3A_4414, %convert_element_type3A_4425 : vector<16xi32>
        %lt3A_4427 = vector.broadcast %while3A_3707 : f32 to vector<16xf32>
        %lt3A_4428 = arith.cmpf olt, %get3A_4422, %lt3A_4427 : vector<16xf32>
        %jit3A_4429 = arith.constant 0xFF800000 : f32
        %broadcast_in_dim3A_4430 = vector.broadcast %jit3A_4429 : f32 to vector<16xf32>
        %select_n3A_4431 = arith.select %lt3A_4428, %get3A_4422, %broadcast_in_dim3A_4430 : vector<16xi1>, vector<16xf32>
        %max3A_4432 = arith.maximumf %max3A_4420, %select_n3A_4431 : vector<16xf32>
        %get3A_4433 = arith.constant 3840 : index
        %get3A_4434 = tpu.vector_load %arg18[%get3A_4433] {strides = array<i32>} : memref<4096xf32, #tpu.memory_space<vmem>>, vector<16xf32>,
        %eq3A_4435 = vector.broadcast %while3A_3707 : f32 to vector<16xf32>
        %eq3A_4436 = arith.cmpf oeq, %get3A_4434, %eq3A_4435 : vector<16xf32>
        %convert_element_type3A_4437 = arith.extui %eq3A_4436 : vector<16xi1> to vector<16xi32>
        %add3A_4438 = arith.addi %add3A_4426, %convert_element_type3A_4437 : vector<16xi32>
        %lt3A_4439 = vector.broadcast %while3A_3707 : f32 to vector<16xf32>
        %lt3A_4440 = arith.cmpf olt, %get3A_4434, %lt3A_4439 : vector<16xf32>
        %jit3A_4441 = arith.constant 0xFF800000 : f32
        %broadcast_in_dim3A_4442 = vector.broadcast %jit3A_4441 : f32 to vector<16xf32>
        %select_n3A_4443 = arith.select %lt3A_4440, %get3A_4434, %broadcast_in_dim3A_4442 : vector<16xi1>, vector<16xf32>
        %max3A_4444 = arith.maximumf %max3A_4432, %select_n3A_4443 : vector<16xf32>
        %get3A_4445 = arith.constant 3856 : index
        %get3A_4446 = tpu.vector_load %arg18[%get3A_4445] {strides = array<i32>} : memref<4096xf32, #tpu.memory_space<vmem>>, vector<16xf32>,
        %eq3A_4447 = vector.broadcast %while3A_3707 : f32 to vector<16xf32>
        %eq3A_4448 = arith.cmpf oeq, %get3A_4446, %eq3A_4447 : vector<16xf32>
        %convert_element_type3A_4449 = arith.extui %eq3A_4448 : vector<16xi1> to vector<16xi32>
        %add3A_4450 = arith.addi %add3A_4438, %convert_element_type3A_4449 : vector<16xi32>
        %lt3A_4451 = vector.broadcast %while3A_3707 : f32 to vector<16xf32>
        %lt3A_4452 = arith.cmpf olt, %get3A_4446, %lt3A_4451 : vector<16xf32>
        %jit3A_4453 = arith.constant 0xFF800000 : f32
        %broadcast_in_dim3A_4454 = vector.broadcast %jit3A_4453 : f32 to vector<16xf32>
        %select_n3A_4455 = arith.select %lt3A_4452, %get3A_4446, %broadcast_in_dim3A_4454 : vector<16xi1>, vector<16xf32>
        %max3A_4456 = arith.maximumf %max3A_4444, %select_n3A_4455 : vector<16xf32>
        %get3A_4457 = arith.constant 3872 : index
        %get3A_4458 = tpu.vector_load %arg18[%get3A_4457] {strides = array<i32>} : memref<4096xf32, #tpu.memory_space<vmem>>, vector<16xf32>,
        %eq3A_4459 = vector.broadcast %while3A_3707 : f32 to vector<16xf32>
        %eq3A_4460 = arith.cmpf oeq, %get3A_4458, %eq3A_4459 : vector<16xf32>
        %convert_element_type3A_4461 = arith.extui %eq3A_4460 : vector<16xi1> to vector<16xi32>
        %add3A_4462 = arith.addi %add3A_4450, %convert_element_type3A_4461 : vector<16xi32>
        %lt3A_4463 = vector.broadcast %while3A_3707 : f32 to vector<16xf32>
        %lt3A_4464 = arith.cmpf olt, %get3A_4458, %lt3A_4463 : vector<16xf32>
        %jit3A_4465 = arith.constant 0xFF800000 : f32
        %broadcast_in_dim3A_4466 = vector.broadcast %jit3A_4465 : f32 to vector<16xf32>
        %select_n3A_4467 = arith.select %lt3A_4464, %get3A_4458, %broadcast_in_dim3A_4466 : vector<16xi1>, vector<16xf32>
        %max3A_4468 = arith.maximumf %max3A_4456, %select_n3A_4467 : vector<16xf32>
        %get3A_4469 = arith.constant 3888 : index
        %get3A_4470 = tpu.vector_load %arg18[%get3A_4469] {strides = array<i32>} : memref<4096xf32, #tpu.memory_space<vmem>>, vector<16xf32>,
        %eq3A_4471 = vector.broadcast %while3A_3707 : f32 to vector<16xf32>
        %eq3A_4472 = arith.cmpf oeq, %get3A_4470, %eq3A_4471 : vector<16xf32>
        %convert_element_type3A_4473 = arith.extui %eq3A_4472 : vector<16xi1> to vector<16xi32>
        %add3A_4474 = arith.addi %add3A_4462, %convert_element_type3A_4473 : vector<16xi32>
        %lt3A_4475 = vector.broadcast %while3A_3707 : f32 to vector<16xf32>
        %lt3A_4476 = arith.cmpf olt, %get3A_4470, %lt3A_4475 : vector<16xf32>
        %jit3A_4477 = arith.constant 0xFF800000 : f32
        %broadcast_in_dim3A_4478 = vector.broadcast %jit3A_4477 : f32 to vector<16xf32>
        %select_n3A_4479 = arith.select %lt3A_4476, %get3A_4470, %broadcast_in_dim3A_4478 : vector<16xi1>, vector<16xf32>
        %max3A_4480 = arith.maximumf %max3A_4468, %select_n3A_4479 : vector<16xf32>
        %reduce_sum3A_4481 = arith.constant true
        %reduce_sum3A_4482 = vector.broadcast %reduce_sum3A_4481 : i1 to vector<16xi1>
        %reduce_sum3A_4483 = tpu.scan <sum>, %add3A_4474 masked %reduce_sum3A_4482 : vector<16xi32>, vector<16xi1> -> vector<16xi32>
        %reduce_sum3A_4484 = vector.extract %reduce_sum3A_4483[15] : i32 from vector<16xi32>
        %reduce_max3A_4485 = arith.constant true
        %reduce_max3A_4486 = vector.broadcast %reduce_max3A_4485 : i1 to vector<16xi1>
        %reduce_max3A_4487 = tpu.scan <max>, %max3A_4480 masked %reduce_max3A_4486 : vector<16xf32>, vector<16xi1> -> vector<16xf32>
        %reduce_max3A_4488 = vector.extract %reduce_max3A_4487[15] : f32 from vector<16xf32>
        %add3A_4489 = arith.addi %while3A_3708, %reduce_sum3A_4484 : i32
        %ge3A = arith.constant 64 : i32
        %ge3A_4490 = arith.cmpi sge, %add3A_4489, %ge3A : i32
        %not3A = arith.constant true
        %not3A_4491 = arith.xori %ge3A_4490, %not3A : i1
        %select_n3A_4492 = arith.select %ge3A_4490, %while3A_3707, %reduce_max3A_4488 : f32
        %add3A_4493 = arith.addi %while3A_3708, %reduce_sum3A_4484 : i32
        %select_n3A_4494 = arith.select %ge3A_4490, %while3A_3708, %add3A_4493 : i32
        scf.yield %not3A_4491, %select_n3A_4492, %select_n3A_4494 : i1, f32, i32
      }
      %sub3A_365 = arith.constant 64 : i32
      %sub3A_366 = arith.subi %sub3A_365, %while3A_364#2 : i32
      %broadcast_in_dim3A_367 = arith.constant 0.000000e+00 : f32
      %broadcast_in_dim3A_368 = vector.broadcast %broadcast_in_dim3A_367 : f32 to vector<16xf32>
      %broadcast_in_dim3A_369 = arith.constant 0.000000e+00 : f32
      %broadcast_in_dim3A_370 = vector.broadcast %broadcast_in_dim3A_369 : f32 to vector<16xf32>
      %get3A_371 = arith.constant 0 : index
      %get3A_372 = tpu.vector_load %arg18[%get3A_371] {strides = array<i32>} : memref<4096xf32, #tpu.memory_space<vmem>>, vector<16xf32>,
      %eq3A_373 = vector.broadcast %while3A_364#1 : f32 to vector<16xf32>
      %eq3A_374 = arith.cmpf oeq, %get3A_372, %eq3A_373 : vector<16xf32>
      %convert_element_type3A_375 = arith.extui %eq3A_374 : vector<16xi1> to vector<16xi32>
      %reduce_sum3A_376 = arith.constant true
      %reduce_sum3A_377 = vector.broadcast %reduce_sum3A_376 : i1 to vector<16xi1>
      %reduce_sum3A_378 = tpu.scan <sum>, %convert_element_type3A_375 masked %reduce_sum3A_377 : vector<16xi32>, vector<16xi1> -> vector<16xi32>
      %reduce_sum3A_379 = vector.extract %reduce_sum3A_378[15] : i32 from vector<16xi32>
      %add3A = arith.constant 0 : i32
      %add3A_380 = arith.addi %add3A, %reduce_sum3A_379 : i32
      %get3A_381 = arith.constant 16 : index
      %get3A_382 = tpu.vector_load %arg18[%get3A_381] {strides = array<i32>} : memref<4096xf32, #tpu.memory_space<vmem>>, vector<16xf32>,
      %eq3A_383 = vector.broadcast %while3A_364#1 : f32 to vector<16xf32>
      %eq3A_384 = arith.cmpf oeq, %get3A_382, %eq3A_383 : vector<16xf32>
      %convert_element_type3A_385 = arith.extui %eq3A_384 : vector<16xi1> to vector<16xi32>
      %reduce_sum3A_386 = arith.constant true
      %reduce_sum3A_387 = vector.broadcast %reduce_sum3A_386 : i1 to vector<16xi1>
      %reduce_sum3A_388 = tpu.scan <sum>, %convert_element_type3A_385 masked %reduce_sum3A_387 : vector<16xi32>, vector<16xi1> -> vector<16xi32>
      %reduce_sum3A_389 = vector.extract %reduce_sum3A_388[15] : i32 from vector<16xi32>
      %add3A_390 = arith.addi %add3A_380, %reduce_sum3A_389 : i32
      %get3A_391 = arith.constant 32 : index
      %get3A_392 = tpu.vector_load %arg18[%get3A_391] {strides = array<i32>} : memref<4096xf32, #tpu.memory_space<vmem>>, vector<16xf32>,
      %eq3A_393 = vector.broadcast %while3A_364#1 : f32 to vector<16xf32>
      %eq3A_394 = arith.cmpf oeq, %get3A_392, %eq3A_393 : vector<16xf32>
      %convert_element_type3A_395 = arith.extui %eq3A_394 : vector<16xi1> to vector<16xi32>
      %reduce_sum3A_396 = arith.constant true
      %reduce_sum3A_397 = vector.broadcast %reduce_sum3A_396 : i1 to vector<16xi1>
      %reduce_sum3A_398 = tpu.scan <sum>, %convert_element_type3A_395 masked %reduce_sum3A_397 : vector<16xi32>, vector<16xi1> -> vector<16xi32>
      %reduce_sum3A_399 = vector.extract %reduce_sum3A_398[15] : i32 from vector<16xi32>
      %add3A_400 = arith.addi %add3A_390, %reduce_sum3A_399 : i32
      %get3A_401 = arith.constant 48 : index
      %get3A_402 = tpu.vector_load %arg18[%get3A_401] {strides = array<i32>} : memref<4096xf32, #tpu.memory_space<vmem>>, vector<16xf32>,
      %eq3A_403 = vector.broadcast %while3A_364#1 : f32 to vector<16xf32>
      %eq3A_404 = arith.cmpf oeq, %get3A_402, %eq3A_403 : vector<16xf32>
      %convert_element_type3A_405 = arith.extui %eq3A_404 : vector<16xi1> to vector<16xi32>
      %reduce_sum3A_406 = arith.constant true
      %reduce_sum3A_407 = vector.broadcast %reduce_sum3A_406 : i1 to vector<16xi1>
      %reduce_sum3A_408 = tpu.scan <sum>, %convert_element_type3A_405 masked %reduce_sum3A_407 : vector<16xi32>, vector<16xi1> -> vector<16xi32>
      %reduce_sum3A_409 = vector.extract %reduce_sum3A_408[15] : i32 from vector<16xi32>
      %add3A_410 = arith.addi %add3A_400, %reduce_sum3A_409 : i32
      %sub3A_411 = arith.constant 0 : i32
      %sub3A_412 = arith.subi %sub3A_366, %sub3A_411 : i32
      %jit3A_413 = arith.constant 0 : i32
      %max3A_414 = arith.maxsi %jit3A_413, %sub3A_412 : i32
      %min3A = arith.minsi %add3A_410, %max3A_414 : i32
      %add3A_415 = arith.constant 0 : i32
      %add3A_416 = arith.addi %add3A_415, %add3A_410 : i32
      %get3A_417 = arith.constant 0 : index
      %get3A_418 = tpu.vector_load %arg18[%get3A_417] {strides = array<i32>} : memref<4096xf32, #tpu.memory_space<vmem>>, vector<16xf32>,
      %get3A_419 = arith.constant 64 : index
      %get3A_420 = tpu.vector_load %arg18[%get3A_419] {strides = array<i32>} : memref<4096xf32, #tpu.memory_space<vmem>>, vector<16xf32>,
      %gt3A = vector.broadcast %while3A_364#1 : f32 to vector<16xf32>
      %gt3A_421 = arith.cmpf ogt, %get3A_418, %gt3A : vector<16xf32>
      %convert_element_type3A_422 = arith.extui %eq3A_374 : vector<16xi1> to vector<16xi32>
      %broadcast_in_dim3A_423 = arith.constant true
      %broadcast_in_dim3A_424 = vector.broadcast %broadcast_in_dim3A_423 : i1 to vector<16xi1>
      %masked_cumsum3A = tpu.scan <sum>, %convert_element_type3A_422 masked %broadcast_in_dim3A_424 : vector<16xi32>, vector<16xi1> -> vector<16xi32>
      %add3A_425 = arith.constant 0 : i32
      %add3A_426 = vector.broadcast %add3A_425 : i32 to vector<16xi32>
      %add3A_427 = arith.addi %masked_cumsum3A, %add3A_426 : vector<16xi32>
      %convert_element_type3A_428 = arith.extui %eq3A_374 : vector<16xi1> to vector<16xi32>
      %reduce_sum3A_429 = arith.constant true
      %reduce_sum3A_430 = vector.broadcast %reduce_sum3A_429 : i1 to vector<16xi1>
      %reduce_sum3A_431 = tpu.scan <sum>, %convert_element_type3A_428 masked %reduce_sum3A_430 : vector<16xi32>, vector<16xi1> -> vector<16xi32>
      %reduce_sum3A_432 = vector.extract %reduce_sum3A_431[15] : i32 from vector<16xi32>
      %add3A_433 = arith.constant 0 : i32
      %add3A_434 = arith.addi %add3A_433, %reduce_sum3A_432 : i32
      %le3A = vector.broadcast %min3A : i32 to vector<16xi32>
      %le3A_435 = arith.cmpi sle, %add3A_427, %le3A : vector<16xi32>
      %and3A = arith.andi %eq3A_374, %le3A_435 : vector<16xi1>
      %or3A = arith.ori %gt3A_421, %and3A : vector<16xi1>
      %sub3A_436 = arith.constant 1.000000e+00 : f32
      %sub3A_437 = vector.broadcast %sub3A_436 : f32 to vector<16xf32>
      %sub3A_438 = arith.subf %sub3A_437, %get3A_418 : vector<16xf32>
      %add3A_439 = arith.constant 9.99999997E-7 : f32
      %add3A_440 = vector.broadcast %add3A_439 : f32 to vector<16xf32>
      %add3A_441 = arith.addf %sub3A_438, %add3A_440 : vector<16xf32>
      %div3A = arith.constant 1.000000e+00 : f32
      %div3A_442 = vector.broadcast %div3A : f32 to vector<16xf32>
      %div3A_443 = arith.divf %div3A_442, %add3A_441 : vector<16xf32>
      %jit3A_444 = arith.constant 0.000000e+00 : f32
      %broadcast_in_dim3A_445 = vector.broadcast %jit3A_444 : f32 to vector<16xf32>
      %select_n3A_446 = arith.select %or3A, %div3A_443, %broadcast_in_dim3A_445 : vector<16xi1>, vector<16xf32>
      %add3A_447 = arith.addf %broadcast_in_dim3A_368, %select_n3A_446 : vector<16xf32>
      %mul3A_448 = arith.mulf %div3A_443, %get3A_420 : vector<16xf32>
      %jit3A_449 = arith.constant 0.000000e+00 : f32
      %broadcast_in_dim3A_450 = vector.broadcast %jit3A_449 : f32 to vector<16xf32>
      %select_n3A_451 = arith.select %or3A, %mul3A_448, %broadcast_in_dim3A_450 : vector<16xi1>, vector<16xf32>
      %add3A_452 = arith.addf %broadcast_in_dim3A_370, %select_n3A_451 : vector<16xf32>
      %get3A_453 = arith.constant 16 : index
      %get3A_454 = tpu.vector_load %arg18[%get3A_453] {strides = array<i32>} : memref<4096xf32, #tpu.memory_space<vmem>>, vector<16xf32>,
      %get3A_455 = arith.constant 80 : index
      %get3A_456 = tpu.vector_load %arg18[%get3A_455] {strides = array<i32>} : memref<4096xf32, #tpu.memory_space<vmem>>, vector<16xf32>,
      %gt3A_457 = vector.broadcast %while3A_364#1 : f32 to vector<16xf32>
      %gt3A_458 = arith.cmpf ogt, %get3A_454, %gt3A_457 : vector<16xf32>
      %convert_element_type3A_459 = arith.extui %eq3A_384 : vector<16xi1> to vector<16xi32>
      %broadcast_in_dim3A_460 = arith.constant true
      %broadcast_in_dim3A_461 = vector.broadcast %broadcast_in_dim3A_460 : i1 to vector<16xi1>
      %masked_cumsum3A_462 = tpu.scan <sum>, %convert_element_type3A_459 masked %broadcast_in_dim3A_461 : vector<16xi32>, vector<16xi1> -> vector<16xi32>
      %add3A_463 = vector.broadcast %add3A_434 : i32 to vector<16xi32>
      %add3A_464 = arith.addi %masked_cumsum3A_462, %add3A_463 : vector<16xi32>
      %convert_element_type3A_465 = arith.extui %eq3A_384 : vector<16xi1> to vector<16xi32>
      %reduce_sum3A_466 = arith.constant true
      %reduce_sum3A_467 = vector.broadcast %reduce_sum3A_466 : i1 to vector<16xi1>
      %reduce_sum3A_468 = tpu.scan <sum>, %convert_element_type3A_465 masked %reduce_sum3A_467 : vector<16xi32>, vector<16xi1> -> vector<16xi32>
      %reduce_sum3A_469 = vector.extract %reduce_sum3A_468[15] : i32 from vector<16xi32>
      %add3A_470 = arith.addi %add3A_434, %reduce_sum3A_469 : i32
      %le3A_471 = vector.broadcast %min3A : i32 to vector<16xi32>
      %le3A_472 = arith.cmpi sle, %add3A_464, %le3A_471 : vector<16xi32>
      %and3A_473 = arith.andi %eq3A_384, %le3A_472 : vector<16xi1>
      %or3A_474 = arith.ori %gt3A_458, %and3A_473 : vector<16xi1>
      %sub3A_475 = arith.constant 1.000000e+00 : f32
      %sub3A_476 = vector.broadcast %sub3A_475 : f32 to vector<16xf32>
      %sub3A_477 = arith.subf %sub3A_476, %get3A_454 : vector<16xf32>
      %add3A_478 = arith.constant 9.99999997E-7 : f32
      %add3A_479 = vector.broadcast %add3A_478 : f32 to vector<16xf32>
      %add3A_480 = arith.addf %sub3A_477, %add3A_479 : vector<16xf32>
      %div3A_481 = arith.constant 1.000000e+00 : f32
      %div3A_482 = vector.broadcast %div3A_481 : f32 to vector<16xf32>
      %div3A_483 = arith.divf %div3A_482, %add3A_480 : vector<16xf32>
      %jit3A_484 = arith.constant 0.000000e+00 : f32
      %broadcast_in_dim3A_485 = vector.broadcast %jit3A_484 : f32 to vector<16xf32>
      %select_n3A_486 = arith.select %or3A_474, %div3A_483, %broadcast_in_dim3A_485 : vector<16xi1>, vector<16xf32>
      %add3A_487 = arith.addf %add3A_447, %select_n3A_486 : vector<16xf32>
      %mul3A_488 = arith.mulf %div3A_483, %get3A_456 : vector<16xf32>
      %jit3A_489 = arith.constant 0.000000e+00 : f32
      %broadcast_in_dim3A_490 = vector.broadcast %jit3A_489 : f32 to vector<16xf32>
      %select_n3A_491 = arith.select %or3A_474, %mul3A_488, %broadcast_in_dim3A_490 : vector<16xi1>, vector<16xf32>
      %add3A_492 = arith.addf %add3A_452, %select_n3A_491 : vector<16xf32>
      %get3A_493 = arith.constant 32 : index
      %get3A_494 = tpu.vector_load %arg18[%get3A_493] {strides = array<i32>} : memref<4096xf32, #tpu.memory_space<vmem>>, vector<16xf32>,
      %get3A_495 = arith.constant 96 : index
      %get3A_496 = tpu.vector_load %arg18[%get3A_495] {strides = array<i32>} : memref<4096xf32, #tpu.memory_space<vmem>>, vector<16xf32>,
      %gt3A_497 = vector.broadcast %while3A_364#1 : f32 to vector<16xf32>
      %gt3A_498 = arith.cmpf ogt, %get3A_494, %gt3A_497 : vector<16xf32>
      %convert_element_type3A_499 = arith.extui %eq3A_394 : vector<16xi1> to vector<16xi32>
      %broadcast_in_dim3A_500 = arith.constant true
      %broadcast_in_dim3A_501 = vector.broadcast %broadcast_in_dim3A_500 : i1 to vector<16xi1>
      %masked_cumsum3A_502 = tpu.scan <sum>, %convert_element_type3A_499 masked %broadcast_in_dim3A_501 : vector<16xi32>, vector<16xi1> -> vector<16xi32>
      %add3A_503 = vector.broadcast %add3A_470 : i32 to vector<16xi32>
      %add3A_504 = arith.addi %masked_cumsum3A_502, %add3A_503 : vector<16xi32>
      %convert_element_type3A_505 = arith.extui %eq3A_394 : vector<16xi1> to vector<16xi32>
      %reduce_sum3A_506 = arith.constant true
      %reduce_sum3A_507 = vector.broadcast %reduce_sum3A_506 : i1 to vector<16xi1>
      %reduce_sum3A_508 = tpu.scan <sum>, %convert_element_type3A_505 masked %reduce_sum3A_507 : vector<16xi32>, vector<16xi1> -> vector<16xi32>
      %reduce_sum3A_509 = vector.extract %reduce_sum3A_508[15] : i32 from vector<16xi32>
      %add3A_510 = arith.addi %add3A_470, %reduce_sum3A_509 : i32
      %le3A_511 = vector.broadcast %min3A : i32 to vector<16xi32>
      %le3A_512 = arith.cmpi sle, %add3A_504, %le3A_511 : vector<16xi32>
      %and3A_513 = arith.andi %eq3A_394, %le3A_512 : vector<16xi1>
      %or3A_514 = arith.ori %gt3A_498, %and3A_513 : vector<16xi1>
      %sub3A_515 = arith.constant 1.000000e+00 : f32
      %sub3A_516 = vector.broadcast %sub3A_515 : f32 to vector<16xf32>
      %sub3A_517 = arith.subf %sub3A_516, %get3A_494 : vector<16xf32>
      %add3A_518 = arith.constant 9.99999997E-7 : f32
      %add3A_519 = vector.broadcast %add3A_518 : f32 to vector<16xf32>
      %add3A_520 = arith.addf %sub3A_517, %add3A_519 : vector<16xf32>
      %div3A_521 = arith.constant 1.000000e+00 : f32
      %div3A_522 = vector.broadcast %div3A_521 : f32 to vector<16xf32>
      %div3A_523 = arith.divf %div3A_522, %add3A_520 : vector<16xf32>
      %jit3A_524 = arith.constant 0.000000e+00 : f32
      %broadcast_in_dim3A_525 = vector.broadcast %jit3A_524 : f32 to vector<16xf32>
      %select_n3A_526 = arith.select %or3A_514, %div3A_523, %broadcast_in_dim3A_525 : vector<16xi1>, vector<16xf32>
      %add3A_527 = arith.addf %add3A_487, %select_n3A_526 : vector<16xf32>
      %mul3A_528 = arith.mulf %div3A_523, %get3A_496 : vector<16xf32>
      %jit3A_529 = arith.constant 0.000000e+00 : f32
      %broadcast_in_dim3A_530 = vector.broadcast %jit3A_529 : f32 to vector<16xf32>
      %select_n3A_531 = arith.select %or3A_514, %mul3A_528, %broadcast_in_dim3A_530 : vector<16xi1>, vector<16xf32>
      %add3A_532 = arith.addf %add3A_492, %select_n3A_531 : vector<16xf32>
      %get3A_533 = arith.constant 48 : index
      %get3A_534 = tpu.vector_load %arg18[%get3A_533] {strides = array<i32>} : memref<4096xf32, #tpu.memory_space<vmem>>, vector<16xf32>,
      %get3A_535 = arith.constant 112 : index
      %get3A_536 = tpu.vector_load %arg18[%get3A_535] {strides = array<i32>} : memref<4096xf32, #tpu.memory_space<vmem>>, vector<16xf32>,
      %gt3A_537 = vector.broadcast %while3A_364#1 : f32 to vector<16xf32>
      %gt3A_538 = arith.cmpf ogt, %get3A_534, %gt3A_537 : vector<16xf32>
      %convert_element_type3A_539 = arith.extui %eq3A_404 : vector<16xi1> to vector<16xi32>
      %broadcast_in_dim3A_540 = arith.constant true
      %broadcast_in_dim3A_541 = vector.broadcast %broadcast_in_dim3A_540 : i1 to vector<16xi1>
      %masked_cumsum3A_542 = tpu.scan <sum>, %convert_element_type3A_539 masked %broadcast_in_dim3A_541 : vector<16xi32>, vector<16xi1> -> vector<16xi32>
      %add3A_543 = vector.broadcast %add3A_510 : i32 to vector<16xi32>
      %add3A_544 = arith.addi %masked_cumsum3A_542, %add3A_543 : vector<16xi32>
      %convert_element_type3A_545 = arith.extui %eq3A_404 : vector<16xi1> to vector<16xi32>
      %reduce_sum3A_546 = arith.constant true
      %reduce_sum3A_547 = vector.broadcast %reduce_sum3A_546 : i1 to vector<16xi1>
      %reduce_sum3A_548 = tpu.scan <sum>, %convert_element_type3A_545 masked %reduce_sum3A_547 : vector<16xi32>, vector<16xi1> -> vector<16xi32>
      %reduce_sum3A_549 = vector.extract %reduce_sum3A_548[15] : i32 from vector<16xi32>
      %add3A_550 = arith.addi %add3A_510, %reduce_sum3A_549 : i32
      %le3A_551 = vector.broadcast %min3A : i32 to vector<16xi32>
      %le3A_552 = arith.cmpi sle, %add3A_544, %le3A_551 : vector<16xi32>
      %and3A_553 = arith.andi %eq3A_404, %le3A_552 : vector<16xi1>
      %or3A_554 = arith.ori %gt3A_538, %and3A_553 : vector<16xi1>
      %sub3A_555 = arith.constant 1.000000e+00 : f32
      %sub3A_556 = vector.broadcast %sub3A_555 : f32 to vector<16xf32>
      %sub3A_557 = arith.subf %sub3A_556, %get3A_534 : vector<16xf32>
      %add3A_558 = arith.constant 9.99999997E-7 : f32
      %add3A_559 = vector.broadcast %add3A_558 : f32 to vector<16xf32>
      %add3A_560 = arith.addf %sub3A_557, %add3A_559 : vector<16xf32>
      %div3A_561 = arith.constant 1.000000e+00 : f32
      %div3A_562 = vector.broadcast %div3A_561 : f32 to vector<16xf32>
      %div3A_563 = arith.divf %div3A_562, %add3A_560 : vector<16xf32>
      %jit3A_564 = arith.constant 0.000000e+00 : f32
      %broadcast_in_dim3A_565 = vector.broadcast %jit3A_564 : f32 to vector<16xf32>
      %select_n3A_566 = arith.select %or3A_554, %div3A_563, %broadcast_in_dim3A_565 : vector<16xi1>, vector<16xf32>
      %add3A_567 = arith.addf %add3A_527, %select_n3A_566 : vector<16xf32>
      %mul3A_568 = arith.mulf %div3A_563, %get3A_536 : vector<16xf32>
      %jit3A_569 = arith.constant 0.000000e+00 : f32
      %broadcast_in_dim3A_570 = vector.broadcast %jit3A_569 : f32 to vector<16xf32>
      %select_n3A_571 = arith.select %or3A_554, %mul3A_568, %broadcast_in_dim3A_570 : vector<16xi1>, vector<16xf32>
      %add3A_572 = arith.addf %add3A_532, %select_n3A_571 : vector<16xf32>
      %get3A_573 = arith.constant 256 : index
      %get3A_574 = tpu.vector_load %arg18[%get3A_573] {strides = array<i32>} : memref<4096xf32, #tpu.memory_space<vmem>>, vector<16xf32>,
      %eq3A_575 = vector.broadcast %while3A_364#1 : f32 to vector<16xf32>
      %eq3A_576 = arith.cmpf oeq, %get3A_574, %eq3A_575 : vector<16xf32>
      %convert_element_type3A_577 = arith.extui %eq3A_576 : vector<16xi1> to vector<16xi32>
      %reduce_sum3A_578 = arith.constant true
      %reduce_sum3A_579 = vector.broadcast %reduce_sum3A_578 : i1 to vector<16xi1>
      %reduce_sum3A_580 = tpu.scan <sum>, %convert_element_type3A_577 masked %reduce_sum3A_579 : vector<16xi32>, vector<16xi1> -> vector<16xi32>
      %reduce_sum3A_581 = vector.extract %reduce_sum3A_580[15] : i32 from vector<16xi32>
      %add3A_582 = arith.constant 0 : i32
      %add3A_583 = arith.addi %add3A_582, %reduce_sum3A_581 : i32
      %get3A_584 = arith.constant 272 : index
      %get3A_585 = tpu.vector_load %arg18[%get3A_584] {strides = array<i32>} : memref<4096xf32, #tpu.memory_space<vmem>>, vector<16xf32>,
      %eq3A_586 = vector.broadcast %while3A_364#1 : f32 to vector<16xf32>
      %eq3A_587 = arith.cmpf oeq, %get3A_585, %eq3A_586 : vector<16xf32>
      %convert_element_type3A_588 = arith.extui %eq3A_587 : vector<16xi1> to vector<16xi32>
      %reduce_sum3A_589 = arith.constant true
      %reduce_sum3A_590 = vector.broadcast %reduce_sum3A_589 : i1 to vector<16xi1>
      %reduce_sum3A_591 = tpu.scan <sum>, %convert_element_type3A_588 masked %reduce_sum3A_590 : vector<16xi32>, vector<16xi1> -> vector<16xi32>
      %reduce_sum3A_592 = vector.extract %reduce_sum3A_591[15] : i32 from vector<16xi32>
      %add3A_593 = arith.addi %add3A_583, %reduce_sum3A_592 : i32
      %get3A_594 = arith.constant 288 : index
      %get3A_595 = tpu.vector_load %arg18[%get3A_594] {strides = array<i32>} : memref<4096xf32, #tpu.memory_space<vmem>>, vector<16xf32>,
      %eq3A_596 = vector.broadcast %while3A_364#1 : f32 to vector<16xf32>
      %eq3A_597 = arith.cmpf oeq, %get3A_595, %eq3A_596 : vector<16xf32>
      %convert_element_type3A_598 = arith.extui %eq3A_597 : vector<16xi1> to vector<16xi32>
      %reduce_sum3A_599 = arith.constant true
      %reduce_sum3A_600 = vector.broadcast %reduce_sum3A_599 : i1 to vector<16xi1>
      %reduce_sum3A_601 = tpu.scan <sum>, %convert_element_type3A_598 masked %reduce_sum3A_600 : vector<16xi32>, vector<16xi1> -> vector<16xi32>
      %reduce_sum3A_602 = vector.extract %reduce_sum3A_601[15] : i32 from vector<16xi32>
      %add3A_603 = arith.addi %add3A_593, %reduce_sum3A_602 : i32
      %get3A_604 = arith.constant 304 : index
      %get3A_605 = tpu.vector_load %arg18[%get3A_604] {strides = array<i32>} : memref<4096xf32, #tpu.memory_space<vmem>>, vector<16xf32>,
      %eq3A_606 = vector.broadcast %while3A_364#1 : f32 to vector<16xf32>
      %eq3A_607 = arith.cmpf oeq, %get3A_605, %eq3A_606 : vector<16xf32>
      %convert_element_type3A_608 = arith.extui %eq3A_607 : vector<16xi1> to vector<16xi32>
      %reduce_sum3A_609 = arith.constant true
      %reduce_sum3A_610 = vector.broadcast %reduce_sum3A_609 : i1 to vector<16xi1>
      %reduce_sum3A_611 = tpu.scan <sum>, %convert_element_type3A_608 masked %reduce_sum3A_610 : vector<16xi32>, vector<16xi1> -> vector<16xi32>
      %reduce_sum3A_612 = vector.extract %reduce_sum3A_611[15] : i32 from vector<16xi32>
      %add3A_613 = arith.addi %add3A_603, %reduce_sum3A_612 : i32
      %sub3A_614 = arith.subi %sub3A_366, %add3A_416 : i32
      %jit3A_615 = arith.constant 0 : i32
      %max3A_616 = arith.maxsi %jit3A_615, %sub3A_614 : i32
      %min3A_617 = arith.minsi %add3A_613, %max3A_616 : i32
      %add3A_618 = arith.addi %add3A_416, %add3A_613 : i32
      %get3A_619 = arith.constant 256 : index
      %get3A_620 = tpu.vector_load %arg18[%get3A_619] {strides = array<i32>} : memref<4096xf32, #tpu.memory_space<vmem>>, vector<16xf32>,
      %get3A_621 = arith.constant 320 : index
      %get3A_622 = tpu.vector_load %arg18[%get3A_621] {strides = array<i32>} : memref<4096xf32, #tpu.memory_space<vmem>>, vector<16xf32>,
      %gt3A_623 = vector.broadcast %while3A_364#1 : f32 to vector<16xf32>
      %gt3A_624 = arith.cmpf ogt, %get3A_620, %gt3A_623 : vector<16xf32>
      %convert_element_type3A_625 = arith.extui %eq3A_576 : vector<16xi1> to vector<16xi32>
      %broadcast_in_dim3A_626 = arith.constant true
      %broadcast_in_dim3A_627 = vector.broadcast %broadcast_in_dim3A_626 : i1 to vector<16xi1>
      %masked_cumsum3A_628 = tpu.scan <sum>, %convert_element_type3A_625 masked %broadcast_in_dim3A_627 : vector<16xi32>, vector<16xi1> -> vector<16xi32>
      %add3A_629 = arith.constant 0 : i32
      %add3A_630 = vector.broadcast %add3A_629 : i32 to vector<16xi32>
      %add3A_631 = arith.addi %masked_cumsum3A_628, %add3A_630 : vector<16xi32>
      %convert_element_type3A_632 = arith.extui %eq3A_576 : vector<16xi1> to vector<16xi32>
      %reduce_sum3A_633 = arith.constant true
      %reduce_sum3A_634 = vector.broadcast %reduce_sum3A_633 : i1 to vector<16xi1>
      %reduce_sum3A_635 = tpu.scan <sum>, %convert_element_type3A_632 masked %reduce_sum3A_634 : vector<16xi32>, vector<16xi1> -> vector<16xi32>
      %reduce_sum3A_636 = vector.extract %reduce_sum3A_635[15] : i32 from vector<16xi32>
      %add3A_637 = arith.constant 0 : i32
      %add3A_638 = arith.addi %add3A_637, %reduce_sum3A_636 : i32
      %le3A_639 = vector.broadcast %min3A_617 : i32 to vector<16xi32>
      %le3A_640 = arith.cmpi sle, %add3A_631, %le3A_639 : vector<16xi32>
      %and3A_641 = arith.andi %eq3A_576, %le3A_640 : vector<16xi1>
      %or3A_642 = arith.ori %gt3A_624, %and3A_641 : vector<16xi1>
      %sub3A_643 = arith.constant 1.000000e+00 : f32
      %sub3A_644 = vector.broadcast %sub3A_643 : f32 to vector<16xf32>
      %sub3A_645 = arith.subf %sub3A_644, %get3A_620 : vector<16xf32>
      %add3A_646 = arith.constant 9.99999997E-7 : f32
      %add3A_647 = vector.broadcast %add3A_646 : f32 to vector<16xf32>
      %add3A_648 = arith.addf %sub3A_645, %add3A_647 : vector<16xf32>
      %div3A_649 = arith.constant 1.000000e+00 : f32
      %div3A_650 = vector.broadcast %div3A_649 : f32 to vector<16xf32>
      %div3A_651 = arith.divf %div3A_650, %add3A_648 : vector<16xf32>
      %jit3A_652 = arith.constant 0.000000e+00 : f32
      %broadcast_in_dim3A_653 = vector.broadcast %jit3A_652 : f32 to vector<16xf32>
      %select_n3A_654 = arith.select %or3A_642, %div3A_651, %broadcast_in_dim3A_653 : vector<16xi1>, vector<16xf32>
      %add3A_655 = arith.addf %add3A_567, %select_n3A_654 : vector<16xf32>
      %mul3A_656 = arith.mulf %div3A_651, %get3A_622 : vector<16xf32>
      %jit3A_657 = arith.constant 0.000000e+00 : f32
      %broadcast_in_dim3A_658 = vector.broadcast %jit3A_657 : f32 to vector<16xf32>
      %select_n3A_659 = arith.select %or3A_642, %mul3A_656, %broadcast_in_dim3A_658 : vector<16xi1>, vector<16xf32>
      %add3A_660 = arith.addf %add3A_572, %select_n3A_659 : vector<16xf32>
      %get3A_661 = arith.constant 272 : index
      %get3A_662 = tpu.vector_load %arg18[%get3A_661] {strides = array<i32>} : memref<4096xf32, #tpu.memory_space<vmem>>, vector<16xf32>,
      %get3A_663 = arith.constant 336 : index
      %get3A_664 = tpu.vector_load %arg18[%get3A_663] {strides = array<i32>} : memref<4096xf32, #tpu.memory_space<vmem>>, vector<16xf32>,
      %gt3A_665 = vector.broadcast %while3A_364#1 : f32 to vector<16xf32>
      %gt3A_666 = arith.cmpf ogt, %get3A_662, %gt3A_665 : vector<16xf32>
      %convert_element_type3A_667 = arith.extui %eq3A_587 : vector<16xi1> to vector<16xi32>
      %broadcast_in_dim3A_668 = arith.constant true
      %broadcast_in_dim3A_669 = vector.broadcast %broadcast_in_dim3A_668 : i1 to vector<16xi1>
      %masked_cumsum3A_670 = tpu.scan <sum>, %convert_element_type3A_667 masked %broadcast_in_dim3A_669 : vector<16xi32>, vector<16xi1> -> vector<16xi32>
      %add3A_671 = vector.broadcast %add3A_638 : i32 to vector<16xi32>
      %add3A_672 = arith.addi %masked_cumsum3A_670, %add3A_671 : vector<16xi32>
      %convert_element_type3A_673 = arith.extui %eq3A_587 : vector<16xi1> to vector<16xi32>
      %reduce_sum3A_674 = arith.constant true
      %reduce_sum3A_675 = vector.broadcast %reduce_sum3A_674 : i1 to vector<16xi1>
      %reduce_sum3A_676 = tpu.scan <sum>, %convert_element_type3A_673 masked %reduce_sum3A_675 : vector<16xi32>, vector<16xi1> -> vector<16xi32>
      %reduce_sum3A_677 = vector.extract %reduce_sum3A_676[15] : i32 from vector<16xi32>
      %add3A_678 = arith.addi %add3A_638, %reduce_sum3A_677 : i32
      %le3A_679 = vector.broadcast %min3A_617 : i32 to vector<16xi32>
      %le3A_680 = arith.cmpi sle, %add3A_672, %le3A_679 : vector<16xi32>
      %and3A_681 = arith.andi %eq3A_587, %le3A_680 : vector<16xi1>
      %or3A_682 = arith.ori %gt3A_666, %and3A_681 : vector<16xi1>
      %sub3A_683 = arith.constant 1.000000e+00 : f32
      %sub3A_684 = vector.broadcast %sub3A_683 : f32 to vector<16xf32>
      %sub3A_685 = arith.subf %sub3A_684, %get3A_662 : vector<16xf32>
      %add3A_686 = arith.constant 9.99999997E-7 : f32
      %add3A_687 = vector.broadcast %add3A_686 : f32 to vector<16xf32>
      %add3A_688 = arith.addf %sub3A_685, %add3A_687 : vector<16xf32>
      %div3A_689 = arith.constant 1.000000e+00 : f32
      %div3A_690 = vector.broadcast %div3A_689 : f32 to vector<16xf32>
      %div3A_691 = arith.divf %div3A_690, %add3A_688 : vector<16xf32>
      %jit3A_692 = arith.constant 0.000000e+00 : f32
      %broadcast_in_dim3A_693 = vector.broadcast %jit3A_692 : f32 to vector<16xf32>
      %select_n3A_694 = arith.select %or3A_682, %div3A_691, %broadcast_in_dim3A_693 : vector<16xi1>, vector<16xf32>
      %add3A_695 = arith.addf %add3A_655, %select_n3A_694 : vector<16xf32>
      %mul3A_696 = arith.mulf %div3A_691, %get3A_664 : vector<16xf32>
      %jit3A_697 = arith.constant 0.000000e+00 : f32
      %broadcast_in_dim3A_698 = vector.broadcast %jit3A_697 : f32 to vector<16xf32>
      %select_n3A_699 = arith.select %or3A_682, %mul3A_696, %broadcast_in_dim3A_698 : vector<16xi1>, vector<16xf32>
      %add3A_700 = arith.addf %add3A_660, %select_n3A_699 : vector<16xf32>
      %get3A_701 = arith.constant 288 : index
      %get3A_702 = tpu.vector_load %arg18[%get3A_701] {strides = array<i32>} : memref<4096xf32, #tpu.memory_space<vmem>>, vector<16xf32>,
      %get3A_703 = arith.constant 352 : index
      %get3A_704 = tpu.vector_load %arg18[%get3A_703] {strides = array<i32>} : memref<4096xf32, #tpu.memory_space<vmem>>, vector<16xf32>,
      %gt3A_705 = vector.broadcast %while3A_364#1 : f32 to vector<16xf32>
      %gt3A_706 = arith.cmpf ogt, %get3A_702, %gt3A_705 : vector<16xf32>
      %convert_element_type3A_707 = arith.extui %eq3A_597 : vector<16xi1> to vector<16xi32>
      %broadcast_in_dim3A_708 = arith.constant true
      %broadcast_in_dim3A_709 = vector.broadcast %broadcast_in_dim3A_708 : i1 to vector<16xi1>
      %masked_cumsum3A_710 = tpu.scan <sum>, %convert_element_type3A_707 masked %broadcast_in_dim3A_709 : vector<16xi32>, vector<16xi1> -> vector<16xi32>
      %add3A_711 = vector.broadcast %add3A_678 : i32 to vector<16xi32>
      %add3A_712 = arith.addi %masked_cumsum3A_710, %add3A_711 : vector<16xi32>
      %convert_element_type3A_713 = arith.extui %eq3A_597 : vector<16xi1> to vector<16xi32>
      %reduce_sum3A_714 = arith.constant true
      %reduce_sum3A_715 = vector.broadcast %reduce_sum3A_714 : i1 to vector<16xi1>
      %reduce_sum3A_716 = tpu.scan <sum>, %convert_element_type3A_713 masked %reduce_sum3A_715 : vector<16xi32>, vector<16xi1> -> vector<16xi32>
      %reduce_sum3A_717 = vector.extract %reduce_sum3A_716[15] : i32 from vector<16xi32>
      %add3A_718 = arith.addi %add3A_678, %reduce_sum3A_717 : i32
      %le3A_719 = vector.broadcast %min3A_617 : i32 to vector<16xi32>
      %le3A_720 = arith.cmpi sle, %add3A_712, %le3A_719 : vector<16xi32>
      %and3A_721 = arith.andi %eq3A_597, %le3A_720 : vector<16xi1>
      %or3A_722 = arith.ori %gt3A_706, %and3A_721 : vector<16xi1>
      %sub3A_723 = arith.constant 1.000000e+00 : f32
      %sub3A_724 = vector.broadcast %sub3A_723 : f32 to vector<16xf32>
      %sub3A_725 = arith.subf %sub3A_724, %get3A_702 : vector<16xf32>
      %add3A_726 = arith.constant 9.99999997E-7 : f32
      %add3A_727 = vector.broadcast %add3A_726 : f32 to vector<16xf32>
      %add3A_728 = arith.addf %sub3A_725, %add3A_727 : vector<16xf32>
      %div3A_729 = arith.constant 1.000000e+00 : f32
      %div3A_730 = vector.broadcast %div3A_729 : f32 to vector<16xf32>
      %div3A_731 = arith.divf %div3A_730, %add3A_728 : vector<16xf32>
      %jit3A_732 = arith.constant 0.000000e+00 : f32
      %broadcast_in_dim3A_733 = vector.broadcast %jit3A_732 : f32 to vector<16xf32>
      %select_n3A_734 = arith.select %or3A_722, %div3A_731, %broadcast_in_dim3A_733 : vector<16xi1>, vector<16xf32>
      %add3A_735 = arith.addf %add3A_695, %select_n3A_734 : vector<16xf32>
      %mul3A_736 = arith.mulf %div3A_731, %get3A_704 : vector<16xf32>
      %jit3A_737 = arith.constant 0.000000e+00 : f32
      %broadcast_in_dim3A_738 = vector.broadcast %jit3A_737 : f32 to vector<16xf32>
      %select_n3A_739 = arith.select %or3A_722, %mul3A_736, %broadcast_in_dim3A_738 : vector<16xi1>, vector<16xf32>
      %add3A_740 = arith.addf %add3A_700, %select_n3A_739 : vector<16xf32>
      %get3A_741 = arith.constant 304 : index
      %get3A_742 = tpu.vector_load %arg18[%get3A_741] {strides = array<i32>} : memref<4096xf32, #tpu.memory_space<vmem>>, vector<16xf32>,
      %get3A_743 = arith.constant 368 : index
      %get3A_744 = tpu.vector_load %arg18[%get3A_743] {strides = array<i32>} : memref<4096xf32, #tpu.memory_space<vmem>>, vector<16xf32>,
      %gt3A_745 = vector.broadcast %while3A_364#1 : f32 to vector<16xf32>
      %gt3A_746 = arith.cmpf ogt, %get3A_742, %gt3A_745 : vector<16xf32>
      %convert_element_type3A_747 = arith.extui %eq3A_607 : vector<16xi1> to vector<16xi32>
      %broadcast_in_dim3A_748 = arith.constant true
      %broadcast_in_dim3A_749 = vector.broadcast %broadcast_in_dim3A_748 : i1 to vector<16xi1>
      %masked_cumsum3A_750 = tpu.scan <sum>, %convert_element_type3A_747 masked %broadcast_in_dim3A_749 : vector<16xi32>, vector<16xi1> -> vector<16xi32>
      %add3A_751 = vector.broadcast %add3A_718 : i32 to vector<16xi32>
      %add3A_752 = arith.addi %masked_cumsum3A_750, %add3A_751 : vector<16xi32>
      %convert_element_type3A_753 = arith.extui %eq3A_607 : vector<16xi1> to vector<16xi32>
      %reduce_sum3A_754 = arith.constant true
      %reduce_sum3A_755 = vector.broadcast %reduce_sum3A_754 : i1 to vector<16xi1>
      %reduce_sum3A_756 = tpu.scan <sum>, %convert_element_type3A_753 masked %reduce_sum3A_755 : vector<16xi32>, vector<16xi1> -> vector<16xi32>
      %reduce_sum3A_757 = vector.extract %reduce_sum3A_756[15] : i32 from vector<16xi32>
      %add3A_758 = arith.addi %add3A_718, %reduce_sum3A_757 : i32
      %le3A_759 = vector.broadcast %min3A_617 : i32 to vector<16xi32>
      %le3A_760 = arith.cmpi sle, %add3A_752, %le3A_759 : vector<16xi32>
      %and3A_761 = arith.andi %eq3A_607, %le3A_760 : vector<16xi1>
      %or3A_762 = arith.ori %gt3A_746, %and3A_761 : vector<16xi1>
      %sub3A_763 = arith.constant 1.000000e+00 : f32
      %sub3A_764 = vector.broadcast %sub3A_763 : f32 to vector<16xf32>
      %sub3A_765 = arith.subf %sub3A_764, %get3A_742 : vector<16xf32>
      %add3A_766 = arith.constant 9.99999997E-7 : f32
      %add3A_767 = vector.broadcast %add3A_766 : f32 to vector<16xf32>
      %add3A_768 = arith.addf %sub3A_765, %add3A_767 : vector<16xf32>
      %div3A_769 = arith.constant 1.000000e+00 : f32
      %div3A_770 = vector.broadcast %div3A_769 : f32 to vector<16xf32>
      %div3A_771 = arith.divf %div3A_770, %add3A_768 : vector<16xf32>
      %jit3A_772 = arith.constant 0.000000e+00 : f32
      %broadcast_in_dim3A_773 = vector.broadcast %jit3A_772 : f32 to vector<16xf32>
      %select_n3A_774 = arith.select %or3A_762, %div3A_771, %broadcast_in_dim3A_773 : vector<16xi1>, vector<16xf32>
      %add3A_775 = arith.addf %add3A_735, %select_n3A_774 : vector<16xf32>
      %mul3A_776 = arith.mulf %div3A_771, %get3A_744 : vector<16xf32>
      %jit3A_777 = arith.constant 0.000000e+00 : f32
      %broadcast_in_dim3A_778 = vector.broadcast %jit3A_777 : f32 to vector<16xf32>
      %select_n3A_779 = arith.select %or3A_762, %mul3A_776, %broadcast_in_dim3A_778 : vector<16xi1>, vector<16xf32>
      %add3A_780 = arith.addf %add3A_740, %select_n3A_779 : vector<16xf32>
      %get3A_781 = arith.constant 512 : index
      %get3A_782 = tpu.vector_load %arg18[%get3A_781] {strides = array<i32>} : memref<4096xf32, #tpu.memory_space<vmem>>, vector<16xf32>,
      %eq3A_783 = vector.broadcast %while3A_364#1 : f32 to vector<16xf32>
      %eq3A_784 = arith.cmpf oeq, %get3A_782, %eq3A_783 : vector<16xf32>
      %convert_element_type3A_785 = arith.extui %eq3A_784 : vector<16xi1> to vector<16xi32>
      %reduce_sum3A_786 = arith.constant true
      %reduce_sum3A_787 = vector.broadcast %reduce_sum3A_786 : i1 to vector<16xi1>
      %reduce_sum3A_788 = tpu.scan <sum>, %convert_element_type3A_785 masked %reduce_sum3A_787 : vector<16xi32>, vector<16xi1> -> vector<16xi32>
      %reduce_sum3A_789 = vector.extract %reduce_sum3A_788[15] : i32 from vector<16xi32>
      %add3A_790 = arith.constant 0 : i32
      %add3A_791 = arith.addi %add3A_790, %reduce_sum3A_789 : i32
      %get3A_792 = arith.constant 528 : index
      %get3A_793 = tpu.vector_load %arg18[%get3A_792] {strides = array<i32>} : memref<4096xf32, #tpu.memory_space<vmem>>, vector<16xf32>,
      %eq3A_794 = vector.broadcast %while3A_364#1 : f32 to vector<16xf32>
      %eq3A_795 = arith.cmpf oeq, %get3A_793, %eq3A_794 : vector<16xf32>
      %convert_element_type3A_796 = arith.extui %eq3A_795 : vector<16xi1> to vector<16xi32>
      %reduce_sum3A_797 = arith.constant true
      %reduce_sum3A_798 = vector.broadcast %reduce_sum3A_797 : i1 to vector<16xi1>
      %reduce_sum3A_799 = tpu.scan <sum>, %convert_element_type3A_796 masked %reduce_sum3A_798 : vector<16xi32>, vector<16xi1> -> vector<16xi32>
      %reduce_sum3A_800 = vector.extract %reduce_sum3A_799[15] : i32 from vector<16xi32>
      %add3A_801 = arith.addi %add3A_791, %reduce_sum3A_800 : i32
      %get3A_802 = arith.constant 544 : index
      %get3A_803 = tpu.vector_load %arg18[%get3A_802] {strides = array<i32>} : memref<4096xf32, #tpu.memory_space<vmem>>, vector<16xf32>,
      %eq3A_804 = vector.broadcast %while3A_364#1 : f32 to vector<16xf32>
      %eq3A_805 = arith.cmpf oeq, %get3A_803, %eq3A_804 : vector<16xf32>
      %convert_element_type3A_806 = arith.extui %eq3A_805 : vector<16xi1> to vector<16xi32>
      %reduce_sum3A_807 = arith.constant true
      %reduce_sum3A_808 = vector.broadcast %reduce_sum3A_807 : i1 to vector<16xi1>
      %reduce_sum3A_809 = tpu.scan <sum>, %convert_element_type3A_806 masked %reduce_sum3A_808 : vector<16xi32>, vector<16xi1> -> vector<16xi32>
      %reduce_sum3A_810 = vector.extract %reduce_sum3A_809[15] : i32 from vector<16xi32>
      %add3A_811 = arith.addi %add3A_801, %reduce_sum3A_810 : i32
      %get3A_812 = arith.constant 560 : index
      %get3A_813 = tpu.vector_load %arg18[%get3A_812] {strides = array<i32>} : memref<4096xf32, #tpu.memory_space<vmem>>, vector<16xf32>,
      %eq3A_814 = vector.broadcast %while3A_364#1 : f32 to vector<16xf32>
      %eq3A_815 = arith.cmpf oeq, %get3A_813, %eq3A_814 : vector<16xf32>
      %convert_element_type3A_816 = arith.extui %eq3A_815 : vector<16xi1> to vector<16xi32>
      %reduce_sum3A_817 = arith.constant true
      %reduce_sum3A_818 = vector.broadcast %reduce_sum3A_817 : i1 to vector<16xi1>
      %reduce_sum3A_819 = tpu.scan <sum>, %convert_element_type3A_816 masked %reduce_sum3A_818 : vector<16xi32>, vector<16xi1> -> vector<16xi32>
      %reduce_sum3A_820 = vector.extract %reduce_sum3A_819[15] : i32 from vector<16xi32>
      %add3A_821 = arith.addi %add3A_811, %reduce_sum3A_820 : i32
      %sub3A_822 = arith.subi %sub3A_366, %add3A_618 : i32
      %jit3A_823 = arith.constant 0 : i32
      %max3A_824 = arith.maxsi %jit3A_823, %sub3A_822 : i32
      %min3A_825 = arith.minsi %add3A_821, %max3A_824 : i32
      %add3A_826 = arith.addi %add3A_618, %add3A_821 : i32
      %get3A_827 = arith.constant 512 : index
      %get3A_828 = tpu.vector_load %arg18[%get3A_827] {strides = array<i32>} : memref<4096xf32, #tpu.memory_space<vmem>>, vector<16xf32>,
      %get3A_829 = arith.constant 576 : index
      %get3A_830 = tpu.vector_load %arg18[%get3A_829] {strides = array<i32>} : memref<4096xf32, #tpu.memory_space<vmem>>, vector<16xf32>,
      %gt3A_831 = vector.broadcast %while3A_364#1 : f32 to vector<16xf32>
      %gt3A_832 = arith.cmpf ogt, %get3A_828, %gt3A_831 : vector<16xf32>
      %convert_element_type3A_833 = arith.extui %eq3A_784 : vector<16xi1> to vector<16xi32>
      %broadcast_in_dim3A_834 = arith.constant true
      %broadcast_in_dim3A_835 = vector.broadcast %broadcast_in_dim3A_834 : i1 to vector<16xi1>
      %masked_cumsum3A_836 = tpu.scan <sum>, %convert_element_type3A_833 masked %broadcast_in_dim3A_835 : vector<16xi32>, vector<16xi1> -> vector<16xi32>
      %add3A_837 = arith.constant 0 : i32
      %add3A_838 = vector.broadcast %add3A_837 : i32 to vector<16xi32>
      %add3A_839 = arith.addi %masked_cumsum3A_836, %add3A_838 : vector<16xi32>
      %convert_element_type3A_840 = arith.extui %eq3A_784 : vector<16xi1> to vector<16xi32>
      %reduce_sum3A_841 = arith.constant true
      %reduce_sum3A_842 = vector.broadcast %reduce_sum3A_841 : i1 to vector<16xi1>
      %reduce_sum3A_843 = tpu.scan <sum>, %convert_element_type3A_840 masked %reduce_sum3A_842 : vector<16xi32>, vector<16xi1> -> vector<16xi32>
      %reduce_sum3A_844 = vector.extract %reduce_sum3A_843[15] : i32 from vector<16xi32>
      %add3A_845 = arith.constant 0 : i32
      %add3A_846 = arith.addi %add3A_845, %reduce_sum3A_844 : i32
      %le3A_847 = vector.broadcast %min3A_825 : i32 to vector<16xi32>
      %le3A_848 = arith.cmpi sle, %add3A_839, %le3A_847 : vector<16xi32>
      %and3A_849 = arith.andi %eq3A_784, %le3A_848 : vector<16xi1>
      %or3A_850 = arith.ori %gt3A_832, %and3A_849 : vector<16xi1>
      %sub3A_851 = arith.constant 1.000000e+00 : f32
      %sub3A_852 = vector.broadcast %sub3A_851 : f32 to vector<16xf32>
      %sub3A_853 = arith.subf %sub3A_852, %get3A_828 : vector<16xf32>
      %add3A_854 = arith.constant 9.99999997E-7 : f32
      %add3A_855 = vector.broadcast %add3A_854 : f32 to vector<16xf32>
      %add3A_856 = arith.addf %sub3A_853, %add3A_855 : vector<16xf32>
      %div3A_857 = arith.constant 1.000000e+00 : f32
      %div3A_858 = vector.broadcast %div3A_857 : f32 to vector<16xf32>
      %div3A_859 = arith.divf %div3A_858, %add3A_856 : vector<16xf32>
      %jit3A_860 = arith.constant 0.000000e+00 : f32
      %broadcast_in_dim3A_861 = vector.broadcast %jit3A_860 : f32 to vector<16xf32>
      %select_n3A_862 = arith.select %or3A_850, %div3A_859, %broadcast_in_dim3A_861 : vector<16xi1>, vector<16xf32>
      %add3A_863 = arith.addf %add3A_775, %select_n3A_862 : vector<16xf32>
      %mul3A_864 = arith.mulf %div3A_859, %get3A_830 : vector<16xf32>
      %jit3A_865 = arith.constant 0.000000e+00 : f32
      %broadcast_in_dim3A_866 = vector.broadcast %jit3A_865 : f32 to vector<16xf32>
      %select_n3A_867 = arith.select %or3A_850, %mul3A_864, %broadcast_in_dim3A_866 : vector<16xi1>, vector<16xf32>
      %add3A_868 = arith.addf %add3A_780, %select_n3A_867 : vector<16xf32>
      %get3A_869 = arith.constant 528 : index
      %get3A_870 = tpu.vector_load %arg18[%get3A_869] {strides = array<i32>} : memref<4096xf32, #tpu.memory_space<vmem>>, vector<16xf32>,
      %get3A_871 = arith.constant 592 : index
      %get3A_872 = tpu.vector_load %arg18[%get3A_871] {strides = array<i32>} : memref<4096xf32, #tpu.memory_space<vmem>>, vector<16xf32>,
      %gt3A_873 = vector.broadcast %while3A_364#1 : f32 to vector<16xf32>
      %gt3A_874 = arith.cmpf ogt, %get3A_870, %gt3A_873 : vector<16xf32>
      %convert_element_type3A_875 = arith.extui %eq3A_795 : vector<16xi1> to vector<16xi32>
      %broadcast_in_dim3A_876 = arith.constant true
      %broadcast_in_dim3A_877 = vector.broadcast %broadcast_in_dim3A_876 : i1 to vector<16xi1>
      %masked_cumsum3A_878 = tpu.scan <sum>, %convert_element_type3A_875 masked %broadcast_in_dim3A_877 : vector<16xi32>, vector<16xi1> -> vector<16xi32>
      %add3A_879 = vector.broadcast %add3A_846 : i32 to vector<16xi32>
      %add3A_880 = arith.addi %masked_cumsum3A_878, %add3A_879 : vector<16xi32>
      %convert_element_type3A_881 = arith.extui %eq3A_795 : vector<16xi1> to vector<16xi32>
      %reduce_sum3A_882 = arith.constant true
      %reduce_sum3A_883 = vector.broadcast %reduce_sum3A_882 : i1 to vector<16xi1>
      %reduce_sum3A_884 = tpu.scan <sum>, %convert_element_type3A_881 masked %reduce_sum3A_883 : vector<16xi32>, vector<16xi1> -> vector<16xi32>
      %reduce_sum3A_885 = vector.extract %reduce_sum3A_884[15] : i32 from vector<16xi32>
      %add3A_886 = arith.addi %add3A_846, %reduce_sum3A_885 : i32
      %le3A_887 = vector.broadcast %min3A_825 : i32 to vector<16xi32>
      %le3A_888 = arith.cmpi sle, %add3A_880, %le3A_887 : vector<16xi32>
      %and3A_889 = arith.andi %eq3A_795, %le3A_888 : vector<16xi1>
      %or3A_890 = arith.ori %gt3A_874, %and3A_889 : vector<16xi1>
      %sub3A_891 = arith.constant 1.000000e+00 : f32
      %sub3A_892 = vector.broadcast %sub3A_891 : f32 to vector<16xf32>
      %sub3A_893 = arith.subf %sub3A_892, %get3A_870 : vector<16xf32>
      %add3A_894 = arith.constant 9.99999997E-7 : f32
      %add3A_895 = vector.broadcast %add3A_894 : f32 to vector<16xf32>
      %add3A_896 = arith.addf %sub3A_893, %add3A_895 : vector<16xf32>
      %div3A_897 = arith.constant 1.000000e+00 : f32
      %div3A_898 = vector.broadcast %div3A_897 : f32 to vector<16xf32>
      %div3A_899 = arith.divf %div3A_898, %add3A_896 : vector<16xf32>
      %jit3A_900 = arith.constant 0.000000e+00 : f32
      %broadcast_in_dim3A_901 = vector.broadcast %jit3A_900 : f32 to vector<16xf32>
      %select_n3A_902 = arith.select %or3A_890, %div3A_899, %broadcast_in_dim3A_901 : vector<16xi1>, vector<16xf32>
      %add3A_903 = arith.addf %add3A_863, %select_n3A_902 : vector<16xf32>
      %mul3A_904 = arith.mulf %div3A_899, %get3A_872 : vector<16xf32>
      %jit3A_905 = arith.constant 0.000000e+00 : f32
      %broadcast_in_dim3A_906 = vector.broadcast %jit3A_905 : f32 to vector<16xf32>
      %select_n3A_907 = arith.select %or3A_890, %mul3A_904, %broadcast_in_dim3A_906 : vector<16xi1>, vector<16xf32>
      %add3A_908 = arith.addf %add3A_868, %select_n3A_907 : vector<16xf32>
      %get3A_909 = arith.constant 544 : index
      %get3A_910 = tpu.vector_load %arg18[%get3A_909] {strides = array<i32>} : memref<4096xf32, #tpu.memory_space<vmem>>, vector<16xf32>,
      %get3A_911 = arith.constant 608 : index
      %get3A_912 = tpu.vector_load %arg18[%get3A_911] {strides = array<i32>} : memref<4096xf32, #tpu.memory_space<vmem>>, vector<16xf32>,
      %gt3A_913 = vector.broadcast %while3A_364#1 : f32 to vector<16xf32>
      %gt3A_914 = arith.cmpf ogt, %get3A_910, %gt3A_913 : vector<16xf32>
      %convert_element_type3A_915 = arith.extui %eq3A_805 : vector<16xi1> to vector<16xi32>
      %broadcast_in_dim3A_916 = arith.constant true
      %broadcast_in_dim3A_917 = vector.broadcast %broadcast_in_dim3A_916 : i1 to vector<16xi1>
      %masked_cumsum3A_918 = tpu.scan <sum>, %convert_element_type3A_915 masked %broadcast_in_dim3A_917 : vector<16xi32>, vector<16xi1> -> vector<16xi32>
      %add3A_919 = vector.broadcast %add3A_886 : i32 to vector<16xi32>
      %add3A_920 = arith.addi %masked_cumsum3A_918, %add3A_919 : vector<16xi32>
      %convert_element_type3A_921 = arith.extui %eq3A_805 : vector<16xi1> to vector<16xi32>
      %reduce_sum3A_922 = arith.constant true
      %reduce_sum3A_923 = vector.broadcast %reduce_sum3A_922 : i1 to vector<16xi1>
      %reduce_sum3A_924 = tpu.scan <sum>, %convert_element_type3A_921 masked %reduce_sum3A_923 : vector<16xi32>, vector<16xi1> -> vector<16xi32>
      %reduce_sum3A_925 = vector.extract %reduce_sum3A_924[15] : i32 from vector<16xi32>
      %add3A_926 = arith.addi %add3A_886, %reduce_sum3A_925 : i32
      %le3A_927 = vector.broadcast %min3A_825 : i32 to vector<16xi32>
      %le3A_928 = arith.cmpi sle, %add3A_920, %le3A_927 : vector<16xi32>
      %and3A_929 = arith.andi %eq3A_805, %le3A_928 : vector<16xi1>
      %or3A_930 = arith.ori %gt3A_914, %and3A_929 : vector<16xi1>
      %sub3A_931 = arith.constant 1.000000e+00 : f32
      %sub3A_932 = vector.broadcast %sub3A_931 : f32 to vector<16xf32>
      %sub3A_933 = arith.subf %sub3A_932, %get3A_910 : vector<16xf32>
      %add3A_934 = arith.constant 9.99999997E-7 : f32
      %add3A_935 = vector.broadcast %add3A_934 : f32 to vector<16xf32>
      %add3A_936 = arith.addf %sub3A_933, %add3A_935 : vector<16xf32>
      %div3A_937 = arith.constant 1.000000e+00 : f32
      %div3A_938 = vector.broadcast %div3A_937 : f32 to vector<16xf32>
      %div3A_939 = arith.divf %div3A_938, %add3A_936 : vector<16xf32>
      %jit3A_940 = arith.constant 0.000000e+00 : f32
      %broadcast_in_dim3A_941 = vector.broadcast %jit3A_940 : f32 to vector<16xf32>
      %select_n3A_942 = arith.select %or3A_930, %div3A_939, %broadcast_in_dim3A_941 : vector<16xi1>, vector<16xf32>
      %add3A_943 = arith.addf %add3A_903, %select_n3A_942 : vector<16xf32>
      %mul3A_944 = arith.mulf %div3A_939, %get3A_912 : vector<16xf32>
      %jit3A_945 = arith.constant 0.000000e+00 : f32
      %broadcast_in_dim3A_946 = vector.broadcast %jit3A_945 : f32 to vector<16xf32>
      %select_n3A_947 = arith.select %or3A_930, %mul3A_944, %broadcast_in_dim3A_946 : vector<16xi1>, vector<16xf32>
      %add3A_948 = arith.addf %add3A_908, %select_n3A_947 : vector<16xf32>
      %get3A_949 = arith.constant 560 : index
      %get3A_950 = tpu.vector_load %arg18[%get3A_949] {strides = array<i32>} : memref<4096xf32, #tpu.memory_space<vmem>>, vector<16xf32>,
      %get3A_951 = arith.constant 624 : index
      %get3A_952 = tpu.vector_load %arg18[%get3A_951] {strides = array<i32>} : memref<4096xf32, #tpu.memory_space<vmem>>, vector<16xf32>,
      %gt3A_953 = vector.broadcast %while3A_364#1 : f32 to vector<16xf32>
      %gt3A_954 = arith.cmpf ogt, %get3A_950, %gt3A_953 : vector<16xf32>
      %convert_element_type3A_955 = arith.extui %eq3A_815 : vector<16xi1> to vector<16xi32>
      %broadcast_in_dim3A_956 = arith.constant true
      %broadcast_in_dim3A_957 = vector.broadcast %broadcast_in_dim3A_956 : i1 to vector<16xi1>
      %masked_cumsum3A_958 = tpu.scan <sum>, %convert_element_type3A_955 masked %broadcast_in_dim3A_957 : vector<16xi32>, vector<16xi1> -> vector<16xi32>
      %add3A_959 = vector.broadcast %add3A_926 : i32 to vector<16xi32>
      %add3A_960 = arith.addi %masked_cumsum3A_958, %add3A_959 : vector<16xi32>
      %convert_element_type3A_961 = arith.extui %eq3A_815 : vector<16xi1> to vector<16xi32>
      %reduce_sum3A_962 = arith.constant true
      %reduce_sum3A_963 = vector.broadcast %reduce_sum3A_962 : i1 to vector<16xi1>
      %reduce_sum3A_964 = tpu.scan <sum>, %convert_element_type3A_961 masked %reduce_sum3A_963 : vector<16xi32>, vector<16xi1> -> vector<16xi32>
      %reduce_sum3A_965 = vector.extract %reduce_sum3A_964[15] : i32 from vector<16xi32>
      %add3A_966 = arith.addi %add3A_926, %reduce_sum3A_965 : i32
      %le3A_967 = vector.broadcast %min3A_825 : i32 to vector<16xi32>
      %le3A_968 = arith.cmpi sle, %add3A_960, %le3A_967 : vector<16xi32>
      %and3A_969 = arith.andi %eq3A_815, %le3A_968 : vector<16xi1>
      %or3A_970 = arith.ori %gt3A_954, %and3A_969 : vector<16xi1>
      %sub3A_971 = arith.constant 1.000000e+00 : f32
      %sub3A_972 = vector.broadcast %sub3A_971 : f32 to vector<16xf32>
      %sub3A_973 = arith.subf %sub3A_972, %get3A_950 : vector<16xf32>
      %add3A_974 = arith.constant 9.99999997E-7 : f32
      %add3A_975 = vector.broadcast %add3A_974 : f32 to vector<16xf32>
      %add3A_976 = arith.addf %sub3A_973, %add3A_975 : vector<16xf32>
      %div3A_977 = arith.constant 1.000000e+00 : f32
      %div3A_978 = vector.broadcast %div3A_977 : f32 to vector<16xf32>
      %div3A_979 = arith.divf %div3A_978, %add3A_976 : vector<16xf32>
      %jit3A_980 = arith.constant 0.000000e+00 : f32
      %broadcast_in_dim3A_981 = vector.broadcast %jit3A_980 : f32 to vector<16xf32>
      %select_n3A_982 = arith.select %or3A_970, %div3A_979, %broadcast_in_dim3A_981 : vector<16xi1>, vector<16xf32>
      %add3A_983 = arith.addf %add3A_943, %select_n3A_982 : vector<16xf32>
      %mul3A_984 = arith.mulf %div3A_979, %get3A_952 : vector<16xf32>
      %jit3A_985 = arith.constant 0.000000e+00 : f32
      %broadcast_in_dim3A_986 = vector.broadcast %jit3A_985 : f32 to vector<16xf32>
      %select_n3A_987 = arith.select %or3A_970, %mul3A_984, %broadcast_in_dim3A_986 : vector<16xi1>, vector<16xf32>
      %add3A_988 = arith.addf %add3A_948, %select_n3A_987 : vector<16xf32>
      %get3A_989 = arith.constant 768 : index
      %get3A_990 = tpu.vector_load %arg18[%get3A_989] {strides = array<i32>} : memref<4096xf32, #tpu.memory_space<vmem>>, vector<16xf32>,
      %eq3A_991 = vector.broadcast %while3A_364#1 : f32 to vector<16xf32>
      %eq3A_992 = arith.cmpf oeq, %get3A_990, %eq3A_991 : vector<16xf32>
      %convert_element_type3A_993 = arith.extui %eq3A_992 : vector<16xi1> to vector<16xi32>
      %reduce_sum3A_994 = arith.constant true
      %reduce_sum3A_995 = vector.broadcast %reduce_sum3A_994 : i1 to vector<16xi1>
      %reduce_sum3A_996 = tpu.scan <sum>, %convert_element_type3A_993 masked %reduce_sum3A_995 : vector<16xi32>, vector<16xi1> -> vector<16xi32>
      %reduce_sum3A_997 = vector.extract %reduce_sum3A_996[15] : i32 from vector<16xi32>
      %add3A_998 = arith.constant 0 : i32
      %add3A_999 = arith.addi %add3A_998, %reduce_sum3A_997 : i32
      %get3A_1000 = arith.constant 784 : index
      %get3A_1001 = tpu.vector_load %arg18[%get3A_1000] {strides = array<i32>} : memref<4096xf32, #tpu.memory_space<vmem>>, vector<16xf32>,
      %eq3A_1002 = vector.broadcast %while3A_364#1 : f32 to vector<16xf32>
      %eq3A_1003 = arith.cmpf oeq, %get3A_1001, %eq3A_1002 : vector<16xf32>
      %convert_element_type3A_1004 = arith.extui %eq3A_1003 : vector<16xi1> to vector<16xi32>
      %reduce_sum3A_1005 = arith.constant true
      %reduce_sum3A_1006 = vector.broadcast %reduce_sum3A_1005 : i1 to vector<16xi1>
      %reduce_sum3A_1007 = tpu.scan <sum>, %convert_element_type3A_1004 masked %reduce_sum3A_1006 : vector<16xi32>, vector<16xi1> -> vector<16xi32>
      %reduce_sum3A_1008 = vector.extract %reduce_sum3A_1007[15] : i32 from vector<16xi32>
      %add3A_1009 = arith.addi %add3A_999, %reduce_sum3A_1008 : i32
      %get3A_1010 = arith.constant 800 : index
      %get3A_1011 = tpu.vector_load %arg18[%get3A_1010] {strides = array<i32>} : memref<4096xf32, #tpu.memory_space<vmem>>, vector<16xf32>,
      %eq3A_1012 = vector.broadcast %while3A_364#1 : f32 to vector<16xf32>
      %eq3A_1013 = arith.cmpf oeq, %get3A_1011, %eq3A_1012 : vector<16xf32>
      %convert_element_type3A_1014 = arith.extui %eq3A_1013 : vector<16xi1> to vector<16xi32>
      %reduce_sum3A_1015 = arith.constant true
      %reduce_sum3A_1016 = vector.broadcast %reduce_sum3A_1015 : i1 to vector<16xi1>
      %reduce_sum3A_1017 = tpu.scan <sum>, %convert_element_type3A_1014 masked %reduce_sum3A_1016 : vector<16xi32>, vector<16xi1> -> vector<16xi32>
      %reduce_sum3A_1018 = vector.extract %reduce_sum3A_1017[15] : i32 from vector<16xi32>
      %add3A_1019 = arith.addi %add3A_1009, %reduce_sum3A_1018 : i32
      %get3A_1020 = arith.constant 816 : index
      %get3A_1021 = tpu.vector_load %arg18[%get3A_1020] {strides = array<i32>} : memref<4096xf32, #tpu.memory_space<vmem>>, vector<16xf32>,
      %eq3A_1022 = vector.broadcast %while3A_364#1 : f32 to vector<16xf32>
      %eq3A_1023 = arith.cmpf oeq, %get3A_1021, %eq3A_1022 : vector<16xf32>
      %convert_element_type3A_1024 = arith.extui %eq3A_1023 : vector<16xi1> to vector<16xi32>
      %reduce_sum3A_1025 = arith.constant true
      %reduce_sum3A_1026 = vector.broadcast %reduce_sum3A_1025 : i1 to vector<16xi1>
      %reduce_sum3A_1027 = tpu.scan <sum>, %convert_element_type3A_1024 masked %reduce_sum3A_1026 : vector<16xi32>, vector<16xi1> -> vector<16xi32>
      %reduce_sum3A_1028 = vector.extract %reduce_sum3A_1027[15] : i32 from vector<16xi32>
      %add3A_1029 = arith.addi %add3A_1019, %reduce_sum3A_1028 : i32
      %sub3A_1030 = arith.subi %sub3A_366, %add3A_826 : i32
      %jit3A_1031 = arith.constant 0 : i32
      %max3A_1032 = arith.maxsi %jit3A_1031, %sub3A_1030 : i32
      %min3A_1033 = arith.minsi %add3A_1029, %max3A_1032 : i32
      %add3A_1034 = arith.addi %add3A_826, %add3A_1029 : i32
      %get3A_1035 = arith.constant 768 : index
      %get3A_1036 = tpu.vector_load %arg18[%get3A_1035] {strides = array<i32>} : memref<4096xf32, #tpu.memory_space<vmem>>, vector<16xf32>,
      %get3A_1037 = arith.constant 832 : index
      %get3A_1038 = tpu.vector_load %arg18[%get3A_1037] {strides = array<i32>} : memref<4096xf32, #tpu.memory_space<vmem>>, vector<16xf32>,
      %gt3A_1039 = vector.broadcast %while3A_364#1 : f32 to vector<16xf32>
      %gt3A_1040 = arith.cmpf ogt, %get3A_1036, %gt3A_1039 : vector<16xf32>
      %convert_element_type3A_1041 = arith.extui %eq3A_992 : vector<16xi1> to vector<16xi32>
      %broadcast_in_dim3A_1042 = arith.constant true
      %broadcast_in_dim3A_1043 = vector.broadcast %broadcast_in_dim3A_1042 : i1 to vector<16xi1>
      %masked_cumsum3A_1044 = tpu.scan <sum>, %convert_element_type3A_1041 masked %broadcast_in_dim3A_1043 : vector<16xi32>, vector<16xi1> -> vector<16xi32>
      %add3A_1045 = arith.constant 0 : i32
      %add3A_1046 = vector.broadcast %add3A_1045 : i32 to vector<16xi32>
      %add3A_1047 = arith.addi %masked_cumsum3A_1044, %add3A_1046 : vector<16xi32>
      %convert_element_type3A_1048 = arith.extui %eq3A_992 : vector<16xi1> to vector<16xi32>
      %reduce_sum3A_1049 = arith.constant true
      %reduce_sum3A_1050 = vector.broadcast %reduce_sum3A_1049 : i1 to vector<16xi1>
      %reduce_sum3A_1051 = tpu.scan <sum>, %convert_element_type3A_1048 masked %reduce_sum3A_1050 : vector<16xi32>, vector<16xi1> -> vector<16xi32>
      %reduce_sum3A_1052 = vector.extract %reduce_sum3A_1051[15] : i32 from vector<16xi32>
      %add3A_1053 = arith.constant 0 : i32
      %add3A_1054 = arith.addi %add3A_1053, %reduce_sum3A_1052 : i32
      %le3A_1055 = vector.broadcast %min3A_1033 : i32 to vector<16xi32>
      %le3A_1056 = arith.cmpi sle, %add3A_1047, %le3A_1055 : vector<16xi32>
      %and3A_1057 = arith.andi %eq3A_992, %le3A_1056 : vector<16xi1>
      %or3A_1058 = arith.ori %gt3A_1040, %and3A_1057 : vector<16xi1>
      %sub3A_1059 = arith.constant 1.000000e+00 : f32
      %sub3A_1060 = vector.broadcast %sub3A_1059 : f32 to vector<16xf32>
      %sub3A_1061 = arith.subf %sub3A_1060, %get3A_1036 : vector<16xf32>
      %add3A_1062 = arith.constant 9.99999997E-7 : f32
      %add3A_1063 = vector.broadcast %add3A_1062 : f32 to vector<16xf32>
      %add3A_1064 = arith.addf %sub3A_1061, %add3A_1063 : vector<16xf32>
      %div3A_1065 = arith.constant 1.000000e+00 : f32
      %div3A_1066 = vector.broadcast %div3A_1065 : f32 to vector<16xf32>
      %div3A_1067 = arith.divf %div3A_1066, %add3A_1064 : vector<16xf32>
      %jit3A_1068 = arith.constant 0.000000e+00 : f32
      %broadcast_in_dim3A_1069 = vector.broadcast %jit3A_1068 : f32 to vector<16xf32>
      %select_n3A_1070 = arith.select %or3A_1058, %div3A_1067, %broadcast_in_dim3A_1069 : vector<16xi1>, vector<16xf32>
      %add3A_1071 = arith.addf %add3A_983, %select_n3A_1070 : vector<16xf32>
      %mul3A_1072 = arith.mulf %div3A_1067, %get3A_1038 : vector<16xf32>
      %jit3A_1073 = arith.constant 0.000000e+00 : f32
      %broadcast_in_dim3A_1074 = vector.broadcast %jit3A_1073 : f32 to vector<16xf32>
      %select_n3A_1075 = arith.select %or3A_1058, %mul3A_1072, %broadcast_in_dim3A_1074 : vector<16xi1>, vector<16xf32>
      %add3A_1076 = arith.addf %add3A_988, %select_n3A_1075 : vector<16xf32>
      %get3A_1077 = arith.constant 784 : index
      %get3A_1078 = tpu.vector_load %arg18[%get3A_1077] {strides = array<i32>} : memref<4096xf32, #tpu.memory_space<vmem>>, vector<16xf32>,
      %get3A_1079 = arith.constant 848 : index
      %get3A_1080 = tpu.vector_load %arg18[%get3A_1079] {strides = array<i32>} : memref<4096xf32, #tpu.memory_space<vmem>>, vector<16xf32>,
      %gt3A_1081 = vector.broadcast %while3A_364#1 : f32 to vector<16xf32>
      %gt3A_1082 = arith.cmpf ogt, %get3A_1078, %gt3A_1081 : vector<16xf32>
      %convert_element_type3A_1083 = arith.extui %eq3A_1003 : vector<16xi1> to vector<16xi32>
      %broadcast_in_dim3A_1084 = arith.constant true
      %broadcast_in_dim3A_1085 = vector.broadcast %broadcast_in_dim3A_1084 : i1 to vector<16xi1>
      %masked_cumsum3A_1086 = tpu.scan <sum>, %convert_element_type3A_1083 masked %broadcast_in_dim3A_1085 : vector<16xi32>, vector<16xi1> -> vector<16xi32>
      %add3A_1087 = vector.broadcast %add3A_1054 : i32 to vector<16xi32>
      %add3A_1088 = arith.addi %masked_cumsum3A_1086, %add3A_1087 : vector<16xi32>
      %convert_element_type3A_1089 = arith.extui %eq3A_1003 : vector<16xi1> to vector<16xi32>
      %reduce_sum3A_1090 = arith.constant true
      %reduce_sum3A_1091 = vector.broadcast %reduce_sum3A_1090 : i1 to vector<16xi1>
      %reduce_sum3A_1092 = tpu.scan <sum>, %convert_element_type3A_1089 masked %reduce_sum3A_1091 : vector<16xi32>, vector<16xi1> -> vector<16xi32>
      %reduce_sum3A_1093 = vector.extract %reduce_sum3A_1092[15] : i32 from vector<16xi32>
      %add3A_1094 = arith.addi %add3A_1054, %reduce_sum3A_1093 : i32
      %le3A_1095 = vector.broadcast %min3A_1033 : i32 to vector<16xi32>
      %le3A_1096 = arith.cmpi sle, %add3A_1088, %le3A_1095 : vector<16xi32>
      %and3A_1097 = arith.andi %eq3A_1003, %le3A_1096 : vector<16xi1>
      %or3A_1098 = arith.ori %gt3A_1082, %and3A_1097 : vector<16xi1>
      %sub3A_1099 = arith.constant 1.000000e+00 : f32
      %sub3A_1100 = vector.broadcast %sub3A_1099 : f32 to vector<16xf32>
      %sub3A_1101 = arith.subf %sub3A_1100, %get3A_1078 : vector<16xf32>
      %add3A_1102 = arith.constant 9.99999997E-7 : f32
      %add3A_1103 = vector.broadcast %add3A_1102 : f32 to vector<16xf32>
      %add3A_1104 = arith.addf %sub3A_1101, %add3A_1103 : vector<16xf32>
      %div3A_1105 = arith.constant 1.000000e+00 : f32
      %div3A_1106 = vector.broadcast %div3A_1105 : f32 to vector<16xf32>
      %div3A_1107 = arith.divf %div3A_1106, %add3A_1104 : vector<16xf32>
      %jit3A_1108 = arith.constant 0.000000e+00 : f32
      %broadcast_in_dim3A_1109 = vector.broadcast %jit3A_1108 : f32 to vector<16xf32>
      %select_n3A_1110 = arith.select %or3A_1098, %div3A_1107, %broadcast_in_dim3A_1109 : vector<16xi1>, vector<16xf32>
      %add3A_1111 = arith.addf %add3A_1071, %select_n3A_1110 : vector<16xf32>
      %mul3A_1112 = arith.mulf %div3A_1107, %get3A_1080 : vector<16xf32>
      %jit3A_1113 = arith.constant 0.000000e+00 : f32
      %broadcast_in_dim3A_1114 = vector.broadcast %jit3A_1113 : f32 to vector<16xf32>
      %select_n3A_1115 = arith.select %or3A_1098, %mul3A_1112, %broadcast_in_dim3A_1114 : vector<16xi1>, vector<16xf32>
      %add3A_1116 = arith.addf %add3A_1076, %select_n3A_1115 : vector<16xf32>
      %get3A_1117 = arith.constant 800 : index
      %get3A_1118 = tpu.vector_load %arg18[%get3A_1117] {strides = array<i32>} : memref<4096xf32, #tpu.memory_space<vmem>>, vector<16xf32>,
      %get3A_1119 = arith.constant 864 : index
      %get3A_1120 = tpu.vector_load %arg18[%get3A_1119] {strides = array<i32>} : memref<4096xf32, #tpu.memory_space<vmem>>, vector<16xf32>,
      %gt3A_1121 = vector.broadcast %while3A_364#1 : f32 to vector<16xf32>
      %gt3A_1122 = arith.cmpf ogt, %get3A_1118, %gt3A_1121 : vector<16xf32>
      %convert_element_type3A_1123 = arith.extui %eq3A_1013 : vector<16xi1> to vector<16xi32>
      %broadcast_in_dim3A_1124 = arith.constant true
      %broadcast_in_dim3A_1125 = vector.broadcast %broadcast_in_dim3A_1124 : i1 to vector<16xi1>
      %masked_cumsum3A_1126 = tpu.scan <sum>, %convert_element_type3A_1123 masked %broadcast_in_dim3A_1125 : vector<16xi32>, vector<16xi1> -> vector<16xi32>
      %add3A_1127 = vector.broadcast %add3A_1094 : i32 to vector<16xi32>
      %add3A_1128 = arith.addi %masked_cumsum3A_1126, %add3A_1127 : vector<16xi32>
      %convert_element_type3A_1129 = arith.extui %eq3A_1013 : vector<16xi1> to vector<16xi32>
      %reduce_sum3A_1130 = arith.constant true
      %reduce_sum3A_1131 = vector.broadcast %reduce_sum3A_1130 : i1 to vector<16xi1>
      %reduce_sum3A_1132 = tpu.scan <sum>, %convert_element_type3A_1129 masked %reduce_sum3A_1131 : vector<16xi32>, vector<16xi1> -> vector<16xi32>
      %reduce_sum3A_1133 = vector.extract %reduce_sum3A_1132[15] : i32 from vector<16xi32>
      %add3A_1134 = arith.addi %add3A_1094, %reduce_sum3A_1133 : i32
      %le3A_1135 = vector.broadcast %min3A_1033 : i32 to vector<16xi32>
      %le3A_1136 = arith.cmpi sle, %add3A_1128, %le3A_1135 : vector<16xi32>
      %and3A_1137 = arith.andi %eq3A_1013, %le3A_1136 : vector<16xi1>
      %or3A_1138 = arith.ori %gt3A_1122, %and3A_1137 : vector<16xi1>
      %sub3A_1139 = arith.constant 1.000000e+00 : f32
      %sub3A_1140 = vector.broadcast %sub3A_1139 : f32 to vector<16xf32>
      %sub3A_1141 = arith.subf %sub3A_1140, %get3A_1118 : vector<16xf32>
      %add3A_1142 = arith.constant 9.99999997E-7 : f32
      %add3A_1143 = vector.broadcast %add3A_1142 : f32 to vector<16xf32>
      %add3A_1144 = arith.addf %sub3A_1141, %add3A_1143 : vector<16xf32>
      %div3A_1145 = arith.constant 1.000000e+00 : f32
      %div3A_1146 = vector.broadcast %div3A_1145 : f32 to vector<16xf32>
      %div3A_1147 = arith.divf %div3A_1146, %add3A_1144 : vector<16xf32>
      %jit3A_1148 = arith.constant 0.000000e+00 : f32
      %broadcast_in_dim3A_1149 = vector.broadcast %jit3A_1148 : f32 to vector<16xf32>
      %select_n3A_1150 = arith.select %or3A_1138, %div3A_1147, %broadcast_in_dim3A_1149 : vector<16xi1>, vector<16xf32>
      %add3A_1151 = arith.addf %add3A_1111, %select_n3A_1150 : vector<16xf32>
      %mul3A_1152 = arith.mulf %div3A_1147, %get3A_1120 : vector<16xf32>
      %jit3A_1153 = arith.constant 0.000000e+00 : f32
      %broadcast_in_dim3A_1154 = vector.broadcast %jit3A_1153 : f32 to vector<16xf32>
      %select_n3A_1155 = arith.select %or3A_1138, %mul3A_1152, %broadcast_in_dim3A_1154 : vector<16xi1>, vector<16xf32>
      %add3A_1156 = arith.addf %add3A_1116, %select_n3A_1155 : vector<16xf32>
      %get3A_1157 = arith.constant 816 : index
      %get3A_1158 = tpu.vector_load %arg18[%get3A_1157] {strides = array<i32>} : memref<4096xf32, #tpu.memory_space<vmem>>, vector<16xf32>,
      %get3A_1159 = arith.constant 880 : index
      %get3A_1160 = tpu.vector_load %arg18[%get3A_1159] {strides = array<i32>} : memref<4096xf32, #tpu.memory_space<vmem>>, vector<16xf32>,
      %gt3A_1161 = vector.broadcast %while3A_364#1 : f32 to vector<16xf32>
      %gt3A_1162 = arith.cmpf ogt, %get3A_1158, %gt3A_1161 : vector<16xf32>
      %convert_element_type3A_1163 = arith.extui %eq3A_1023 : vector<16xi1> to vector<16xi32>
      %broadcast_in_dim3A_1164 = arith.constant true
      %broadcast_in_dim3A_1165 = vector.broadcast %broadcast_in_dim3A_1164 : i1 to vector<16xi1>
      %masked_cumsum3A_1166 = tpu.scan <sum>, %convert_element_type3A_1163 masked %broadcast_in_dim3A_1165 : vector<16xi32>, vector<16xi1> -> vector<16xi32>
      %add3A_1167 = vector.broadcast %add3A_1134 : i32 to vector<16xi32>
      %add3A_1168 = arith.addi %masked_cumsum3A_1166, %add3A_1167 : vector<16xi32>
      %convert_element_type3A_1169 = arith.extui %eq3A_1023 : vector<16xi1> to vector<16xi32>
      %reduce_sum3A_1170 = arith.constant true
      %reduce_sum3A_1171 = vector.broadcast %reduce_sum3A_1170 : i1 to vector<16xi1>
      %reduce_sum3A_1172 = tpu.scan <sum>, %convert_element_type3A_1169 masked %reduce_sum3A_1171 : vector<16xi32>, vector<16xi1> -> vector<16xi32>
      %reduce_sum3A_1173 = vector.extract %reduce_sum3A_1172[15] : i32 from vector<16xi32>
      %add3A_1174 = arith.addi %add3A_1134, %reduce_sum3A_1173 : i32
      %le3A_1175 = vector.broadcast %min3A_1033 : i32 to vector<16xi32>
      %le3A_1176 = arith.cmpi sle, %add3A_1168, %le3A_1175 : vector<16xi32>
      %and3A_1177 = arith.andi %eq3A_1023, %le3A_1176 : vector<16xi1>
      %or3A_1178 = arith.ori %gt3A_1162, %and3A_1177 : vector<16xi1>
      %sub3A_1179 = arith.constant 1.000000e+00 : f32
      %sub3A_1180 = vector.broadcast %sub3A_1179 : f32 to vector<16xf32>
      %sub3A_1181 = arith.subf %sub3A_1180, %get3A_1158 : vector<16xf32>
      %add3A_1182 = arith.constant 9.99999997E-7 : f32
      %add3A_1183 = vector.broadcast %add3A_1182 : f32 to vector<16xf32>
      %add3A_1184 = arith.addf %sub3A_1181, %add3A_1183 : vector<16xf32>
      %div3A_1185 = arith.constant 1.000000e+00 : f32
      %div3A_1186 = vector.broadcast %div3A_1185 : f32 to vector<16xf32>
      %div3A_1187 = arith.divf %div3A_1186, %add3A_1184 : vector<16xf32>
      %jit3A_1188 = arith.constant 0.000000e+00 : f32
      %broadcast_in_dim3A_1189 = vector.broadcast %jit3A_1188 : f32 to vector<16xf32>
      %select_n3A_1190 = arith.select %or3A_1178, %div3A_1187, %broadcast_in_dim3A_1189 : vector<16xi1>, vector<16xf32>
      %add3A_1191 = arith.addf %add3A_1151, %select_n3A_1190 : vector<16xf32>
      %mul3A_1192 = arith.mulf %div3A_1187, %get3A_1160 : vector<16xf32>
      %jit3A_1193 = arith.constant 0.000000e+00 : f32
      %broadcast_in_dim3A_1194 = vector.broadcast %jit3A_1193 : f32 to vector<16xf32>
      %select_n3A_1195 = arith.select %or3A_1178, %mul3A_1192, %broadcast_in_dim3A_1194 : vector<16xi1>, vector<16xf32>
      %add3A_1196 = arith.addf %add3A_1156, %select_n3A_1195 : vector<16xf32>
      %get3A_1197 = arith.constant 1024 : index
      %get3A_1198 = tpu.vector_load %arg18[%get3A_1197] {strides = array<i32>} : memref<4096xf32, #tpu.memory_space<vmem>>, vector<16xf32>,
      %eq3A_1199 = vector.broadcast %while3A_364#1 : f32 to vector<16xf32>
      %eq3A_1200 = arith.cmpf oeq, %get3A_1198, %eq3A_1199 : vector<16xf32>
      %convert_element_type3A_1201 = arith.extui %eq3A_1200 : vector<16xi1> to vector<16xi32>
      %reduce_sum3A_1202 = arith.constant true
      %reduce_sum3A_1203 = vector.broadcast %reduce_sum3A_1202 : i1 to vector<16xi1>
      %reduce_sum3A_1204 = tpu.scan <sum>, %convert_element_type3A_1201 masked %reduce_sum3A_1203 : vector<16xi32>, vector<16xi1> -> vector<16xi32>
      %reduce_sum3A_1205 = vector.extract %reduce_sum3A_1204[15] : i32 from vector<16xi32>
      %add3A_1206 = arith.constant 0 : i32
      %add3A_1207 = arith.addi %add3A_1206, %reduce_sum3A_1205 : i32
      %get3A_1208 = arith.constant 1040 : index
      %get3A_1209 = tpu.vector_load %arg18[%get3A_1208] {strides = array<i32>} : memref<4096xf32, #tpu.memory_space<vmem>>, vector<16xf32>,
      %eq3A_1210 = vector.broadcast %while3A_364#1 : f32 to vector<16xf32>
      %eq3A_1211 = arith.cmpf oeq, %get3A_1209, %eq3A_1210 : vector<16xf32>
      %convert_element_type3A_1212 = arith.extui %eq3A_1211 : vector<16xi1> to vector<16xi32>
      %reduce_sum3A_1213 = arith.constant true
      %reduce_sum3A_1214 = vector.broadcast %reduce_sum3A_1213 : i1 to vector<16xi1>
      %reduce_sum3A_1215 = tpu.scan <sum>, %convert_element_type3A_1212 masked %reduce_sum3A_1214 : vector<16xi32>, vector<16xi1> -> vector<16xi32>
      %reduce_sum3A_1216 = vector.extract %reduce_sum3A_1215[15] : i32 from vector<16xi32>
      %add3A_1217 = arith.addi %add3A_1207, %reduce_sum3A_1216 : i32
      %get3A_1218 = arith.constant 1056 : index
      %get3A_1219 = tpu.vector_load %arg18[%get3A_1218] {strides = array<i32>} : memref<4096xf32, #tpu.memory_space<vmem>>, vector<16xf32>,
      %eq3A_1220 = vector.broadcast %while3A_364#1 : f32 to vector<16xf32>
      %eq3A_1221 = arith.cmpf oeq, %get3A_1219, %eq3A_1220 : vector<16xf32>
      %convert_element_type3A_1222 = arith.extui %eq3A_1221 : vector<16xi1> to vector<16xi32>
      %reduce_sum3A_1223 = arith.constant true
      %reduce_sum3A_1224 = vector.broadcast %reduce_sum3A_1223 : i1 to vector<16xi1>
      %reduce_sum3A_1225 = tpu.scan <sum>, %convert_element_type3A_1222 masked %reduce_sum3A_1224 : vector<16xi32>, vector<16xi1> -> vector<16xi32>
      %reduce_sum3A_1226 = vector.extract %reduce_sum3A_1225[15] : i32 from vector<16xi32>
      %add3A_1227 = arith.addi %add3A_1217, %reduce_sum3A_1226 : i32
      %get3A_1228 = arith.constant 1072 : index
      %get3A_1229 = tpu.vector_load %arg18[%get3A_1228] {strides = array<i32>} : memref<4096xf32, #tpu.memory_space<vmem>>, vector<16xf32>,
      %eq3A_1230 = vector.broadcast %while3A_364#1 : f32 to vector<16xf32>
      %eq3A_1231 = arith.cmpf oeq, %get3A_1229, %eq3A_1230 : vector<16xf32>
      %convert_element_type3A_1232 = arith.extui %eq3A_1231 : vector<16xi1> to vector<16xi32>
      %reduce_sum3A_1233 = arith.constant true
      %reduce_sum3A_1234 = vector.broadcast %reduce_sum3A_1233 : i1 to vector<16xi1>
      %reduce_sum3A_1235 = tpu.scan <sum>, %convert_element_type3A_1232 masked %reduce_sum3A_1234 : vector<16xi32>, vector<16xi1> -> vector<16xi32>
      %reduce_sum3A_1236 = vector.extract %reduce_sum3A_1235[15] : i32 from vector<16xi32>
      %add3A_1237 = arith.addi %add3A_1227, %reduce_sum3A_1236 : i32
      %sub3A_1238 = arith.subi %sub3A_366, %add3A_1034 : i32
      %jit3A_1239 = arith.constant 0 : i32
      %max3A_1240 = arith.maxsi %jit3A_1239, %sub3A_1238 : i32
      %min3A_1241 = arith.minsi %add3A_1237, %max3A_1240 : i32
      %add3A_1242 = arith.addi %add3A_1034, %add3A_1237 : i32
      %get3A_1243 = arith.constant 1024 : index
      %get3A_1244 = tpu.vector_load %arg18[%get3A_1243] {strides = array<i32>} : memref<4096xf32, #tpu.memory_space<vmem>>, vector<16xf32>,
      %get3A_1245 = arith.constant 1088 : index
      %get3A_1246 = tpu.vector_load %arg18[%get3A_1245] {strides = array<i32>} : memref<4096xf32, #tpu.memory_space<vmem>>, vector<16xf32>,
      %gt3A_1247 = vector.broadcast %while3A_364#1 : f32 to vector<16xf32>
      %gt3A_1248 = arith.cmpf ogt, %get3A_1244, %gt3A_1247 : vector<16xf32>
      %convert_element_type3A_1249 = arith.extui %eq3A_1200 : vector<16xi1> to vector<16xi32>
      %broadcast_in_dim3A_1250 = arith.constant true
      %broadcast_in_dim3A_1251 = vector.broadcast %broadcast_in_dim3A_1250 : i1 to vector<16xi1>
      %masked_cumsum3A_1252 = tpu.scan <sum>, %convert_element_type3A_1249 masked %broadcast_in_dim3A_1251 : vector<16xi32>, vector<16xi1> -> vector<16xi32>
      %add3A_1253 = arith.constant 0 : i32
      %add3A_1254 = vector.broadcast %add3A_1253 : i32 to vector<16xi32>
      %add3A_1255 = arith.addi %masked_cumsum3A_1252, %add3A_1254 : vector<16xi32>
      %convert_element_type3A_1256 = arith.extui %eq3A_1200 : vector<16xi1> to vector<16xi32>
      %reduce_sum3A_1257 = arith.constant true
      %reduce_sum3A_1258 = vector.broadcast %reduce_sum3A_1257 : i1 to vector<16xi1>
      %reduce_sum3A_1259 = tpu.scan <sum>, %convert_element_type3A_1256 masked %reduce_sum3A_1258 : vector<16xi32>, vector<16xi1> -> vector<16xi32>
      %reduce_sum3A_1260 = vector.extract %reduce_sum3A_1259[15] : i32 from vector<16xi32>
      %add3A_1261 = arith.constant 0 : i32
      %add3A_1262 = arith.addi %add3A_1261, %reduce_sum3A_1260 : i32
      %le3A_1263 = vector.broadcast %min3A_1241 : i32 to vector<16xi32>
      %le3A_1264 = arith.cmpi sle, %add3A_1255, %le3A_1263 : vector<16xi32>
      %and3A_1265 = arith.andi %eq3A_1200, %le3A_1264 : vector<16xi1>
      %or3A_1266 = arith.ori %gt3A_1248, %and3A_1265 : vector<16xi1>
      %sub3A_1267 = arith.constant 1.000000e+00 : f32
      %sub3A_1268 = vector.broadcast %sub3A_1267 : f32 to vector<16xf32>
      %sub3A_1269 = arith.subf %sub3A_1268, %get3A_1244 : vector<16xf32>
      %add3A_1270 = arith.constant 9.99999997E-7 : f32
      %add3A_1271 = vector.broadcast %add3A_1270 : f32 to vector<16xf32>
      %add3A_1272 = arith.addf %sub3A_1269, %add3A_1271 : vector<16xf32>
      %div3A_1273 = arith.constant 1.000000e+00 : f32
      %div3A_1274 = vector.broadcast %div3A_1273 : f32 to vector<16xf32>
      %div3A_1275 = arith.divf %div3A_1274, %add3A_1272 : vector<16xf32>
      %jit3A_1276 = arith.constant 0.000000e+00 : f32
      %broadcast_in_dim3A_1277 = vector.broadcast %jit3A_1276 : f32 to vector<16xf32>
      %select_n3A_1278 = arith.select %or3A_1266, %div3A_1275, %broadcast_in_dim3A_1277 : vector<16xi1>, vector<16xf32>
      %add3A_1279 = arith.addf %add3A_1191, %select_n3A_1278 : vector<16xf32>
      %mul3A_1280 = arith.mulf %div3A_1275, %get3A_1246 : vector<16xf32>
      %jit3A_1281 = arith.constant 0.000000e+00 : f32
      %broadcast_in_dim3A_1282 = vector.broadcast %jit3A_1281 : f32 to vector<16xf32>
      %select_n3A_1283 = arith.select %or3A_1266, %mul3A_1280, %broadcast_in_dim3A_1282 : vector<16xi1>, vector<16xf32>
      %add3A_1284 = arith.addf %add3A_1196, %select_n3A_1283 : vector<16xf32>
      %get3A_1285 = arith.constant 1040 : index
      %get3A_1286 = tpu.vector_load %arg18[%get3A_1285] {strides = array<i32>} : memref<4096xf32, #tpu.memory_space<vmem>>, vector<16xf32>,
      %get3A_1287 = arith.constant 1104 : index
      %get3A_1288 = tpu.vector_load %arg18[%get3A_1287] {strides = array<i32>} : memref<4096xf32, #tpu.memory_space<vmem>>, vector<16xf32>,
      %gt3A_1289 = vector.broadcast %while3A_364#1 : f32 to vector<16xf32>
      %gt3A_1290 = arith.cmpf ogt, %get3A_1286, %gt3A_1289 : vector<16xf32>
      %convert_element_type3A_1291 = arith.extui %eq3A_1211 : vector<16xi1> to vector<16xi32>
      %broadcast_in_dim3A_1292 = arith.constant true
      %broadcast_in_dim3A_1293 = vector.broadcast %broadcast_in_dim3A_1292 : i1 to vector<16xi1>
      %masked_cumsum3A_1294 = tpu.scan <sum>, %convert_element_type3A_1291 masked %broadcast_in_dim3A_1293 : vector<16xi32>, vector<16xi1> -> vector<16xi32>
      %add3A_1295 = vector.broadcast %add3A_1262 : i32 to vector<16xi32>
      %add3A_1296 = arith.addi %masked_cumsum3A_1294, %add3A_1295 : vector<16xi32>
      %convert_element_type3A_1297 = arith.extui %eq3A_1211 : vector<16xi1> to vector<16xi32>
      %reduce_sum3A_1298 = arith.constant true
      %reduce_sum3A_1299 = vector.broadcast %reduce_sum3A_1298 : i1 to vector<16xi1>
      %reduce_sum3A_1300 = tpu.scan <sum>, %convert_element_type3A_1297 masked %reduce_sum3A_1299 : vector<16xi32>, vector<16xi1> -> vector<16xi32>
      %reduce_sum3A_1301 = vector.extract %reduce_sum3A_1300[15] : i32 from vector<16xi32>
      %add3A_1302 = arith.addi %add3A_1262, %reduce_sum3A_1301 : i32
      %le3A_1303 = vector.broadcast %min3A_1241 : i32 to vector<16xi32>
      %le3A_1304 = arith.cmpi sle, %add3A_1296, %le3A_1303 : vector<16xi32>
      %and3A_1305 = arith.andi %eq3A_1211, %le3A_1304 : vector<16xi1>
      %or3A_1306 = arith.ori %gt3A_1290, %and3A_1305 : vector<16xi1>
      %sub3A_1307 = arith.constant 1.000000e+00 : f32
      %sub3A_1308 = vector.broadcast %sub3A_1307 : f32 to vector<16xf32>
      %sub3A_1309 = arith.subf %sub3A_1308, %get3A_1286 : vector<16xf32>
      %add3A_1310 = arith.constant 9.99999997E-7 : f32
      %add3A_1311 = vector.broadcast %add3A_1310 : f32 to vector<16xf32>
      %add3A_1312 = arith.addf %sub3A_1309, %add3A_1311 : vector<16xf32>
      %div3A_1313 = arith.constant 1.000000e+00 : f32
      %div3A_1314 = vector.broadcast %div3A_1313 : f32 to vector<16xf32>
      %div3A_1315 = arith.divf %div3A_1314, %add3A_1312 : vector<16xf32>
      %jit3A_1316 = arith.constant 0.000000e+00 : f32
      %broadcast_in_dim3A_1317 = vector.broadcast %jit3A_1316 : f32 to vector<16xf32>
      %select_n3A_1318 = arith.select %or3A_1306, %div3A_1315, %broadcast_in_dim3A_1317 : vector<16xi1>, vector<16xf32>
      %add3A_1319 = arith.addf %add3A_1279, %select_n3A_1318 : vector<16xf32>
      %mul3A_1320 = arith.mulf %div3A_1315, %get3A_1288 : vector<16xf32>
      %jit3A_1321 = arith.constant 0.000000e+00 : f32
      %broadcast_in_dim3A_1322 = vector.broadcast %jit3A_1321 : f32 to vector<16xf32>
      %select_n3A_1323 = arith.select %or3A_1306, %mul3A_1320, %broadcast_in_dim3A_1322 : vector<16xi1>, vector<16xf32>
      %add3A_1324 = arith.addf %add3A_1284, %select_n3A_1323 : vector<16xf32>
      %get3A_1325 = arith.constant 1056 : index
      %get3A_1326 = tpu.vector_load %arg18[%get3A_1325] {strides = array<i32>} : memref<4096xf32, #tpu.memory_space<vmem>>, vector<16xf32>,
      %get3A_1327 = arith.constant 1120 : index
      %get3A_1328 = tpu.vector_load %arg18[%get3A_1327] {strides = array<i32>} : memref<4096xf32, #tpu.memory_space<vmem>>, vector<16xf32>,
      %gt3A_1329 = vector.broadcast %while3A_364#1 : f32 to vector<16xf32>
      %gt3A_1330 = arith.cmpf ogt, %get3A_1326, %gt3A_1329 : vector<16xf32>
      %convert_element_type3A_1331 = arith.extui %eq3A_1221 : vector<16xi1> to vector<16xi32>
      %broadcast_in_dim3A_1332 = arith.constant true
      %broadcast_in_dim3A_1333 = vector.broadcast %broadcast_in_dim3A_1332 : i1 to vector<16xi1>
      %masked_cumsum3A_1334 = tpu.scan <sum>, %convert_element_type3A_1331 masked %broadcast_in_dim3A_1333 : vector<16xi32>, vector<16xi1> -> vector<16xi32>
      %add3A_1335 = vector.broadcast %add3A_1302 : i32 to vector<16xi32>
      %add3A_1336 = arith.addi %masked_cumsum3A_1334, %add3A_1335 : vector<16xi32>
      %convert_element_type3A_1337 = arith.extui %eq3A_1221 : vector<16xi1> to vector<16xi32>
      %reduce_sum3A_1338 = arith.constant true
      %reduce_sum3A_1339 = vector.broadcast %reduce_sum3A_1338 : i1 to vector<16xi1>
      %reduce_sum3A_1340 = tpu.scan <sum>, %convert_element_type3A_1337 masked %reduce_sum3A_1339 : vector<16xi32>, vector<16xi1> -> vector<16xi32>
      %reduce_sum3A_1341 = vector.extract %reduce_sum3A_1340[15] : i32 from vector<16xi32>
      %add3A_1342 = arith.addi %add3A_1302, %reduce_sum3A_1341 : i32
      %le3A_1343 = vector.broadcast %min3A_1241 : i32 to vector<16xi32>
      %le3A_1344 = arith.cmpi sle, %add3A_1336, %le3A_1343 : vector<16xi32>
      %and3A_1345 = arith.andi %eq3A_1221, %le3A_1344 : vector<16xi1>
      %or3A_1346 = arith.ori %gt3A_1330, %and3A_1345 : vector<16xi1>
      %sub3A_1347 = arith.constant 1.000000e+00 : f32
      %sub3A_1348 = vector.broadcast %sub3A_1347 : f32 to vector<16xf32>
      %sub3A_1349 = arith.subf %sub3A_1348, %get3A_1326 : vector<16xf32>
      %add3A_1350 = arith.constant 9.99999997E-7 : f32
      %add3A_1351 = vector.broadcast %add3A_1350 : f32 to vector<16xf32>
      %add3A_1352 = arith.addf %sub3A_1349, %add3A_1351 : vector<16xf32>
      %div3A_1353 = arith.constant 1.000000e+00 : f32
      %div3A_1354 = vector.broadcast %div3A_1353 : f32 to vector<16xf32>
      %div3A_1355 = arith.divf %div3A_1354, %add3A_1352 : vector<16xf32>
      %jit3A_1356 = arith.constant 0.000000e+00 : f32
      %broadcast_in_dim3A_1357 = vector.broadcast %jit3A_1356 : f32 to vector<16xf32>
      %select_n3A_1358 = arith.select %or3A_1346, %div3A_1355, %broadcast_in_dim3A_1357 : vector<16xi1>, vector<16xf32>
      %add3A_1359 = arith.addf %add3A_1319, %select_n3A_1358 : vector<16xf32>
      %mul3A_1360 = arith.mulf %div3A_1355, %get3A_1328 : vector<16xf32>
      %jit3A_1361 = arith.constant 0.000000e+00 : f32
      %broadcast_in_dim3A_1362 = vector.broadcast %jit3A_1361 : f32 to vector<16xf32>
      %select_n3A_1363 = arith.select %or3A_1346, %mul3A_1360, %broadcast_in_dim3A_1362 : vector<16xi1>, vector<16xf32>
      %add3A_1364 = arith.addf %add3A_1324, %select_n3A_1363 : vector<16xf32>
      %get3A_1365 = arith.constant 1072 : index
      %get3A_1366 = tpu.vector_load %arg18[%get3A_1365] {strides = array<i32>} : memref<4096xf32, #tpu.memory_space<vmem>>, vector<16xf32>,
      %get3A_1367 = arith.constant 1136 : index
      %get3A_1368 = tpu.vector_load %arg18[%get3A_1367] {strides = array<i32>} : memref<4096xf32, #tpu.memory_space<vmem>>, vector<16xf32>,
      %gt3A_1369 = vector.broadcast %while3A_364#1 : f32 to vector<16xf32>
      %gt3A_1370 = arith.cmpf ogt, %get3A_1366, %gt3A_1369 : vector<16xf32>
      %convert_element_type3A_1371 = arith.extui %eq3A_1231 : vector<16xi1> to vector<16xi32>
      %broadcast_in_dim3A_1372 = arith.constant true
      %broadcast_in_dim3A_1373 = vector.broadcast %broadcast_in_dim3A_1372 : i1 to vector<16xi1>
      %masked_cumsum3A_1374 = tpu.scan <sum>, %convert_element_type3A_1371 masked %broadcast_in_dim3A_1373 : vector<16xi32>, vector<16xi1> -> vector<16xi32>
      %add3A_1375 = vector.broadcast %add3A_1342 : i32 to vector<16xi32>
      %add3A_1376 = arith.addi %masked_cumsum3A_1374, %add3A_1375 : vector<16xi32>
      %convert_element_type3A_1377 = arith.extui %eq3A_1231 : vector<16xi1> to vector<16xi32>
      %reduce_sum3A_1378 = arith.constant true
      %reduce_sum3A_1379 = vector.broadcast %reduce_sum3A_1378 : i1 to vector<16xi1>
      %reduce_sum3A_1380 = tpu.scan <sum>, %convert_element_type3A_1377 masked %reduce_sum3A_1379 : vector<16xi32>, vector<16xi1> -> vector<16xi32>
      %reduce_sum3A_1381 = vector.extract %reduce_sum3A_1380[15] : i32 from vector<16xi32>
      %add3A_1382 = arith.addi %add3A_1342, %reduce_sum3A_1381 : i32
      %le3A_1383 = vector.broadcast %min3A_1241 : i32 to vector<16xi32>
      %le3A_1384 = arith.cmpi sle, %add3A_1376, %le3A_1383 : vector<16xi32>
      %and3A_1385 = arith.andi %eq3A_1231, %le3A_1384 : vector<16xi1>
      %or3A_1386 = arith.ori %gt3A_1370, %and3A_1385 : vector<16xi1>
      %sub3A_1387 = arith.constant 1.000000e+00 : f32
      %sub3A_1388 = vector.broadcast %sub3A_1387 : f32 to vector<16xf32>
      %sub3A_1389 = arith.subf %sub3A_1388, %get3A_1366 : vector<16xf32>
      %add3A_1390 = arith.constant 9.99999997E-7 : f32
      %add3A_1391 = vector.broadcast %add3A_1390 : f32 to vector<16xf32>
      %add3A_1392 = arith.addf %sub3A_1389, %add3A_1391 : vector<16xf32>
      %div3A_1393 = arith.constant 1.000000e+00 : f32
      %div3A_1394 = vector.broadcast %div3A_1393 : f32 to vector<16xf32>
      %div3A_1395 = arith.divf %div3A_1394, %add3A_1392 : vector<16xf32>
      %jit3A_1396 = arith.constant 0.000000e+00 : f32
      %broadcast_in_dim3A_1397 = vector.broadcast %jit3A_1396 : f32 to vector<16xf32>
      %select_n3A_1398 = arith.select %or3A_1386, %div3A_1395, %broadcast_in_dim3A_1397 : vector<16xi1>, vector<16xf32>
      %add3A_1399 = arith.addf %add3A_1359, %select_n3A_1398 : vector<16xf32>
      %mul3A_1400 = arith.mulf %div3A_1395, %get3A_1368 : vector<16xf32>
      %jit3A_1401 = arith.constant 0.000000e+00 : f32
      %broadcast_in_dim3A_1402 = vector.broadcast %jit3A_1401 : f32 to vector<16xf32>
      %select_n3A_1403 = arith.select %or3A_1386, %mul3A_1400, %broadcast_in_dim3A_1402 : vector<16xi1>, vector<16xf32>
      %add3A_1404 = arith.addf %add3A_1364, %select_n3A_1403 : vector<16xf32>
      %get3A_1405 = arith.constant 1280 : index
      %get3A_1406 = tpu.vector_load %arg18[%get3A_1405] {strides = array<i32>} : memref<4096xf32, #tpu.memory_space<vmem>>, vector<16xf32>,
      %eq3A_1407 = vector.broadcast %while3A_364#1 : f32 to vector<16xf32>
      %eq3A_1408 = arith.cmpf oeq, %get3A_1406, %eq3A_1407 : vector<16xf32>
      %convert_element_type3A_1409 = arith.extui %eq3A_1408 : vector<16xi1> to vector<16xi32>
      %reduce_sum3A_1410 = arith.constant true
      %reduce_sum3A_1411 = vector.broadcast %reduce_sum3A_1410 : i1 to vector<16xi1>
      %reduce_sum3A_1412 = tpu.scan <sum>, %convert_element_type3A_1409 masked %reduce_sum3A_1411 : vector<16xi32>, vector<16xi1> -> vector<16xi32>
      %reduce_sum3A_1413 = vector.extract %reduce_sum3A_1412[15] : i32 from vector<16xi32>
      %add3A_1414 = arith.constant 0 : i32
      %add3A_1415 = arith.addi %add3A_1414, %reduce_sum3A_1413 : i32
      %get3A_1416 = arith.constant 1296 : index
      %get3A_1417 = tpu.vector_load %arg18[%get3A_1416] {strides = array<i32>} : memref<4096xf32, #tpu.memory_space<vmem>>, vector<16xf32>,
      %eq3A_1418 = vector.broadcast %while3A_364#1 : f32 to vector<16xf32>
      %eq3A_1419 = arith.cmpf oeq, %get3A_1417, %eq3A_1418 : vector<16xf32>
      %convert_element_type3A_1420 = arith.extui %eq3A_1419 : vector<16xi1> to vector<16xi32>
      %reduce_sum3A_1421 = arith.constant true
      %reduce_sum3A_1422 = vector.broadcast %reduce_sum3A_1421 : i1 to vector<16xi1>
      %reduce_sum3A_1423 = tpu.scan <sum>, %convert_element_type3A_1420 masked %reduce_sum3A_1422 : vector<16xi32>, vector<16xi1> -> vector<16xi32>
      %reduce_sum3A_1424 = vector.extract %reduce_sum3A_1423[15] : i32 from vector<16xi32>
      %add3A_1425 = arith.addi %add3A_1415, %reduce_sum3A_1424 : i32
      %get3A_1426 = arith.constant 1312 : index
      %get3A_1427 = tpu.vector_load %arg18[%get3A_1426] {strides = array<i32>} : memref<4096xf32, #tpu.memory_space<vmem>>, vector<16xf32>,
      %eq3A_1428 = vector.broadcast %while3A_364#1 : f32 to vector<16xf32>
      %eq3A_1429 = arith.cmpf oeq, %get3A_1427, %eq3A_1428 : vector<16xf32>
      %convert_element_type3A_1430 = arith.extui %eq3A_1429 : vector<16xi1> to vector<16xi32>
      %reduce_sum3A_1431 = arith.constant true
      %reduce_sum3A_1432 = vector.broadcast %reduce_sum3A_1431 : i1 to vector<16xi1>
      %reduce_sum3A_1433 = tpu.scan <sum>, %convert_element_type3A_1430 masked %reduce_sum3A_1432 : vector<16xi32>, vector<16xi1> -> vector<16xi32>
      %reduce_sum3A_1434 = vector.extract %reduce_sum3A_1433[15] : i32 from vector<16xi32>
      %add3A_1435 = arith.addi %add3A_1425, %reduce_sum3A_1434 : i32
      %get3A_1436 = arith.constant 1328 : index
      %get3A_1437 = tpu.vector_load %arg18[%get3A_1436] {strides = array<i32>} : memref<4096xf32, #tpu.memory_space<vmem>>, vector<16xf32>,
      %eq3A_1438 = vector.broadcast %while3A_364#1 : f32 to vector<16xf32>
      %eq3A_1439 = arith.cmpf oeq, %get3A_1437, %eq3A_1438 : vector<16xf32>
      %convert_element_type3A_1440 = arith.extui %eq3A_1439 : vector<16xi1> to vector<16xi32>
      %reduce_sum3A_1441 = arith.constant true
      %reduce_sum3A_1442 = vector.broadcast %reduce_sum3A_1441 : i1 to vector<16xi1>
      %reduce_sum3A_1443 = tpu.scan <sum>, %convert_element_type3A_1440 masked %reduce_sum3A_1442 : vector<16xi32>, vector<16xi1> -> vector<16xi32>
      %reduce_sum3A_1444 = vector.extract %reduce_sum3A_1443[15] : i32 from vector<16xi32>
      %add3A_1445 = arith.addi %add3A_1435, %reduce_sum3A_1444 : i32
      %sub3A_1446 = arith.subi %sub3A_366, %add3A_1242 : i32
      %jit3A_1447 = arith.constant 0 : i32
      %max3A_1448 = arith.maxsi %jit3A_1447, %sub3A_1446 : i32
      %min3A_1449 = arith.minsi %add3A_1445, %max3A_1448 : i32
      %add3A_1450 = arith.addi %add3A_1242, %add3A_1445 : i32
      %get3A_1451 = arith.constant 1280 : index
      %get3A_1452 = tpu.vector_load %arg18[%get3A_1451] {strides = array<i32>} : memref<4096xf32, #tpu.memory_space<vmem>>, vector<16xf32>,
      %get3A_1453 = arith.constant 1344 : index
      %get3A_1454 = tpu.vector_load %arg18[%get3A_1453] {strides = array<i32>} : memref<4096xf32, #tpu.memory_space<vmem>>, vector<16xf32>,
      %gt3A_1455 = vector.broadcast %while3A_364#1 : f32 to vector<16xf32>
      %gt3A_1456 = arith.cmpf ogt, %get3A_1452, %gt3A_1455 : vector<16xf32>
      %convert_element_type3A_1457 = arith.extui %eq3A_1408 : vector<16xi1> to vector<16xi32>
      %broadcast_in_dim3A_1458 = arith.constant true
      %broadcast_in_dim3A_1459 = vector.broadcast %broadcast_in_dim3A_1458 : i1 to vector<16xi1>
      %masked_cumsum3A_1460 = tpu.scan <sum>, %convert_element_type3A_1457 masked %broadcast_in_dim3A_1459 : vector<16xi32>, vector<16xi1> -> vector<16xi32>
      %add3A_1461 = arith.constant 0 : i32
      %add3A_1462 = vector.broadcast %add3A_1461 : i32 to vector<16xi32>
      %add3A_1463 = arith.addi %masked_cumsum3A_1460, %add3A_1462 : vector<16xi32>
      %convert_element_type3A_1464 = arith.extui %eq3A_1408 : vector<16xi1> to vector<16xi32>
      %reduce_sum3A_1465 = arith.constant true
      %reduce_sum3A_1466 = vector.broadcast %reduce_sum3A_1465 : i1 to vector<16xi1>
      %reduce_sum3A_1467 = tpu.scan <sum>, %convert_element_type3A_1464 masked %reduce_sum3A_1466 : vector<16xi32>, vector<16xi1> -> vector<16xi32>
      %reduce_sum3A_1468 = vector.extract %reduce_sum3A_1467[15] : i32 from vector<16xi32>
      %add3A_1469 = arith.constant 0 : i32
      %add3A_1470 = arith.addi %add3A_1469, %reduce_sum3A_1468 : i32
      %le3A_1471 = vector.broadcast %min3A_1449 : i32 to vector<16xi32>
      %le3A_1472 = arith.cmpi sle, %add3A_1463, %le3A_1471 : vector<16xi32>
      %and3A_1473 = arith.andi %eq3A_1408, %le3A_1472 : vector<16xi1>
      %or3A_1474 = arith.ori %gt3A_1456, %and3A_1473 : vector<16xi1>
      %sub3A_1475 = arith.constant 1.000000e+00 : f32
      %sub3A_1476 = vector.broadcast %sub3A_1475 : f32 to vector<16xf32>
      %sub3A_1477 = arith.subf %sub3A_1476, %get3A_1452 : vector<16xf32>
      %add3A_1478 = arith.constant 9.99999997E-7 : f32
      %add3A_1479 = vector.broadcast %add3A_1478 : f32 to vector<16xf32>
      %add3A_1480 = arith.addf %sub3A_1477, %add3A_1479 : vector<16xf32>
      %div3A_1481 = arith.constant 1.000000e+00 : f32
      %div3A_1482 = vector.broadcast %div3A_1481 : f32 to vector<16xf32>
      %div3A_1483 = arith.divf %div3A_1482, %add3A_1480 : vector<16xf32>
      %jit3A_1484 = arith.constant 0.000000e+00 : f32
      %broadcast_in_dim3A_1485 = vector.broadcast %jit3A_1484 : f32 to vector<16xf32>
      %select_n3A_1486 = arith.select %or3A_1474, %div3A_1483, %broadcast_in_dim3A_1485 : vector<16xi1>, vector<16xf32>
      %add3A_1487 = arith.addf %add3A_1399, %select_n3A_1486 : vector<16xf32>
      %mul3A_1488 = arith.mulf %div3A_1483, %get3A_1454 : vector<16xf32>
      %jit3A_1489 = arith.constant 0.000000e+00 : f32
      %broadcast_in_dim3A_1490 = vector.broadcast %jit3A_1489 : f32 to vector<16xf32>
      %select_n3A_1491 = arith.select %or3A_1474, %mul3A_1488, %broadcast_in_dim3A_1490 : vector<16xi1>, vector<16xf32>
      %add3A_1492 = arith.addf %add3A_1404, %select_n3A_1491 : vector<16xf32>
      %get3A_1493 = arith.constant 1296 : index
      %get3A_1494 = tpu.vector_load %arg18[%get3A_1493] {strides = array<i32>} : memref<4096xf32, #tpu.memory_space<vmem>>, vector<16xf32>,
      %get3A_1495 = arith.constant 1360 : index
      %get3A_1496 = tpu.vector_load %arg18[%get3A_1495] {strides = array<i32>} : memref<4096xf32, #tpu.memory_space<vmem>>, vector<16xf32>,
      %gt3A_1497 = vector.broadcast %while3A_364#1 : f32 to vector<16xf32>
      %gt3A_1498 = arith.cmpf ogt, %get3A_1494, %gt3A_1497 : vector<16xf32>
      %convert_element_type3A_1499 = arith.extui %eq3A_1419 : vector<16xi1> to vector<16xi32>
      %broadcast_in_dim3A_1500 = arith.constant true
      %broadcast_in_dim3A_1501 = vector.broadcast %broadcast_in_dim3A_1500 : i1 to vector<16xi1>
      %masked_cumsum3A_1502 = tpu.scan <sum>, %convert_element_type3A_1499 masked %broadcast_in_dim3A_1501 : vector<16xi32>, vector<16xi1> -> vector<16xi32>
      %add3A_1503 = vector.broadcast %add3A_1470 : i32 to vector<16xi32>
      %add3A_1504 = arith.addi %masked_cumsum3A_1502, %add3A_1503 : vector<16xi32>
      %convert_element_type3A_1505 = arith.extui %eq3A_1419 : vector<16xi1> to vector<16xi32>
      %reduce_sum3A_1506 = arith.constant true
      %reduce_sum3A_1507 = vector.broadcast %reduce_sum3A_1506 : i1 to vector<16xi1>
      %reduce_sum3A_1508 = tpu.scan <sum>, %convert_element_type3A_1505 masked %reduce_sum3A_1507 : vector<16xi32>, vector<16xi1> -> vector<16xi32>
      %reduce_sum3A_1509 = vector.extract %reduce_sum3A_1508[15] : i32 from vector<16xi32>
      %add3A_1510 = arith.addi %add3A_1470, %reduce_sum3A_1509 : i32
      %le3A_1511 = vector.broadcast %min3A_1449 : i32 to vector<16xi32>
      %le3A_1512 = arith.cmpi sle, %add3A_1504, %le3A_1511 : vector<16xi32>
      %and3A_1513 = arith.andi %eq3A_1419, %le3A_1512 : vector<16xi1>
      %or3A_1514 = arith.ori %gt3A_1498, %and3A_1513 : vector<16xi1>
      %sub3A_1515 = arith.constant 1.000000e+00 : f32
      %sub3A_1516 = vector.broadcast %sub3A_1515 : f32 to vector<16xf32>
      %sub3A_1517 = arith.subf %sub3A_1516, %get3A_1494 : vector<16xf32>
      %add3A_1518 = arith.constant 9.99999997E-7 : f32
      %add3A_1519 = vector.broadcast %add3A_1518 : f32 to vector<16xf32>
      %add3A_1520 = arith.addf %sub3A_1517, %add3A_1519 : vector<16xf32>
      %div3A_1521 = arith.constant 1.000000e+00 : f32
      %div3A_1522 = vector.broadcast %div3A_1521 : f32 to vector<16xf32>
      %div3A_1523 = arith.divf %div3A_1522, %add3A_1520 : vector<16xf32>
      %jit3A_1524 = arith.constant 0.000000e+00 : f32
      %broadcast_in_dim3A_1525 = vector.broadcast %jit3A_1524 : f32 to vector<16xf32>
      %select_n3A_1526 = arith.select %or3A_1514, %div3A_1523, %broadcast_in_dim3A_1525 : vector<16xi1>, vector<16xf32>
      %add3A_1527 = arith.addf %add3A_1487, %select_n3A_1526 : vector<16xf32>
      %mul3A_1528 = arith.mulf %div3A_1523, %get3A_1496 : vector<16xf32>
      %jit3A_1529 = arith.constant 0.000000e+00 : f32
      %broadcast_in_dim3A_1530 = vector.broadcast %jit3A_1529 : f32 to vector<16xf32>
      %select_n3A_1531 = arith.select %or3A_1514, %mul3A_1528, %broadcast_in_dim3A_1530 : vector<16xi1>, vector<16xf32>
      %add3A_1532 = arith.addf %add3A_1492, %select_n3A_1531 : vector<16xf32>
      %get3A_1533 = arith.constant 1312 : index
      %get3A_1534 = tpu.vector_load %arg18[%get3A_1533] {strides = array<i32>} : memref<4096xf32, #tpu.memory_space<vmem>>, vector<16xf32>,
      %get3A_1535 = arith.constant 1376 : index
      %get3A_1536 = tpu.vector_load %arg18[%get3A_1535] {strides = array<i32>} : memref<4096xf32, #tpu.memory_space<vmem>>, vector<16xf32>,
      %gt3A_1537 = vector.broadcast %while3A_364#1 : f32 to vector<16xf32>
      %gt3A_1538 = arith.cmpf ogt, %get3A_1534, %gt3A_1537 : vector<16xf32>
      %convert_element_type3A_1539 = arith.extui %eq3A_1429 : vector<16xi1> to vector<16xi32>
      %broadcast_in_dim3A_1540 = arith.constant true
      %broadcast_in_dim3A_1541 = vector.broadcast %broadcast_in_dim3A_1540 : i1 to vector<16xi1>
      %masked_cumsum3A_1542 = tpu.scan <sum>, %convert_element_type3A_1539 masked %broadcast_in_dim3A_1541 : vector<16xi32>, vector<16xi1> -> vector<16xi32>
      %add3A_1543 = vector.broadcast %add3A_1510 : i32 to vector<16xi32>
      %add3A_1544 = arith.addi %masked_cumsum3A_1542, %add3A_1543 : vector<16xi32>
      %convert_element_type3A_1545 = arith.extui %eq3A_1429 : vector<16xi1> to vector<16xi32>
      %reduce_sum3A_1546 = arith.constant true
      %reduce_sum3A_1547 = vector.broadcast %reduce_sum3A_1546 : i1 to vector<16xi1>
      %reduce_sum3A_1548 = tpu.scan <sum>, %convert_element_type3A_1545 masked %reduce_sum3A_1547 : vector<16xi32>, vector<16xi1> -> vector<16xi32>
      %reduce_sum3A_1549 = vector.extract %reduce_sum3A_1548[15] : i32 from vector<16xi32>
      %add3A_1550 = arith.addi %add3A_1510, %reduce_sum3A_1549 : i32
      %le3A_1551 = vector.broadcast %min3A_1449 : i32 to vector<16xi32>
      %le3A_1552 = arith.cmpi sle, %add3A_1544, %le3A_1551 : vector<16xi32>
      %and3A_1553 = arith.andi %eq3A_1429, %le3A_1552 : vector<16xi1>
      %or3A_1554 = arith.ori %gt3A_1538, %and3A_1553 : vector<16xi1>
      %sub3A_1555 = arith.constant 1.000000e+00 : f32
      %sub3A_1556 = vector.broadcast %sub3A_1555 : f32 to vector<16xf32>
      %sub3A_1557 = arith.subf %sub3A_1556, %get3A_1534 : vector<16xf32>
      %add3A_1558 = arith.constant 9.99999997E-7 : f32
      %add3A_1559 = vector.broadcast %add3A_1558 : f32 to vector<16xf32>
      %add3A_1560 = arith.addf %sub3A_1557, %add3A_1559 : vector<16xf32>
      %div3A_1561 = arith.constant 1.000000e+00 : f32
      %div3A_1562 = vector.broadcast %div3A_1561 : f32 to vector<16xf32>
      %div3A_1563 = arith.divf %div3A_1562, %add3A_1560 : vector<16xf32>
      %jit3A_1564 = arith.constant 0.000000e+00 : f32
      %broadcast_in_dim3A_1565 = vector.broadcast %jit3A_1564 : f32 to vector<16xf32>
      %select_n3A_1566 = arith.select %or3A_1554, %div3A_1563, %broadcast_in_dim3A_1565 : vector<16xi1>, vector<16xf32>
      %add3A_1567 = arith.addf %add3A_1527, %select_n3A_1566 : vector<16xf32>
      %mul3A_1568 = arith.mulf %div3A_1563, %get3A_1536 : vector<16xf32>
      %jit3A_1569 = arith.constant 0.000000e+00 : f32
      %broadcast_in_dim3A_1570 = vector.broadcast %jit3A_1569 : f32 to vector<16xf32>
      %select_n3A_1571 = arith.select %or3A_1554, %mul3A_1568, %broadcast_in_dim3A_1570 : vector<16xi1>, vector<16xf32>
      %add3A_1572 = arith.addf %add3A_1532, %select_n3A_1571 : vector<16xf32>
      %get3A_1573 = arith.constant 1328 : index
      %get3A_1574 = tpu.vector_load %arg18[%get3A_1573] {strides = array<i32>} : memref<4096xf32, #tpu.memory_space<vmem>>, vector<16xf32>,
      %get3A_1575 = arith.constant 1392 : index
      %get3A_1576 = tpu.vector_load %arg18[%get3A_1575] {strides = array<i32>} : memref<4096xf32, #tpu.memory_space<vmem>>, vector<16xf32>,
      %gt3A_1577 = vector.broadcast %while3A_364#1 : f32 to vector<16xf32>
      %gt3A_1578 = arith.cmpf ogt, %get3A_1574, %gt3A_1577 : vector<16xf32>
      %convert_element_type3A_1579 = arith.extui %eq3A_1439 : vector<16xi1> to vector<16xi32>
      %broadcast_in_dim3A_1580 = arith.constant true
      %broadcast_in_dim3A_1581 = vector.broadcast %broadcast_in_dim3A_1580 : i1 to vector<16xi1>
      %masked_cumsum3A_1582 = tpu.scan <sum>, %convert_element_type3A_1579 masked %broadcast_in_dim3A_1581 : vector<16xi32>, vector<16xi1> -> vector<16xi32>
      %add3A_1583 = vector.broadcast %add3A_1550 : i32 to vector<16xi32>
      %add3A_1584 = arith.addi %masked_cumsum3A_1582, %add3A_1583 : vector<16xi32>
      %convert_element_type3A_1585 = arith.extui %eq3A_1439 : vector<16xi1> to vector<16xi32>
      %reduce_sum3A_1586 = arith.constant true
      %reduce_sum3A_1587 = vector.broadcast %reduce_sum3A_1586 : i1 to vector<16xi1>
      %reduce_sum3A_1588 = tpu.scan <sum>, %convert_element_type3A_1585 masked %reduce_sum3A_1587 : vector<16xi32>, vector<16xi1> -> vector<16xi32>
      %reduce_sum3A_1589 = vector.extract %reduce_sum3A_1588[15] : i32 from vector<16xi32>
      %add3A_1590 = arith.addi %add3A_1550, %reduce_sum3A_1589 : i32
      %le3A_1591 = vector.broadcast %min3A_1449 : i32 to vector<16xi32>
      %le3A_1592 = arith.cmpi sle, %add3A_1584, %le3A_1591 : vector<16xi32>
      %and3A_1593 = arith.andi %eq3A_1439, %le3A_1592 : vector<16xi1>
      %or3A_1594 = arith.ori %gt3A_1578, %and3A_1593 : vector<16xi1>
      %sub3A_1595 = arith.constant 1.000000e+00 : f32
      %sub3A_1596 = vector.broadcast %sub3A_1595 : f32 to vector<16xf32>
      %sub3A_1597 = arith.subf %sub3A_1596, %get3A_1574 : vector<16xf32>
      %add3A_1598 = arith.constant 9.99999997E-7 : f32
      %add3A_1599 = vector.broadcast %add3A_1598 : f32 to vector<16xf32>
      %add3A_1600 = arith.addf %sub3A_1597, %add3A_1599 : vector<16xf32>
      %div3A_1601 = arith.constant 1.000000e+00 : f32
      %div3A_1602 = vector.broadcast %div3A_1601 : f32 to vector<16xf32>
      %div3A_1603 = arith.divf %div3A_1602, %add3A_1600 : vector<16xf32>
      %jit3A_1604 = arith.constant 0.000000e+00 : f32
      %broadcast_in_dim3A_1605 = vector.broadcast %jit3A_1604 : f32 to vector<16xf32>
      %select_n3A_1606 = arith.select %or3A_1594, %div3A_1603, %broadcast_in_dim3A_1605 : vector<16xi1>, vector<16xf32>
      %add3A_1607 = arith.addf %add3A_1567, %select_n3A_1606 : vector<16xf32>
      %mul3A_1608 = arith.mulf %div3A_1603, %get3A_1576 : vector<16xf32>
      %jit3A_1609 = arith.constant 0.000000e+00 : f32
      %broadcast_in_dim3A_1610 = vector.broadcast %jit3A_1609 : f32 to vector<16xf32>
      %select_n3A_1611 = arith.select %or3A_1594, %mul3A_1608, %broadcast_in_dim3A_1610 : vector<16xi1>, vector<16xf32>
      %add3A_1612 = arith.addf %add3A_1572, %select_n3A_1611 : vector<16xf32>
      %get3A_1613 = arith.constant 1536 : index
      %get3A_1614 = tpu.vector_load %arg18[%get3A_1613] {strides = array<i32>} : memref<4096xf32, #tpu.memory_space<vmem>>, vector<16xf32>,
      %eq3A_1615 = vector.broadcast %while3A_364#1 : f32 to vector<16xf32>
      %eq3A_1616 = arith.cmpf oeq, %get3A_1614, %eq3A_1615 : vector<16xf32>
      %convert_element_type3A_1617 = arith.extui %eq3A_1616 : vector<16xi1> to vector<16xi32>
      %reduce_sum3A_1618 = arith.constant true
      %reduce_sum3A_1619 = vector.broadcast %reduce_sum3A_1618 : i1 to vector<16xi1>
      %reduce_sum3A_1620 = tpu.scan <sum>, %convert_element_type3A_1617 masked %reduce_sum3A_1619 : vector<16xi32>, vector<16xi1> -> vector<16xi32>
      %reduce_sum3A_1621 = vector.extract %reduce_sum3A_1620[15] : i32 from vector<16xi32>
      %add3A_1622 = arith.constant 0 : i32
      %add3A_1623 = arith.addi %add3A_1622, %reduce_sum3A_1621 : i32
      %get3A_1624 = arith.constant 1552 : index
      %get3A_1625 = tpu.vector_load %arg18[%get3A_1624] {strides = array<i32>} : memref<4096xf32, #tpu.memory_space<vmem>>, vector<16xf32>,
      %eq3A_1626 = vector.broadcast %while3A_364#1 : f32 to vector<16xf32>
      %eq3A_1627 = arith.cmpf oeq, %get3A_1625, %eq3A_1626 : vector<16xf32>
      %convert_element_type3A_1628 = arith.extui %eq3A_1627 : vector<16xi1> to vector<16xi32>
      %reduce_sum3A_1629 = arith.constant true
      %reduce_sum3A_1630 = vector.broadcast %reduce_sum3A_1629 : i1 to vector<16xi1>
      %reduce_sum3A_1631 = tpu.scan <sum>, %convert_element_type3A_1628 masked %reduce_sum3A_1630 : vector<16xi32>, vector<16xi1> -> vector<16xi32>
      %reduce_sum3A_1632 = vector.extract %reduce_sum3A_1631[15] : i32 from vector<16xi32>
      %add3A_1633 = arith.addi %add3A_1623, %reduce_sum3A_1632 : i32
      %get3A_1634 = arith.constant 1568 : index
      %get3A_1635 = tpu.vector_load %arg18[%get3A_1634] {strides = array<i32>} : memref<4096xf32, #tpu.memory_space<vmem>>, vector<16xf32>,
      %eq3A_1636 = vector.broadcast %while3A_364#1 : f32 to vector<16xf32>
      %eq3A_1637 = arith.cmpf oeq, %get3A_1635, %eq3A_1636 : vector<16xf32>
      %convert_element_type3A_1638 = arith.extui %eq3A_1637 : vector<16xi1> to vector<16xi32>
      %reduce_sum3A_1639 = arith.constant true
      %reduce_sum3A_1640 = vector.broadcast %reduce_sum3A_1639 : i1 to vector<16xi1>
      %reduce_sum3A_1641 = tpu.scan <sum>, %convert_element_type3A_1638 masked %reduce_sum3A_1640 : vector<16xi32>, vector<16xi1> -> vector<16xi32>
      %reduce_sum3A_1642 = vector.extract %reduce_sum3A_1641[15] : i32 from vector<16xi32>
      %add3A_1643 = arith.addi %add3A_1633, %reduce_sum3A_1642 : i32
      %get3A_1644 = arith.constant 1584 : index
      %get3A_1645 = tpu.vector_load %arg18[%get3A_1644] {strides = array<i32>} : memref<4096xf32, #tpu.memory_space<vmem>>, vector<16xf32>,
      %eq3A_1646 = vector.broadcast %while3A_364#1 : f32 to vector<16xf32>
      %eq3A_1647 = arith.cmpf oeq, %get3A_1645, %eq3A_1646 : vector<16xf32>
      %convert_element_type3A_1648 = arith.extui %eq3A_1647 : vector<16xi1> to vector<16xi32>
      %reduce_sum3A_1649 = arith.constant true
      %reduce_sum3A_1650 = vector.broadcast %reduce_sum3A_1649 : i1 to vector<16xi1>
      %reduce_sum3A_1651 = tpu.scan <sum>, %convert_element_type3A_1648 masked %reduce_sum3A_1650 : vector<16xi32>, vector<16xi1> -> vector<16xi32>
      %reduce_sum3A_1652 = vector.extract %reduce_sum3A_1651[15] : i32 from vector<16xi32>
      %add3A_1653 = arith.addi %add3A_1643, %reduce_sum3A_1652 : i32
      %sub3A_1654 = arith.subi %sub3A_366, %add3A_1450 : i32
      %jit3A_1655 = arith.constant 0 : i32
      %max3A_1656 = arith.maxsi %jit3A_1655, %sub3A_1654 : i32
      %min3A_1657 = arith.minsi %add3A_1653, %max3A_1656 : i32
      %add3A_1658 = arith.addi %add3A_1450, %add3A_1653 : i32
      %get3A_1659 = arith.constant 1536 : index
      %get3A_1660 = tpu.vector_load %arg18[%get3A_1659] {strides = array<i32>} : memref<4096xf32, #tpu.memory_space<vmem>>, vector<16xf32>,
      %get3A_1661 = arith.constant 1600 : index
      %get3A_1662 = tpu.vector_load %arg18[%get3A_1661] {strides = array<i32>} : memref<4096xf32, #tpu.memory_space<vmem>>, vector<16xf32>,
      %gt3A_1663 = vector.broadcast %while3A_364#1 : f32 to vector<16xf32>
      %gt3A_1664 = arith.cmpf ogt, %get3A_1660, %gt3A_1663 : vector<16xf32>
      %convert_element_type3A_1665 = arith.extui %eq3A_1616 : vector<16xi1> to vector<16xi32>
      %broadcast_in_dim3A_1666 = arith.constant true
      %broadcast_in_dim3A_1667 = vector.broadcast %broadcast_in_dim3A_1666 : i1 to vector<16xi1>
      %masked_cumsum3A_1668 = tpu.scan <sum>, %convert_element_type3A_1665 masked %broadcast_in_dim3A_1667 : vector<16xi32>, vector<16xi1> -> vector<16xi32>
      %add3A_1669 = arith.constant 0 : i32
      %add3A_1670 = vector.broadcast %add3A_1669 : i32 to vector<16xi32>
      %add3A_1671 = arith.addi %masked_cumsum3A_1668, %add3A_1670 : vector<16xi32>
      %convert_element_type3A_1672 = arith.extui %eq3A_1616 : vector<16xi1> to vector<16xi32>
      %reduce_sum3A_1673 = arith.constant true
      %reduce_sum3A_1674 = vector.broadcast %reduce_sum3A_1673 : i1 to vector<16xi1>
      %reduce_sum3A_1675 = tpu.scan <sum>, %convert_element_type3A_1672 masked %reduce_sum3A_1674 : vector<16xi32>, vector<16xi1> -> vector<16xi32>
      %reduce_sum3A_1676 = vector.extract %reduce_sum3A_1675[15] : i32 from vector<16xi32>
      %add3A_1677 = arith.constant 0 : i32
      %add3A_1678 = arith.addi %add3A_1677, %reduce_sum3A_1676 : i32
      %le3A_1679 = vector.broadcast %min3A_1657 : i32 to vector<16xi32>
      %le3A_1680 = arith.cmpi sle, %add3A_1671, %le3A_1679 : vector<16xi32>
      %and3A_1681 = arith.andi %eq3A_1616, %le3A_1680 : vector<16xi1>
      %or3A_1682 = arith.ori %gt3A_1664, %and3A_1681 : vector<16xi1>
      %sub3A_1683 = arith.constant 1.000000e+00 : f32
      %sub3A_1684 = vector.broadcast %sub3A_1683 : f32 to vector<16xf32>
      %sub3A_1685 = arith.subf %sub3A_1684, %get3A_1660 : vector<16xf32>
      %add3A_1686 = arith.constant 9.99999997E-7 : f32
      %add3A_1687 = vector.broadcast %add3A_1686 : f32 to vector<16xf32>
      %add3A_1688 = arith.addf %sub3A_1685, %add3A_1687 : vector<16xf32>
      %div3A_1689 = arith.constant 1.000000e+00 : f32
      %div3A_1690 = vector.broadcast %div3A_1689 : f32 to vector<16xf32>
      %div3A_1691 = arith.divf %div3A_1690, %add3A_1688 : vector<16xf32>
      %jit3A_1692 = arith.constant 0.000000e+00 : f32
      %broadcast_in_dim3A_1693 = vector.broadcast %jit3A_1692 : f32 to vector<16xf32>
      %select_n3A_1694 = arith.select %or3A_1682, %div3A_1691, %broadcast_in_dim3A_1693 : vector<16xi1>, vector<16xf32>
      %add3A_1695 = arith.addf %add3A_1607, %select_n3A_1694 : vector<16xf32>
      %mul3A_1696 = arith.mulf %div3A_1691, %get3A_1662 : vector<16xf32>
      %jit3A_1697 = arith.constant 0.000000e+00 : f32
      %broadcast_in_dim3A_1698 = vector.broadcast %jit3A_1697 : f32 to vector<16xf32>
      %select_n3A_1699 = arith.select %or3A_1682, %mul3A_1696, %broadcast_in_dim3A_1698 : vector<16xi1>, vector<16xf32>
      %add3A_1700 = arith.addf %add3A_1612, %select_n3A_1699 : vector<16xf32>
      %get3A_1701 = arith.constant 1552 : index
      %get3A_1702 = tpu.vector_load %arg18[%get3A_1701] {strides = array<i32>} : memref<4096xf32, #tpu.memory_space<vmem>>, vector<16xf32>,
      %get3A_1703 = arith.constant 1616 : index
      %get3A_1704 = tpu.vector_load %arg18[%get3A_1703] {strides = array<i32>} : memref<4096xf32, #tpu.memory_space<vmem>>, vector<16xf32>,
      %gt3A_1705 = vector.broadcast %while3A_364#1 : f32 to vector<16xf32>
      %gt3A_1706 = arith.cmpf ogt, %get3A_1702, %gt3A_1705 : vector<16xf32>
      %convert_element_type3A_1707 = arith.extui %eq3A_1627 : vector<16xi1> to vector<16xi32>
      %broadcast_in_dim3A_1708 = arith.constant true
      %broadcast_in_dim3A_1709 = vector.broadcast %broadcast_in_dim3A_1708 : i1 to vector<16xi1>
      %masked_cumsum3A_1710 = tpu.scan <sum>, %convert_element_type3A_1707 masked %broadcast_in_dim3A_1709 : vector<16xi32>, vector<16xi1> -> vector<16xi32>
      %add3A_1711 = vector.broadcast %add3A_1678 : i32 to vector<16xi32>
      %add3A_1712 = arith.addi %masked_cumsum3A_1710, %add3A_1711 : vector<16xi32>
      %convert_element_type3A_1713 = arith.extui %eq3A_1627 : vector<16xi1> to vector<16xi32>
      %reduce_sum3A_1714 = arith.constant true
      %reduce_sum3A_1715 = vector.broadcast %reduce_sum3A_1714 : i1 to vector<16xi1>
      %reduce_sum3A_1716 = tpu.scan <sum>, %convert_element_type3A_1713 masked %reduce_sum3A_1715 : vector<16xi32>, vector<16xi1> -> vector<16xi32>
      %reduce_sum3A_1717 = vector.extract %reduce_sum3A_1716[15] : i32 from vector<16xi32>
      %add3A_1718 = arith.addi %add3A_1678, %reduce_sum3A_1717 : i32
      %le3A_1719 = vector.broadcast %min3A_1657 : i32 to vector<16xi32>
      %le3A_1720 = arith.cmpi sle, %add3A_1712, %le3A_1719 : vector<16xi32>
      %and3A_1721 = arith.andi %eq3A_1627, %le3A_1720 : vector<16xi1>
      %or3A_1722 = arith.ori %gt3A_1706, %and3A_1721 : vector<16xi1>
      %sub3A_1723 = arith.constant 1.000000e+00 : f32
      %sub3A_1724 = vector.broadcast %sub3A_1723 : f32 to vector<16xf32>
      %sub3A_1725 = arith.subf %sub3A_1724, %get3A_1702 : vector<16xf32>
      %add3A_1726 = arith.constant 9.99999997E-7 : f32
      %add3A_1727 = vector.broadcast %add3A_1726 : f32 to vector<16xf32>
      %add3A_1728 = arith.addf %sub3A_1725, %add3A_1727 : vector<16xf32>
      %div3A_1729 = arith.constant 1.000000e+00 : f32
      %div3A_1730 = vector.broadcast %div3A_1729 : f32 to vector<16xf32>
      %div3A_1731 = arith.divf %div3A_1730, %add3A_1728 : vector<16xf32>
      %jit3A_1732 = arith.constant 0.000000e+00 : f32
      %broadcast_in_dim3A_1733 = vector.broadcast %jit3A_1732 : f32 to vector<16xf32>
      %select_n3A_1734 = arith.select %or3A_1722, %div3A_1731, %broadcast_in_dim3A_1733 : vector<16xi1>, vector<16xf32>
      %add3A_1735 = arith.addf %add3A_1695, %select_n3A_1734 : vector<16xf32>
      %mul3A_1736 = arith.mulf %div3A_1731, %get3A_1704 : vector<16xf32>
      %jit3A_1737 = arith.constant 0.000000e+00 : f32
      %broadcast_in_dim3A_1738 = vector.broadcast %jit3A_1737 : f32 to vector<16xf32>
      %select_n3A_1739 = arith.select %or3A_1722, %mul3A_1736, %broadcast_in_dim3A_1738 : vector<16xi1>, vector<16xf32>
      %add3A_1740 = arith.addf %add3A_1700, %select_n3A_1739 : vector<16xf32>
      %get3A_1741 = arith.constant 1568 : index
      %get3A_1742 = tpu.vector_load %arg18[%get3A_1741] {strides = array<i32>} : memref<4096xf32, #tpu.memory_space<vmem>>, vector<16xf32>,
      %get3A_1743 = arith.constant 1632 : index
      %get3A_1744 = tpu.vector_load %arg18[%get3A_1743] {strides = array<i32>} : memref<4096xf32, #tpu.memory_space<vmem>>, vector<16xf32>,
      %gt3A_1745 = vector.broadcast %while3A_364#1 : f32 to vector<16xf32>
      %gt3A_1746 = arith.cmpf ogt, %get3A_1742, %gt3A_1745 : vector<16xf32>
      %convert_element_type3A_1747 = arith.extui %eq3A_1637 : vector<16xi1> to vector<16xi32>
      %broadcast_in_dim3A_1748 = arith.constant true
      %broadcast_in_dim3A_1749 = vector.broadcast %broadcast_in_dim3A_1748 : i1 to vector<16xi1>
      %masked_cumsum3A_1750 = tpu.scan <sum>, %convert_element_type3A_1747 masked %broadcast_in_dim3A_1749 : vector<16xi32>, vector<16xi1> -> vector<16xi32>
      %add3A_1751 = vector.broadcast %add3A_1718 : i32 to vector<16xi32>
      %add3A_1752 = arith.addi %masked_cumsum3A_1750, %add3A_1751 : vector<16xi32>
      %convert_element_type3A_1753 = arith.extui %eq3A_1637 : vector<16xi1> to vector<16xi32>
      %reduce_sum3A_1754 = arith.constant true
      %reduce_sum3A_1755 = vector.broadcast %reduce_sum3A_1754 : i1 to vector<16xi1>
      %reduce_sum3A_1756 = tpu.scan <sum>, %convert_element_type3A_1753 masked %reduce_sum3A_1755 : vector<16xi32>, vector<16xi1> -> vector<16xi32>
      %reduce_sum3A_1757 = vector.extract %reduce_sum3A_1756[15] : i32 from vector<16xi32>
      %add3A_1758 = arith.addi %add3A_1718, %reduce_sum3A_1757 : i32
      %le3A_1759 = vector.broadcast %min3A_1657 : i32 to vector<16xi32>
      %le3A_1760 = arith.cmpi sle, %add3A_1752, %le3A_1759 : vector<16xi32>
      %and3A_1761 = arith.andi %eq3A_1637, %le3A_1760 : vector<16xi1>
      %or3A_1762 = arith.ori %gt3A_1746, %and3A_1761 : vector<16xi1>
      %sub3A_1763 = arith.constant 1.000000e+00 : f32
      %sub3A_1764 = vector.broadcast %sub3A_1763 : f32 to vector<16xf32>
      %sub3A_1765 = arith.subf %sub3A_1764, %get3A_1742 : vector<16xf32>
      %add3A_1766 = arith.constant 9.99999997E-7 : f32
      %add3A_1767 = vector.broadcast %add3A_1766 : f32 to vector<16xf32>
      %add3A_1768 = arith.addf %sub3A_1765, %add3A_1767 : vector<16xf32>
      %div3A_1769 = arith.constant 1.000000e+00 : f32
      %div3A_1770 = vector.broadcast %div3A_1769 : f32 to vector<16xf32>
      %div3A_1771 = arith.divf %div3A_1770, %add3A_1768 : vector<16xf32>
      %jit3A_1772 = arith.constant 0.000000e+00 : f32
      %broadcast_in_dim3A_1773 = vector.broadcast %jit3A_1772 : f32 to vector<16xf32>
      %select_n3A_1774 = arith.select %or3A_1762, %div3A_1771, %broadcast_in_dim3A_1773 : vector<16xi1>, vector<16xf32>
      %add3A_1775 = arith.addf %add3A_1735, %select_n3A_1774 : vector<16xf32>
      %mul3A_1776 = arith.mulf %div3A_1771, %get3A_1744 : vector<16xf32>
      %jit3A_1777 = arith.constant 0.000000e+00 : f32
      %broadcast_in_dim3A_1778 = vector.broadcast %jit3A_1777 : f32 to vector<16xf32>
      %select_n3A_1779 = arith.select %or3A_1762, %mul3A_1776, %broadcast_in_dim3A_1778 : vector<16xi1>, vector<16xf32>
      %add3A_1780 = arith.addf %add3A_1740, %select_n3A_1779 : vector<16xf32>
      %get3A_1781 = arith.constant 1584 : index
      %get3A_1782 = tpu.vector_load %arg18[%get3A_1781] {strides = array<i32>} : memref<4096xf32, #tpu.memory_space<vmem>>, vector<16xf32>,
      %get3A_1783 = arith.constant 1648 : index
      %get3A_1784 = tpu.vector_load %arg18[%get3A_1783] {strides = array<i32>} : memref<4096xf32, #tpu.memory_space<vmem>>, vector<16xf32>,
      %gt3A_1785 = vector.broadcast %while3A_364#1 : f32 to vector<16xf32>
      %gt3A_1786 = arith.cmpf ogt, %get3A_1782, %gt3A_1785 : vector<16xf32>
      %convert_element_type3A_1787 = arith.extui %eq3A_1647 : vector<16xi1> to vector<16xi32>
      %broadcast_in_dim3A_1788 = arith.constant true
      %broadcast_in_dim3A_1789 = vector.broadcast %broadcast_in_dim3A_1788 : i1 to vector<16xi1>
      %masked_cumsum3A_1790 = tpu.scan <sum>, %convert_element_type3A_1787 masked %broadcast_in_dim3A_1789 : vector<16xi32>, vector<16xi1> -> vector<16xi32>
      %add3A_1791 = vector.broadcast %add3A_1758 : i32 to vector<16xi32>
      %add3A_1792 = arith.addi %masked_cumsum3A_1790, %add3A_1791 : vector<16xi32>
      %convert_element_type3A_1793 = arith.extui %eq3A_1647 : vector<16xi1> to vector<16xi32>
      %reduce_sum3A_1794 = arith.constant true
      %reduce_sum3A_1795 = vector.broadcast %reduce_sum3A_1794 : i1 to vector<16xi1>
      %reduce_sum3A_1796 = tpu.scan <sum>, %convert_element_type3A_1793 masked %reduce_sum3A_1795 : vector<16xi32>, vector<16xi1> -> vector<16xi32>
      %reduce_sum3A_1797 = vector.extract %reduce_sum3A_1796[15] : i32 from vector<16xi32>
      %add3A_1798 = arith.addi %add3A_1758, %reduce_sum3A_1797 : i32
      %le3A_1799 = vector.broadcast %min3A_1657 : i32 to vector<16xi32>
      %le3A_1800 = arith.cmpi sle, %add3A_1792, %le3A_1799 : vector<16xi32>
      %and3A_1801 = arith.andi %eq3A_1647, %le3A_1800 : vector<16xi1>
      %or3A_1802 = arith.ori %gt3A_1786, %and3A_1801 : vector<16xi1>
      %sub3A_1803 = arith.constant 1.000000e+00 : f32
      %sub3A_1804 = vector.broadcast %sub3A_1803 : f32 to vector<16xf32>
      %sub3A_1805 = arith.subf %sub3A_1804, %get3A_1782 : vector<16xf32>
      %add3A_1806 = arith.constant 9.99999997E-7 : f32
      %add3A_1807 = vector.broadcast %add3A_1806 : f32 to vector<16xf32>
      %add3A_1808 = arith.addf %sub3A_1805, %add3A_1807 : vector<16xf32>
      %div3A_1809 = arith.constant 1.000000e+00 : f32
      %div3A_1810 = vector.broadcast %div3A_1809 : f32 to vector<16xf32>
      %div3A_1811 = arith.divf %div3A_1810, %add3A_1808 : vector<16xf32>
      %jit3A_1812 = arith.constant 0.000000e+00 : f32
      %broadcast_in_dim3A_1813 = vector.broadcast %jit3A_1812 : f32 to vector<16xf32>
      %select_n3A_1814 = arith.select %or3A_1802, %div3A_1811, %broadcast_in_dim3A_1813 : vector<16xi1>, vector<16xf32>
      %add3A_1815 = arith.addf %add3A_1775, %select_n3A_1814 : vector<16xf32>
      %mul3A_1816 = arith.mulf %div3A_1811, %get3A_1784 : vector<16xf32>
      %jit3A_1817 = arith.constant 0.000000e+00 : f32
      %broadcast_in_dim3A_1818 = vector.broadcast %jit3A_1817 : f32 to vector<16xf32>
      %select_n3A_1819 = arith.select %or3A_1802, %mul3A_1816, %broadcast_in_dim3A_1818 : vector<16xi1>, vector<16xf32>
      %add3A_1820 = arith.addf %add3A_1780, %select_n3A_1819 : vector<16xf32>
      %get3A_1821 = arith.constant 1792 : index
      %get3A_1822 = tpu.vector_load %arg18[%get3A_1821] {strides = array<i32>} : memref<4096xf32, #tpu.memory_space<vmem>>, vector<16xf32>,
      %eq3A_1823 = vector.broadcast %while3A_364#1 : f32 to vector<16xf32>
      %eq3A_1824 = arith.cmpf oeq, %get3A_1822, %eq3A_1823 : vector<16xf32>
      %convert_element_type3A_1825 = arith.extui %eq3A_1824 : vector<16xi1> to vector<16xi32>
      %reduce_sum3A_1826 = arith.constant true
      %reduce_sum3A_1827 = vector.broadcast %reduce_sum3A_1826 : i1 to vector<16xi1>
      %reduce_sum3A_1828 = tpu.scan <sum>, %convert_element_type3A_1825 masked %reduce_sum3A_1827 : vector<16xi32>, vector<16xi1> -> vector<16xi32>
      %reduce_sum3A_1829 = vector.extract %reduce_sum3A_1828[15] : i32 from vector<16xi32>
      %add3A_1830 = arith.constant 0 : i32
      %add3A_1831 = arith.addi %add3A_1830, %reduce_sum3A_1829 : i32
      %get3A_1832 = arith.constant 1808 : index
      %get3A_1833 = tpu.vector_load %arg18[%get3A_1832] {strides = array<i32>} : memref<4096xf32, #tpu.memory_space<vmem>>, vector<16xf32>,
      %eq3A_1834 = vector.broadcast %while3A_364#1 : f32 to vector<16xf32>
      %eq3A_1835 = arith.cmpf oeq, %get3A_1833, %eq3A_1834 : vector<16xf32>
      %convert_element_type3A_1836 = arith.extui %eq3A_1835 : vector<16xi1> to vector<16xi32>
      %reduce_sum3A_1837 = arith.constant true
      %reduce_sum3A_1838 = vector.broadcast %reduce_sum3A_1837 : i1 to vector<16xi1>
      %reduce_sum3A_1839 = tpu.scan <sum>, %convert_element_type3A_1836 masked %reduce_sum3A_1838 : vector<16xi32>, vector<16xi1> -> vector<16xi32>
      %reduce_sum3A_1840 = vector.extract %reduce_sum3A_1839[15] : i32 from vector<16xi32>
      %add3A_1841 = arith.addi %add3A_1831, %reduce_sum3A_1840 : i32
      %get3A_1842 = arith.constant 1824 : index
      %get3A_1843 = tpu.vector_load %arg18[%get3A_1842] {strides = array<i32>} : memref<4096xf32, #tpu.memory_space<vmem>>, vector<16xf32>,
      %eq3A_1844 = vector.broadcast %while3A_364#1 : f32 to vector<16xf32>
      %eq3A_1845 = arith.cmpf oeq, %get3A_1843, %eq3A_1844 : vector<16xf32>
      %convert_element_type3A_1846 = arith.extui %eq3A_1845 : vector<16xi1> to vector<16xi32>
      %reduce_sum3A_1847 = arith.constant true
      %reduce_sum3A_1848 = vector.broadcast %reduce_sum3A_1847 : i1 to vector<16xi1>
      %reduce_sum3A_1849 = tpu.scan <sum>, %convert_element_type3A_1846 masked %reduce_sum3A_1848 : vector<16xi32>, vector<16xi1> -> vector<16xi32>
      %reduce_sum3A_1850 = vector.extract %reduce_sum3A_1849[15] : i32 from vector<16xi32>
      %add3A_1851 = arith.addi %add3A_1841, %reduce_sum3A_1850 : i32
      %get3A_1852 = arith.constant 1840 : index
      %get3A_1853 = tpu.vector_load %arg18[%get3A_1852] {strides = array<i32>} : memref<4096xf32, #tpu.memory_space<vmem>>, vector<16xf32>,
      %eq3A_1854 = vector.broadcast %while3A_364#1 : f32 to vector<16xf32>
      %eq3A_1855 = arith.cmpf oeq, %get3A_1853, %eq3A_1854 : vector<16xf32>
      %convert_element_type3A_1856 = arith.extui %eq3A_1855 : vector<16xi1> to vector<16xi32>
      %reduce_sum3A_1857 = arith.constant true
      %reduce_sum3A_1858 = vector.broadcast %reduce_sum3A_1857 : i1 to vector<16xi1>
      %reduce_sum3A_1859 = tpu.scan <sum>, %convert_element_type3A_1856 masked %reduce_sum3A_1858 : vector<16xi32>, vector<16xi1> -> vector<16xi32>
      %reduce_sum3A_1860 = vector.extract %reduce_sum3A_1859[15] : i32 from vector<16xi32>
      %add3A_1861 = arith.addi %add3A_1851, %reduce_sum3A_1860 : i32
      %sub3A_1862 = arith.subi %sub3A_366, %add3A_1658 : i32
      %jit3A_1863 = arith.constant 0 : i32
      %max3A_1864 = arith.maxsi %jit3A_1863, %sub3A_1862 : i32
      %min3A_1865 = arith.minsi %add3A_1861, %max3A_1864 : i32
      %add3A_1866 = arith.addi %add3A_1658, %add3A_1861 : i32
      %get3A_1867 = arith.constant 1792 : index
      %get3A_1868 = tpu.vector_load %arg18[%get3A_1867] {strides = array<i32>} : memref<4096xf32, #tpu.memory_space<vmem>>, vector<16xf32>,
      %get3A_1869 = arith.constant 1856 : index
      %get3A_1870 = tpu.vector_load %arg18[%get3A_1869] {strides = array<i32>} : memref<4096xf32, #tpu.memory_space<vmem>>, vector<16xf32>,
      %gt3A_1871 = vector.broadcast %while3A_364#1 : f32 to vector<16xf32>
      %gt3A_1872 = arith.cmpf ogt, %get3A_1868, %gt3A_1871 : vector<16xf32>
      %convert_element_type3A_1873 = arith.extui %eq3A_1824 : vector<16xi1> to vector<16xi32>
      %broadcast_in_dim3A_1874 = arith.constant true
      %broadcast_in_dim3A_1875 = vector.broadcast %broadcast_in_dim3A_1874 : i1 to vector<16xi1>
      %masked_cumsum3A_1876 = tpu.scan <sum>, %convert_element_type3A_1873 masked %broadcast_in_dim3A_1875 : vector<16xi32>, vector<16xi1> -> vector<16xi32>
      %add3A_1877 = arith.constant 0 : i32
      %add3A_1878 = vector.broadcast %add3A_1877 : i32 to vector<16xi32>
      %add3A_1879 = arith.addi %masked_cumsum3A_1876, %add3A_1878 : vector<16xi32>
      %convert_element_type3A_1880 = arith.extui %eq3A_1824 : vector<16xi1> to vector<16xi32>
      %reduce_sum3A_1881 = arith.constant true
      %reduce_sum3A_1882 = vector.broadcast %reduce_sum3A_1881 : i1 to vector<16xi1>
      %reduce_sum3A_1883 = tpu.scan <sum>, %convert_element_type3A_1880 masked %reduce_sum3A_1882 : vector<16xi32>, vector<16xi1> -> vector<16xi32>
      %reduce_sum3A_1884 = vector.extract %reduce_sum3A_1883[15] : i32 from vector<16xi32>
      %add3A_1885 = arith.constant 0 : i32
      %add3A_1886 = arith.addi %add3A_1885, %reduce_sum3A_1884 : i32
      %le3A_1887 = vector.broadcast %min3A_1865 : i32 to vector<16xi32>
      %le3A_1888 = arith.cmpi sle, %add3A_1879, %le3A_1887 : vector<16xi32>
      %and3A_1889 = arith.andi %eq3A_1824, %le3A_1888 : vector<16xi1>
      %or3A_1890 = arith.ori %gt3A_1872, %and3A_1889 : vector<16xi1>
      %sub3A_1891 = arith.constant 1.000000e+00 : f32
      %sub3A_1892 = vector.broadcast %sub3A_1891 : f32 to vector<16xf32>
      %sub3A_1893 = arith.subf %sub3A_1892, %get3A_1868 : vector<16xf32>
      %add3A_1894 = arith.constant 9.99999997E-7 : f32
      %add3A_1895 = vector.broadcast %add3A_1894 : f32 to vector<16xf32>
      %add3A_1896 = arith.addf %sub3A_1893, %add3A_1895 : vector<16xf32>
      %div3A_1897 = arith.constant 1.000000e+00 : f32
      %div3A_1898 = vector.broadcast %div3A_1897 : f32 to vector<16xf32>
      %div3A_1899 = arith.divf %div3A_1898, %add3A_1896 : vector<16xf32>
      %jit3A_1900 = arith.constant 0.000000e+00 : f32
      %broadcast_in_dim3A_1901 = vector.broadcast %jit3A_1900 : f32 to vector<16xf32>
      %select_n3A_1902 = arith.select %or3A_1890, %div3A_1899, %broadcast_in_dim3A_1901 : vector<16xi1>, vector<16xf32>
      %add3A_1903 = arith.addf %add3A_1815, %select_n3A_1902 : vector<16xf32>
      %mul3A_1904 = arith.mulf %div3A_1899, %get3A_1870 : vector<16xf32>
      %jit3A_1905 = arith.constant 0.000000e+00 : f32
      %broadcast_in_dim3A_1906 = vector.broadcast %jit3A_1905 : f32 to vector<16xf32>
      %select_n3A_1907 = arith.select %or3A_1890, %mul3A_1904, %broadcast_in_dim3A_1906 : vector<16xi1>, vector<16xf32>
      %add3A_1908 = arith.addf %add3A_1820, %select_n3A_1907 : vector<16xf32>
      %get3A_1909 = arith.constant 1808 : index
      %get3A_1910 = tpu.vector_load %arg18[%get3A_1909] {strides = array<i32>} : memref<4096xf32, #tpu.memory_space<vmem>>, vector<16xf32>,
      %get3A_1911 = arith.constant 1872 : index
      %get3A_1912 = tpu.vector_load %arg18[%get3A_1911] {strides = array<i32>} : memref<4096xf32, #tpu.memory_space<vmem>>, vector<16xf32>,
      %gt3A_1913 = vector.broadcast %while3A_364#1 : f32 to vector<16xf32>
      %gt3A_1914 = arith.cmpf ogt, %get3A_1910, %gt3A_1913 : vector<16xf32>
      %convert_element_type3A_1915 = arith.extui %eq3A_1835 : vector<16xi1> to vector<16xi32>
      %broadcast_in_dim3A_1916 = arith.constant true
      %broadcast_in_dim3A_1917 = vector.broadcast %broadcast_in_dim3A_1916 : i1 to vector<16xi1>
      %masked_cumsum3A_1918 = tpu.scan <sum>, %convert_element_type3A_1915 masked %broadcast_in_dim3A_1917 : vector<16xi32>, vector<16xi1> -> vector<16xi32>
      %add3A_1919 = vector.broadcast %add3A_1886 : i32 to vector<16xi32>
      %add3A_1920 = arith.addi %masked_cumsum3A_1918, %add3A_1919 : vector<16xi32>
      %convert_element_type3A_1921 = arith.extui %eq3A_1835 : vector<16xi1> to vector<16xi32>
      %reduce_sum3A_1922 = arith.constant true
      %reduce_sum3A_1923 = vector.broadcast %reduce_sum3A_1922 : i1 to vector<16xi1>
      %reduce_sum3A_1924 = tpu.scan <sum>, %convert_element_type3A_1921 masked %reduce_sum3A_1923 : vector<16xi32>, vector<16xi1> -> vector<16xi32>
      %reduce_sum3A_1925 = vector.extract %reduce_sum3A_1924[15] : i32 from vector<16xi32>
      %add3A_1926 = arith.addi %add3A_1886, %reduce_sum3A_1925 : i32
      %le3A_1927 = vector.broadcast %min3A_1865 : i32 to vector<16xi32>
      %le3A_1928 = arith.cmpi sle, %add3A_1920, %le3A_1927 : vector<16xi32>
      %and3A_1929 = arith.andi %eq3A_1835, %le3A_1928 : vector<16xi1>
      %or3A_1930 = arith.ori %gt3A_1914, %and3A_1929 : vector<16xi1>
      %sub3A_1931 = arith.constant 1.000000e+00 : f32
      %sub3A_1932 = vector.broadcast %sub3A_1931 : f32 to vector<16xf32>
      %sub3A_1933 = arith.subf %sub3A_1932, %get3A_1910 : vector<16xf32>
      %add3A_1934 = arith.constant 9.99999997E-7 : f32
      %add3A_1935 = vector.broadcast %add3A_1934 : f32 to vector<16xf32>
      %add3A_1936 = arith.addf %sub3A_1933, %add3A_1935 : vector<16xf32>
      %div3A_1937 = arith.constant 1.000000e+00 : f32
      %div3A_1938 = vector.broadcast %div3A_1937 : f32 to vector<16xf32>
      %div3A_1939 = arith.divf %div3A_1938, %add3A_1936 : vector<16xf32>
      %jit3A_1940 = arith.constant 0.000000e+00 : f32
      %broadcast_in_dim3A_1941 = vector.broadcast %jit3A_1940 : f32 to vector<16xf32>
      %select_n3A_1942 = arith.select %or3A_1930, %div3A_1939, %broadcast_in_dim3A_1941 : vector<16xi1>, vector<16xf32>
      %add3A_1943 = arith.addf %add3A_1903, %select_n3A_1942 : vector<16xf32>
      %mul3A_1944 = arith.mulf %div3A_1939, %get3A_1912 : vector<16xf32>
      %jit3A_1945 = arith.constant 0.000000e+00 : f32
      %broadcast_in_dim3A_1946 = vector.broadcast %jit3A_1945 : f32 to vector<16xf32>
      %select_n3A_1947 = arith.select %or3A_1930, %mul3A_1944, %broadcast_in_dim3A_1946 : vector<16xi1>, vector<16xf32>
      %add3A_1948 = arith.addf %add3A_1908, %select_n3A_1947 : vector<16xf32>
      %get3A_1949 = arith.constant 1824 : index
      %get3A_1950 = tpu.vector_load %arg18[%get3A_1949] {strides = array<i32>} : memref<4096xf32, #tpu.memory_space<vmem>>, vector<16xf32>,
      %get3A_1951 = arith.constant 1888 : index
      %get3A_1952 = tpu.vector_load %arg18[%get3A_1951] {strides = array<i32>} : memref<4096xf32, #tpu.memory_space<vmem>>, vector<16xf32>,
      %gt3A_1953 = vector.broadcast %while3A_364#1 : f32 to vector<16xf32>
      %gt3A_1954 = arith.cmpf ogt, %get3A_1950, %gt3A_1953 : vector<16xf32>
      %convert_element_type3A_1955 = arith.extui %eq3A_1845 : vector<16xi1> to vector<16xi32>
      %broadcast_in_dim3A_1956 = arith.constant true
      %broadcast_in_dim3A_1957 = vector.broadcast %broadcast_in_dim3A_1956 : i1 to vector<16xi1>
      %masked_cumsum3A_1958 = tpu.scan <sum>, %convert_element_type3A_1955 masked %broadcast_in_dim3A_1957 : vector<16xi32>, vector<16xi1> -> vector<16xi32>
      %add3A_1959 = vector.broadcast %add3A_1926 : i32 to vector<16xi32>
      %add3A_1960 = arith.addi %masked_cumsum3A_1958, %add3A_1959 : vector<16xi32>
      %convert_element_type3A_1961 = arith.extui %eq3A_1845 : vector<16xi1> to vector<16xi32>
      %reduce_sum3A_1962 = arith.constant true
      %reduce_sum3A_1963 = vector.broadcast %reduce_sum3A_1962 : i1 to vector<16xi1>
      %reduce_sum3A_1964 = tpu.scan <sum>, %convert_element_type3A_1961 masked %reduce_sum3A_1963 : vector<16xi32>, vector<16xi1> -> vector<16xi32>
      %reduce_sum3A_1965 = vector.extract %reduce_sum3A_1964[15] : i32 from vector<16xi32>
      %add3A_1966 = arith.addi %add3A_1926, %reduce_sum3A_1965 : i32
      %le3A_1967 = vector.broadcast %min3A_1865 : i32 to vector<16xi32>
      %le3A_1968 = arith.cmpi sle, %add3A_1960, %le3A_1967 : vector<16xi32>
      %and3A_1969 = arith.andi %eq3A_1845, %le3A_1968 : vector<16xi1>
      %or3A_1970 = arith.ori %gt3A_1954, %and3A_1969 : vector<16xi1>
      %sub3A_1971 = arith.constant 1.000000e+00 : f32
      %sub3A_1972 = vector.broadcast %sub3A_1971 : f32 to vector<16xf32>
      %sub3A_1973 = arith.subf %sub3A_1972, %get3A_1950 : vector<16xf32>
      %add3A_1974 = arith.constant 9.99999997E-7 : f32
      %add3A_1975 = vector.broadcast %add3A_1974 : f32 to vector<16xf32>
      %add3A_1976 = arith.addf %sub3A_1973, %add3A_1975 : vector<16xf32>
      %div3A_1977 = arith.constant 1.000000e+00 : f32
      %div3A_1978 = vector.broadcast %div3A_1977 : f32 to vector<16xf32>
      %div3A_1979 = arith.divf %div3A_1978, %add3A_1976 : vector<16xf32>
      %jit3A_1980 = arith.constant 0.000000e+00 : f32
      %broadcast_in_dim3A_1981 = vector.broadcast %jit3A_1980 : f32 to vector<16xf32>
      %select_n3A_1982 = arith.select %or3A_1970, %div3A_1979, %broadcast_in_dim3A_1981 : vector<16xi1>, vector<16xf32>
      %add3A_1983 = arith.addf %add3A_1943, %select_n3A_1982 : vector<16xf32>
      %mul3A_1984 = arith.mulf %div3A_1979, %get3A_1952 : vector<16xf32>
      %jit3A_1985 = arith.constant 0.000000e+00 : f32
      %broadcast_in_dim3A_1986 = vector.broadcast %jit3A_1985 : f32 to vector<16xf32>
      %select_n3A_1987 = arith.select %or3A_1970, %mul3A_1984, %broadcast_in_dim3A_1986 : vector<16xi1>, vector<16xf32>
      %add3A_1988 = arith.addf %add3A_1948, %select_n3A_1987 : vector<16xf32>
      %get3A_1989 = arith.constant 1840 : index
      %get3A_1990 = tpu.vector_load %arg18[%get3A_1989] {strides = array<i32>} : memref<4096xf32, #tpu.memory_space<vmem>>, vector<16xf32>,
      %get3A_1991 = arith.constant 1904 : index
      %get3A_1992 = tpu.vector_load %arg18[%get3A_1991] {strides = array<i32>} : memref<4096xf32, #tpu.memory_space<vmem>>, vector<16xf32>,
      %gt3A_1993 = vector.broadcast %while3A_364#1 : f32 to vector<16xf32>
      %gt3A_1994 = arith.cmpf ogt, %get3A_1990, %gt3A_1993 : vector<16xf32>
      %convert_element_type3A_1995 = arith.extui %eq3A_1855 : vector<16xi1> to vector<16xi32>
      %broadcast_in_dim3A_1996 = arith.constant true
      %broadcast_in_dim3A_1997 = vector.broadcast %broadcast_in_dim3A_1996 : i1 to vector<16xi1>
      %masked_cumsum3A_1998 = tpu.scan <sum>, %convert_element_type3A_1995 masked %broadcast_in_dim3A_1997 : vector<16xi32>, vector<16xi1> -> vector<16xi32>
      %add3A_1999 = vector.broadcast %add3A_1966 : i32 to vector<16xi32>
      %add3A_2000 = arith.addi %masked_cumsum3A_1998, %add3A_1999 : vector<16xi32>
      %convert_element_type3A_2001 = arith.extui %eq3A_1855 : vector<16xi1> to vector<16xi32>
      %reduce_sum3A_2002 = arith.constant true
      %reduce_sum3A_2003 = vector.broadcast %reduce_sum3A_2002 : i1 to vector<16xi1>
      %reduce_sum3A_2004 = tpu.scan <sum>, %convert_element_type3A_2001 masked %reduce_sum3A_2003 : vector<16xi32>, vector<16xi1> -> vector<16xi32>
      %reduce_sum3A_2005 = vector.extract %reduce_sum3A_2004[15] : i32 from vector<16xi32>
      %add3A_2006 = arith.addi %add3A_1966, %reduce_sum3A_2005 : i32
      %le3A_2007 = vector.broadcast %min3A_1865 : i32 to vector<16xi32>
      %le3A_2008 = arith.cmpi sle, %add3A_2000, %le3A_2007 : vector<16xi32>
      %and3A_2009 = arith.andi %eq3A_1855, %le3A_2008 : vector<16xi1>
      %or3A_2010 = arith.ori %gt3A_1994, %and3A_2009 : vector<16xi1>
      %sub3A_2011 = arith.constant 1.000000e+00 : f32
      %sub3A_2012 = vector.broadcast %sub3A_2011 : f32 to vector<16xf32>
      %sub3A_2013 = arith.subf %sub3A_2012, %get3A_1990 : vector<16xf32>
      %add3A_2014 = arith.constant 9.99999997E-7 : f32
      %add3A_2015 = vector.broadcast %add3A_2014 : f32 to vector<16xf32>
      %add3A_2016 = arith.addf %sub3A_2013, %add3A_2015 : vector<16xf32>
      %div3A_2017 = arith.constant 1.000000e+00 : f32
      %div3A_2018 = vector.broadcast %div3A_2017 : f32 to vector<16xf32>
      %div3A_2019 = arith.divf %div3A_2018, %add3A_2016 : vector<16xf32>
      %jit3A_2020 = arith.constant 0.000000e+00 : f32
      %broadcast_in_dim3A_2021 = vector.broadcast %jit3A_2020 : f32 to vector<16xf32>
      %select_n3A_2022 = arith.select %or3A_2010, %div3A_2019, %broadcast_in_dim3A_2021 : vector<16xi1>, vector<16xf32>
      %add3A_2023 = arith.addf %add3A_1983, %select_n3A_2022 : vector<16xf32>
      %mul3A_2024 = arith.mulf %div3A_2019, %get3A_1992 : vector<16xf32>
      %jit3A_2025 = arith.constant 0.000000e+00 : f32
      %broadcast_in_dim3A_2026 = vector.broadcast %jit3A_2025 : f32 to vector<16xf32>
      %select_n3A_2027 = arith.select %or3A_2010, %mul3A_2024, %broadcast_in_dim3A_2026 : vector<16xi1>, vector<16xf32>
      %add3A_2028 = arith.addf %add3A_1988, %select_n3A_2027 : vector<16xf32>
      %get3A_2029 = arith.constant 2048 : index
      %get3A_2030 = tpu.vector_load %arg18[%get3A_2029] {strides = array<i32>} : memref<4096xf32, #tpu.memory_space<vmem>>, vector<16xf32>,
      %eq3A_2031 = vector.broadcast %while3A_364#1 : f32 to vector<16xf32>
      %eq3A_2032 = arith.cmpf oeq, %get3A_2030, %eq3A_2031 : vector<16xf32>
      %convert_element_type3A_2033 = arith.extui %eq3A_2032 : vector<16xi1> to vector<16xi32>
      %reduce_sum3A_2034 = arith.constant true
      %reduce_sum3A_2035 = vector.broadcast %reduce_sum3A_2034 : i1 to vector<16xi1>
      %reduce_sum3A_2036 = tpu.scan <sum>, %convert_element_type3A_2033 masked %reduce_sum3A_2035 : vector<16xi32>, vector<16xi1> -> vector<16xi32>
      %reduce_sum3A_2037 = vector.extract %reduce_sum3A_2036[15] : i32 from vector<16xi32>
      %add3A_2038 = arith.constant 0 : i32
      %add3A_2039 = arith.addi %add3A_2038, %reduce_sum3A_2037 : i32
      %get3A_2040 = arith.constant 2064 : index
      %get3A_2041 = tpu.vector_load %arg18[%get3A_2040] {strides = array<i32>} : memref<4096xf32, #tpu.memory_space<vmem>>, vector<16xf32>,
      %eq3A_2042 = vector.broadcast %while3A_364#1 : f32 to vector<16xf32>
      %eq3A_2043 = arith.cmpf oeq, %get3A_2041, %eq3A_2042 : vector<16xf32>
      %convert_element_type3A_2044 = arith.extui %eq3A_2043 : vector<16xi1> to vector<16xi32>
      %reduce_sum3A_2045 = arith.constant true
      %reduce_sum3A_2046 = vector.broadcast %reduce_sum3A_2045 : i1 to vector<16xi1>
      %reduce_sum3A_2047 = tpu.scan <sum>, %convert_element_type3A_2044 masked %reduce_sum3A_2046 : vector<16xi32>, vector<16xi1> -> vector<16xi32>
      %reduce_sum3A_2048 = vector.extract %reduce_sum3A_2047[15] : i32 from vector<16xi32>
      %add3A_2049 = arith.addi %add3A_2039, %reduce_sum3A_2048 : i32
      %get3A_2050 = arith.constant 2080 : index
      %get3A_2051 = tpu.vector_load %arg18[%get3A_2050] {strides = array<i32>} : memref<4096xf32, #tpu.memory_space<vmem>>, vector<16xf32>,
      %eq3A_2052 = vector.broadcast %while3A_364#1 : f32 to vector<16xf32>
      %eq3A_2053 = arith.cmpf oeq, %get3A_2051, %eq3A_2052 : vector<16xf32>
      %convert_element_type3A_2054 = arith.extui %eq3A_2053 : vector<16xi1> to vector<16xi32>
      %reduce_sum3A_2055 = arith.constant true
      %reduce_sum3A_2056 = vector.broadcast %reduce_sum3A_2055 : i1 to vector<16xi1>
      %reduce_sum3A_2057 = tpu.scan <sum>, %convert_element_type3A_2054 masked %reduce_sum3A_2056 : vector<16xi32>, vector<16xi1> -> vector<16xi32>
      %reduce_sum3A_2058 = vector.extract %reduce_sum3A_2057[15] : i32 from vector<16xi32>
      %add3A_2059 = arith.addi %add3A_2049, %reduce_sum3A_2058 : i32
      %get3A_2060 = arith.constant 2096 : index
      %get3A_2061 = tpu.vector_load %arg18[%get3A_2060] {strides = array<i32>} : memref<4096xf32, #tpu.memory_space<vmem>>, vector<16xf32>,
      %eq3A_2062 = vector.broadcast %while3A_364#1 : f32 to vector<16xf32>
      %eq3A_2063 = arith.cmpf oeq, %get3A_2061, %eq3A_2062 : vector<16xf32>
      %convert_element_type3A_2064 = arith.extui %eq3A_2063 : vector<16xi1> to vector<16xi32>
      %reduce_sum3A_2065 = arith.constant true
      %reduce_sum3A_2066 = vector.broadcast %reduce_sum3A_2065 : i1 to vector<16xi1>
      %reduce_sum3A_2067 = tpu.scan <sum>, %convert_element_type3A_2064 masked %reduce_sum3A_2066 : vector<16xi32>, vector<16xi1> -> vector<16xi32>
      %reduce_sum3A_2068 = vector.extract %reduce_sum3A_2067[15] : i32 from vector<16xi32>
      %add3A_2069 = arith.addi %add3A_2059, %reduce_sum3A_2068 : i32
      %sub3A_2070 = arith.subi %sub3A_366, %add3A_1866 : i32
      %jit3A_2071 = arith.constant 0 : i32
      %max3A_2072 = arith.maxsi %jit3A_2071, %sub3A_2070 : i32
      %min3A_2073 = arith.minsi %add3A_2069, %max3A_2072 : i32
      %add3A_2074 = arith.addi %add3A_1866, %add3A_2069 : i32
      %get3A_2075 = arith.constant 2048 : index
      %get3A_2076 = tpu.vector_load %arg18[%get3A_2075] {strides = array<i32>} : memref<4096xf32, #tpu.memory_space<vmem>>, vector<16xf32>,
      %get3A_2077 = arith.constant 2112 : index
      %get3A_2078 = tpu.vector_load %arg18[%get3A_2077] {strides = array<i32>} : memref<4096xf32, #tpu.memory_space<vmem>>, vector<16xf32>,
      %gt3A_2079 = vector.broadcast %while3A_364#1 : f32 to vector<16xf32>
      %gt3A_2080 = arith.cmpf ogt, %get3A_2076, %gt3A_2079 : vector<16xf32>
      %convert_element_type3A_2081 = arith.extui %eq3A_2032 : vector<16xi1> to vector<16xi32>
      %broadcast_in_dim3A_2082 = arith.constant true
      %broadcast_in_dim3A_2083 = vector.broadcast %broadcast_in_dim3A_2082 : i1 to vector<16xi1>
      %masked_cumsum3A_2084 = tpu.scan <sum>, %convert_element_type3A_2081 masked %broadcast_in_dim3A_2083 : vector<16xi32>, vector<16xi1> -> vector<16xi32>
      %add3A_2085 = arith.constant 0 : i32
      %add3A_2086 = vector.broadcast %add3A_2085 : i32 to vector<16xi32>
      %add3A_2087 = arith.addi %masked_cumsum3A_2084, %add3A_2086 : vector<16xi32>
      %convert_element_type3A_2088 = arith.extui %eq3A_2032 : vector<16xi1> to vector<16xi32>
      %reduce_sum3A_2089 = arith.constant true
      %reduce_sum3A_2090 = vector.broadcast %reduce_sum3A_2089 : i1 to vector<16xi1>
      %reduce_sum3A_2091 = tpu.scan <sum>, %convert_element_type3A_2088 masked %reduce_sum3A_2090 : vector<16xi32>, vector<16xi1> -> vector<16xi32>
      %reduce_sum3A_2092 = vector.extract %reduce_sum3A_2091[15] : i32 from vector<16xi32>
      %add3A_2093 = arith.constant 0 : i32
      %add3A_2094 = arith.addi %add3A_2093, %reduce_sum3A_2092 : i32
      %le3A_2095 = vector.broadcast %min3A_2073 : i32 to vector<16xi32>
      %le3A_2096 = arith.cmpi sle, %add3A_2087, %le3A_2095 : vector<16xi32>
      %and3A_2097 = arith.andi %eq3A_2032, %le3A_2096 : vector<16xi1>
      %or3A_2098 = arith.ori %gt3A_2080, %and3A_2097 : vector<16xi1>
      %sub3A_2099 = arith.constant 1.000000e+00 : f32
      %sub3A_2100 = vector.broadcast %sub3A_2099 : f32 to vector<16xf32>
      %sub3A_2101 = arith.subf %sub3A_2100, %get3A_2076 : vector<16xf32>
      %add3A_2102 = arith.constant 9.99999997E-7 : f32
      %add3A_2103 = vector.broadcast %add3A_2102 : f32 to vector<16xf32>
      %add3A_2104 = arith.addf %sub3A_2101, %add3A_2103 : vector<16xf32>
      %div3A_2105 = arith.constant 1.000000e+00 : f32
      %div3A_2106 = vector.broadcast %div3A_2105 : f32 to vector<16xf32>
      %div3A_2107 = arith.divf %div3A_2106, %add3A_2104 : vector<16xf32>
      %jit3A_2108 = arith.constant 0.000000e+00 : f32
      %broadcast_in_dim3A_2109 = vector.broadcast %jit3A_2108 : f32 to vector<16xf32>
      %select_n3A_2110 = arith.select %or3A_2098, %div3A_2107, %broadcast_in_dim3A_2109 : vector<16xi1>, vector<16xf32>
      %add3A_2111 = arith.addf %add3A_2023, %select_n3A_2110 : vector<16xf32>
      %mul3A_2112 = arith.mulf %div3A_2107, %get3A_2078 : vector<16xf32>
      %jit3A_2113 = arith.constant 0.000000e+00 : f32
      %broadcast_in_dim3A_2114 = vector.broadcast %jit3A_2113 : f32 to vector<16xf32>
      %select_n3A_2115 = arith.select %or3A_2098, %mul3A_2112, %broadcast_in_dim3A_2114 : vector<16xi1>, vector<16xf32>
      %add3A_2116 = arith.addf %add3A_2028, %select_n3A_2115 : vector<16xf32>
      %get3A_2117 = arith.constant 2064 : index
      %get3A_2118 = tpu.vector_load %arg18[%get3A_2117] {strides = array<i32>} : memref<4096xf32, #tpu.memory_space<vmem>>, vector<16xf32>,
      %get3A_2119 = arith.constant 2128 : index
      %get3A_2120 = tpu.vector_load %arg18[%get3A_2119] {strides = array<i32>} : memref<4096xf32, #tpu.memory_space<vmem>>, vector<16xf32>,
      %gt3A_2121 = vector.broadcast %while3A_364#1 : f32 to vector<16xf32>
      %gt3A_2122 = arith.cmpf ogt, %get3A_2118, %gt3A_2121 : vector<16xf32>
      %convert_element_type3A_2123 = arith.extui %eq3A_2043 : vector<16xi1> to vector<16xi32>
      %broadcast_in_dim3A_2124 = arith.constant true
      %broadcast_in_dim3A_2125 = vector.broadcast %broadcast_in_dim3A_2124 : i1 to vector<16xi1>
      %masked_cumsum3A_2126 = tpu.scan <sum>, %convert_element_type3A_2123 masked %broadcast_in_dim3A_2125 : vector<16xi32>, vector<16xi1> -> vector<16xi32>
      %add3A_2127 = vector.broadcast %add3A_2094 : i32 to vector<16xi32>
      %add3A_2128 = arith.addi %masked_cumsum3A_2126, %add3A_2127 : vector<16xi32>
      %convert_element_type3A_2129 = arith.extui %eq3A_2043 : vector<16xi1> to vector<16xi32>
      %reduce_sum3A_2130 = arith.constant true
      %reduce_sum3A_2131 = vector.broadcast %reduce_sum3A_2130 : i1 to vector<16xi1>
      %reduce_sum3A_2132 = tpu.scan <sum>, %convert_element_type3A_2129 masked %reduce_sum3A_2131 : vector<16xi32>, vector<16xi1> -> vector<16xi32>
      %reduce_sum3A_2133 = vector.extract %reduce_sum3A_2132[15] : i32 from vector<16xi32>
      %add3A_2134 = arith.addi %add3A_2094, %reduce_sum3A_2133 : i32
      %le3A_2135 = vector.broadcast %min3A_2073 : i32 to vector<16xi32>
      %le3A_2136 = arith.cmpi sle, %add3A_2128, %le3A_2135 : vector<16xi32>
      %and3A_2137 = arith.andi %eq3A_2043, %le3A_2136 : vector<16xi1>
      %or3A_2138 = arith.ori %gt3A_2122, %and3A_2137 : vector<16xi1>
      %sub3A_2139 = arith.constant 1.000000e+00 : f32
      %sub3A_2140 = vector.broadcast %sub3A_2139 : f32 to vector<16xf32>
      %sub3A_2141 = arith.subf %sub3A_2140, %get3A_2118 : vector<16xf32>
      %add3A_2142 = arith.constant 9.99999997E-7 : f32
      %add3A_2143 = vector.broadcast %add3A_2142 : f32 to vector<16xf32>
      %add3A_2144 = arith.addf %sub3A_2141, %add3A_2143 : vector<16xf32>
      %div3A_2145 = arith.constant 1.000000e+00 : f32
      %div3A_2146 = vector.broadcast %div3A_2145 : f32 to vector<16xf32>
      %div3A_2147 = arith.divf %div3A_2146, %add3A_2144 : vector<16xf32>
      %jit3A_2148 = arith.constant 0.000000e+00 : f32
      %broadcast_in_dim3A_2149 = vector.broadcast %jit3A_2148 : f32 to vector<16xf32>
      %select_n3A_2150 = arith.select %or3A_2138, %div3A_2147, %broadcast_in_dim3A_2149 : vector<16xi1>, vector<16xf32>
      %add3A_2151 = arith.addf %add3A_2111, %select_n3A_2150 : vector<16xf32>
      %mul3A_2152 = arith.mulf %div3A_2147, %get3A_2120 : vector<16xf32>
      %jit3A_2153 = arith.constant 0.000000e+00 : f32
      %broadcast_in_dim3A_2154 = vector.broadcast %jit3A_2153 : f32 to vector<16xf32>
      %select_n3A_2155 = arith.select %or3A_2138, %mul3A_2152, %broadcast_in_dim3A_2154 : vector<16xi1>, vector<16xf32>
      %add3A_2156 = arith.addf %add3A_2116, %select_n3A_2155 : vector<16xf32>
      %get3A_2157 = arith.constant 2080 : index
      %get3A_2158 = tpu.vector_load %arg18[%get3A_2157] {strides = array<i32>} : memref<4096xf32, #tpu.memory_space<vmem>>, vector<16xf32>,
      %get3A_2159 = arith.constant 2144 : index
      %get3A_2160 = tpu.vector_load %arg18[%get3A_2159] {strides = array<i32>} : memref<4096xf32, #tpu.memory_space<vmem>>, vector<16xf32>,
      %gt3A_2161 = vector.broadcast %while3A_364#1 : f32 to vector<16xf32>
      %gt3A_2162 = arith.cmpf ogt, %get3A_2158, %gt3A_2161 : vector<16xf32>
      %convert_element_type3A_2163 = arith.extui %eq3A_2053 : vector<16xi1> to vector<16xi32>
      %broadcast_in_dim3A_2164 = arith.constant true
      %broadcast_in_dim3A_2165 = vector.broadcast %broadcast_in_dim3A_2164 : i1 to vector<16xi1>
      %masked_cumsum3A_2166 = tpu.scan <sum>, %convert_element_type3A_2163 masked %broadcast_in_dim3A_2165 : vector<16xi32>, vector<16xi1> -> vector<16xi32>
      %add3A_2167 = vector.broadcast %add3A_2134 : i32 to vector<16xi32>
      %add3A_2168 = arith.addi %masked_cumsum3A_2166, %add3A_2167 : vector<16xi32>
      %convert_element_type3A_2169 = arith.extui %eq3A_2053 : vector<16xi1> to vector<16xi32>
      %reduce_sum3A_2170 = arith.constant true
      %reduce_sum3A_2171 = vector.broadcast %reduce_sum3A_2170 : i1 to vector<16xi1>
      %reduce_sum3A_2172 = tpu.scan <sum>, %convert_element_type3A_2169 masked %reduce_sum3A_2171 : vector<16xi32>, vector<16xi1> -> vector<16xi32>
      %reduce_sum3A_2173 = vector.extract %reduce_sum3A_2172[15] : i32 from vector<16xi32>
      %add3A_2174 = arith.addi %add3A_2134, %reduce_sum3A_2173 : i32
      %le3A_2175 = vector.broadcast %min3A_2073 : i32 to vector<16xi32>
      %le3A_2176 = arith.cmpi sle, %add3A_2168, %le3A_2175 : vector<16xi32>
      %and3A_2177 = arith.andi %eq3A_2053, %le3A_2176 : vector<16xi1>
      %or3A_2178 = arith.ori %gt3A_2162, %and3A_2177 : vector<16xi1>
      %sub3A_2179 = arith.constant 1.000000e+00 : f32
      %sub3A_2180 = vector.broadcast %sub3A_2179 : f32 to vector<16xf32>
      %sub3A_2181 = arith.subf %sub3A_2180, %get3A_2158 : vector<16xf32>
      %add3A_2182 = arith.constant 9.99999997E-7 : f32
      %add3A_2183 = vector.broadcast %add3A_2182 : f32 to vector<16xf32>
      %add3A_2184 = arith.addf %sub3A_2181, %add3A_2183 : vector<16xf32>
      %div3A_2185 = arith.constant 1.000000e+00 : f32
      %div3A_2186 = vector.broadcast %div3A_2185 : f32 to vector<16xf32>
      %div3A_2187 = arith.divf %div3A_2186, %add3A_2184 : vector<16xf32>
      %jit3A_2188 = arith.constant 0.000000e+00 : f32
      %broadcast_in_dim3A_2189 = vector.broadcast %jit3A_2188 : f32 to vector<16xf32>
      %select_n3A_2190 = arith.select %or3A_2178, %div3A_2187, %broadcast_in_dim3A_2189 : vector<16xi1>, vector<16xf32>
      %add3A_2191 = arith.addf %add3A_2151, %select_n3A_2190 : vector<16xf32>
      %mul3A_2192 = arith.mulf %div3A_2187, %get3A_2160 : vector<16xf32>
      %jit3A_2193 = arith.constant 0.000000e+00 : f32
      %broadcast_in_dim3A_2194 = vector.broadcast %jit3A_2193 : f32 to vector<16xf32>
      %select_n3A_2195 = arith.select %or3A_2178, %mul3A_2192, %broadcast_in_dim3A_2194 : vector<16xi1>, vector<16xf32>
      %add3A_2196 = arith.addf %add3A_2156, %select_n3A_2195 : vector<16xf32>
      %get3A_2197 = arith.constant 2096 : index
      %get3A_2198 = tpu.vector_load %arg18[%get3A_2197] {strides = array<i32>} : memref<4096xf32, #tpu.memory_space<vmem>>, vector<16xf32>,
      %get3A_2199 = arith.constant 2160 : index
      %get3A_2200 = tpu.vector_load %arg18[%get3A_2199] {strides = array<i32>} : memref<4096xf32, #tpu.memory_space<vmem>>, vector<16xf32>,
      %gt3A_2201 = vector.broadcast %while3A_364#1 : f32 to vector<16xf32>
      %gt3A_2202 = arith.cmpf ogt, %get3A_2198, %gt3A_2201 : vector<16xf32>
      %convert_element_type3A_2203 = arith.extui %eq3A_2063 : vector<16xi1> to vector<16xi32>
      %broadcast_in_dim3A_2204 = arith.constant true
      %broadcast_in_dim3A_2205 = vector.broadcast %broadcast_in_dim3A_2204 : i1 to vector<16xi1>
      %masked_cumsum3A_2206 = tpu.scan <sum>, %convert_element_type3A_2203 masked %broadcast_in_dim3A_2205 : vector<16xi32>, vector<16xi1> -> vector<16xi32>
      %add3A_2207 = vector.broadcast %add3A_2174 : i32 to vector<16xi32>
      %add3A_2208 = arith.addi %masked_cumsum3A_2206, %add3A_2207 : vector<16xi32>
      %convert_element_type3A_2209 = arith.extui %eq3A_2063 : vector<16xi1> to vector<16xi32>
      %reduce_sum3A_2210 = arith.constant true
      %reduce_sum3A_2211 = vector.broadcast %reduce_sum3A_2210 : i1 to vector<16xi1>
      %reduce_sum3A_2212 = tpu.scan <sum>, %convert_element_type3A_2209 masked %reduce_sum3A_2211 : vector<16xi32>, vector<16xi1> -> vector<16xi32>
      %reduce_sum3A_2213 = vector.extract %reduce_sum3A_2212[15] : i32 from vector<16xi32>
      %add3A_2214 = arith.addi %add3A_2174, %reduce_sum3A_2213 : i32
      %le3A_2215 = vector.broadcast %min3A_2073 : i32 to vector<16xi32>
      %le3A_2216 = arith.cmpi sle, %add3A_2208, %le3A_2215 : vector<16xi32>
      %and3A_2217 = arith.andi %eq3A_2063, %le3A_2216 : vector<16xi1>
      %or3A_2218 = arith.ori %gt3A_2202, %and3A_2217 : vector<16xi1>
      %sub3A_2219 = arith.constant 1.000000e+00 : f32
      %sub3A_2220 = vector.broadcast %sub3A_2219 : f32 to vector<16xf32>
      %sub3A_2221 = arith.subf %sub3A_2220, %get3A_2198 : vector<16xf32>
      %add3A_2222 = arith.constant 9.99999997E-7 : f32
      %add3A_2223 = vector.broadcast %add3A_2222 : f32 to vector<16xf32>
      %add3A_2224 = arith.addf %sub3A_2221, %add3A_2223 : vector<16xf32>
      %div3A_2225 = arith.constant 1.000000e+00 : f32
      %div3A_2226 = vector.broadcast %div3A_2225 : f32 to vector<16xf32>
      %div3A_2227 = arith.divf %div3A_2226, %add3A_2224 : vector<16xf32>
      %jit3A_2228 = arith.constant 0.000000e+00 : f32
      %broadcast_in_dim3A_2229 = vector.broadcast %jit3A_2228 : f32 to vector<16xf32>
      %select_n3A_2230 = arith.select %or3A_2218, %div3A_2227, %broadcast_in_dim3A_2229 : vector<16xi1>, vector<16xf32>
      %add3A_2231 = arith.addf %add3A_2191, %select_n3A_2230 : vector<16xf32>
      %mul3A_2232 = arith.mulf %div3A_2227, %get3A_2200 : vector<16xf32>
      %jit3A_2233 = arith.constant 0.000000e+00 : f32
      %broadcast_in_dim3A_2234 = vector.broadcast %jit3A_2233 : f32 to vector<16xf32>
      %select_n3A_2235 = arith.select %or3A_2218, %mul3A_2232, %broadcast_in_dim3A_2234 : vector<16xi1>, vector<16xf32>
      %add3A_2236 = arith.addf %add3A_2196, %select_n3A_2235 : vector<16xf32>
      %get3A_2237 = arith.constant 2304 : index
      %get3A_2238 = tpu.vector_load %arg18[%get3A_2237] {strides = array<i32>} : memref<4096xf32, #tpu.memory_space<vmem>>, vector<16xf32>,
      %eq3A_2239 = vector.broadcast %while3A_364#1 : f32 to vector<16xf32>
      %eq3A_2240 = arith.cmpf oeq, %get3A_2238, %eq3A_2239 : vector<16xf32>
      %convert_element_type3A_2241 = arith.extui %eq3A_2240 : vector<16xi1> to vector<16xi32>
      %reduce_sum3A_2242 = arith.constant true
      %reduce_sum3A_2243 = vector.broadcast %reduce_sum3A_2242 : i1 to vector<16xi1>
      %reduce_sum3A_2244 = tpu.scan <sum>, %convert_element_type3A_2241 masked %reduce_sum3A_2243 : vector<16xi32>, vector<16xi1> -> vector<16xi32>
      %reduce_sum3A_2245 = vector.extract %reduce_sum3A_2244[15] : i32 from vector<16xi32>
      %add3A_2246 = arith.constant 0 : i32
      %add3A_2247 = arith.addi %add3A_2246, %reduce_sum3A_2245 : i32
      %get3A_2248 = arith.constant 2320 : index
      %get3A_2249 = tpu.vector_load %arg18[%get3A_2248] {strides = array<i32>} : memref<4096xf32, #tpu.memory_space<vmem>>, vector<16xf32>,
      %eq3A_2250 = vector.broadcast %while3A_364#1 : f32 to vector<16xf32>
      %eq3A_2251 = arith.cmpf oeq, %get3A_2249, %eq3A_2250 : vector<16xf32>
      %convert_element_type3A_2252 = arith.extui %eq3A_2251 : vector<16xi1> to vector<16xi32>
      %reduce_sum3A_2253 = arith.constant true
      %reduce_sum3A_2254 = vector.broadcast %reduce_sum3A_2253 : i1 to vector<16xi1>
      %reduce_sum3A_2255 = tpu.scan <sum>, %convert_element_type3A_2252 masked %reduce_sum3A_2254 : vector<16xi32>, vector<16xi1> -> vector<16xi32>
      %reduce_sum3A_2256 = vector.extract %reduce_sum3A_2255[15] : i32 from vector<16xi32>
      %add3A_2257 = arith.addi %add3A_2247, %reduce_sum3A_2256 : i32
      %get3A_2258 = arith.constant 2336 : index
      %get3A_2259 = tpu.vector_load %arg18[%get3A_2258] {strides = array<i32>} : memref<4096xf32, #tpu.memory_space<vmem>>, vector<16xf32>,
      %eq3A_2260 = vector.broadcast %while3A_364#1 : f32 to vector<16xf32>
      %eq3A_2261 = arith.cmpf oeq, %get3A_2259, %eq3A_2260 : vector<16xf32>
      %convert_element_type3A_2262 = arith.extui %eq3A_2261 : vector<16xi1> to vector<16xi32>
      %reduce_sum3A_2263 = arith.constant true
      %reduce_sum3A_2264 = vector.broadcast %reduce_sum3A_2263 : i1 to vector<16xi1>
      %reduce_sum3A_2265 = tpu.scan <sum>, %convert_element_type3A_2262 masked %reduce_sum3A_2264 : vector<16xi32>, vector<16xi1> -> vector<16xi32>
      %reduce_sum3A_2266 = vector.extract %reduce_sum3A_2265[15] : i32 from vector<16xi32>
      %add3A_2267 = arith.addi %add3A_2257, %reduce_sum3A_2266 : i32
      %get3A_2268 = arith.constant 2352 : index
      %get3A_2269 = tpu.vector_load %arg18[%get3A_2268] {strides = array<i32>} : memref<4096xf32, #tpu.memory_space<vmem>>, vector<16xf32>,
      %eq3A_2270 = vector.broadcast %while3A_364#1 : f32 to vector<16xf32>
      %eq3A_2271 = arith.cmpf oeq, %get3A_2269, %eq3A_2270 : vector<16xf32>
      %convert_element_type3A_2272 = arith.extui %eq3A_2271 : vector<16xi1> to vector<16xi32>
      %reduce_sum3A_2273 = arith.constant true
      %reduce_sum3A_2274 = vector.broadcast %reduce_sum3A_2273 : i1 to vector<16xi1>
      %reduce_sum3A_2275 = tpu.scan <sum>, %convert_element_type3A_2272 masked %reduce_sum3A_2274 : vector<16xi32>, vector<16xi1> -> vector<16xi32>
      %reduce_sum3A_2276 = vector.extract %reduce_sum3A_2275[15] : i32 from vector<16xi32>
      %add3A_2277 = arith.addi %add3A_2267, %reduce_sum3A_2276 : i32
      %sub3A_2278 = arith.subi %sub3A_366, %add3A_2074 : i32
      %jit3A_2279 = arith.constant 0 : i32
      %max3A_2280 = arith.maxsi %jit3A_2279, %sub3A_2278 : i32
      %min3A_2281 = arith.minsi %add3A_2277, %max3A_2280 : i32
      %add3A_2282 = arith.addi %add3A_2074, %add3A_2277 : i32
      %get3A_2283 = arith.constant 2304 : index
      %get3A_2284 = tpu.vector_load %arg18[%get3A_2283] {strides = array<i32>} : memref<4096xf32, #tpu.memory_space<vmem>>, vector<16xf32>,
      %get3A_2285 = arith.constant 2368 : index
      %get3A_2286 = tpu.vector_load %arg18[%get3A_2285] {strides = array<i32>} : memref<4096xf32, #tpu.memory_space<vmem>>, vector<16xf32>,
      %gt3A_2287 = vector.broadcast %while3A_364#1 : f32 to vector<16xf32>
      %gt3A_2288 = arith.cmpf ogt, %get3A_2284, %gt3A_2287 : vector<16xf32>
      %convert_element_type3A_2289 = arith.extui %eq3A_2240 : vector<16xi1> to vector<16xi32>
      %broadcast_in_dim3A_2290 = arith.constant true
      %broadcast_in_dim3A_2291 = vector.broadcast %broadcast_in_dim3A_2290 : i1 to vector<16xi1>
      %masked_cumsum3A_2292 = tpu.scan <sum>, %convert_element_type3A_2289 masked %broadcast_in_dim3A_2291 : vector<16xi32>, vector<16xi1> -> vector<16xi32>
      %add3A_2293 = arith.constant 0 : i32
      %add3A_2294 = vector.broadcast %add3A_2293 : i32 to vector<16xi32>
      %add3A_2295 = arith.addi %masked_cumsum3A_2292, %add3A_2294 : vector<16xi32>
      %convert_element_type3A_2296 = arith.extui %eq3A_2240 : vector<16xi1> to vector<16xi32>
      %reduce_sum3A_2297 = arith.constant true
      %reduce_sum3A_2298 = vector.broadcast %reduce_sum3A_2297 : i1 to vector<16xi1>
      %reduce_sum3A_2299 = tpu.scan <sum>, %convert_element_type3A_2296 masked %reduce_sum3A_2298 : vector<16xi32>, vector<16xi1> -> vector<16xi32>
      %reduce_sum3A_2300 = vector.extract %reduce_sum3A_2299[15] : i32 from vector<16xi32>
      %add3A_2301 = arith.constant 0 : i32
      %add3A_2302 = arith.addi %add3A_2301, %reduce_sum3A_2300 : i32
      %le3A_2303 = vector.broadcast %min3A_2281 : i32 to vector<16xi32>
      %le3A_2304 = arith.cmpi sle, %add3A_2295, %le3A_2303 : vector<16xi32>
      %and3A_2305 = arith.andi %eq3A_2240, %le3A_2304 : vector<16xi1>
      %or3A_2306 = arith.ori %gt3A_2288, %and3A_2305 : vector<16xi1>
      %sub3A_2307 = arith.constant 1.000000e+00 : f32
      %sub3A_2308 = vector.broadcast %sub3A_2307 : f32 to vector<16xf32>
      %sub3A_2309 = arith.subf %sub3A_2308, %get3A_2284 : vector<16xf32>
      %add3A_2310 = arith.constant 9.99999997E-7 : f32
      %add3A_2311 = vector.broadcast %add3A_2310 : f32 to vector<16xf32>
      %add3A_2312 = arith.addf %sub3A_2309, %add3A_2311 : vector<16xf32>
      %div3A_2313 = arith.constant 1.000000e+00 : f32
      %div3A_2314 = vector.broadcast %div3A_2313 : f32 to vector<16xf32>
      %div3A_2315 = arith.divf %div3A_2314, %add3A_2312 : vector<16xf32>
      %jit3A_2316 = arith.constant 0.000000e+00 : f32
      %broadcast_in_dim3A_2317 = vector.broadcast %jit3A_2316 : f32 to vector<16xf32>
      %select_n3A_2318 = arith.select %or3A_2306, %div3A_2315, %broadcast_in_dim3A_2317 : vector<16xi1>, vector<16xf32>
      %add3A_2319 = arith.addf %add3A_2231, %select_n3A_2318 : vector<16xf32>
      %mul3A_2320 = arith.mulf %div3A_2315, %get3A_2286 : vector<16xf32>
      %jit3A_2321 = arith.constant 0.000000e+00 : f32
      %broadcast_in_dim3A_2322 = vector.broadcast %jit3A_2321 : f32 to vector<16xf32>
      %select_n3A_2323 = arith.select %or3A_2306, %mul3A_2320, %broadcast_in_dim3A_2322 : vector<16xi1>, vector<16xf32>
      %add3A_2324 = arith.addf %add3A_2236, %select_n3A_2323 : vector<16xf32>
      %get3A_2325 = arith.constant 2320 : index
      %get3A_2326 = tpu.vector_load %arg18[%get3A_2325] {strides = array<i32>} : memref<4096xf32, #tpu.memory_space<vmem>>, vector<16xf32>,
      %get3A_2327 = arith.constant 2384 : index
      %get3A_2328 = tpu.vector_load %arg18[%get3A_2327] {strides = array<i32>} : memref<4096xf32, #tpu.memory_space<vmem>>, vector<16xf32>,
      %gt3A_2329 = vector.broadcast %while3A_364#1 : f32 to vector<16xf32>
      %gt3A_2330 = arith.cmpf ogt, %get3A_2326, %gt3A_2329 : vector<16xf32>
      %convert_element_type3A_2331 = arith.extui %eq3A_2251 : vector<16xi1> to vector<16xi32>
      %broadcast_in_dim3A_2332 = arith.constant true
      %broadcast_in_dim3A_2333 = vector.broadcast %broadcast_in_dim3A_2332 : i1 to vector<16xi1>
      %masked_cumsum3A_2334 = tpu.scan <sum>, %convert_element_type3A_2331 masked %broadcast_in_dim3A_2333 : vector<16xi32>, vector<16xi1> -> vector<16xi32>
      %add3A_2335 = vector.broadcast %add3A_2302 : i32 to vector<16xi32>
      %add3A_2336 = arith.addi %masked_cumsum3A_2334, %add3A_2335 : vector<16xi32>
      %convert_element_type3A_2337 = arith.extui %eq3A_2251 : vector<16xi1> to vector<16xi32>
      %reduce_sum3A_2338 = arith.constant true
      %reduce_sum3A_2339 = vector.broadcast %reduce_sum3A_2338 : i1 to vector<16xi1>
      %reduce_sum3A_2340 = tpu.scan <sum>, %convert_element_type3A_2337 masked %reduce_sum3A_2339 : vector<16xi32>, vector<16xi1> -> vector<16xi32>
      %reduce_sum3A_2341 = vector.extract %reduce_sum3A_2340[15] : i32 from vector<16xi32>
      %add3A_2342 = arith.addi %add3A_2302, %reduce_sum3A_2341 : i32
      %le3A_2343 = vector.broadcast %min3A_2281 : i32 to vector<16xi32>
      %le3A_2344 = arith.cmpi sle, %add3A_2336, %le3A_2343 : vector<16xi32>
      %and3A_2345 = arith.andi %eq3A_2251, %le3A_2344 : vector<16xi1>
      %or3A_2346 = arith.ori %gt3A_2330, %and3A_2345 : vector<16xi1>
      %sub3A_2347 = arith.constant 1.000000e+00 : f32
      %sub3A_2348 = vector.broadcast %sub3A_2347 : f32 to vector<16xf32>
      %sub3A_2349 = arith.subf %sub3A_2348, %get3A_2326 : vector<16xf32>
      %add3A_2350 = arith.constant 9.99999997E-7 : f32
      %add3A_2351 = vector.broadcast %add3A_2350 : f32 to vector<16xf32>
      %add3A_2352 = arith.addf %sub3A_2349, %add3A_2351 : vector<16xf32>
      %div3A_2353 = arith.constant 1.000000e+00 : f32
      %div3A_2354 = vector.broadcast %div3A_2353 : f32 to vector<16xf32>
      %div3A_2355 = arith.divf %div3A_2354, %add3A_2352 : vector<16xf32>
      %jit3A_2356 = arith.constant 0.000000e+00 : f32
      %broadcast_in_dim3A_2357 = vector.broadcast %jit3A_2356 : f32 to vector<16xf32>
      %select_n3A_2358 = arith.select %or3A_2346, %div3A_2355, %broadcast_in_dim3A_2357 : vector<16xi1>, vector<16xf32>
      %add3A_2359 = arith.addf %add3A_2319, %select_n3A_2358 : vector<16xf32>
      %mul3A_2360 = arith.mulf %div3A_2355, %get3A_2328 : vector<16xf32>
      %jit3A_2361 = arith.constant 0.000000e+00 : f32
      %broadcast_in_dim3A_2362 = vector.broadcast %jit3A_2361 : f32 to vector<16xf32>
      %select_n3A_2363 = arith.select %or3A_2346, %mul3A_2360, %broadcast_in_dim3A_2362 : vector<16xi1>, vector<16xf32>
      %add3A_2364 = arith.addf %add3A_2324, %select_n3A_2363 : vector<16xf32>
      %get3A_2365 = arith.constant 2336 : index
      %get3A_2366 = tpu.vector_load %arg18[%get3A_2365] {strides = array<i32>} : memref<4096xf32, #tpu.memory_space<vmem>>, vector<16xf32>,
      %get3A_2367 = arith.constant 2400 : index
      %get3A_2368 = tpu.vector_load %arg18[%get3A_2367] {strides = array<i32>} : memref<4096xf32, #tpu.memory_space<vmem>>, vector<16xf32>,
      %gt3A_2369 = vector.broadcast %while3A_364#1 : f32 to vector<16xf32>
      %gt3A_2370 = arith.cmpf ogt, %get3A_2366, %gt3A_2369 : vector<16xf32>
      %convert_element_type3A_2371 = arith.extui %eq3A_2261 : vector<16xi1> to vector<16xi32>
      %broadcast_in_dim3A_2372 = arith.constant true
      %broadcast_in_dim3A_2373 = vector.broadcast %broadcast_in_dim3A_2372 : i1 to vector<16xi1>
      %masked_cumsum3A_2374 = tpu.scan <sum>, %convert_element_type3A_2371 masked %broadcast_in_dim3A_2373 : vector<16xi32>, vector<16xi1> -> vector<16xi32>
      %add3A_2375 = vector.broadcast %add3A_2342 : i32 to vector<16xi32>
      %add3A_2376 = arith.addi %masked_cumsum3A_2374, %add3A_2375 : vector<16xi32>
      %convert_element_type3A_2377 = arith.extui %eq3A_2261 : vector<16xi1> to vector<16xi32>
      %reduce_sum3A_2378 = arith.constant true
      %reduce_sum3A_2379 = vector.broadcast %reduce_sum3A_2378 : i1 to vector<16xi1>
      %reduce_sum3A_2380 = tpu.scan <sum>, %convert_element_type3A_2377 masked %reduce_sum3A_2379 : vector<16xi32>, vector<16xi1> -> vector<16xi32>
      %reduce_sum3A_2381 = vector.extract %reduce_sum3A_2380[15] : i32 from vector<16xi32>
      %add3A_2382 = arith.addi %add3A_2342, %reduce_sum3A_2381 : i32
      %le3A_2383 = vector.broadcast %min3A_2281 : i32 to vector<16xi32>
      %le3A_2384 = arith.cmpi sle, %add3A_2376, %le3A_2383 : vector<16xi32>
      %and3A_2385 = arith.andi %eq3A_2261, %le3A_2384 : vector<16xi1>
      %or3A_2386 = arith.ori %gt3A_2370, %and3A_2385 : vector<16xi1>
      %sub3A_2387 = arith.constant 1.000000e+00 : f32
      %sub3A_2388 = vector.broadcast %sub3A_2387 : f32 to vector<16xf32>
      %sub3A_2389 = arith.subf %sub3A_2388, %get3A_2366 : vector<16xf32>
      %add3A_2390 = arith.constant 9.99999997E-7 : f32
      %add3A_2391 = vector.broadcast %add3A_2390 : f32 to vector<16xf32>
      %add3A_2392 = arith.addf %sub3A_2389, %add3A_2391 : vector<16xf32>
      %div3A_2393 = arith.constant 1.000000e+00 : f32
      %div3A_2394 = vector.broadcast %div3A_2393 : f32 to vector<16xf32>
      %div3A_2395 = arith.divf %div3A_2394, %add3A_2392 : vector<16xf32>
      %jit3A_2396 = arith.constant 0.000000e+00 : f32
      %broadcast_in_dim3A_2397 = vector.broadcast %jit3A_2396 : f32 to vector<16xf32>
      %select_n3A_2398 = arith.select %or3A_2386, %div3A_2395, %broadcast_in_dim3A_2397 : vector<16xi1>, vector<16xf32>
      %add3A_2399 = arith.addf %add3A_2359, %select_n3A_2398 : vector<16xf32>
      %mul3A_2400 = arith.mulf %div3A_2395, %get3A_2368 : vector<16xf32>
      %jit3A_2401 = arith.constant 0.000000e+00 : f32
      %broadcast_in_dim3A_2402 = vector.broadcast %jit3A_2401 : f32 to vector<16xf32>
      %select_n3A_2403 = arith.select %or3A_2386, %mul3A_2400, %broadcast_in_dim3A_2402 : vector<16xi1>, vector<16xf32>
      %add3A_2404 = arith.addf %add3A_2364, %select_n3A_2403 : vector<16xf32>
      %get3A_2405 = arith.constant 2352 : index
      %get3A_2406 = tpu.vector_load %arg18[%get3A_2405] {strides = array<i32>} : memref<4096xf32, #tpu.memory_space<vmem>>, vector<16xf32>,
      %get3A_2407 = arith.constant 2416 : index
      %get3A_2408 = tpu.vector_load %arg18[%get3A_2407] {strides = array<i32>} : memref<4096xf32, #tpu.memory_space<vmem>>, vector<16xf32>,
      %gt3A_2409 = vector.broadcast %while3A_364#1 : f32 to vector<16xf32>
      %gt3A_2410 = arith.cmpf ogt, %get3A_2406, %gt3A_2409 : vector<16xf32>
      %convert_element_type3A_2411 = arith.extui %eq3A_2271 : vector<16xi1> to vector<16xi32>
      %broadcast_in_dim3A_2412 = arith.constant true
      %broadcast_in_dim3A_2413 = vector.broadcast %broadcast_in_dim3A_2412 : i1 to vector<16xi1>
      %masked_cumsum3A_2414 = tpu.scan <sum>, %convert_element_type3A_2411 masked %broadcast_in_dim3A_2413 : vector<16xi32>, vector<16xi1> -> vector<16xi32>
      %add3A_2415 = vector.broadcast %add3A_2382 : i32 to vector<16xi32>
      %add3A_2416 = arith.addi %masked_cumsum3A_2414, %add3A_2415 : vector<16xi32>
      %convert_element_type3A_2417 = arith.extui %eq3A_2271 : vector<16xi1> to vector<16xi32>
      %reduce_sum3A_2418 = arith.constant true
      %reduce_sum3A_2419 = vector.broadcast %reduce_sum3A_2418 : i1 to vector<16xi1>
      %reduce_sum3A_2420 = tpu.scan <sum>, %convert_element_type3A_2417 masked %reduce_sum3A_2419 : vector<16xi32>, vector<16xi1> -> vector<16xi32>
      %reduce_sum3A_2421 = vector.extract %reduce_sum3A_2420[15] : i32 from vector<16xi32>
      %add3A_2422 = arith.addi %add3A_2382, %reduce_sum3A_2421 : i32
      %le3A_2423 = vector.broadcast %min3A_2281 : i32 to vector<16xi32>
      %le3A_2424 = arith.cmpi sle, %add3A_2416, %le3A_2423 : vector<16xi32>
      %and3A_2425 = arith.andi %eq3A_2271, %le3A_2424 : vector<16xi1>
      %or3A_2426 = arith.ori %gt3A_2410, %and3A_2425 : vector<16xi1>
      %sub3A_2427 = arith.constant 1.000000e+00 : f32
      %sub3A_2428 = vector.broadcast %sub3A_2427 : f32 to vector<16xf32>
      %sub3A_2429 = arith.subf %sub3A_2428, %get3A_2406 : vector<16xf32>
      %add3A_2430 = arith.constant 9.99999997E-7 : f32
      %add3A_2431 = vector.broadcast %add3A_2430 : f32 to vector<16xf32>
      %add3A_2432 = arith.addf %sub3A_2429, %add3A_2431 : vector<16xf32>
      %div3A_2433 = arith.constant 1.000000e+00 : f32
      %div3A_2434 = vector.broadcast %div3A_2433 : f32 to vector<16xf32>
      %div3A_2435 = arith.divf %div3A_2434, %add3A_2432 : vector<16xf32>
      %jit3A_2436 = arith.constant 0.000000e+00 : f32
      %broadcast_in_dim3A_2437 = vector.broadcast %jit3A_2436 : f32 to vector<16xf32>
      %select_n3A_2438 = arith.select %or3A_2426, %div3A_2435, %broadcast_in_dim3A_2437 : vector<16xi1>, vector<16xf32>
      %add3A_2439 = arith.addf %add3A_2399, %select_n3A_2438 : vector<16xf32>
      %mul3A_2440 = arith.mulf %div3A_2435, %get3A_2408 : vector<16xf32>
      %jit3A_2441 = arith.constant 0.000000e+00 : f32
      %broadcast_in_dim3A_2442 = vector.broadcast %jit3A_2441 : f32 to vector<16xf32>
      %select_n3A_2443 = arith.select %or3A_2426, %mul3A_2440, %broadcast_in_dim3A_2442 : vector<16xi1>, vector<16xf32>
      %add3A_2444 = arith.addf %add3A_2404, %select_n3A_2443 : vector<16xf32>
      %get3A_2445 = arith.constant 2560 : index
      %get3A_2446 = tpu.vector_load %arg18[%get3A_2445] {strides = array<i32>} : memref<4096xf32, #tpu.memory_space<vmem>>, vector<16xf32>,
      %eq3A_2447 = vector.broadcast %while3A_364#1 : f32 to vector<16xf32>
      %eq3A_2448 = arith.cmpf oeq, %get3A_2446, %eq3A_2447 : vector<16xf32>
      %convert_element_type3A_2449 = arith.extui %eq3A_2448 : vector<16xi1> to vector<16xi32>
      %reduce_sum3A_2450 = arith.constant true
      %reduce_sum3A_2451 = vector.broadcast %reduce_sum3A_2450 : i1 to vector<16xi1>
      %reduce_sum3A_2452 = tpu.scan <sum>, %convert_element_type3A_2449 masked %reduce_sum3A_2451 : vector<16xi32>, vector<16xi1> -> vector<16xi32>
      %reduce_sum3A_2453 = vector.extract %reduce_sum3A_2452[15] : i32 from vector<16xi32>
      %add3A_2454 = arith.constant 0 : i32
      %add3A_2455 = arith.addi %add3A_2454, %reduce_sum3A_2453 : i32
      %get3A_2456 = arith.constant 2576 : index
      %get3A_2457 = tpu.vector_load %arg18[%get3A_2456] {strides = array<i32>} : memref<4096xf32, #tpu.memory_space<vmem>>, vector<16xf32>,
      %eq3A_2458 = vector.broadcast %while3A_364#1 : f32 to vector<16xf32>
      %eq3A_2459 = arith.cmpf oeq, %get3A_2457, %eq3A_2458 : vector<16xf32>
      %convert_element_type3A_2460 = arith.extui %eq3A_2459 : vector<16xi1> to vector<16xi32>
      %reduce_sum3A_2461 = arith.constant true
      %reduce_sum3A_2462 = vector.broadcast %reduce_sum3A_2461 : i1 to vector<16xi1>
      %reduce_sum3A_2463 = tpu.scan <sum>, %convert_element_type3A_2460 masked %reduce_sum3A_2462 : vector<16xi32>, vector<16xi1> -> vector<16xi32>
      %reduce_sum3A_2464 = vector.extract %reduce_sum3A_2463[15] : i32 from vector<16xi32>
      %add3A_2465 = arith.addi %add3A_2455, %reduce_sum3A_2464 : i32
      %get3A_2466 = arith.constant 2592 : index
      %get3A_2467 = tpu.vector_load %arg18[%get3A_2466] {strides = array<i32>} : memref<4096xf32, #tpu.memory_space<vmem>>, vector<16xf32>,
      %eq3A_2468 = vector.broadcast %while3A_364#1 : f32 to vector<16xf32>
      %eq3A_2469 = arith.cmpf oeq, %get3A_2467, %eq3A_2468 : vector<16xf32>
      %convert_element_type3A_2470 = arith.extui %eq3A_2469 : vector<16xi1> to vector<16xi32>
      %reduce_sum3A_2471 = arith.constant true
      %reduce_sum3A_2472 = vector.broadcast %reduce_sum3A_2471 : i1 to vector<16xi1>
      %reduce_sum3A_2473 = tpu.scan <sum>, %convert_element_type3A_2470 masked %reduce_sum3A_2472 : vector<16xi32>, vector<16xi1> -> vector<16xi32>
      %reduce_sum3A_2474 = vector.extract %reduce_sum3A_2473[15] : i32 from vector<16xi32>
      %add3A_2475 = arith.addi %add3A_2465, %reduce_sum3A_2474 : i32
      %get3A_2476 = arith.constant 2608 : index
      %get3A_2477 = tpu.vector_load %arg18[%get3A_2476] {strides = array<i32>} : memref<4096xf32, #tpu.memory_space<vmem>>, vector<16xf32>,
      %eq3A_2478 = vector.broadcast %while3A_364#1 : f32 to vector<16xf32>
      %eq3A_2479 = arith.cmpf oeq, %get3A_2477, %eq3A_2478 : vector<16xf32>
      %convert_element_type3A_2480 = arith.extui %eq3A_2479 : vector<16xi1> to vector<16xi32>
      %reduce_sum3A_2481 = arith.constant true
      %reduce_sum3A_2482 = vector.broadcast %reduce_sum3A_2481 : i1 to vector<16xi1>
      %reduce_sum3A_2483 = tpu.scan <sum>, %convert_element_type3A_2480 masked %reduce_sum3A_2482 : vector<16xi32>, vector<16xi1> -> vector<16xi32>
      %reduce_sum3A_2484 = vector.extract %reduce_sum3A_2483[15] : i32 from vector<16xi32>
      %add3A_2485 = arith.addi %add3A_2475, %reduce_sum3A_2484 : i32
      %sub3A_2486 = arith.subi %sub3A_366, %add3A_2282 : i32
      %jit3A_2487 = arith.constant 0 : i32
      %max3A_2488 = arith.maxsi %jit3A_2487, %sub3A_2486 : i32
      %min3A_2489 = arith.minsi %add3A_2485, %max3A_2488 : i32
      %add3A_2490 = arith.addi %add3A_2282, %add3A_2485 : i32
      %get3A_2491 = arith.constant 2560 : index
      %get3A_2492 = tpu.vector_load %arg18[%get3A_2491] {strides = array<i32>} : memref<4096xf32, #tpu.memory_space<vmem>>, vector<16xf32>,
      %get3A_2493 = arith.constant 2624 : index
      %get3A_2494 = tpu.vector_load %arg18[%get3A_2493] {strides = array<i32>} : memref<4096xf32, #tpu.memory_space<vmem>>, vector<16xf32>,
      %gt3A_2495 = vector.broadcast %while3A_364#1 : f32 to vector<16xf32>
      %gt3A_2496 = arith.cmpf ogt, %get3A_2492, %gt3A_2495 : vector<16xf32>
      %convert_element_type3A_2497 = arith.extui %eq3A_2448 : vector<16xi1> to vector<16xi32>
      %broadcast_in_dim3A_2498 = arith.constant true
      %broadcast_in_dim3A_2499 = vector.broadcast %broadcast_in_dim3A_2498 : i1 to vector<16xi1>
      %masked_cumsum3A_2500 = tpu.scan <sum>, %convert_element_type3A_2497 masked %broadcast_in_dim3A_2499 : vector<16xi32>, vector<16xi1> -> vector<16xi32>
      %add3A_2501 = arith.constant 0 : i32
      %add3A_2502 = vector.broadcast %add3A_2501 : i32 to vector<16xi32>
      %add3A_2503 = arith.addi %masked_cumsum3A_2500, %add3A_2502 : vector<16xi32>
      %convert_element_type3A_2504 = arith.extui %eq3A_2448 : vector<16xi1> to vector<16xi32>
      %reduce_sum3A_2505 = arith.constant true
      %reduce_sum3A_2506 = vector.broadcast %reduce_sum3A_2505 : i1 to vector<16xi1>
      %reduce_sum3A_2507 = tpu.scan <sum>, %convert_element_type3A_2504 masked %reduce_sum3A_2506 : vector<16xi32>, vector<16xi1> -> vector<16xi32>
      %reduce_sum3A_2508 = vector.extract %reduce_sum3A_2507[15] : i32 from vector<16xi32>
      %add3A_2509 = arith.constant 0 : i32
      %add3A_2510 = arith.addi %add3A_2509, %reduce_sum3A_2508 : i32
      %le3A_2511 = vector.broadcast %min3A_2489 : i32 to vector<16xi32>
      %le3A_2512 = arith.cmpi sle, %add3A_2503, %le3A_2511 : vector<16xi32>
      %and3A_2513 = arith.andi %eq3A_2448, %le3A_2512 : vector<16xi1>
      %or3A_2514 = arith.ori %gt3A_2496, %and3A_2513 : vector<16xi1>
      %sub3A_2515 = arith.constant 1.000000e+00 : f32
      %sub3A_2516 = vector.broadcast %sub3A_2515 : f32 to vector<16xf32>
      %sub3A_2517 = arith.subf %sub3A_2516, %get3A_2492 : vector<16xf32>
      %add3A_2518 = arith.constant 9.99999997E-7 : f32
      %add3A_2519 = vector.broadcast %add3A_2518 : f32 to vector<16xf32>
      %add3A_2520 = arith.addf %sub3A_2517, %add3A_2519 : vector<16xf32>
      %div3A_2521 = arith.constant 1.000000e+00 : f32
      %div3A_2522 = vector.broadcast %div3A_2521 : f32 to vector<16xf32>
      %div3A_2523 = arith.divf %div3A_2522, %add3A_2520 : vector<16xf32>
      %jit3A_2524 = arith.constant 0.000000e+00 : f32
      %broadcast_in_dim3A_2525 = vector.broadcast %jit3A_2524 : f32 to vector<16xf32>
      %select_n3A_2526 = arith.select %or3A_2514, %div3A_2523, %broadcast_in_dim3A_2525 : vector<16xi1>, vector<16xf32>
      %add3A_2527 = arith.addf %add3A_2439, %select_n3A_2526 : vector<16xf32>
      %mul3A_2528 = arith.mulf %div3A_2523, %get3A_2494 : vector<16xf32>
      %jit3A_2529 = arith.constant 0.000000e+00 : f32
      %broadcast_in_dim3A_2530 = vector.broadcast %jit3A_2529 : f32 to vector<16xf32>
      %select_n3A_2531 = arith.select %or3A_2514, %mul3A_2528, %broadcast_in_dim3A_2530 : vector<16xi1>, vector<16xf32>
      %add3A_2532 = arith.addf %add3A_2444, %select_n3A_2531 : vector<16xf32>
      %get3A_2533 = arith.constant 2576 : index
      %get3A_2534 = tpu.vector_load %arg18[%get3A_2533] {strides = array<i32>} : memref<4096xf32, #tpu.memory_space<vmem>>, vector<16xf32>,
      %get3A_2535 = arith.constant 2640 : index
      %get3A_2536 = tpu.vector_load %arg18[%get3A_2535] {strides = array<i32>} : memref<4096xf32, #tpu.memory_space<vmem>>, vector<16xf32>,
      %gt3A_2537 = vector.broadcast %while3A_364#1 : f32 to vector<16xf32>
      %gt3A_2538 = arith.cmpf ogt, %get3A_2534, %gt3A_2537 : vector<16xf32>
      %convert_element_type3A_2539 = arith.extui %eq3A_2459 : vector<16xi1> to vector<16xi32>
      %broadcast_in_dim3A_2540 = arith.constant true
      %broadcast_in_dim3A_2541 = vector.broadcast %broadcast_in_dim3A_2540 : i1 to vector<16xi1>
      %masked_cumsum3A_2542 = tpu.scan <sum>, %convert_element_type3A_2539 masked %broadcast_in_dim3A_2541 : vector<16xi32>, vector<16xi1> -> vector<16xi32>
      %add3A_2543 = vector.broadcast %add3A_2510 : i32 to vector<16xi32>
      %add3A_2544 = arith.addi %masked_cumsum3A_2542, %add3A_2543 : vector<16xi32>
      %convert_element_type3A_2545 = arith.extui %eq3A_2459 : vector<16xi1> to vector<16xi32>
      %reduce_sum3A_2546 = arith.constant true
      %reduce_sum3A_2547 = vector.broadcast %reduce_sum3A_2546 : i1 to vector<16xi1>
      %reduce_sum3A_2548 = tpu.scan <sum>, %convert_element_type3A_2545 masked %reduce_sum3A_2547 : vector<16xi32>, vector<16xi1> -> vector<16xi32>
      %reduce_sum3A_2549 = vector.extract %reduce_sum3A_2548[15] : i32 from vector<16xi32>
      %add3A_2550 = arith.addi %add3A_2510, %reduce_sum3A_2549 : i32
      %le3A_2551 = vector.broadcast %min3A_2489 : i32 to vector<16xi32>
      %le3A_2552 = arith.cmpi sle, %add3A_2544, %le3A_2551 : vector<16xi32>
      %and3A_2553 = arith.andi %eq3A_2459, %le3A_2552 : vector<16xi1>
      %or3A_2554 = arith.ori %gt3A_2538, %and3A_2553 : vector<16xi1>
      %sub3A_2555 = arith.constant 1.000000e+00 : f32
      %sub3A_2556 = vector.broadcast %sub3A_2555 : f32 to vector<16xf32>
      %sub3A_2557 = arith.subf %sub3A_2556, %get3A_2534 : vector<16xf32>
      %add3A_2558 = arith.constant 9.99999997E-7 : f32
      %add3A_2559 = vector.broadcast %add3A_2558 : f32 to vector<16xf32>
      %add3A_2560 = arith.addf %sub3A_2557, %add3A_2559 : vector<16xf32>
      %div3A_2561 = arith.constant 1.000000e+00 : f32
      %div3A_2562 = vector.broadcast %div3A_2561 : f32 to vector<16xf32>
      %div3A_2563 = arith.divf %div3A_2562, %add3A_2560 : vector<16xf32>
      %jit3A_2564 = arith.constant 0.000000e+00 : f32
      %broadcast_in_dim3A_2565 = vector.broadcast %jit3A_2564 : f32 to vector<16xf32>
      %select_n3A_2566 = arith.select %or3A_2554, %div3A_2563, %broadcast_in_dim3A_2565 : vector<16xi1>, vector<16xf32>
      %add3A_2567 = arith.addf %add3A_2527, %select_n3A_2566 : vector<16xf32>
      %mul3A_2568 = arith.mulf %div3A_2563, %get3A_2536 : vector<16xf32>
      %jit3A_2569 = arith.constant 0.000000e+00 : f32
      %broadcast_in_dim3A_2570 = vector.broadcast %jit3A_2569 : f32 to vector<16xf32>
      %select_n3A_2571 = arith.select %or3A_2554, %mul3A_2568, %broadcast_in_dim3A_2570 : vector<16xi1>, vector<16xf32>
      %add3A_2572 = arith.addf %add3A_2532, %select_n3A_2571 : vector<16xf32>
      %get3A_2573 = arith.constant 2592 : index
      %get3A_2574 = tpu.vector_load %arg18[%get3A_2573] {strides = array<i32>} : memref<4096xf32, #tpu.memory_space<vmem>>, vector<16xf32>,
      %get3A_2575 = arith.constant 2656 : index
      %get3A_2576 = tpu.vector_load %arg18[%get3A_2575] {strides = array<i32>} : memref<4096xf32, #tpu.memory_space<vmem>>, vector<16xf32>,
      %gt3A_2577 = vector.broadcast %while3A_364#1 : f32 to vector<16xf32>
      %gt3A_2578 = arith.cmpf ogt, %get3A_2574, %gt3A_2577 : vector<16xf32>
      %convert_element_type3A_2579 = arith.extui %eq3A_2469 : vector<16xi1> to vector<16xi32>
      %broadcast_in_dim3A_2580 = arith.constant true
      %broadcast_in_dim3A_2581 = vector.broadcast %broadcast_in_dim3A_2580 : i1 to vector<16xi1>
      %masked_cumsum3A_2582 = tpu.scan <sum>, %convert_element_type3A_2579 masked %broadcast_in_dim3A_2581 : vector<16xi32>, vector<16xi1> -> vector<16xi32>
      %add3A_2583 = vector.broadcast %add3A_2550 : i32 to vector<16xi32>
      %add3A_2584 = arith.addi %masked_cumsum3A_2582, %add3A_2583 : vector<16xi32>
      %convert_element_type3A_2585 = arith.extui %eq3A_2469 : vector<16xi1> to vector<16xi32>
      %reduce_sum3A_2586 = arith.constant true
      %reduce_sum3A_2587 = vector.broadcast %reduce_sum3A_2586 : i1 to vector<16xi1>
      %reduce_sum3A_2588 = tpu.scan <sum>, %convert_element_type3A_2585 masked %reduce_sum3A_2587 : vector<16xi32>, vector<16xi1> -> vector<16xi32>
      %reduce_sum3A_2589 = vector.extract %reduce_sum3A_2588[15] : i32 from vector<16xi32>
      %add3A_2590 = arith.addi %add3A_2550, %reduce_sum3A_2589 : i32
      %le3A_2591 = vector.broadcast %min3A_2489 : i32 to vector<16xi32>
      %le3A_2592 = arith.cmpi sle, %add3A_2584, %le3A_2591 : vector<16xi32>
      %and3A_2593 = arith.andi %eq3A_2469, %le3A_2592 : vector<16xi1>
      %or3A_2594 = arith.ori %gt3A_2578, %and3A_2593 : vector<16xi1>
      %sub3A_2595 = arith.constant 1.000000e+00 : f32
      %sub3A_2596 = vector.broadcast %sub3A_2595 : f32 to vector<16xf32>
      %sub3A_2597 = arith.subf %sub3A_2596, %get3A_2574 : vector<16xf32>
      %add3A_2598 = arith.constant 9.99999997E-7 : f32
      %add3A_2599 = vector.broadcast %add3A_2598 : f32 to vector<16xf32>
      %add3A_2600 = arith.addf %sub3A_2597, %add3A_2599 : vector<16xf32>
      %div3A_2601 = arith.constant 1.000000e+00 : f32
      %div3A_2602 = vector.broadcast %div3A_2601 : f32 to vector<16xf32>
      %div3A_2603 = arith.divf %div3A_2602, %add3A_2600 : vector<16xf32>
      %jit3A_2604 = arith.constant 0.000000e+00 : f32
      %broadcast_in_dim3A_2605 = vector.broadcast %jit3A_2604 : f32 to vector<16xf32>
      %select_n3A_2606 = arith.select %or3A_2594, %div3A_2603, %broadcast_in_dim3A_2605 : vector<16xi1>, vector<16xf32>
      %add3A_2607 = arith.addf %add3A_2567, %select_n3A_2606 : vector<16xf32>
      %mul3A_2608 = arith.mulf %div3A_2603, %get3A_2576 : vector<16xf32>
      %jit3A_2609 = arith.constant 0.000000e+00 : f32
      %broadcast_in_dim3A_2610 = vector.broadcast %jit3A_2609 : f32 to vector<16xf32>
      %select_n3A_2611 = arith.select %or3A_2594, %mul3A_2608, %broadcast_in_dim3A_2610 : vector<16xi1>, vector<16xf32>
      %add3A_2612 = arith.addf %add3A_2572, %select_n3A_2611 : vector<16xf32>
      %get3A_2613 = arith.constant 2608 : index
      %get3A_2614 = tpu.vector_load %arg18[%get3A_2613] {strides = array<i32>} : memref<4096xf32, #tpu.memory_space<vmem>>, vector<16xf32>,
      %get3A_2615 = arith.constant 2672 : index
      %get3A_2616 = tpu.vector_load %arg18[%get3A_2615] {strides = array<i32>} : memref<4096xf32, #tpu.memory_space<vmem>>, vector<16xf32>,
      %gt3A_2617 = vector.broadcast %while3A_364#1 : f32 to vector<16xf32>
      %gt3A_2618 = arith.cmpf ogt, %get3A_2614, %gt3A_2617 : vector<16xf32>
      %convert_element_type3A_2619 = arith.extui %eq3A_2479 : vector<16xi1> to vector<16xi32>
      %broadcast_in_dim3A_2620 = arith.constant true
      %broadcast_in_dim3A_2621 = vector.broadcast %broadcast_in_dim3A_2620 : i1 to vector<16xi1>
      %masked_cumsum3A_2622 = tpu.scan <sum>, %convert_element_type3A_2619 masked %broadcast_in_dim3A_2621 : vector<16xi32>, vector<16xi1> -> vector<16xi32>
      %add3A_2623 = vector.broadcast %add3A_2590 : i32 to vector<16xi32>
      %add3A_2624 = arith.addi %masked_cumsum3A_2622, %add3A_2623 : vector<16xi32>
      %convert_element_type3A_2625 = arith.extui %eq3A_2479 : vector<16xi1> to vector<16xi32>
      %reduce_sum3A_2626 = arith.constant true
      %reduce_sum3A_2627 = vector.broadcast %reduce_sum3A_2626 : i1 to vector<16xi1>
      %reduce_sum3A_2628 = tpu.scan <sum>, %convert_element_type3A_2625 masked %reduce_sum3A_2627 : vector<16xi32>, vector<16xi1> -> vector<16xi32>
      %reduce_sum3A_2629 = vector.extract %reduce_sum3A_2628[15] : i32 from vector<16xi32>
      %add3A_2630 = arith.addi %add3A_2590, %reduce_sum3A_2629 : i32
      %le3A_2631 = vector.broadcast %min3A_2489 : i32 to vector<16xi32>
      %le3A_2632 = arith.cmpi sle, %add3A_2624, %le3A_2631 : vector<16xi32>
      %and3A_2633 = arith.andi %eq3A_2479, %le3A_2632 : vector<16xi1>
      %or3A_2634 = arith.ori %gt3A_2618, %and3A_2633 : vector<16xi1>
      %sub3A_2635 = arith.constant 1.000000e+00 : f32
      %sub3A_2636 = vector.broadcast %sub3A_2635 : f32 to vector<16xf32>
      %sub3A_2637 = arith.subf %sub3A_2636, %get3A_2614 : vector<16xf32>
      %add3A_2638 = arith.constant 9.99999997E-7 : f32
      %add3A_2639 = vector.broadcast %add3A_2638 : f32 to vector<16xf32>
      %add3A_2640 = arith.addf %sub3A_2637, %add3A_2639 : vector<16xf32>
      %div3A_2641 = arith.constant 1.000000e+00 : f32
      %div3A_2642 = vector.broadcast %div3A_2641 : f32 to vector<16xf32>
      %div3A_2643 = arith.divf %div3A_2642, %add3A_2640 : vector<16xf32>
      %jit3A_2644 = arith.constant 0.000000e+00 : f32
      %broadcast_in_dim3A_2645 = vector.broadcast %jit3A_2644 : f32 to vector<16xf32>
      %select_n3A_2646 = arith.select %or3A_2634, %div3A_2643, %broadcast_in_dim3A_2645 : vector<16xi1>, vector<16xf32>
      %add3A_2647 = arith.addf %add3A_2607, %select_n3A_2646 : vector<16xf32>
      %mul3A_2648 = arith.mulf %div3A_2643, %get3A_2616 : vector<16xf32>
      %jit3A_2649 = arith.constant 0.000000e+00 : f32
      %broadcast_in_dim3A_2650 = vector.broadcast %jit3A_2649 : f32 to vector<16xf32>
      %select_n3A_2651 = arith.select %or3A_2634, %mul3A_2648, %broadcast_in_dim3A_2650 : vector<16xi1>, vector<16xf32>
      %add3A_2652 = arith.addf %add3A_2612, %select_n3A_2651 : vector<16xf32>
      %get3A_2653 = arith.constant 2816 : index
      %get3A_2654 = tpu.vector_load %arg18[%get3A_2653] {strides = array<i32>} : memref<4096xf32, #tpu.memory_space<vmem>>, vector<16xf32>,
      %eq3A_2655 = vector.broadcast %while3A_364#1 : f32 to vector<16xf32>
      %eq3A_2656 = arith.cmpf oeq, %get3A_2654, %eq3A_2655 : vector<16xf32>
      %convert_element_type3A_2657 = arith.extui %eq3A_2656 : vector<16xi1> to vector<16xi32>
      %reduce_sum3A_2658 = arith.constant true
      %reduce_sum3A_2659 = vector.broadcast %reduce_sum3A_2658 : i1 to vector<16xi1>
      %reduce_sum3A_2660 = tpu.scan <sum>, %convert_element_type3A_2657 masked %reduce_sum3A_2659 : vector<16xi32>, vector<16xi1> -> vector<16xi32>
      %reduce_sum3A_2661 = vector.extract %reduce_sum3A_2660[15] : i32 from vector<16xi32>
      %add3A_2662 = arith.constant 0 : i32
      %add3A_2663 = arith.addi %add3A_2662, %reduce_sum3A_2661 : i32
      %get3A_2664 = arith.constant 2832 : index
      %get3A_2665 = tpu.vector_load %arg18[%get3A_2664] {strides = array<i32>} : memref<4096xf32, #tpu.memory_space<vmem>>, vector<16xf32>,
      %eq3A_2666 = vector.broadcast %while3A_364#1 : f32 to vector<16xf32>
      %eq3A_2667 = arith.cmpf oeq, %get3A_2665, %eq3A_2666 : vector<16xf32>
      %convert_element_type3A_2668 = arith.extui %eq3A_2667 : vector<16xi1> to vector<16xi32>
      %reduce_sum3A_2669 = arith.constant true
      %reduce_sum3A_2670 = vector.broadcast %reduce_sum3A_2669 : i1 to vector<16xi1>
      %reduce_sum3A_2671 = tpu.scan <sum>, %convert_element_type3A_2668 masked %reduce_sum3A_2670 : vector<16xi32>, vector<16xi1> -> vector<16xi32>
      %reduce_sum3A_2672 = vector.extract %reduce_sum3A_2671[15] : i32 from vector<16xi32>
      %add3A_2673 = arith.addi %add3A_2663, %reduce_sum3A_2672 : i32
      %get3A_2674 = arith.constant 2848 : index
      %get3A_2675 = tpu.vector_load %arg18[%get3A_2674] {strides = array<i32>} : memref<4096xf32, #tpu.memory_space<vmem>>, vector<16xf32>,
      %eq3A_2676 = vector.broadcast %while3A_364#1 : f32 to vector<16xf32>
      %eq3A_2677 = arith.cmpf oeq, %get3A_2675, %eq3A_2676 : vector<16xf32>
      %convert_element_type3A_2678 = arith.extui %eq3A_2677 : vector<16xi1> to vector<16xi32>
      %reduce_sum3A_2679 = arith.constant true
      %reduce_sum3A_2680 = vector.broadcast %reduce_sum3A_2679 : i1 to vector<16xi1>
      %reduce_sum3A_2681 = tpu.scan <sum>, %convert_element_type3A_2678 masked %reduce_sum3A_2680 : vector<16xi32>, vector<16xi1> -> vector<16xi32>
      %reduce_sum3A_2682 = vector.extract %reduce_sum3A_2681[15] : i32 from vector<16xi32>
      %add3A_2683 = arith.addi %add3A_2673, %reduce_sum3A_2682 : i32
      %get3A_2684 = arith.constant 2864 : index
      %get3A_2685 = tpu.vector_load %arg18[%get3A_2684] {strides = array<i32>} : memref<4096xf32, #tpu.memory_space<vmem>>, vector<16xf32>,
      %eq3A_2686 = vector.broadcast %while3A_364#1 : f32 to vector<16xf32>
      %eq3A_2687 = arith.cmpf oeq, %get3A_2685, %eq3A_2686 : vector<16xf32>
      %convert_element_type3A_2688 = arith.extui %eq3A_2687 : vector<16xi1> to vector<16xi32>
      %reduce_sum3A_2689 = arith.constant true
      %reduce_sum3A_2690 = vector.broadcast %reduce_sum3A_2689 : i1 to vector<16xi1>
      %reduce_sum3A_2691 = tpu.scan <sum>, %convert_element_type3A_2688 masked %reduce_sum3A_2690 : vector<16xi32>, vector<16xi1> -> vector<16xi32>
      %reduce_sum3A_2692 = vector.extract %reduce_sum3A_2691[15] : i32 from vector<16xi32>
      %add3A_2693 = arith.addi %add3A_2683, %reduce_sum3A_2692 : i32
      %sub3A_2694 = arith.subi %sub3A_366, %add3A_2490 : i32
      %jit3A_2695 = arith.constant 0 : i32
      %max3A_2696 = arith.maxsi %jit3A_2695, %sub3A_2694 : i32
      %min3A_2697 = arith.minsi %add3A_2693, %max3A_2696 : i32
      %add3A_2698 = arith.addi %add3A_2490, %add3A_2693 : i32
      %get3A_2699 = arith.constant 2816 : index
      %get3A_2700 = tpu.vector_load %arg18[%get3A_2699] {strides = array<i32>} : memref<4096xf32, #tpu.memory_space<vmem>>, vector<16xf32>,
      %get3A_2701 = arith.constant 2880 : index
      %get3A_2702 = tpu.vector_load %arg18[%get3A_2701] {strides = array<i32>} : memref<4096xf32, #tpu.memory_space<vmem>>, vector<16xf32>,
      %gt3A_2703 = vector.broadcast %while3A_364#1 : f32 to vector<16xf32>
      %gt3A_2704 = arith.cmpf ogt, %get3A_2700, %gt3A_2703 : vector<16xf32>
      %convert_element_type3A_2705 = arith.extui %eq3A_2656 : vector<16xi1> to vector<16xi32>
      %broadcast_in_dim3A_2706 = arith.constant true
      %broadcast_in_dim3A_2707 = vector.broadcast %broadcast_in_dim3A_2706 : i1 to vector<16xi1>
      %masked_cumsum3A_2708 = tpu.scan <sum>, %convert_element_type3A_2705 masked %broadcast_in_dim3A_2707 : vector<16xi32>, vector<16xi1> -> vector<16xi32>
      %add3A_2709 = arith.constant 0 : i32
      %add3A_2710 = vector.broadcast %add3A_2709 : i32 to vector<16xi32>
      %add3A_2711 = arith.addi %masked_cumsum3A_2708, %add3A_2710 : vector<16xi32>
      %convert_element_type3A_2712 = arith.extui %eq3A_2656 : vector<16xi1> to vector<16xi32>
      %reduce_sum3A_2713 = arith.constant true
      %reduce_sum3A_2714 = vector.broadcast %reduce_sum3A_2713 : i1 to vector<16xi1>
      %reduce_sum3A_2715 = tpu.scan <sum>, %convert_element_type3A_2712 masked %reduce_sum3A_2714 : vector<16xi32>, vector<16xi1> -> vector<16xi32>
      %reduce_sum3A_2716 = vector.extract %reduce_sum3A_2715[15] : i32 from vector<16xi32>
      %add3A_2717 = arith.constant 0 : i32
      %add3A_2718 = arith.addi %add3A_2717, %reduce_sum3A_2716 : i32
      %le3A_2719 = vector.broadcast %min3A_2697 : i32 to vector<16xi32>
      %le3A_2720 = arith.cmpi sle, %add3A_2711, %le3A_2719 : vector<16xi32>
      %and3A_2721 = arith.andi %eq3A_2656, %le3A_2720 : vector<16xi1>
      %or3A_2722 = arith.ori %gt3A_2704, %and3A_2721 : vector<16xi1>
      %sub3A_2723 = arith.constant 1.000000e+00 : f32
      %sub3A_2724 = vector.broadcast %sub3A_2723 : f32 to vector<16xf32>
      %sub3A_2725 = arith.subf %sub3A_2724, %get3A_2700 : vector<16xf32>
      %add3A_2726 = arith.constant 9.99999997E-7 : f32
      %add3A_2727 = vector.broadcast %add3A_2726 : f32 to vector<16xf32>
      %add3A_2728 = arith.addf %sub3A_2725, %add3A_2727 : vector<16xf32>
      %div3A_2729 = arith.constant 1.000000e+00 : f32
      %div3A_2730 = vector.broadcast %div3A_2729 : f32 to vector<16xf32>
      %div3A_2731 = arith.divf %div3A_2730, %add3A_2728 : vector<16xf32>
      %jit3A_2732 = arith.constant 0.000000e+00 : f32
      %broadcast_in_dim3A_2733 = vector.broadcast %jit3A_2732 : f32 to vector<16xf32>
      %select_n3A_2734 = arith.select %or3A_2722, %div3A_2731, %broadcast_in_dim3A_2733 : vector<16xi1>, vector<16xf32>
      %add3A_2735 = arith.addf %add3A_2647, %select_n3A_2734 : vector<16xf32>
      %mul3A_2736 = arith.mulf %div3A_2731, %get3A_2702 : vector<16xf32>
      %jit3A_2737 = arith.constant 0.000000e+00 : f32
      %broadcast_in_dim3A_2738 = vector.broadcast %jit3A_2737 : f32 to vector<16xf32>
      %select_n3A_2739 = arith.select %or3A_2722, %mul3A_2736, %broadcast_in_dim3A_2738 : vector<16xi1>, vector<16xf32>
      %add3A_2740 = arith.addf %add3A_2652, %select_n3A_2739 : vector<16xf32>
      %get3A_2741 = arith.constant 2832 : index
      %get3A_2742 = tpu.vector_load %arg18[%get3A_2741] {strides = array<i32>} : memref<4096xf32, #tpu.memory_space<vmem>>, vector<16xf32>,
      %get3A_2743 = arith.constant 2896 : index
      %get3A_2744 = tpu.vector_load %arg18[%get3A_2743] {strides = array<i32>} : memref<4096xf32, #tpu.memory_space<vmem>>, vector<16xf32>,
      %gt3A_2745 = vector.broadcast %while3A_364#1 : f32 to vector<16xf32>
      %gt3A_2746 = arith.cmpf ogt, %get3A_2742, %gt3A_2745 : vector<16xf32>
      %convert_element_type3A_2747 = arith.extui %eq3A_2667 : vector<16xi1> to vector<16xi32>
      %broadcast_in_dim3A_2748 = arith.constant true
      %broadcast_in_dim3A_2749 = vector.broadcast %broadcast_in_dim3A_2748 : i1 to vector<16xi1>
      %masked_cumsum3A_2750 = tpu.scan <sum>, %convert_element_type3A_2747 masked %broadcast_in_dim3A_2749 : vector<16xi32>, vector<16xi1> -> vector<16xi32>
      %add3A_2751 = vector.broadcast %add3A_2718 : i32 to vector<16xi32>
      %add3A_2752 = arith.addi %masked_cumsum3A_2750, %add3A_2751 : vector<16xi32>
      %convert_element_type3A_2753 = arith.extui %eq3A_2667 : vector<16xi1> to vector<16xi32>
      %reduce_sum3A_2754 = arith.constant true
      %reduce_sum3A_2755 = vector.broadcast %reduce_sum3A_2754 : i1 to vector<16xi1>
      %reduce_sum3A_2756 = tpu.scan <sum>, %convert_element_type3A_2753 masked %reduce_sum3A_2755 : vector<16xi32>, vector<16xi1> -> vector<16xi32>
      %reduce_sum3A_2757 = vector.extract %reduce_sum3A_2756[15] : i32 from vector<16xi32>
      %add3A_2758 = arith.addi %add3A_2718, %reduce_sum3A_2757 : i32
      %le3A_2759 = vector.broadcast %min3A_2697 : i32 to vector<16xi32>
      %le3A_2760 = arith.cmpi sle, %add3A_2752, %le3A_2759 : vector<16xi32>
      %and3A_2761 = arith.andi %eq3A_2667, %le3A_2760 : vector<16xi1>
      %or3A_2762 = arith.ori %gt3A_2746, %and3A_2761 : vector<16xi1>
      %sub3A_2763 = arith.constant 1.000000e+00 : f32
      %sub3A_2764 = vector.broadcast %sub3A_2763 : f32 to vector<16xf32>
      %sub3A_2765 = arith.subf %sub3A_2764, %get3A_2742 : vector<16xf32>
      %add3A_2766 = arith.constant 9.99999997E-7 : f32
      %add3A_2767 = vector.broadcast %add3A_2766 : f32 to vector<16xf32>
      %add3A_2768 = arith.addf %sub3A_2765, %add3A_2767 : vector<16xf32>
      %div3A_2769 = arith.constant 1.000000e+00 : f32
      %div3A_2770 = vector.broadcast %div3A_2769 : f32 to vector<16xf32>
      %div3A_2771 = arith.divf %div3A_2770, %add3A_2768 : vector<16xf32>
      %jit3A_2772 = arith.constant 0.000000e+00 : f32
      %broadcast_in_dim3A_2773 = vector.broadcast %jit3A_2772 : f32 to vector<16xf32>
      %select_n3A_2774 = arith.select %or3A_2762, %div3A_2771, %broadcast_in_dim3A_2773 : vector<16xi1>, vector<16xf32>
      %add3A_2775 = arith.addf %add3A_2735, %select_n3A_2774 : vector<16xf32>
      %mul3A_2776 = arith.mulf %div3A_2771, %get3A_2744 : vector<16xf32>
      %jit3A_2777 = arith.constant 0.000000e+00 : f32
      %broadcast_in_dim3A_2778 = vector.broadcast %jit3A_2777 : f32 to vector<16xf32>
      %select_n3A_2779 = arith.select %or3A_2762, %mul3A_2776, %broadcast_in_dim3A_2778 : vector<16xi1>, vector<16xf32>
      %add3A_2780 = arith.addf %add3A_2740, %select_n3A_2779 : vector<16xf32>
      %get3A_2781 = arith.constant 2848 : index
      %get3A_2782 = tpu.vector_load %arg18[%get3A_2781] {strides = array<i32>} : memref<4096xf32, #tpu.memory_space<vmem>>, vector<16xf32>,
      %get3A_2783 = arith.constant 2912 : index
      %get3A_2784 = tpu.vector_load %arg18[%get3A_2783] {strides = array<i32>} : memref<4096xf32, #tpu.memory_space<vmem>>, vector<16xf32>,
      %gt3A_2785 = vector.broadcast %while3A_364#1 : f32 to vector<16xf32>
      %gt3A_2786 = arith.cmpf ogt, %get3A_2782, %gt3A_2785 : vector<16xf32>
      %convert_element_type3A_2787 = arith.extui %eq3A_2677 : vector<16xi1> to vector<16xi32>
      %broadcast_in_dim3A_2788 = arith.constant true
      %broadcast_in_dim3A_2789 = vector.broadcast %broadcast_in_dim3A_2788 : i1 to vector<16xi1>
      %masked_cumsum3A_2790 = tpu.scan <sum>, %convert_element_type3A_2787 masked %broadcast_in_dim3A_2789 : vector<16xi32>, vector<16xi1> -> vector<16xi32>
      %add3A_2791 = vector.broadcast %add3A_2758 : i32 to vector<16xi32>
      %add3A_2792 = arith.addi %masked_cumsum3A_2790, %add3A_2791 : vector<16xi32>
      %convert_element_type3A_2793 = arith.extui %eq3A_2677 : vector<16xi1> to vector<16xi32>
      %reduce_sum3A_2794 = arith.constant true
      %reduce_sum3A_2795 = vector.broadcast %reduce_sum3A_2794 : i1 to vector<16xi1>
      %reduce_sum3A_2796 = tpu.scan <sum>, %convert_element_type3A_2793 masked %reduce_sum3A_2795 : vector<16xi32>, vector<16xi1> -> vector<16xi32>
      %reduce_sum3A_2797 = vector.extract %reduce_sum3A_2796[15] : i32 from vector<16xi32>
      %add3A_2798 = arith.addi %add3A_2758, %reduce_sum3A_2797 : i32
      %le3A_2799 = vector.broadcast %min3A_2697 : i32 to vector<16xi32>
      %le3A_2800 = arith.cmpi sle, %add3A_2792, %le3A_2799 : vector<16xi32>
      %and3A_2801 = arith.andi %eq3A_2677, %le3A_2800 : vector<16xi1>
      %or3A_2802 = arith.ori %gt3A_2786, %and3A_2801 : vector<16xi1>
      %sub3A_2803 = arith.constant 1.000000e+00 : f32
      %sub3A_2804 = vector.broadcast %sub3A_2803 : f32 to vector<16xf32>
      %sub3A_2805 = arith.subf %sub3A_2804, %get3A_2782 : vector<16xf32>
      %add3A_2806 = arith.constant 9.99999997E-7 : f32
      %add3A_2807 = vector.broadcast %add3A_2806 : f32 to vector<16xf32>
      %add3A_2808 = arith.addf %sub3A_2805, %add3A_2807 : vector<16xf32>
      %div3A_2809 = arith.constant 1.000000e+00 : f32
      %div3A_2810 = vector.broadcast %div3A_2809 : f32 to vector<16xf32>
      %div3A_2811 = arith.divf %div3A_2810, %add3A_2808 : vector<16xf32>
      %jit3A_2812 = arith.constant 0.000000e+00 : f32
      %broadcast_in_dim3A_2813 = vector.broadcast %jit3A_2812 : f32 to vector<16xf32>
      %select_n3A_2814 = arith.select %or3A_2802, %div3A_2811, %broadcast_in_dim3A_2813 : vector<16xi1>, vector<16xf32>
      %add3A_2815 = arith.addf %add3A_2775, %select_n3A_2814 : vector<16xf32>
      %mul3A_2816 = arith.mulf %div3A_2811, %get3A_2784 : vector<16xf32>
      %jit3A_2817 = arith.constant 0.000000e+00 : f32
      %broadcast_in_dim3A_2818 = vector.broadcast %jit3A_2817 : f32 to vector<16xf32>
      %select_n3A_2819 = arith.select %or3A_2802, %mul3A_2816, %broadcast_in_dim3A_2818 : vector<16xi1>, vector<16xf32>
      %add3A_2820 = arith.addf %add3A_2780, %select_n3A_2819 : vector<16xf32>
      %get3A_2821 = arith.constant 2864 : index
      %get3A_2822 = tpu.vector_load %arg18[%get3A_2821] {strides = array<i32>} : memref<4096xf32, #tpu.memory_space<vmem>>, vector<16xf32>,
      %get3A_2823 = arith.constant 2928 : index
      %get3A_2824 = tpu.vector_load %arg18[%get3A_2823] {strides = array<i32>} : memref<4096xf32, #tpu.memory_space<vmem>>, vector<16xf32>,
      %gt3A_2825 = vector.broadcast %while3A_364#1 : f32 to vector<16xf32>
      %gt3A_2826 = arith.cmpf ogt, %get3A_2822, %gt3A_2825 : vector<16xf32>
      %convert_element_type3A_2827 = arith.extui %eq3A_2687 : vector<16xi1> to vector<16xi32>
      %broadcast_in_dim3A_2828 = arith.constant true
      %broadcast_in_dim3A_2829 = vector.broadcast %broadcast_in_dim3A_2828 : i1 to vector<16xi1>
      %masked_cumsum3A_2830 = tpu.scan <sum>, %convert_element_type3A_2827 masked %broadcast_in_dim3A_2829 : vector<16xi32>, vector<16xi1> -> vector<16xi32>
      %add3A_2831 = vector.broadcast %add3A_2798 : i32 to vector<16xi32>
      %add3A_2832 = arith.addi %masked_cumsum3A_2830, %add3A_2831 : vector<16xi32>
      %convert_element_type3A_2833 = arith.extui %eq3A_2687 : vector<16xi1> to vector<16xi32>
      %reduce_sum3A_2834 = arith.constant true
      %reduce_sum3A_2835 = vector.broadcast %reduce_sum3A_2834 : i1 to vector<16xi1>
      %reduce_sum3A_2836 = tpu.scan <sum>, %convert_element_type3A_2833 masked %reduce_sum3A_2835 : vector<16xi32>, vector<16xi1> -> vector<16xi32>
      %reduce_sum3A_2837 = vector.extract %reduce_sum3A_2836[15] : i32 from vector<16xi32>
      %add3A_2838 = arith.addi %add3A_2798, %reduce_sum3A_2837 : i32
      %le3A_2839 = vector.broadcast %min3A_2697 : i32 to vector<16xi32>
      %le3A_2840 = arith.cmpi sle, %add3A_2832, %le3A_2839 : vector<16xi32>
      %and3A_2841 = arith.andi %eq3A_2687, %le3A_2840 : vector<16xi1>
      %or3A_2842 = arith.ori %gt3A_2826, %and3A_2841 : vector<16xi1>
      %sub3A_2843 = arith.constant 1.000000e+00 : f32
      %sub3A_2844 = vector.broadcast %sub3A_2843 : f32 to vector<16xf32>
      %sub3A_2845 = arith.subf %sub3A_2844, %get3A_2822 : vector<16xf32>
      %add3A_2846 = arith.constant 9.99999997E-7 : f32
      %add3A_2847 = vector.broadcast %add3A_2846 : f32 to vector<16xf32>
      %add3A_2848 = arith.addf %sub3A_2845, %add3A_2847 : vector<16xf32>
      %div3A_2849 = arith.constant 1.000000e+00 : f32
      %div3A_2850 = vector.broadcast %div3A_2849 : f32 to vector<16xf32>
      %div3A_2851 = arith.divf %div3A_2850, %add3A_2848 : vector<16xf32>
      %jit3A_2852 = arith.constant 0.000000e+00 : f32
      %broadcast_in_dim3A_2853 = vector.broadcast %jit3A_2852 : f32 to vector<16xf32>
      %select_n3A_2854 = arith.select %or3A_2842, %div3A_2851, %broadcast_in_dim3A_2853 : vector<16xi1>, vector<16xf32>
      %add3A_2855 = arith.addf %add3A_2815, %select_n3A_2854 : vector<16xf32>
      %mul3A_2856 = arith.mulf %div3A_2851, %get3A_2824 : vector<16xf32>
      %jit3A_2857 = arith.constant 0.000000e+00 : f32
      %broadcast_in_dim3A_2858 = vector.broadcast %jit3A_2857 : f32 to vector<16xf32>
      %select_n3A_2859 = arith.select %or3A_2842, %mul3A_2856, %broadcast_in_dim3A_2858 : vector<16xi1>, vector<16xf32>
      %add3A_2860 = arith.addf %add3A_2820, %select_n3A_2859 : vector<16xf32>
      %get3A_2861 = arith.constant 3072 : index
      %get3A_2862 = tpu.vector_load %arg18[%get3A_2861] {strides = array<i32>} : memref<4096xf32, #tpu.memory_space<vmem>>, vector<16xf32>,
      %eq3A_2863 = vector.broadcast %while3A_364#1 : f32 to vector<16xf32>
      %eq3A_2864 = arith.cmpf oeq, %get3A_2862, %eq3A_2863 : vector<16xf32>
      %convert_element_type3A_2865 = arith.extui %eq3A_2864 : vector<16xi1> to vector<16xi32>
      %reduce_sum3A_2866 = arith.constant true
      %reduce_sum3A_2867 = vector.broadcast %reduce_sum3A_2866 : i1 to vector<16xi1>
      %reduce_sum3A_2868 = tpu.scan <sum>, %convert_element_type3A_2865 masked %reduce_sum3A_2867 : vector<16xi32>, vector<16xi1> -> vector<16xi32>
      %reduce_sum3A_2869 = vector.extract %reduce_sum3A_2868[15] : i32 from vector<16xi32>
      %add3A_2870 = arith.constant 0 : i32
      %add3A_2871 = arith.addi %add3A_2870, %reduce_sum3A_2869 : i32
      %get3A_2872 = arith.constant 3088 : index
      %get3A_2873 = tpu.vector_load %arg18[%get3A_2872] {strides = array<i32>} : memref<4096xf32, #tpu.memory_space<vmem>>, vector<16xf32>,
      %eq3A_2874 = vector.broadcast %while3A_364#1 : f32 to vector<16xf32>
      %eq3A_2875 = arith.cmpf oeq, %get3A_2873, %eq3A_2874 : vector<16xf32>
      %convert_element_type3A_2876 = arith.extui %eq3A_2875 : vector<16xi1> to vector<16xi32>
      %reduce_sum3A_2877 = arith.constant true
      %reduce_sum3A_2878 = vector.broadcast %reduce_sum3A_2877 : i1 to vector<16xi1>
      %reduce_sum3A_2879 = tpu.scan <sum>, %convert_element_type3A_2876 masked %reduce_sum3A_2878 : vector<16xi32>, vector<16xi1> -> vector<16xi32>
      %reduce_sum3A_2880 = vector.extract %reduce_sum3A_2879[15] : i32 from vector<16xi32>
      %add3A_2881 = arith.addi %add3A_2871, %reduce_sum3A_2880 : i32
      %get3A_2882 = arith.constant 3104 : index
      %get3A_2883 = tpu.vector_load %arg18[%get3A_2882] {strides = array<i32>} : memref<4096xf32, #tpu.memory_space<vmem>>, vector<16xf32>,
      %eq3A_2884 = vector.broadcast %while3A_364#1 : f32 to vector<16xf32>
      %eq3A_2885 = arith.cmpf oeq, %get3A_2883, %eq3A_2884 : vector<16xf32>
      %convert_element_type3A_2886 = arith.extui %eq3A_2885 : vector<16xi1> to vector<16xi32>
      %reduce_sum3A_2887 = arith.constant true
      %reduce_sum3A_2888 = vector.broadcast %reduce_sum3A_2887 : i1 to vector<16xi1>
      %reduce_sum3A_2889 = tpu.scan <sum>, %convert_element_type3A_2886 masked %reduce_sum3A_2888 : vector<16xi32>, vector<16xi1> -> vector<16xi32>
      %reduce_sum3A_2890 = vector.extract %reduce_sum3A_2889[15] : i32 from vector<16xi32>
      %add3A_2891 = arith.addi %add3A_2881, %reduce_sum3A_2890 : i32
      %get3A_2892 = arith.constant 3120 : index
      %get3A_2893 = tpu.vector_load %arg18[%get3A_2892] {strides = array<i32>} : memref<4096xf32, #tpu.memory_space<vmem>>, vector<16xf32>,
      %eq3A_2894 = vector.broadcast %while3A_364#1 : f32 to vector<16xf32>
      %eq3A_2895 = arith.cmpf oeq, %get3A_2893, %eq3A_2894 : vector<16xf32>
      %convert_element_type3A_2896 = arith.extui %eq3A_2895 : vector<16xi1> to vector<16xi32>
      %reduce_sum3A_2897 = arith.constant true
      %reduce_sum3A_2898 = vector.broadcast %reduce_sum3A_2897 : i1 to vector<16xi1>
      %reduce_sum3A_2899 = tpu.scan <sum>, %convert_element_type3A_2896 masked %reduce_sum3A_2898 : vector<16xi32>, vector<16xi1> -> vector<16xi32>
      %reduce_sum3A_2900 = vector.extract %reduce_sum3A_2899[15] : i32 from vector<16xi32>
      %add3A_2901 = arith.addi %add3A_2891, %reduce_sum3A_2900 : i32
      %sub3A_2902 = arith.subi %sub3A_366, %add3A_2698 : i32
      %jit3A_2903 = arith.constant 0 : i32
      %max3A_2904 = arith.maxsi %jit3A_2903, %sub3A_2902 : i32
      %min3A_2905 = arith.minsi %add3A_2901, %max3A_2904 : i32
      %add3A_2906 = arith.addi %add3A_2698, %add3A_2901 : i32
      %get3A_2907 = arith.constant 3072 : index
      %get3A_2908 = tpu.vector_load %arg18[%get3A_2907] {strides = array<i32>} : memref<4096xf32, #tpu.memory_space<vmem>>, vector<16xf32>,
      %get3A_2909 = arith.constant 3136 : index
      %get3A_2910 = tpu.vector_load %arg18[%get3A_2909] {strides = array<i32>} : memref<4096xf32, #tpu.memory_space<vmem>>, vector<16xf32>,
      %gt3A_2911 = vector.broadcast %while3A_364#1 : f32 to vector<16xf32>
      %gt3A_2912 = arith.cmpf ogt, %get3A_2908, %gt3A_2911 : vector<16xf32>
      %convert_element_type3A_2913 = arith.extui %eq3A_2864 : vector<16xi1> to vector<16xi32>
      %broadcast_in_dim3A_2914 = arith.constant true
      %broadcast_in_dim3A_2915 = vector.broadcast %broadcast_in_dim3A_2914 : i1 to vector<16xi1>
      %masked_cumsum3A_2916 = tpu.scan <sum>, %convert_element_type3A_2913 masked %broadcast_in_dim3A_2915 : vector<16xi32>, vector<16xi1> -> vector<16xi32>
      %add3A_2917 = arith.constant 0 : i32
      %add3A_2918 = vector.broadcast %add3A_2917 : i32 to vector<16xi32>
      %add3A_2919 = arith.addi %masked_cumsum3A_2916, %add3A_2918 : vector<16xi32>
      %convert_element_type3A_2920 = arith.extui %eq3A_2864 : vector<16xi1> to vector<16xi32>
      %reduce_sum3A_2921 = arith.constant true
      %reduce_sum3A_2922 = vector.broadcast %reduce_sum3A_2921 : i1 to vector<16xi1>
      %reduce_sum3A_2923 = tpu.scan <sum>, %convert_element_type3A_2920 masked %reduce_sum3A_2922 : vector<16xi32>, vector<16xi1> -> vector<16xi32>
      %reduce_sum3A_2924 = vector.extract %reduce_sum3A_2923[15] : i32 from vector<16xi32>
      %add3A_2925 = arith.constant 0 : i32
      %add3A_2926 = arith.addi %add3A_2925, %reduce_sum3A_2924 : i32
      %le3A_2927 = vector.broadcast %min3A_2905 : i32 to vector<16xi32>
      %le3A_2928 = arith.cmpi sle, %add3A_2919, %le3A_2927 : vector<16xi32>
      %and3A_2929 = arith.andi %eq3A_2864, %le3A_2928 : vector<16xi1>
      %or3A_2930 = arith.ori %gt3A_2912, %and3A_2929 : vector<16xi1>
      %sub3A_2931 = arith.constant 1.000000e+00 : f32
      %sub3A_2932 = vector.broadcast %sub3A_2931 : f32 to vector<16xf32>
      %sub3A_2933 = arith.subf %sub3A_2932, %get3A_2908 : vector<16xf32>
      %add3A_2934 = arith.constant 9.99999997E-7 : f32
      %add3A_2935 = vector.broadcast %add3A_2934 : f32 to vector<16xf32>
      %add3A_2936 = arith.addf %sub3A_2933, %add3A_2935 : vector<16xf32>
      %div3A_2937 = arith.constant 1.000000e+00 : f32
      %div3A_2938 = vector.broadcast %div3A_2937 : f32 to vector<16xf32>
      %div3A_2939 = arith.divf %div3A_2938, %add3A_2936 : vector<16xf32>
      %jit3A_2940 = arith.constant 0.000000e+00 : f32
      %broadcast_in_dim3A_2941 = vector.broadcast %jit3A_2940 : f32 to vector<16xf32>
      %select_n3A_2942 = arith.select %or3A_2930, %div3A_2939, %broadcast_in_dim3A_2941 : vector<16xi1>, vector<16xf32>
      %add3A_2943 = arith.addf %add3A_2855, %select_n3A_2942 : vector<16xf32>
      %mul3A_2944 = arith.mulf %div3A_2939, %get3A_2910 : vector<16xf32>
      %jit3A_2945 = arith.constant 0.000000e+00 : f32
      %broadcast_in_dim3A_2946 = vector.broadcast %jit3A_2945 : f32 to vector<16xf32>
      %select_n3A_2947 = arith.select %or3A_2930, %mul3A_2944, %broadcast_in_dim3A_2946 : vector<16xi1>, vector<16xf32>
      %add3A_2948 = arith.addf %add3A_2860, %select_n3A_2947 : vector<16xf32>
      %get3A_2949 = arith.constant 3088 : index
      %get3A_2950 = tpu.vector_load %arg18[%get3A_2949] {strides = array<i32>} : memref<4096xf32, #tpu.memory_space<vmem>>, vector<16xf32>,
      %get3A_2951 = arith.constant 3152 : index
      %get3A_2952 = tpu.vector_load %arg18[%get3A_2951] {strides = array<i32>} : memref<4096xf32, #tpu.memory_space<vmem>>, vector<16xf32>,
      %gt3A_2953 = vector.broadcast %while3A_364#1 : f32 to vector<16xf32>
      %gt3A_2954 = arith.cmpf ogt, %get3A_2950, %gt3A_2953 : vector<16xf32>
      %convert_element_type3A_2955 = arith.extui %eq3A_2875 : vector<16xi1> to vector<16xi32>
      %broadcast_in_dim3A_2956 = arith.constant true
      %broadcast_in_dim3A_2957 = vector.broadcast %broadcast_in_dim3A_2956 : i1 to vector<16xi1>
      %masked_cumsum3A_2958 = tpu.scan <sum>, %convert_element_type3A_2955 masked %broadcast_in_dim3A_2957 : vector<16xi32>, vector<16xi1> -> vector<16xi32>
      %add3A_2959 = vector.broadcast %add3A_2926 : i32 to vector<16xi32>
      %add3A_2960 = arith.addi %masked_cumsum3A_2958, %add3A_2959 : vector<16xi32>
      %convert_element_type3A_2961 = arith.extui %eq3A_2875 : vector<16xi1> to vector<16xi32>
      %reduce_sum3A_2962 = arith.constant true
      %reduce_sum3A_2963 = vector.broadcast %reduce_sum3A_2962 : i1 to vector<16xi1>
      %reduce_sum3A_2964 = tpu.scan <sum>, %convert_element_type3A_2961 masked %reduce_sum3A_2963 : vector<16xi32>, vector<16xi1> -> vector<16xi32>
      %reduce_sum3A_2965 = vector.extract %reduce_sum3A_2964[15] : i32 from vector<16xi32>
      %add3A_2966 = arith.addi %add3A_2926, %reduce_sum3A_2965 : i32
      %le3A_2967 = vector.broadcast %min3A_2905 : i32 to vector<16xi32>
      %le3A_2968 = arith.cmpi sle, %add3A_2960, %le3A_2967 : vector<16xi32>
      %and3A_2969 = arith.andi %eq3A_2875, %le3A_2968 : vector<16xi1>
      %or3A_2970 = arith.ori %gt3A_2954, %and3A_2969 : vector<16xi1>
      %sub3A_2971 = arith.constant 1.000000e+00 : f32
      %sub3A_2972 = vector.broadcast %sub3A_2971 : f32 to vector<16xf32>
      %sub3A_2973 = arith.subf %sub3A_2972, %get3A_2950 : vector<16xf32>
      %add3A_2974 = arith.constant 9.99999997E-7 : f32
      %add3A_2975 = vector.broadcast %add3A_2974 : f32 to vector<16xf32>
      %add3A_2976 = arith.addf %sub3A_2973, %add3A_2975 : vector<16xf32>
      %div3A_2977 = arith.constant 1.000000e+00 : f32
      %div3A_2978 = vector.broadcast %div3A_2977 : f32 to vector<16xf32>
      %div3A_2979 = arith.divf %div3A_2978, %add3A_2976 : vector<16xf32>
      %jit3A_2980 = arith.constant 0.000000e+00 : f32
      %broadcast_in_dim3A_2981 = vector.broadcast %jit3A_2980 : f32 to vector<16xf32>
      %select_n3A_2982 = arith.select %or3A_2970, %div3A_2979, %broadcast_in_dim3A_2981 : vector<16xi1>, vector<16xf32>
      %add3A_2983 = arith.addf %add3A_2943, %select_n3A_2982 : vector<16xf32>
      %mul3A_2984 = arith.mulf %div3A_2979, %get3A_2952 : vector<16xf32>
      %jit3A_2985 = arith.constant 0.000000e+00 : f32
      %broadcast_in_dim3A_2986 = vector.broadcast %jit3A_2985 : f32 to vector<16xf32>
      %select_n3A_2987 = arith.select %or3A_2970, %mul3A_2984, %broadcast_in_dim3A_2986 : vector<16xi1>, vector<16xf32>
      %add3A_2988 = arith.addf %add3A_2948, %select_n3A_2987 : vector<16xf32>
      %get3A_2989 = arith.constant 3104 : index
      %get3A_2990 = tpu.vector_load %arg18[%get3A_2989] {strides = array<i32>} : memref<4096xf32, #tpu.memory_space<vmem>>, vector<16xf32>,
      %get3A_2991 = arith.constant 3168 : index
      %get3A_2992 = tpu.vector_load %arg18[%get3A_2991] {strides = array<i32>} : memref<4096xf32, #tpu.memory_space<vmem>>, vector<16xf32>,
      %gt3A_2993 = vector.broadcast %while3A_364#1 : f32 to vector<16xf32>
      %gt3A_2994 = arith.cmpf ogt, %get3A_2990, %gt3A_2993 : vector<16xf32>
      %convert_element_type3A_2995 = arith.extui %eq3A_2885 : vector<16xi1> to vector<16xi32>
      %broadcast_in_dim3A_2996 = arith.constant true
      %broadcast_in_dim3A_2997 = vector.broadcast %broadcast_in_dim3A_2996 : i1 to vector<16xi1>
      %masked_cumsum3A_2998 = tpu.scan <sum>, %convert_element_type3A_2995 masked %broadcast_in_dim3A_2997 : vector<16xi32>, vector<16xi1> -> vector<16xi32>
      %add3A_2999 = vector.broadcast %add3A_2966 : i32 to vector<16xi32>
      %add3A_3000 = arith.addi %masked_cumsum3A_2998, %add3A_2999 : vector<16xi32>
      %convert_element_type3A_3001 = arith.extui %eq3A_2885 : vector<16xi1> to vector<16xi32>
      %reduce_sum3A_3002 = arith.constant true
      %reduce_sum3A_3003 = vector.broadcast %reduce_sum3A_3002 : i1 to vector<16xi1>
      %reduce_sum3A_3004 = tpu.scan <sum>, %convert_element_type3A_3001 masked %reduce_sum3A_3003 : vector<16xi32>, vector<16xi1> -> vector<16xi32>
      %reduce_sum3A_3005 = vector.extract %reduce_sum3A_3004[15] : i32 from vector<16xi32>
      %add3A_3006 = arith.addi %add3A_2966, %reduce_sum3A_3005 : i32
      %le3A_3007 = vector.broadcast %min3A_2905 : i32 to vector<16xi32>
      %le3A_3008 = arith.cmpi sle, %add3A_3000, %le3A_3007 : vector<16xi32>
      %and3A_3009 = arith.andi %eq3A_2885, %le3A_3008 : vector<16xi1>
      %or3A_3010 = arith.ori %gt3A_2994, %and3A_3009 : vector<16xi1>
      %sub3A_3011 = arith.constant 1.000000e+00 : f32
      %sub3A_3012 = vector.broadcast %sub3A_3011 : f32 to vector<16xf32>
      %sub3A_3013 = arith.subf %sub3A_3012, %get3A_2990 : vector<16xf32>
      %add3A_3014 = arith.constant 9.99999997E-7 : f32
      %add3A_3015 = vector.broadcast %add3A_3014 : f32 to vector<16xf32>
      %add3A_3016 = arith.addf %sub3A_3013, %add3A_3015 : vector<16xf32>
      %div3A_3017 = arith.constant 1.000000e+00 : f32
      %div3A_3018 = vector.broadcast %div3A_3017 : f32 to vector<16xf32>
      %div3A_3019 = arith.divf %div3A_3018, %add3A_3016 : vector<16xf32>
      %jit3A_3020 = arith.constant 0.000000e+00 : f32
      %broadcast_in_dim3A_3021 = vector.broadcast %jit3A_3020 : f32 to vector<16xf32>
      %select_n3A_3022 = arith.select %or3A_3010, %div3A_3019, %broadcast_in_dim3A_3021 : vector<16xi1>, vector<16xf32>
      %add3A_3023 = arith.addf %add3A_2983, %select_n3A_3022 : vector<16xf32>
      %mul3A_3024 = arith.mulf %div3A_3019, %get3A_2992 : vector<16xf32>
      %jit3A_3025 = arith.constant 0.000000e+00 : f32
      %broadcast_in_dim3A_3026 = vector.broadcast %jit3A_3025 : f32 to vector<16xf32>
      %select_n3A_3027 = arith.select %or3A_3010, %mul3A_3024, %broadcast_in_dim3A_3026 : vector<16xi1>, vector<16xf32>
      %add3A_3028 = arith.addf %add3A_2988, %select_n3A_3027 : vector<16xf32>
      %get3A_3029 = arith.constant 3120 : index
      %get3A_3030 = tpu.vector_load %arg18[%get3A_3029] {strides = array<i32>} : memref<4096xf32, #tpu.memory_space<vmem>>, vector<16xf32>,
      %get3A_3031 = arith.constant 3184 : index
      %get3A_3032 = tpu.vector_load %arg18[%get3A_3031] {strides = array<i32>} : memref<4096xf32, #tpu.memory_space<vmem>>, vector<16xf32>,
      %gt3A_3033 = vector.broadcast %while3A_364#1 : f32 to vector<16xf32>
      %gt3A_3034 = arith.cmpf ogt, %get3A_3030, %gt3A_3033 : vector<16xf32>
      %convert_element_type3A_3035 = arith.extui %eq3A_2895 : vector<16xi1> to vector<16xi32>
      %broadcast_in_dim3A_3036 = arith.constant true
      %broadcast_in_dim3A_3037 = vector.broadcast %broadcast_in_dim3A_3036 : i1 to vector<16xi1>
      %masked_cumsum3A_3038 = tpu.scan <sum>, %convert_element_type3A_3035 masked %broadcast_in_dim3A_3037 : vector<16xi32>, vector<16xi1> -> vector<16xi32>
      %add3A_3039 = vector.broadcast %add3A_3006 : i32 to vector<16xi32>
      %add3A_3040 = arith.addi %masked_cumsum3A_3038, %add3A_3039 : vector<16xi32>
      %convert_element_type3A_3041 = arith.extui %eq3A_2895 : vector<16xi1> to vector<16xi32>
      %reduce_sum3A_3042 = arith.constant true
      %reduce_sum3A_3043 = vector.broadcast %reduce_sum3A_3042 : i1 to vector<16xi1>
      %reduce_sum3A_3044 = tpu.scan <sum>, %convert_element_type3A_3041 masked %reduce_sum3A_3043 : vector<16xi32>, vector<16xi1> -> vector<16xi32>
      %reduce_sum3A_3045 = vector.extract %reduce_sum3A_3044[15] : i32 from vector<16xi32>
      %add3A_3046 = arith.addi %add3A_3006, %reduce_sum3A_3045 : i32
      %le3A_3047 = vector.broadcast %min3A_2905 : i32 to vector<16xi32>
      %le3A_3048 = arith.cmpi sle, %add3A_3040, %le3A_3047 : vector<16xi32>
      %and3A_3049 = arith.andi %eq3A_2895, %le3A_3048 : vector<16xi1>
      %or3A_3050 = arith.ori %gt3A_3034, %and3A_3049 : vector<16xi1>
      %sub3A_3051 = arith.constant 1.000000e+00 : f32
      %sub3A_3052 = vector.broadcast %sub3A_3051 : f32 to vector<16xf32>
      %sub3A_3053 = arith.subf %sub3A_3052, %get3A_3030 : vector<16xf32>
      %add3A_3054 = arith.constant 9.99999997E-7 : f32
      %add3A_3055 = vector.broadcast %add3A_3054 : f32 to vector<16xf32>
      %add3A_3056 = arith.addf %sub3A_3053, %add3A_3055 : vector<16xf32>
      %div3A_3057 = arith.constant 1.000000e+00 : f32
      %div3A_3058 = vector.broadcast %div3A_3057 : f32 to vector<16xf32>
      %div3A_3059 = arith.divf %div3A_3058, %add3A_3056 : vector<16xf32>
      %jit3A_3060 = arith.constant 0.000000e+00 : f32
      %broadcast_in_dim3A_3061 = vector.broadcast %jit3A_3060 : f32 to vector<16xf32>
      %select_n3A_3062 = arith.select %or3A_3050, %div3A_3059, %broadcast_in_dim3A_3061 : vector<16xi1>, vector<16xf32>
      %add3A_3063 = arith.addf %add3A_3023, %select_n3A_3062 : vector<16xf32>
      %mul3A_3064 = arith.mulf %div3A_3059, %get3A_3032 : vector<16xf32>
      %jit3A_3065 = arith.constant 0.000000e+00 : f32
      %broadcast_in_dim3A_3066 = vector.broadcast %jit3A_3065 : f32 to vector<16xf32>
      %select_n3A_3067 = arith.select %or3A_3050, %mul3A_3064, %broadcast_in_dim3A_3066 : vector<16xi1>, vector<16xf32>
      %add3A_3068 = arith.addf %add3A_3028, %select_n3A_3067 : vector<16xf32>
      %get3A_3069 = arith.constant 3328 : index
      %get3A_3070 = tpu.vector_load %arg18[%get3A_3069] {strides = array<i32>} : memref<4096xf32, #tpu.memory_space<vmem>>, vector<16xf32>,
      %eq3A_3071 = vector.broadcast %while3A_364#1 : f32 to vector<16xf32>
      %eq3A_3072 = arith.cmpf oeq, %get3A_3070, %eq3A_3071 : vector<16xf32>
      %convert_element_type3A_3073 = arith.extui %eq3A_3072 : vector<16xi1> to vector<16xi32>
      %reduce_sum3A_3074 = arith.constant true
      %reduce_sum3A_3075 = vector.broadcast %reduce_sum3A_3074 : i1 to vector<16xi1>
      %reduce_sum3A_3076 = tpu.scan <sum>, %convert_element_type3A_3073 masked %reduce_sum3A_3075 : vector<16xi32>, vector<16xi1> -> vector<16xi32>
      %reduce_sum3A_3077 = vector.extract %reduce_sum3A_3076[15] : i32 from vector<16xi32>
      %add3A_3078 = arith.constant 0 : i32
      %add3A_3079 = arith.addi %add3A_3078, %reduce_sum3A_3077 : i32
      %get3A_3080 = arith.constant 3344 : index
      %get3A_3081 = tpu.vector_load %arg18[%get3A_3080] {strides = array<i32>} : memref<4096xf32, #tpu.memory_space<vmem>>, vector<16xf32>,
      %eq3A_3082 = vector.broadcast %while3A_364#1 : f32 to vector<16xf32>
      %eq3A_3083 = arith.cmpf oeq, %get3A_3081, %eq3A_3082 : vector<16xf32>
      %convert_element_type3A_3084 = arith.extui %eq3A_3083 : vector<16xi1> to vector<16xi32>
      %reduce_sum3A_3085 = arith.constant true
      %reduce_sum3A_3086 = vector.broadcast %reduce_sum3A_3085 : i1 to vector<16xi1>
      %reduce_sum3A_3087 = tpu.scan <sum>, %convert_element_type3A_3084 masked %reduce_sum3A_3086 : vector<16xi32>, vector<16xi1> -> vector<16xi32>
      %reduce_sum3A_3088 = vector.extract %reduce_sum3A_3087[15] : i32 from vector<16xi32>
      %add3A_3089 = arith.addi %add3A_3079, %reduce_sum3A_3088 : i32
      %get3A_3090 = arith.constant 3360 : index
      %get3A_3091 = tpu.vector_load %arg18[%get3A_3090] {strides = array<i32>} : memref<4096xf32, #tpu.memory_space<vmem>>, vector<16xf32>,
      %eq3A_3092 = vector.broadcast %while3A_364#1 : f32 to vector<16xf32>
      %eq3A_3093 = arith.cmpf oeq, %get3A_3091, %eq3A_3092 : vector<16xf32>
      %convert_element_type3A_3094 = arith.extui %eq3A_3093 : vector<16xi1> to vector<16xi32>
      %reduce_sum3A_3095 = arith.constant true
      %reduce_sum3A_3096 = vector.broadcast %reduce_sum3A_3095 : i1 to vector<16xi1>
      %reduce_sum3A_3097 = tpu.scan <sum>, %convert_element_type3A_3094 masked %reduce_sum3A_3096 : vector<16xi32>, vector<16xi1> -> vector<16xi32>
      %reduce_sum3A_3098 = vector.extract %reduce_sum3A_3097[15] : i32 from vector<16xi32>
      %add3A_3099 = arith.addi %add3A_3089, %reduce_sum3A_3098 : i32
      %get3A_3100 = arith.constant 3376 : index
      %get3A_3101 = tpu.vector_load %arg18[%get3A_3100] {strides = array<i32>} : memref<4096xf32, #tpu.memory_space<vmem>>, vector<16xf32>,
      %eq3A_3102 = vector.broadcast %while3A_364#1 : f32 to vector<16xf32>
      %eq3A_3103 = arith.cmpf oeq, %get3A_3101, %eq3A_3102 : vector<16xf32>
      %convert_element_type3A_3104 = arith.extui %eq3A_3103 : vector<16xi1> to vector<16xi32>
      %reduce_sum3A_3105 = arith.constant true
      %reduce_sum3A_3106 = vector.broadcast %reduce_sum3A_3105 : i1 to vector<16xi1>
      %reduce_sum3A_3107 = tpu.scan <sum>, %convert_element_type3A_3104 masked %reduce_sum3A_3106 : vector<16xi32>, vector<16xi1> -> vector<16xi32>
      %reduce_sum3A_3108 = vector.extract %reduce_sum3A_3107[15] : i32 from vector<16xi32>
      %add3A_3109 = arith.addi %add3A_3099, %reduce_sum3A_3108 : i32
      %sub3A_3110 = arith.subi %sub3A_366, %add3A_2906 : i32
      %jit3A_3111 = arith.constant 0 : i32
      %max3A_3112 = arith.maxsi %jit3A_3111, %sub3A_3110 : i32
      %min3A_3113 = arith.minsi %add3A_3109, %max3A_3112 : i32
      %add3A_3114 = arith.addi %add3A_2906, %add3A_3109 : i32
      %get3A_3115 = arith.constant 3328 : index
      %get3A_3116 = tpu.vector_load %arg18[%get3A_3115] {strides = array<i32>} : memref<4096xf32, #tpu.memory_space<vmem>>, vector<16xf32>,
      %get3A_3117 = arith.constant 3392 : index
      %get3A_3118 = tpu.vector_load %arg18[%get3A_3117] {strides = array<i32>} : memref<4096xf32, #tpu.memory_space<vmem>>, vector<16xf32>,
      %gt3A_3119 = vector.broadcast %while3A_364#1 : f32 to vector<16xf32>
      %gt3A_3120 = arith.cmpf ogt, %get3A_3116, %gt3A_3119 : vector<16xf32>
      %convert_element_type3A_3121 = arith.extui %eq3A_3072 : vector<16xi1> to vector<16xi32>
      %broadcast_in_dim3A_3122 = arith.constant true
      %broadcast_in_dim3A_3123 = vector.broadcast %broadcast_in_dim3A_3122 : i1 to vector<16xi1>
      %masked_cumsum3A_3124 = tpu.scan <sum>, %convert_element_type3A_3121 masked %broadcast_in_dim3A_3123 : vector<16xi32>, vector<16xi1> -> vector<16xi32>
      %add3A_3125 = arith.constant 0 : i32
      %add3A_3126 = vector.broadcast %add3A_3125 : i32 to vector<16xi32>
      %add3A_3127 = arith.addi %masked_cumsum3A_3124, %add3A_3126 : vector<16xi32>
      %convert_element_type3A_3128 = arith.extui %eq3A_3072 : vector<16xi1> to vector<16xi32>
      %reduce_sum3A_3129 = arith.constant true
      %reduce_sum3A_3130 = vector.broadcast %reduce_sum3A_3129 : i1 to vector<16xi1>
      %reduce_sum3A_3131 = tpu.scan <sum>, %convert_element_type3A_3128 masked %reduce_sum3A_3130 : vector<16xi32>, vector<16xi1> -> vector<16xi32>
      %reduce_sum3A_3132 = vector.extract %reduce_sum3A_3131[15] : i32 from vector<16xi32>
      %add3A_3133 = arith.constant 0 : i32
      %add3A_3134 = arith.addi %add3A_3133, %reduce_sum3A_3132 : i32
      %le3A_3135 = vector.broadcast %min3A_3113 : i32 to vector<16xi32>
      %le3A_3136 = arith.cmpi sle, %add3A_3127, %le3A_3135 : vector<16xi32>
      %and3A_3137 = arith.andi %eq3A_3072, %le3A_3136 : vector<16xi1>
      %or3A_3138 = arith.ori %gt3A_3120, %and3A_3137 : vector<16xi1>
      %sub3A_3139 = arith.constant 1.000000e+00 : f32
      %sub3A_3140 = vector.broadcast %sub3A_3139 : f32 to vector<16xf32>
      %sub3A_3141 = arith.subf %sub3A_3140, %get3A_3116 : vector<16xf32>
      %add3A_3142 = arith.constant 9.99999997E-7 : f32
      %add3A_3143 = vector.broadcast %add3A_3142 : f32 to vector<16xf32>
      %add3A_3144 = arith.addf %sub3A_3141, %add3A_3143 : vector<16xf32>
      %div3A_3145 = arith.constant 1.000000e+00 : f32
      %div3A_3146 = vector.broadcast %div3A_3145 : f32 to vector<16xf32>
      %div3A_3147 = arith.divf %div3A_3146, %add3A_3144 : vector<16xf32>
      %jit3A_3148 = arith.constant 0.000000e+00 : f32
      %broadcast_in_dim3A_3149 = vector.broadcast %jit3A_3148 : f32 to vector<16xf32>
      %select_n3A_3150 = arith.select %or3A_3138, %div3A_3147, %broadcast_in_dim3A_3149 : vector<16xi1>, vector<16xf32>
      %add3A_3151 = arith.addf %add3A_3063, %select_n3A_3150 : vector<16xf32>
      %mul3A_3152 = arith.mulf %div3A_3147, %get3A_3118 : vector<16xf32>
      %jit3A_3153 = arith.constant 0.000000e+00 : f32
      %broadcast_in_dim3A_3154 = vector.broadcast %jit3A_3153 : f32 to vector<16xf32>
      %select_n3A_3155 = arith.select %or3A_3138, %mul3A_3152, %broadcast_in_dim3A_3154 : vector<16xi1>, vector<16xf32>
      %add3A_3156 = arith.addf %add3A_3068, %select_n3A_3155 : vector<16xf32>
      %get3A_3157 = arith.constant 3344 : index
      %get3A_3158 = tpu.vector_load %arg18[%get3A_3157] {strides = array<i32>} : memref<4096xf32, #tpu.memory_space<vmem>>, vector<16xf32>,
      %get3A_3159 = arith.constant 3408 : index
      %get3A_3160 = tpu.vector_load %arg18[%get3A_3159] {strides = array<i32>} : memref<4096xf32, #tpu.memory_space<vmem>>, vector<16xf32>,
      %gt3A_3161 = vector.broadcast %while3A_364#1 : f32 to vector<16xf32>
      %gt3A_3162 = arith.cmpf ogt, %get3A_3158, %gt3A_3161 : vector<16xf32>
      %convert_element_type3A_3163 = arith.extui %eq3A_3083 : vector<16xi1> to vector<16xi32>
      %broadcast_in_dim3A_3164 = arith.constant true
      %broadcast_in_dim3A_3165 = vector.broadcast %broadcast_in_dim3A_3164 : i1 to vector<16xi1>
      %masked_cumsum3A_3166 = tpu.scan <sum>, %convert_element_type3A_3163 masked %broadcast_in_dim3A_3165 : vector<16xi32>, vector<16xi1> -> vector<16xi32>
      %add3A_3167 = vector.broadcast %add3A_3134 : i32 to vector<16xi32>
      %add3A_3168 = arith.addi %masked_cumsum3A_3166, %add3A_3167 : vector<16xi32>
      %convert_element_type3A_3169 = arith.extui %eq3A_3083 : vector<16xi1> to vector<16xi32>
      %reduce_sum3A_3170 = arith.constant true
      %reduce_sum3A_3171 = vector.broadcast %reduce_sum3A_3170 : i1 to vector<16xi1>
      %reduce_sum3A_3172 = tpu.scan <sum>, %convert_element_type3A_3169 masked %reduce_sum3A_3171 : vector<16xi32>, vector<16xi1> -> vector<16xi32>
      %reduce_sum3A_3173 = vector.extract %reduce_sum3A_3172[15] : i32 from vector<16xi32>
      %add3A_3174 = arith.addi %add3A_3134, %reduce_sum3A_3173 : i32
      %le3A_3175 = vector.broadcast %min3A_3113 : i32 to vector<16xi32>
      %le3A_3176 = arith.cmpi sle, %add3A_3168, %le3A_3175 : vector<16xi32>
      %and3A_3177 = arith.andi %eq3A_3083, %le3A_3176 : vector<16xi1>
      %or3A_3178 = arith.ori %gt3A_3162, %and3A_3177 : vector<16xi1>
      %sub3A_3179 = arith.constant 1.000000e+00 : f32
      %sub3A_3180 = vector.broadcast %sub3A_3179 : f32 to vector<16xf32>
      %sub3A_3181 = arith.subf %sub3A_3180, %get3A_3158 : vector<16xf32>
      %add3A_3182 = arith.constant 9.99999997E-7 : f32
      %add3A_3183 = vector.broadcast %add3A_3182 : f32 to vector<16xf32>
      %add3A_3184 = arith.addf %sub3A_3181, %add3A_3183 : vector<16xf32>
      %div3A_3185 = arith.constant 1.000000e+00 : f32
      %div3A_3186 = vector.broadcast %div3A_3185 : f32 to vector<16xf32>
      %div3A_3187 = arith.divf %div3A_3186, %add3A_3184 : vector<16xf32>
      %jit3A_3188 = arith.constant 0.000000e+00 : f32
      %broadcast_in_dim3A_3189 = vector.broadcast %jit3A_3188 : f32 to vector<16xf32>
      %select_n3A_3190 = arith.select %or3A_3178, %div3A_3187, %broadcast_in_dim3A_3189 : vector<16xi1>, vector<16xf32>
      %add3A_3191 = arith.addf %add3A_3151, %select_n3A_3190 : vector<16xf32>
      %mul3A_3192 = arith.mulf %div3A_3187, %get3A_3160 : vector<16xf32>
      %jit3A_3193 = arith.constant 0.000000e+00 : f32
      %broadcast_in_dim3A_3194 = vector.broadcast %jit3A_3193 : f32 to vector<16xf32>
      %select_n3A_3195 = arith.select %or3A_3178, %mul3A_3192, %broadcast_in_dim3A_3194 : vector<16xi1>, vector<16xf32>
      %add3A_3196 = arith.addf %add3A_3156, %select_n3A_3195 : vector<16xf32>
      %get3A_3197 = arith.constant 3360 : index
      %get3A_3198 = tpu.vector_load %arg18[%get3A_3197] {strides = array<i32>} : memref<4096xf32, #tpu.memory_space<vmem>>, vector<16xf32>,
      %get3A_3199 = arith.constant 3424 : index
      %get3A_3200 = tpu.vector_load %arg18[%get3A_3199] {strides = array<i32>} : memref<4096xf32, #tpu.memory_space<vmem>>, vector<16xf32>,
      %gt3A_3201 = vector.broadcast %while3A_364#1 : f32 to vector<16xf32>
      %gt3A_3202 = arith.cmpf ogt, %get3A_3198, %gt3A_3201 : vector<16xf32>
      %convert_element_type3A_3203 = arith.extui %eq3A_3093 : vector<16xi1> to vector<16xi32>
      %broadcast_in_dim3A_3204 = arith.constant true
      %broadcast_in_dim3A_3205 = vector.broadcast %broadcast_in_dim3A_3204 : i1 to vector<16xi1>
      %masked_cumsum3A_3206 = tpu.scan <sum>, %convert_element_type3A_3203 masked %broadcast_in_dim3A_3205 : vector<16xi32>, vector<16xi1> -> vector<16xi32>
      %add3A_3207 = vector.broadcast %add3A_3174 : i32 to vector<16xi32>
      %add3A_3208 = arith.addi %masked_cumsum3A_3206, %add3A_3207 : vector<16xi32>
      %convert_element_type3A_3209 = arith.extui %eq3A_3093 : vector<16xi1> to vector<16xi32>
      %reduce_sum3A_3210 = arith.constant true
      %reduce_sum3A_3211 = vector.broadcast %reduce_sum3A_3210 : i1 to vector<16xi1>
      %reduce_sum3A_3212 = tpu.scan <sum>, %convert_element_type3A_3209 masked %reduce_sum3A_3211 : vector<16xi32>, vector<16xi1> -> vector<16xi32>
      %reduce_sum3A_3213 = vector.extract %reduce_sum3A_3212[15] : i32 from vector<16xi32>
      %add3A_3214 = arith.addi %add3A_3174, %reduce_sum3A_3213 : i32
      %le3A_3215 = vector.broadcast %min3A_3113 : i32 to vector<16xi32>
      %le3A_3216 = arith.cmpi sle, %add3A_3208, %le3A_3215 : vector<16xi32>
      %and3A_3217 = arith.andi %eq3A_3093, %le3A_3216 : vector<16xi1>
      %or3A_3218 = arith.ori %gt3A_3202, %and3A_3217 : vector<16xi1>
      %sub3A_3219 = arith.constant 1.000000e+00 : f32
      %sub3A_3220 = vector.broadcast %sub3A_3219 : f32 to vector<16xf32>
      %sub3A_3221 = arith.subf %sub3A_3220, %get3A_3198 : vector<16xf32>
      %add3A_3222 = arith.constant 9.99999997E-7 : f32
      %add3A_3223 = vector.broadcast %add3A_3222 : f32 to vector<16xf32>
      %add3A_3224 = arith.addf %sub3A_3221, %add3A_3223 : vector<16xf32>
      %div3A_3225 = arith.constant 1.000000e+00 : f32
      %div3A_3226 = vector.broadcast %div3A_3225 : f32 to vector<16xf32>
      %div3A_3227 = arith.divf %div3A_3226, %add3A_3224 : vector<16xf32>
      %jit3A_3228 = arith.constant 0.000000e+00 : f32
      %broadcast_in_dim3A_3229 = vector.broadcast %jit3A_3228 : f32 to vector<16xf32>
      %select_n3A_3230 = arith.select %or3A_3218, %div3A_3227, %broadcast_in_dim3A_3229 : vector<16xi1>, vector<16xf32>
      %add3A_3231 = arith.addf %add3A_3191, %select_n3A_3230 : vector<16xf32>
      %mul3A_3232 = arith.mulf %div3A_3227, %get3A_3200 : vector<16xf32>
      %jit3A_3233 = arith.constant 0.000000e+00 : f32
      %broadcast_in_dim3A_3234 = vector.broadcast %jit3A_3233 : f32 to vector<16xf32>
      %select_n3A_3235 = arith.select %or3A_3218, %mul3A_3232, %broadcast_in_dim3A_3234 : vector<16xi1>, vector<16xf32>
      %add3A_3236 = arith.addf %add3A_3196, %select_n3A_3235 : vector<16xf32>
      %get3A_3237 = arith.constant 3376 : index
      %get3A_3238 = tpu.vector_load %arg18[%get3A_3237] {strides = array<i32>} : memref<4096xf32, #tpu.memory_space<vmem>>, vector<16xf32>,
      %get3A_3239 = arith.constant 3440 : index
      %get3A_3240 = tpu.vector_load %arg18[%get3A_3239] {strides = array<i32>} : memref<4096xf32, #tpu.memory_space<vmem>>, vector<16xf32>,
      %gt3A_3241 = vector.broadcast %while3A_364#1 : f32 to vector<16xf32>
      %gt3A_3242 = arith.cmpf ogt, %get3A_3238, %gt3A_3241 : vector<16xf32>
      %convert_element_type3A_3243 = arith.extui %eq3A_3103 : vector<16xi1> to vector<16xi32>
      %broadcast_in_dim3A_3244 = arith.constant true
      %broadcast_in_dim3A_3245 = vector.broadcast %broadcast_in_dim3A_3244 : i1 to vector<16xi1>
      %masked_cumsum3A_3246 = tpu.scan <sum>, %convert_element_type3A_3243 masked %broadcast_in_dim3A_3245 : vector<16xi32>, vector<16xi1> -> vector<16xi32>
      %add3A_3247 = vector.broadcast %add3A_3214 : i32 to vector<16xi32>
      %add3A_3248 = arith.addi %masked_cumsum3A_3246, %add3A_3247 : vector<16xi32>
      %convert_element_type3A_3249 = arith.extui %eq3A_3103 : vector<16xi1> to vector<16xi32>
      %reduce_sum3A_3250 = arith.constant true
      %reduce_sum3A_3251 = vector.broadcast %reduce_sum3A_3250 : i1 to vector<16xi1>
      %reduce_sum3A_3252 = tpu.scan <sum>, %convert_element_type3A_3249 masked %reduce_sum3A_3251 : vector<16xi32>, vector<16xi1> -> vector<16xi32>
      %reduce_sum3A_3253 = vector.extract %reduce_sum3A_3252[15] : i32 from vector<16xi32>
      %add3A_3254 = arith.addi %add3A_3214, %reduce_sum3A_3253 : i32
      %le3A_3255 = vector.broadcast %min3A_3113 : i32 to vector<16xi32>
      %le3A_3256 = arith.cmpi sle, %add3A_3248, %le3A_3255 : vector<16xi32>
      %and3A_3257 = arith.andi %eq3A_3103, %le3A_3256 : vector<16xi1>
      %or3A_3258 = arith.ori %gt3A_3242, %and3A_3257 : vector<16xi1>
      %sub3A_3259 = arith.constant 1.000000e+00 : f32
      %sub3A_3260 = vector.broadcast %sub3A_3259 : f32 to vector<16xf32>
      %sub3A_3261 = arith.subf %sub3A_3260, %get3A_3238 : vector<16xf32>
      %add3A_3262 = arith.constant 9.99999997E-7 : f32
      %add3A_3263 = vector.broadcast %add3A_3262 : f32 to vector<16xf32>
      %add3A_3264 = arith.addf %sub3A_3261, %add3A_3263 : vector<16xf32>
      %div3A_3265 = arith.constant 1.000000e+00 : f32
      %div3A_3266 = vector.broadcast %div3A_3265 : f32 to vector<16xf32>
      %div3A_3267 = arith.divf %div3A_3266, %add3A_3264 : vector<16xf32>
      %jit3A_3268 = arith.constant 0.000000e+00 : f32
      %broadcast_in_dim3A_3269 = vector.broadcast %jit3A_3268 : f32 to vector<16xf32>
      %select_n3A_3270 = arith.select %or3A_3258, %div3A_3267, %broadcast_in_dim3A_3269 : vector<16xi1>, vector<16xf32>
      %add3A_3271 = arith.addf %add3A_3231, %select_n3A_3270 : vector<16xf32>
      %mul3A_3272 = arith.mulf %div3A_3267, %get3A_3240 : vector<16xf32>
      %jit3A_3273 = arith.constant 0.000000e+00 : f32
      %broadcast_in_dim3A_3274 = vector.broadcast %jit3A_3273 : f32 to vector<16xf32>
      %select_n3A_3275 = arith.select %or3A_3258, %mul3A_3272, %broadcast_in_dim3A_3274 : vector<16xi1>, vector<16xf32>
      %add3A_3276 = arith.addf %add3A_3236, %select_n3A_3275 : vector<16xf32>
      %get3A_3277 = arith.constant 3584 : index
      %get3A_3278 = tpu.vector_load %arg18[%get3A_3277] {strides = array<i32>} : memref<4096xf32, #tpu.memory_space<vmem>>, vector<16xf32>,
      %eq3A_3279 = vector.broadcast %while3A_364#1 : f32 to vector<16xf32>
      %eq3A_3280 = arith.cmpf oeq, %get3A_3278, %eq3A_3279 : vector<16xf32>
      %convert_element_type3A_3281 = arith.extui %eq3A_3280 : vector<16xi1> to vector<16xi32>
      %reduce_sum3A_3282 = arith.constant true
      %reduce_sum3A_3283 = vector.broadcast %reduce_sum3A_3282 : i1 to vector<16xi1>
      %reduce_sum3A_3284 = tpu.scan <sum>, %convert_element_type3A_3281 masked %reduce_sum3A_3283 : vector<16xi32>, vector<16xi1> -> vector<16xi32>
      %reduce_sum3A_3285 = vector.extract %reduce_sum3A_3284[15] : i32 from vector<16xi32>
      %add3A_3286 = arith.constant 0 : i32
      %add3A_3287 = arith.addi %add3A_3286, %reduce_sum3A_3285 : i32
      %get3A_3288 = arith.constant 3600 : index
      %get3A_3289 = tpu.vector_load %arg18[%get3A_3288] {strides = array<i32>} : memref<4096xf32, #tpu.memory_space<vmem>>, vector<16xf32>,
      %eq3A_3290 = vector.broadcast %while3A_364#1 : f32 to vector<16xf32>
      %eq3A_3291 = arith.cmpf oeq, %get3A_3289, %eq3A_3290 : vector<16xf32>
      %convert_element_type3A_3292 = arith.extui %eq3A_3291 : vector<16xi1> to vector<16xi32>
      %reduce_sum3A_3293 = arith.constant true
      %reduce_sum3A_3294 = vector.broadcast %reduce_sum3A_3293 : i1 to vector<16xi1>
      %reduce_sum3A_3295 = tpu.scan <sum>, %convert_element_type3A_3292 masked %reduce_sum3A_3294 : vector<16xi32>, vector<16xi1> -> vector<16xi32>
      %reduce_sum3A_3296 = vector.extract %reduce_sum3A_3295[15] : i32 from vector<16xi32>
      %add3A_3297 = arith.addi %add3A_3287, %reduce_sum3A_3296 : i32
      %get3A_3298 = arith.constant 3616 : index
      %get3A_3299 = tpu.vector_load %arg18[%get3A_3298] {strides = array<i32>} : memref<4096xf32, #tpu.memory_space<vmem>>, vector<16xf32>,
      %eq3A_3300 = vector.broadcast %while3A_364#1 : f32 to vector<16xf32>
      %eq3A_3301 = arith.cmpf oeq, %get3A_3299, %eq3A_3300 : vector<16xf32>
      %convert_element_type3A_3302 = arith.extui %eq3A_3301 : vector<16xi1> to vector<16xi32>
      %reduce_sum3A_3303 = arith.constant true
      %reduce_sum3A_3304 = vector.broadcast %reduce_sum3A_3303 : i1 to vector<16xi1>
      %reduce_sum3A_3305 = tpu.scan <sum>, %convert_element_type3A_3302 masked %reduce_sum3A_3304 : vector<16xi32>, vector<16xi1> -> vector<16xi32>
      %reduce_sum3A_3306 = vector.extract %reduce_sum3A_3305[15] : i32 from vector<16xi32>
      %add3A_3307 = arith.addi %add3A_3297, %reduce_sum3A_3306 : i32
      %get3A_3308 = arith.constant 3632 : index
      %get3A_3309 = tpu.vector_load %arg18[%get3A_3308] {strides = array<i32>} : memref<4096xf32, #tpu.memory_space<vmem>>, vector<16xf32>,
      %eq3A_3310 = vector.broadcast %while3A_364#1 : f32 to vector<16xf32>
      %eq3A_3311 = arith.cmpf oeq, %get3A_3309, %eq3A_3310 : vector<16xf32>
      %convert_element_type3A_3312 = arith.extui %eq3A_3311 : vector<16xi1> to vector<16xi32>
      %reduce_sum3A_3313 = arith.constant true
      %reduce_sum3A_3314 = vector.broadcast %reduce_sum3A_3313 : i1 to vector<16xi1>
      %reduce_sum3A_3315 = tpu.scan <sum>, %convert_element_type3A_3312 masked %reduce_sum3A_3314 : vector<16xi32>, vector<16xi1> -> vector<16xi32>
      %reduce_sum3A_3316 = vector.extract %reduce_sum3A_3315[15] : i32 from vector<16xi32>
      %add3A_3317 = arith.addi %add3A_3307, %reduce_sum3A_3316 : i32
      %sub3A_3318 = arith.subi %sub3A_366, %add3A_3114 : i32
      %jit3A_3319 = arith.constant 0 : i32
      %max3A_3320 = arith.maxsi %jit3A_3319, %sub3A_3318 : i32
      %min3A_3321 = arith.minsi %add3A_3317, %max3A_3320 : i32
      %add3A_3322 = arith.addi %add3A_3114, %add3A_3317 : i32
      %get3A_3323 = arith.constant 3584 : index
      %get3A_3324 = tpu.vector_load %arg18[%get3A_3323] {strides = array<i32>} : memref<4096xf32, #tpu.memory_space<vmem>>, vector<16xf32>,
      %get3A_3325 = arith.constant 3648 : index
      %get3A_3326 = tpu.vector_load %arg18[%get3A_3325] {strides = array<i32>} : memref<4096xf32, #tpu.memory_space<vmem>>, vector<16xf32>,
      %gt3A_3327 = vector.broadcast %while3A_364#1 : f32 to vector<16xf32>
      %gt3A_3328 = arith.cmpf ogt, %get3A_3324, %gt3A_3327 : vector<16xf32>
      %convert_element_type3A_3329 = arith.extui %eq3A_3280 : vector<16xi1> to vector<16xi32>
      %broadcast_in_dim3A_3330 = arith.constant true
      %broadcast_in_dim3A_3331 = vector.broadcast %broadcast_in_dim3A_3330 : i1 to vector<16xi1>
      %masked_cumsum3A_3332 = tpu.scan <sum>, %convert_element_type3A_3329 masked %broadcast_in_dim3A_3331 : vector<16xi32>, vector<16xi1> -> vector<16xi32>
      %add3A_3333 = arith.constant 0 : i32
      %add3A_3334 = vector.broadcast %add3A_3333 : i32 to vector<16xi32>
      %add3A_3335 = arith.addi %masked_cumsum3A_3332, %add3A_3334 : vector<16xi32>
      %convert_element_type3A_3336 = arith.extui %eq3A_3280 : vector<16xi1> to vector<16xi32>
      %reduce_sum3A_3337 = arith.constant true
      %reduce_sum3A_3338 = vector.broadcast %reduce_sum3A_3337 : i1 to vector<16xi1>
      %reduce_sum3A_3339 = tpu.scan <sum>, %convert_element_type3A_3336 masked %reduce_sum3A_3338 : vector<16xi32>, vector<16xi1> -> vector<16xi32>
      %reduce_sum3A_3340 = vector.extract %reduce_sum3A_3339[15] : i32 from vector<16xi32>
      %add3A_3341 = arith.constant 0 : i32
      %add3A_3342 = arith.addi %add3A_3341, %reduce_sum3A_3340 : i32
      %le3A_3343 = vector.broadcast %min3A_3321 : i32 to vector<16xi32>
      %le3A_3344 = arith.cmpi sle, %add3A_3335, %le3A_3343 : vector<16xi32>
      %and3A_3345 = arith.andi %eq3A_3280, %le3A_3344 : vector<16xi1>
      %or3A_3346 = arith.ori %gt3A_3328, %and3A_3345 : vector<16xi1>
      %sub3A_3347 = arith.constant 1.000000e+00 : f32
      %sub3A_3348 = vector.broadcast %sub3A_3347 : f32 to vector<16xf32>
      %sub3A_3349 = arith.subf %sub3A_3348, %get3A_3324 : vector<16xf32>
      %add3A_3350 = arith.constant 9.99999997E-7 : f32
      %add3A_3351 = vector.broadcast %add3A_3350 : f32 to vector<16xf32>
      %add3A_3352 = arith.addf %sub3A_3349, %add3A_3351 : vector<16xf32>
      %div3A_3353 = arith.constant 1.000000e+00 : f32
      %div3A_3354 = vector.broadcast %div3A_3353 : f32 to vector<16xf32>
      %div3A_3355 = arith.divf %div3A_3354, %add3A_3352 : vector<16xf32>
      %jit3A_3356 = arith.constant 0.000000e+00 : f32
      %broadcast_in_dim3A_3357 = vector.broadcast %jit3A_3356 : f32 to vector<16xf32>
      %select_n3A_3358 = arith.select %or3A_3346, %div3A_3355, %broadcast_in_dim3A_3357 : vector<16xi1>, vector<16xf32>
      %add3A_3359 = arith.addf %add3A_3271, %select_n3A_3358 : vector<16xf32>
      %mul3A_3360 = arith.mulf %div3A_3355, %get3A_3326 : vector<16xf32>
      %jit3A_3361 = arith.constant 0.000000e+00 : f32
      %broadcast_in_dim3A_3362 = vector.broadcast %jit3A_3361 : f32 to vector<16xf32>
      %select_n3A_3363 = arith.select %or3A_3346, %mul3A_3360, %broadcast_in_dim3A_3362 : vector<16xi1>, vector<16xf32>
      %add3A_3364 = arith.addf %add3A_3276, %select_n3A_3363 : vector<16xf32>
      %get3A_3365 = arith.constant 3600 : index
      %get3A_3366 = tpu.vector_load %arg18[%get3A_3365] {strides = array<i32>} : memref<4096xf32, #tpu.memory_space<vmem>>, vector<16xf32>,
      %get3A_3367 = arith.constant 3664 : index
      %get3A_3368 = tpu.vector_load %arg18[%get3A_3367] {strides = array<i32>} : memref<4096xf32, #tpu.memory_space<vmem>>, vector<16xf32>,
      %gt3A_3369 = vector.broadcast %while3A_364#1 : f32 to vector<16xf32>
      %gt3A_3370 = arith.cmpf ogt, %get3A_3366, %gt3A_3369 : vector<16xf32>
      %convert_element_type3A_3371 = arith.extui %eq3A_3291 : vector<16xi1> to vector<16xi32>
      %broadcast_in_dim3A_3372 = arith.constant true
      %broadcast_in_dim3A_3373 = vector.broadcast %broadcast_in_dim3A_3372 : i1 to vector<16xi1>
      %masked_cumsum3A_3374 = tpu.scan <sum>, %convert_element_type3A_3371 masked %broadcast_in_dim3A_3373 : vector<16xi32>, vector<16xi1> -> vector<16xi32>
      %add3A_3375 = vector.broadcast %add3A_3342 : i32 to vector<16xi32>
      %add3A_3376 = arith.addi %masked_cumsum3A_3374, %add3A_3375 : vector<16xi32>
      %convert_element_type3A_3377 = arith.extui %eq3A_3291 : vector<16xi1> to vector<16xi32>
      %reduce_sum3A_3378 = arith.constant true
      %reduce_sum3A_3379 = vector.broadcast %reduce_sum3A_3378 : i1 to vector<16xi1>
      %reduce_sum3A_3380 = tpu.scan <sum>, %convert_element_type3A_3377 masked %reduce_sum3A_3379 : vector<16xi32>, vector<16xi1> -> vector<16xi32>
      %reduce_sum3A_3381 = vector.extract %reduce_sum3A_3380[15] : i32 from vector<16xi32>
      %add3A_3382 = arith.addi %add3A_3342, %reduce_sum3A_3381 : i32
      %le3A_3383 = vector.broadcast %min3A_3321 : i32 to vector<16xi32>
      %le3A_3384 = arith.cmpi sle, %add3A_3376, %le3A_3383 : vector<16xi32>
      %and3A_3385 = arith.andi %eq3A_3291, %le3A_3384 : vector<16xi1>
      %or3A_3386 = arith.ori %gt3A_3370, %and3A_3385 : vector<16xi1>
      %sub3A_3387 = arith.constant 1.000000e+00 : f32
      %sub3A_3388 = vector.broadcast %sub3A_3387 : f32 to vector<16xf32>
      %sub3A_3389 = arith.subf %sub3A_3388, %get3A_3366 : vector<16xf32>
      %add3A_3390 = arith.constant 9.99999997E-7 : f32
      %add3A_3391 = vector.broadcast %add3A_3390 : f32 to vector<16xf32>
      %add3A_3392 = arith.addf %sub3A_3389, %add3A_3391 : vector<16xf32>
      %div3A_3393 = arith.constant 1.000000e+00 : f32
      %div3A_3394 = vector.broadcast %div3A_3393 : f32 to vector<16xf32>
      %div3A_3395 = arith.divf %div3A_3394, %add3A_3392 : vector<16xf32>
      %jit3A_3396 = arith.constant 0.000000e+00 : f32
      %broadcast_in_dim3A_3397 = vector.broadcast %jit3A_3396 : f32 to vector<16xf32>
      %select_n3A_3398 = arith.select %or3A_3386, %div3A_3395, %broadcast_in_dim3A_3397 : vector<16xi1>, vector<16xf32>
      %add3A_3399 = arith.addf %add3A_3359, %select_n3A_3398 : vector<16xf32>
      %mul3A_3400 = arith.mulf %div3A_3395, %get3A_3368 : vector<16xf32>
      %jit3A_3401 = arith.constant 0.000000e+00 : f32
      %broadcast_in_dim3A_3402 = vector.broadcast %jit3A_3401 : f32 to vector<16xf32>
      %select_n3A_3403 = arith.select %or3A_3386, %mul3A_3400, %broadcast_in_dim3A_3402 : vector<16xi1>, vector<16xf32>
      %add3A_3404 = arith.addf %add3A_3364, %select_n3A_3403 : vector<16xf32>
      %get3A_3405 = arith.constant 3616 : index
      %get3A_3406 = tpu.vector_load %arg18[%get3A_3405] {strides = array<i32>} : memref<4096xf32, #tpu.memory_space<vmem>>, vector<16xf32>,
      %get3A_3407 = arith.constant 3680 : index
      %get3A_3408 = tpu.vector_load %arg18[%get3A_3407] {strides = array<i32>} : memref<4096xf32, #tpu.memory_space<vmem>>, vector<16xf32>,
      %gt3A_3409 = vector.broadcast %while3A_364#1 : f32 to vector<16xf32>
      %gt3A_3410 = arith.cmpf ogt, %get3A_3406, %gt3A_3409 : vector<16xf32>
      %convert_element_type3A_3411 = arith.extui %eq3A_3301 : vector<16xi1> to vector<16xi32>
      %broadcast_in_dim3A_3412 = arith.constant true
      %broadcast_in_dim3A_3413 = vector.broadcast %broadcast_in_dim3A_3412 : i1 to vector<16xi1>
      %masked_cumsum3A_3414 = tpu.scan <sum>, %convert_element_type3A_3411 masked %broadcast_in_dim3A_3413 : vector<16xi32>, vector<16xi1> -> vector<16xi32>
      %add3A_3415 = vector.broadcast %add3A_3382 : i32 to vector<16xi32>
      %add3A_3416 = arith.addi %masked_cumsum3A_3414, %add3A_3415 : vector<16xi32>
      %convert_element_type3A_3417 = arith.extui %eq3A_3301 : vector<16xi1> to vector<16xi32>
      %reduce_sum3A_3418 = arith.constant true
      %reduce_sum3A_3419 = vector.broadcast %reduce_sum3A_3418 : i1 to vector<16xi1>
      %reduce_sum3A_3420 = tpu.scan <sum>, %convert_element_type3A_3417 masked %reduce_sum3A_3419 : vector<16xi32>, vector<16xi1> -> vector<16xi32>
      %reduce_sum3A_3421 = vector.extract %reduce_sum3A_3420[15] : i32 from vector<16xi32>
      %add3A_3422 = arith.addi %add3A_3382, %reduce_sum3A_3421 : i32
      %le3A_3423 = vector.broadcast %min3A_3321 : i32 to vector<16xi32>
      %le3A_3424 = arith.cmpi sle, %add3A_3416, %le3A_3423 : vector<16xi32>
      %and3A_3425 = arith.andi %eq3A_3301, %le3A_3424 : vector<16xi1>
      %or3A_3426 = arith.ori %gt3A_3410, %and3A_3425 : vector<16xi1>
      %sub3A_3427 = arith.constant 1.000000e+00 : f32
      %sub3A_3428 = vector.broadcast %sub3A_3427 : f32 to vector<16xf32>
      %sub3A_3429 = arith.subf %sub3A_3428, %get3A_3406 : vector<16xf32>
      %add3A_3430 = arith.constant 9.99999997E-7 : f32
      %add3A_3431 = vector.broadcast %add3A_3430 : f32 to vector<16xf32>
      %add3A_3432 = arith.addf %sub3A_3429, %add3A_3431 : vector<16xf32>
      %div3A_3433 = arith.constant 1.000000e+00 : f32
      %div3A_3434 = vector.broadcast %div3A_3433 : f32 to vector<16xf32>
      %div3A_3435 = arith.divf %div3A_3434, %add3A_3432 : vector<16xf32>
      %jit3A_3436 = arith.constant 0.000000e+00 : f32
      %broadcast_in_dim3A_3437 = vector.broadcast %jit3A_3436 : f32 to vector<16xf32>
      %select_n3A_3438 = arith.select %or3A_3426, %div3A_3435, %broadcast_in_dim3A_3437 : vector<16xi1>, vector<16xf32>
      %add3A_3439 = arith.addf %add3A_3399, %select_n3A_3438 : vector<16xf32>
      %mul3A_3440 = arith.mulf %div3A_3435, %get3A_3408 : vector<16xf32>
      %jit3A_3441 = arith.constant 0.000000e+00 : f32
      %broadcast_in_dim3A_3442 = vector.broadcast %jit3A_3441 : f32 to vector<16xf32>
      %select_n3A_3443 = arith.select %or3A_3426, %mul3A_3440, %broadcast_in_dim3A_3442 : vector<16xi1>, vector<16xf32>
      %add3A_3444 = arith.addf %add3A_3404, %select_n3A_3443 : vector<16xf32>
      %get3A_3445 = arith.constant 3632 : index
      %get3A_3446 = tpu.vector_load %arg18[%get3A_3445] {strides = array<i32>} : memref<4096xf32, #tpu.memory_space<vmem>>, vector<16xf32>,
      %get3A_3447 = arith.constant 3696 : index
      %get3A_3448 = tpu.vector_load %arg18[%get3A_3447] {strides = array<i32>} : memref<4096xf32, #tpu.memory_space<vmem>>, vector<16xf32>,
      %gt3A_3449 = vector.broadcast %while3A_364#1 : f32 to vector<16xf32>
      %gt3A_3450 = arith.cmpf ogt, %get3A_3446, %gt3A_3449 : vector<16xf32>
      %convert_element_type3A_3451 = arith.extui %eq3A_3311 : vector<16xi1> to vector<16xi32>
      %broadcast_in_dim3A_3452 = arith.constant true
      %broadcast_in_dim3A_3453 = vector.broadcast %broadcast_in_dim3A_3452 : i1 to vector<16xi1>
      %masked_cumsum3A_3454 = tpu.scan <sum>, %convert_element_type3A_3451 masked %broadcast_in_dim3A_3453 : vector<16xi32>, vector<16xi1> -> vector<16xi32>
      %add3A_3455 = vector.broadcast %add3A_3422 : i32 to vector<16xi32>
      %add3A_3456 = arith.addi %masked_cumsum3A_3454, %add3A_3455 : vector<16xi32>
      %convert_element_type3A_3457 = arith.extui %eq3A_3311 : vector<16xi1> to vector<16xi32>
      %reduce_sum3A_3458 = arith.constant true
      %reduce_sum3A_3459 = vector.broadcast %reduce_sum3A_3458 : i1 to vector<16xi1>
      %reduce_sum3A_3460 = tpu.scan <sum>, %convert_element_type3A_3457 masked %reduce_sum3A_3459 : vector<16xi32>, vector<16xi1> -> vector<16xi32>
      %reduce_sum3A_3461 = vector.extract %reduce_sum3A_3460[15] : i32 from vector<16xi32>
      %add3A_3462 = arith.addi %add3A_3422, %reduce_sum3A_3461 : i32
      %le3A_3463 = vector.broadcast %min3A_3321 : i32 to vector<16xi32>
      %le3A_3464 = arith.cmpi sle, %add3A_3456, %le3A_3463 : vector<16xi32>
      %and3A_3465 = arith.andi %eq3A_3311, %le3A_3464 : vector<16xi1>
      %or3A_3466 = arith.ori %gt3A_3450, %and3A_3465 : vector<16xi1>
      %sub3A_3467 = arith.constant 1.000000e+00 : f32
      %sub3A_3468 = vector.broadcast %sub3A_3467 : f32 to vector<16xf32>
      %sub3A_3469 = arith.subf %sub3A_3468, %get3A_3446 : vector<16xf32>
      %add3A_3470 = arith.constant 9.99999997E-7 : f32
      %add3A_3471 = vector.broadcast %add3A_3470 : f32 to vector<16xf32>
      %add3A_3472 = arith.addf %sub3A_3469, %add3A_3471 : vector<16xf32>
      %div3A_3473 = arith.constant 1.000000e+00 : f32
      %div3A_3474 = vector.broadcast %div3A_3473 : f32 to vector<16xf32>
      %div3A_3475 = arith.divf %div3A_3474, %add3A_3472 : vector<16xf32>
      %jit3A_3476 = arith.constant 0.000000e+00 : f32
      %broadcast_in_dim3A_3477 = vector.broadcast %jit3A_3476 : f32 to vector<16xf32>
      %select_n3A_3478 = arith.select %or3A_3466, %div3A_3475, %broadcast_in_dim3A_3477 : vector<16xi1>, vector<16xf32>
      %add3A_3479 = arith.addf %add3A_3439, %select_n3A_3478 : vector<16xf32>
      %mul3A_3480 = arith.mulf %div3A_3475, %get3A_3448 : vector<16xf32>
      %jit3A_3481 = arith.constant 0.000000e+00 : f32
      %broadcast_in_dim3A_3482 = vector.broadcast %jit3A_3481 : f32 to vector<16xf32>
      %select_n3A_3483 = arith.select %or3A_3466, %mul3A_3480, %broadcast_in_dim3A_3482 : vector<16xi1>, vector<16xf32>
      %add3A_3484 = arith.addf %add3A_3444, %select_n3A_3483 : vector<16xf32>
      %get3A_3485 = arith.constant 3840 : index
      %get3A_3486 = tpu.vector_load %arg18[%get3A_3485] {strides = array<i32>} : memref<4096xf32, #tpu.memory_space<vmem>>, vector<16xf32>,
      %eq3A_3487 = vector.broadcast %while3A_364#1 : f32 to vector<16xf32>
      %eq3A_3488 = arith.cmpf oeq, %get3A_3486, %eq3A_3487 : vector<16xf32>
      %convert_element_type3A_3489 = arith.extui %eq3A_3488 : vector<16xi1> to vector<16xi32>
      %reduce_sum3A_3490 = arith.constant true
      %reduce_sum3A_3491 = vector.broadcast %reduce_sum3A_3490 : i1 to vector<16xi1>
      %reduce_sum3A_3492 = tpu.scan <sum>, %convert_element_type3A_3489 masked %reduce_sum3A_3491 : vector<16xi32>, vector<16xi1> -> vector<16xi32>
      %reduce_sum3A_3493 = vector.extract %reduce_sum3A_3492[15] : i32 from vector<16xi32>
      %add3A_3494 = arith.constant 0 : i32
      %add3A_3495 = arith.addi %add3A_3494, %reduce_sum3A_3493 : i32
      %get3A_3496 = arith.constant 3856 : index
      %get3A_3497 = tpu.vector_load %arg18[%get3A_3496] {strides = array<i32>} : memref<4096xf32, #tpu.memory_space<vmem>>, vector<16xf32>,
      %eq3A_3498 = vector.broadcast %while3A_364#1 : f32 to vector<16xf32>
      %eq3A_3499 = arith.cmpf oeq, %get3A_3497, %eq3A_3498 : vector<16xf32>
      %convert_element_type3A_3500 = arith.extui %eq3A_3499 : vector<16xi1> to vector<16xi32>
      %reduce_sum3A_3501 = arith.constant true
      %reduce_sum3A_3502 = vector.broadcast %reduce_sum3A_3501 : i1 to vector<16xi1>
      %reduce_sum3A_3503 = tpu.scan <sum>, %convert_element_type3A_3500 masked %reduce_sum3A_3502 : vector<16xi32>, vector<16xi1> -> vector<16xi32>
      %reduce_sum3A_3504 = vector.extract %reduce_sum3A_3503[15] : i32 from vector<16xi32>
      %add3A_3505 = arith.addi %add3A_3495, %reduce_sum3A_3504 : i32
      %get3A_3506 = arith.constant 3872 : index
      %get3A_3507 = tpu.vector_load %arg18[%get3A_3506] {strides = array<i32>} : memref<4096xf32, #tpu.memory_space<vmem>>, vector<16xf32>,
      %eq3A_3508 = vector.broadcast %while3A_364#1 : f32 to vector<16xf32>
      %eq3A_3509 = arith.cmpf oeq, %get3A_3507, %eq3A_3508 : vector<16xf32>
      %convert_element_type3A_3510 = arith.extui %eq3A_3509 : vector<16xi1> to vector<16xi32>
      %reduce_sum3A_3511 = arith.constant true
      %reduce_sum3A_3512 = vector.broadcast %reduce_sum3A_3511 : i1 to vector<16xi1>
      %reduce_sum3A_3513 = tpu.scan <sum>, %convert_element_type3A_3510 masked %reduce_sum3A_3512 : vector<16xi32>, vector<16xi1> -> vector<16xi32>
      %reduce_sum3A_3514 = vector.extract %reduce_sum3A_3513[15] : i32 from vector<16xi32>
      %add3A_3515 = arith.addi %add3A_3505, %reduce_sum3A_3514 : i32
      %get3A_3516 = arith.constant 3888 : index
      %get3A_3517 = tpu.vector_load %arg18[%get3A_3516] {strides = array<i32>} : memref<4096xf32, #tpu.memory_space<vmem>>, vector<16xf32>,
      %eq3A_3518 = vector.broadcast %while3A_364#1 : f32 to vector<16xf32>
      %eq3A_3519 = arith.cmpf oeq, %get3A_3517, %eq3A_3518 : vector<16xf32>
      %convert_element_type3A_3520 = arith.extui %eq3A_3519 : vector<16xi1> to vector<16xi32>
      %reduce_sum3A_3521 = arith.constant true
      %reduce_sum3A_3522 = vector.broadcast %reduce_sum3A_3521 : i1 to vector<16xi1>
      %reduce_sum3A_3523 = tpu.scan <sum>, %convert_element_type3A_3520 masked %reduce_sum3A_3522 : vector<16xi32>, vector<16xi1> -> vector<16xi32>
      %reduce_sum3A_3524 = vector.extract %reduce_sum3A_3523[15] : i32 from vector<16xi32>
      %add3A_3525 = arith.addi %add3A_3515, %reduce_sum3A_3524 : i32
      %sub3A_3526 = arith.subi %sub3A_366, %add3A_3322 : i32
      %jit3A_3527 = arith.constant 0 : i32
      %max3A_3528 = arith.maxsi %jit3A_3527, %sub3A_3526 : i32
      %min3A_3529 = arith.minsi %add3A_3525, %max3A_3528 : i32
      %add3A_3530 = arith.addi %add3A_3322, %add3A_3525 : i32
      %get3A_3531 = arith.constant 3840 : index
      %get3A_3532 = tpu.vector_load %arg18[%get3A_3531] {strides = array<i32>} : memref<4096xf32, #tpu.memory_space<vmem>>, vector<16xf32>,
      %get3A_3533 = arith.constant 3904 : index
      %get3A_3534 = tpu.vector_load %arg18[%get3A_3533] {strides = array<i32>} : memref<4096xf32, #tpu.memory_space<vmem>>, vector<16xf32>,
      %gt3A_3535 = vector.broadcast %while3A_364#1 : f32 to vector<16xf32>
      %gt3A_3536 = arith.cmpf ogt, %get3A_3532, %gt3A_3535 : vector<16xf32>
      %convert_element_type3A_3537 = arith.extui %eq3A_3488 : vector<16xi1> to vector<16xi32>
      %broadcast_in_dim3A_3538 = arith.constant true
      %broadcast_in_dim3A_3539 = vector.broadcast %broadcast_in_dim3A_3538 : i1 to vector<16xi1>
      %masked_cumsum3A_3540 = tpu.scan <sum>, %convert_element_type3A_3537 masked %broadcast_in_dim3A_3539 : vector<16xi32>, vector<16xi1> -> vector<16xi32>
      %add3A_3541 = arith.constant 0 : i32
      %add3A_3542 = vector.broadcast %add3A_3541 : i32 to vector<16xi32>
      %add3A_3543 = arith.addi %masked_cumsum3A_3540, %add3A_3542 : vector<16xi32>
      %convert_element_type3A_3544 = arith.extui %eq3A_3488 : vector<16xi1> to vector<16xi32>
      %reduce_sum3A_3545 = arith.constant true
      %reduce_sum3A_3546 = vector.broadcast %reduce_sum3A_3545 : i1 to vector<16xi1>
      %reduce_sum3A_3547 = tpu.scan <sum>, %convert_element_type3A_3544 masked %reduce_sum3A_3546 : vector<16xi32>, vector<16xi1> -> vector<16xi32>
      %reduce_sum3A_3548 = vector.extract %reduce_sum3A_3547[15] : i32 from vector<16xi32>
      %add3A_3549 = arith.constant 0 : i32
      %add3A_3550 = arith.addi %add3A_3549, %reduce_sum3A_3548 : i32
      %le3A_3551 = vector.broadcast %min3A_3529 : i32 to vector<16xi32>
      %le3A_3552 = arith.cmpi sle, %add3A_3543, %le3A_3551 : vector<16xi32>
      %and3A_3553 = arith.andi %eq3A_3488, %le3A_3552 : vector<16xi1>
      %or3A_3554 = arith.ori %gt3A_3536, %and3A_3553 : vector<16xi1>
      %sub3A_3555 = arith.constant 1.000000e+00 : f32
      %sub3A_3556 = vector.broadcast %sub3A_3555 : f32 to vector<16xf32>
      %sub3A_3557 = arith.subf %sub3A_3556, %get3A_3532 : vector<16xf32>
      %add3A_3558 = arith.constant 9.99999997E-7 : f32
      %add3A_3559 = vector.broadcast %add3A_3558 : f32 to vector<16xf32>
      %add3A_3560 = arith.addf %sub3A_3557, %add3A_3559 : vector<16xf32>
      %div3A_3561 = arith.constant 1.000000e+00 : f32
      %div3A_3562 = vector.broadcast %div3A_3561 : f32 to vector<16xf32>
      %div3A_3563 = arith.divf %div3A_3562, %add3A_3560 : vector<16xf32>
      %jit3A_3564 = arith.constant 0.000000e+00 : f32
      %broadcast_in_dim3A_3565 = vector.broadcast %jit3A_3564 : f32 to vector<16xf32>
      %select_n3A_3566 = arith.select %or3A_3554, %div3A_3563, %broadcast_in_dim3A_3565 : vector<16xi1>, vector<16xf32>
      %add3A_3567 = arith.addf %add3A_3479, %select_n3A_3566 : vector<16xf32>
      %mul3A_3568 = arith.mulf %div3A_3563, %get3A_3534 : vector<16xf32>
      %jit3A_3569 = arith.constant 0.000000e+00 : f32
      %broadcast_in_dim3A_3570 = vector.broadcast %jit3A_3569 : f32 to vector<16xf32>
      %select_n3A_3571 = arith.select %or3A_3554, %mul3A_3568, %broadcast_in_dim3A_3570 : vector<16xi1>, vector<16xf32>
      %add3A_3572 = arith.addf %add3A_3484, %select_n3A_3571 : vector<16xf32>
      %get3A_3573 = arith.constant 3856 : index
      %get3A_3574 = tpu.vector_load %arg18[%get3A_3573] {strides = array<i32>} : memref<4096xf32, #tpu.memory_space<vmem>>, vector<16xf32>,
      %get3A_3575 = arith.constant 3920 : index
      %get3A_3576 = tpu.vector_load %arg18[%get3A_3575] {strides = array<i32>} : memref<4096xf32, #tpu.memory_space<vmem>>, vector<16xf32>,
      %gt3A_3577 = vector.broadcast %while3A_364#1 : f32 to vector<16xf32>
      %gt3A_3578 = arith.cmpf ogt, %get3A_3574, %gt3A_3577 : vector<16xf32>
      %convert_element_type3A_3579 = arith.extui %eq3A_3499 : vector<16xi1> to vector<16xi32>
      %broadcast_in_dim3A_3580 = arith.constant true
      %broadcast_in_dim3A_3581 = vector.broadcast %broadcast_in_dim3A_3580 : i1 to vector<16xi1>
      %masked_cumsum3A_3582 = tpu.scan <sum>, %convert_element_type3A_3579 masked %broadcast_in_dim3A_3581 : vector<16xi32>, vector<16xi1> -> vector<16xi32>
      %add3A_3583 = vector.broadcast %add3A_3550 : i32 to vector<16xi32>
      %add3A_3584 = arith.addi %masked_cumsum3A_3582, %add3A_3583 : vector<16xi32>
      %convert_element_type3A_3585 = arith.extui %eq3A_3499 : vector<16xi1> to vector<16xi32>
      %reduce_sum3A_3586 = arith.constant true
      %reduce_sum3A_3587 = vector.broadcast %reduce_sum3A_3586 : i1 to vector<16xi1>
      %reduce_sum3A_3588 = tpu.scan <sum>, %convert_element_type3A_3585 masked %reduce_sum3A_3587 : vector<16xi32>, vector<16xi1> -> vector<16xi32>
      %reduce_sum3A_3589 = vector.extract %reduce_sum3A_3588[15] : i32 from vector<16xi32>
      %add3A_3590 = arith.addi %add3A_3550, %reduce_sum3A_3589 : i32
      %le3A_3591 = vector.broadcast %min3A_3529 : i32 to vector<16xi32>
      %le3A_3592 = arith.cmpi sle, %add3A_3584, %le3A_3591 : vector<16xi32>
      %and3A_3593 = arith.andi %eq3A_3499, %le3A_3592 : vector<16xi1>
      %or3A_3594 = arith.ori %gt3A_3578, %and3A_3593 : vector<16xi1>
      %sub3A_3595 = arith.constant 1.000000e+00 : f32
      %sub3A_3596 = vector.broadcast %sub3A_3595 : f32 to vector<16xf32>
      %sub3A_3597 = arith.subf %sub3A_3596, %get3A_3574 : vector<16xf32>
      %add3A_3598 = arith.constant 9.99999997E-7 : f32
      %add3A_3599 = vector.broadcast %add3A_3598 : f32 to vector<16xf32>
      %add3A_3600 = arith.addf %sub3A_3597, %add3A_3599 : vector<16xf32>
      %div3A_3601 = arith.constant 1.000000e+00 : f32
      %div3A_3602 = vector.broadcast %div3A_3601 : f32 to vector<16xf32>
      %div3A_3603 = arith.divf %div3A_3602, %add3A_3600 : vector<16xf32>
      %jit3A_3604 = arith.constant 0.000000e+00 : f32
      %broadcast_in_dim3A_3605 = vector.broadcast %jit3A_3604 : f32 to vector<16xf32>
      %select_n3A_3606 = arith.select %or3A_3594, %div3A_3603, %broadcast_in_dim3A_3605 : vector<16xi1>, vector<16xf32>
      %add3A_3607 = arith.addf %add3A_3567, %select_n3A_3606 : vector<16xf32>
      %mul3A_3608 = arith.mulf %div3A_3603, %get3A_3576 : vector<16xf32>
      %jit3A_3609 = arith.constant 0.000000e+00 : f32
      %broadcast_in_dim3A_3610 = vector.broadcast %jit3A_3609 : f32 to vector<16xf32>
      %select_n3A_3611 = arith.select %or3A_3594, %mul3A_3608, %broadcast_in_dim3A_3610 : vector<16xi1>, vector<16xf32>
      %add3A_3612 = arith.addf %add3A_3572, %select_n3A_3611 : vector<16xf32>
      %get3A_3613 = arith.constant 3872 : index
      %get3A_3614 = tpu.vector_load %arg18[%get3A_3613] {strides = array<i32>} : memref<4096xf32, #tpu.memory_space<vmem>>, vector<16xf32>,
      %get3A_3615 = arith.constant 3936 : index
      %get3A_3616 = tpu.vector_load %arg18[%get3A_3615] {strides = array<i32>} : memref<4096xf32, #tpu.memory_space<vmem>>, vector<16xf32>,
      %gt3A_3617 = vector.broadcast %while3A_364#1 : f32 to vector<16xf32>
      %gt3A_3618 = arith.cmpf ogt, %get3A_3614, %gt3A_3617 : vector<16xf32>
      %convert_element_type3A_3619 = arith.extui %eq3A_3509 : vector<16xi1> to vector<16xi32>
      %broadcast_in_dim3A_3620 = arith.constant true
      %broadcast_in_dim3A_3621 = vector.broadcast %broadcast_in_dim3A_3620 : i1 to vector<16xi1>
      %masked_cumsum3A_3622 = tpu.scan <sum>, %convert_element_type3A_3619 masked %broadcast_in_dim3A_3621 : vector<16xi32>, vector<16xi1> -> vector<16xi32>
      %add3A_3623 = vector.broadcast %add3A_3590 : i32 to vector<16xi32>
      %add3A_3624 = arith.addi %masked_cumsum3A_3622, %add3A_3623 : vector<16xi32>
      %convert_element_type3A_3625 = arith.extui %eq3A_3509 : vector<16xi1> to vector<16xi32>
      %reduce_sum3A_3626 = arith.constant true
      %reduce_sum3A_3627 = vector.broadcast %reduce_sum3A_3626 : i1 to vector<16xi1>
      %reduce_sum3A_3628 = tpu.scan <sum>, %convert_element_type3A_3625 masked %reduce_sum3A_3627 : vector<16xi32>, vector<16xi1> -> vector<16xi32>
      %reduce_sum3A_3629 = vector.extract %reduce_sum3A_3628[15] : i32 from vector<16xi32>
      %add3A_3630 = arith.addi %add3A_3590, %reduce_sum3A_3629 : i32
      %le3A_3631 = vector.broadcast %min3A_3529 : i32 to vector<16xi32>
      %le3A_3632 = arith.cmpi sle, %add3A_3624, %le3A_3631 : vector<16xi32>
      %and3A_3633 = arith.andi %eq3A_3509, %le3A_3632 : vector<16xi1>
      %or3A_3634 = arith.ori %gt3A_3618, %and3A_3633 : vector<16xi1>
      %sub3A_3635 = arith.constant 1.000000e+00 : f32
      %sub3A_3636 = vector.broadcast %sub3A_3635 : f32 to vector<16xf32>
      %sub3A_3637 = arith.subf %sub3A_3636, %get3A_3614 : vector<16xf32>
      %add3A_3638 = arith.constant 9.99999997E-7 : f32
      %add3A_3639 = vector.broadcast %add3A_3638 : f32 to vector<16xf32>
      %add3A_3640 = arith.addf %sub3A_3637, %add3A_3639 : vector<16xf32>
      %div3A_3641 = arith.constant 1.000000e+00 : f32
      %div3A_3642 = vector.broadcast %div3A_3641 : f32 to vector<16xf32>
      %div3A_3643 = arith.divf %div3A_3642, %add3A_3640 : vector<16xf32>
      %jit3A_3644 = arith.constant 0.000000e+00 : f32
      %broadcast_in_dim3A_3645 = vector.broadcast %jit3A_3644 : f32 to vector<16xf32>
      %select_n3A_3646 = arith.select %or3A_3634, %div3A_3643, %broadcast_in_dim3A_3645 : vector<16xi1>, vector<16xf32>
      %add3A_3647 = arith.addf %add3A_3607, %select_n3A_3646 : vector<16xf32>
      %mul3A_3648 = arith.mulf %div3A_3643, %get3A_3616 : vector<16xf32>
      %jit3A_3649 = arith.constant 0.000000e+00 : f32
      %broadcast_in_dim3A_3650 = vector.broadcast %jit3A_3649 : f32 to vector<16xf32>
      %select_n3A_3651 = arith.select %or3A_3634, %mul3A_3648, %broadcast_in_dim3A_3650 : vector<16xi1>, vector<16xf32>
      %add3A_3652 = arith.addf %add3A_3612, %select_n3A_3651 : vector<16xf32>
      %get3A_3653 = arith.constant 3888 : index
      %get3A_3654 = tpu.vector_load %arg18[%get3A_3653] {strides = array<i32>} : memref<4096xf32, #tpu.memory_space<vmem>>, vector<16xf32>,
      %get3A_3655 = arith.constant 3952 : index
      %get3A_3656 = tpu.vector_load %arg18[%get3A_3655] {strides = array<i32>} : memref<4096xf32, #tpu.memory_space<vmem>>, vector<16xf32>,
      %gt3A_3657 = vector.broadcast %while3A_364#1 : f32 to vector<16xf32>
      %gt3A_3658 = arith.cmpf ogt, %get3A_3654, %gt3A_3657 : vector<16xf32>
      %convert_element_type3A_3659 = arith.extui %eq3A_3519 : vector<16xi1> to vector<16xi32>
      %broadcast_in_dim3A_3660 = arith.constant true
      %broadcast_in_dim3A_3661 = vector.broadcast %broadcast_in_dim3A_3660 : i1 to vector<16xi1>
      %masked_cumsum3A_3662 = tpu.scan <sum>, %convert_element_type3A_3659 masked %broadcast_in_dim3A_3661 : vector<16xi32>, vector<16xi1> -> vector<16xi32>
      %add3A_3663 = vector.broadcast %add3A_3630 : i32 to vector<16xi32>
      %add3A_3664 = arith.addi %masked_cumsum3A_3662, %add3A_3663 : vector<16xi32>
      %convert_element_type3A_3665 = arith.extui %eq3A_3519 : vector<16xi1> to vector<16xi32>
      %reduce_sum3A_3666 = arith.constant true
      %reduce_sum3A_3667 = vector.broadcast %reduce_sum3A_3666 : i1 to vector<16xi1>
      %reduce_sum3A_3668 = tpu.scan <sum>, %convert_element_type3A_3665 masked %reduce_sum3A_3667 : vector<16xi32>, vector<16xi1> -> vector<16xi32>
      %reduce_sum3A_3669 = vector.extract %reduce_sum3A_3668[15] : i32 from vector<16xi32>
      %add3A_3670 = arith.addi %add3A_3630, %reduce_sum3A_3669 : i32
      %le3A_3671 = vector.broadcast %min3A_3529 : i32 to vector<16xi32>
      %le3A_3672 = arith.cmpi sle, %add3A_3664, %le3A_3671 : vector<16xi32>
      %and3A_3673 = arith.andi %eq3A_3519, %le3A_3672 : vector<16xi1>
      %or3A_3674 = arith.ori %gt3A_3658, %and3A_3673 : vector<16xi1>
      %sub3A_3675 = arith.constant 1.000000e+00 : f32
      %sub3A_3676 = vector.broadcast %sub3A_3675 : f32 to vector<16xf32>
      %sub3A_3677 = arith.subf %sub3A_3676, %get3A_3654 : vector<16xf32>
      %add3A_3678 = arith.constant 9.99999997E-7 : f32
      %add3A_3679 = vector.broadcast %add3A_3678 : f32 to vector<16xf32>
      %add3A_3680 = arith.addf %sub3A_3677, %add3A_3679 : vector<16xf32>
      %div3A_3681 = arith.constant 1.000000e+00 : f32
      %div3A_3682 = vector.broadcast %div3A_3681 : f32 to vector<16xf32>
      %div3A_3683 = arith.divf %div3A_3682, %add3A_3680 : vector<16xf32>
      %jit3A_3684 = arith.constant 0.000000e+00 : f32
      %broadcast_in_dim3A_3685 = vector.broadcast %jit3A_3684 : f32 to vector<16xf32>
      %select_n3A_3686 = arith.select %or3A_3674, %div3A_3683, %broadcast_in_dim3A_3685 : vector<16xi1>, vector<16xf32>
      %add3A_3687 = arith.addf %add3A_3647, %select_n3A_3686 : vector<16xf32>
      %mul3A_3688 = arith.mulf %div3A_3683, %get3A_3656 : vector<16xf32>
      %jit3A_3689 = arith.constant 0.000000e+00 : f32
      %broadcast_in_dim3A_3690 = vector.broadcast %jit3A_3689 : f32 to vector<16xf32>
      %select_n3A_3691 = arith.select %or3A_3674, %mul3A_3688, %broadcast_in_dim3A_3690 : vector<16xi1>, vector<16xf32>
      %add3A_3692 = arith.addf %add3A_3652, %select_n3A_3691 : vector<16xf32>
      %reduce_sum3A_3693 = arith.constant true
      %reduce_sum3A_3694 = vector.broadcast %reduce_sum3A_3693 : i1 to vector<16xi1>
      %reduce_sum3A_3695 = tpu.scan <sum>, %add3A_3692 masked %reduce_sum3A_3694 : vector<16xf32>, vector<16xi1> -> vector<16xf32>
      %reduce_sum3A_3696 = vector.extract %reduce_sum3A_3695[15] : f32 from vector<16xf32>
      %broadcast_in_dim3A_3697 = vector.broadcast %reduce_sum3A_3696 : f32 to vector<16xf32>
      %reduce_sum3A_3698 = arith.constant true
      %reduce_sum3A_3699 = vector.broadcast %reduce_sum3A_3698 : i1 to vector<16xi1>
      %reduce_sum3A_3700 = tpu.scan <sum>, %add3A_3687 masked %reduce_sum3A_3699 : vector<16xf32>, vector<16xi1> -> vector<16xf32>
      %reduce_sum3A_3701 = vector.extract %reduce_sum3A_3700[15] : f32 from vector<16xf32>
      %broadcast_in_dim3A_3702 = vector.broadcast %reduce_sum3A_3701 : f32 to vector<16xf32>
      %div3A_3703 = arith.divf %broadcast_in_dim3A_3697, %broadcast_in_dim3A_3702 : vector<16xf32>
      %swap3A_3704 = arith.constant 0 : index
      %swap3A_3705 = tpu.vector_load %arg19[%swap3A_3704] {strides = array<i32>} : memref<16xf32, #tpu.memory_space<vmem>>, vector<16xf32>,
      tpu.vector_store %arg19[%swap3A_3704], %div3A_3703 {strides = array<i32>} : memref<16xf32, #tpu.memory_space<vmem>>, vector<16xf32>,
      "tpu.region"() ({
        %run_scoped3A = tpu.sem_alloc : memref<!tpu.dma_semaphore, #tpu.memory_space<semaphore_mem>>
        tpu.enqueue_dma source(%arg19 : memref<16xf32, #tpu.memory_space<vmem>>) target(%arg7 : memref<16xf32, #tpu.memory_space<hbm>>) target_semaphore(%run_scoped3A : memref<!tpu.dma_semaphore, #tpu.memory_space<semaphore_mem>>)
        tpu.wait_dma2 semaphore(%run_scoped3A : memref<!tpu.dma_semaphore, #tpu.memory_space<semaphore_mem>>) src(%arg19 : memref<16xf32, #tpu.memory_space<vmem>>) dst(%arg7 : memref<16xf32, #tpu.memory_space<hbm>>)
        tpu.yield
      }) : () -> ()
    } else {
    }
    return
  }
}

</mosaic_0001>

<sc_bundles>
// kernel: kernel.3.cloned.1.call-start
scs
__scs_entry_jumppad:
0x0: {  	(pc) =	sbr.rel $0x88, $3  }
0x1: {  	(tag) =	ssettag $0x0;
	lr =	simm.s32 $0x1  }
0x2: {  	[smem:$0x3F99] =	sst lr;
	_ =	strace $0xD0000000  }
0x3: {  	_ = 	snop  }
0x4: {  	_ = 	snop  }
0x5: {  	_ = 	snop  }
0x6: {  	_ = 	snop  }
0x7: {  	_ = 	snop  }
__scs_overlays_trampoline_lowered:
0x8: {  	[smem:$0x3FA8] =	sst s0  }
0x9: {  	[smem:$0x3FA9] =	sst s1  }
0xa: {  	[smem:$0x3FAA] =	sst s2  }
0xb: {  	[smem:$0x3FAB] =	sst s3  }
0xc: {  	[smem:$0x3FAC] =	sst s4  }
0xd: {  	[smem:$0x3FAD] =	sst s5  }
0xe: {  	[smem:$0x3FAE] =	sst s6  }
0xf: {  	[smem:$0x3FAF] =	sst s7  }
0x10: {  	[smem:$0x3FB0] =	sst s8  }
0x11: {  	[smem:$0x3FB1] =	sst s9;
	s0 =	simm.s32 @!p0 $0x0  }
0x12: {  	s1 =	sld [smem:$0x3F97];
	s0 =	simm.s32 @p0 $0x1  }
0x13: {  	[smem:$0x3FB2] =	sst s0;
	s0 =	simm.s32 @!p1 $0x0  }
0x14: {  	s2 =	sld [smem:$0x3F96];
	s0 =	simm.s32 @p1 $0x1  }
0x15: {  	[smem:$0x3FB3] =	sst s0;
	s0 =	simm.s32 @!p2 $0x0  }
0x16: {  	s3 =	sld [smem:$0x3FDB];
	s0 =	simm.s32 @p2 $0x1  }
0x17: {  	s4 =	simm.s32 $0x1BF5;
	[smem:$0x3FB5] =	sst s0  }
0x18: {  	s0 =	sld [smem:$0x3F98];
	_ =	swait.ge [sflag:s4], $0x0  }
0x19: {  	s7 =	sld [smem:$0x3F99]  }
0x1a: {  	s8 =	sadd.s32 $0xFFFFE003, lr  }
0x1b: {  	s9 =	sadd.s32 $0xFFFFFEF7, lr;
	s5 =	simm.s32 $0xFFFFFFFF;
	p2 =	slt.u32 s8, $0xFFFFF086  }
0x1c: {  	p1 =	slt.u32 s9, $0xF7A;
	s5 =	simm.s32 @!p2 $0x0  }
0x1d: {  	s5 =	simm.s32 @p1 $0x1;
	p0 =	seq.s32 s7, s2  }
0x1e: {  	s7 =	smul.u32 @!p0 $0xF7A, s2;
	p2 =	seq.s32 @!p0 s5, $0x0  }
0x1f: {  	s9 =	smul.u32 $0xF7A, s1;
	s8 =	simm.s32 @!p0 $0x1BF5;
	p2 =	por !p2, p0  }
0x20: {  	[sflag:s8] =	ssyncset.s32 @!p0 $0xFFFFF086;
	s6 =	sadd.s32 @!p0 s3, s7;
	s7 =	simm.s32 @!p0 $0x108  }
0x21: {  	s3 =	sadd.s32 s3, s9;
	s6 =	sadd.s32 @!p0 $0x88, s6;
	s7 =	simm.s32 @p2 $0x1082  }
0x22: {  	[simem:s7], [sflag:s8] =	dma.local @!p0 [hbm:s6], $0xF7A  }
0x23: {  	s9 =	sor.u32 $0xD0000000, s2;
	s6 =	simm.s32 $0x108;
	_ =	swait.ge @!p0 [sflag:s8], $0x0  }
0x24: {  	s3 =	sadd.s32 $0x88, s3;
	s6 =	simm.s32 @!p1 $0x1082;
	[sflag:s4] =	ssyncset.s32 $0xFFFFF086  }
0x25: {  	[simem:s6], [sflag:s4] =	dma.local [hbm:s3], $0xF7A  }
0x26: {  	[smem:$0x3F99] =	sst s1;
	(tag) =	ssettag s2;
	_ =	strace s9  }
0x27: {  	s1 =	sld [smem:$0x3FA9]  }
0x28: {  	s2 =	sld [smem:$0x3FAA]  }
0x29: {  	s4 =	sld [smem:$0x3FAC]  }
0x2a: {  	p0 =	seq.s32 s5, $0x0;
	s5 =	sld [smem:$0x3FAD]  }
0x2b: {  	s6 =	sld [smem:$0x3FAE]  }
0x2c: {  	s7 =	sld [smem:$0x3FAF]  }
0x2d: {  	s3 =	simm.s32 $0x108;
	s8 =	sld [smem:$0x3FB0]  }
0x2e: {  	s3 =	simm.s32 @!p0 $0x1082;
	s9 =	sld [smem:$0x3FB1]  }
0x2f: {  	lr =	sadd.s32 s0, s3;
	s0 =	sld [smem:$0x3FA8]  }
0x30: {  	s3 =	sld [smem:$0x3FAB]  }
0x31: {  	[smem:$0x3FB4] =	sst s10  }
0x32: {  	s10 =	sld [smem:$0x3FB2];
	_ =	sdelay $0x3  }
0x33: {  	p0 =	seq.s32 s10, $0x1;
	s10 =	sld [smem:$0x3FB4];
	_ =	sdelay $0x3  }
0x34: {  	[smem:$0x3FB4] =	sst s10  }
0x35: {  	s10 =	sld [smem:$0x3FB3];
	_ =	sdelay $0x3  }
0x36: {  	p1 =	seq.s32 s10, $0x1;
	s10 =	sld [smem:$0x3FB4];
	_ =	sdelay $0x3  }
0x37: {  	[smem:$0x3FB4] =	sst s10  }
0x38: {  	s10 =	sld [smem:$0x3FB5]  }
0x39: {  	_ = 	snop;
	(pc) =	sbr.ind lr, $3  }
0x3a: {  	_ = 	snop  }
0x3b: {  	_ = 	snop  }
0x3c: {  	p2 =	seq.s32 s10, $0x1;
	s10 =	sld [smem:$0x3FB4]  }
0x3d: {  	_ =	shalt  }
0x3e: {  	_ =	shalt  }
0x3f: {  	_ =	shalt  }
0x40: {  	_ =	shalt  }
0x41: {  	_ =	shalt  }
0x42: {  	_ =	shalt  }
0x43: {  	_ =	shalt  }
0x44: {  	_ =	shalt  }
0x45: {  	_ =	shalt  }
0x46: {  	_ =	shalt  }
0x47: {  	_ =	shalt  }
0x48: {  	_ =	shalt  }
0x49: {  	_ =	shalt  }
0x4a: {  	_ =	shalt  }
0x4b: {  	_ =	shalt  }
0x4c: {  	_ =	shalt  }
0x4d: {  	_ =	shalt  }
0x4e: {  	_ =	shalt  }
0x4f: {  	_ =	shalt  }
0x50: {  	_ =	shalt  }
0x51: {  	_ =	shalt  }
0x52: {  	_ =	shalt  }
0x53: {  	_ =	shalt  }
0x54: {  	_ =	shalt  }
0x55: {  	_ =	shalt  }
0x56: {  	_ =	shalt  }
0x57: {  	_ =	shalt  }
0x58: {  	_ =	shalt  }
0x59: {  	_ =	shalt  }
0x5a: {  	_ =	shalt  }
0x5b: {  	_ =	shalt  }
0x5c: {  	_ =	shalt  }
0x5d: {  	_ =	shalt  }
0x5e: {  	_ =	shalt  }
0x5f: {  	_ =	shalt  }
0x60: {  	_ =	shalt  }
0x61: {  	_ =	shalt  }
0x62: {  	_ =	shalt  }
0x63: {  	_ =	shalt  }
0x64: {  	_ =	shalt  }
0x65: {  	_ =	shalt  }
0x66: {  	_ =	shalt  }
0x67: {  	_ =	shalt  }
0x68: {  	_ =	shalt  }
0x69: {  	_ =	shalt  }
0x6a: {  	_ =	shalt  }
0x6b: {  	_ =	shalt  }
0x6c: {  	_ =	shalt  }
0x6d: {  	_ =	shalt  }
0x6e: {  	_ =	shalt  }
0x6f: {  	_ =	shalt  }
0x70: {  	_ =	shalt  }
0x71: {  	_ =	shalt  }
0x72: {  	_ =	shalt  }
0x73: {  	_ =	shalt  }
0x74: {  	_ =	shalt  }
0x75: {  	_ =	shalt  }
0x76: {  	_ =	shalt  }
0x77: {  	_ =	shalt  }
0x78: {  	_ =	shalt  }
0x79: {  	_ =	shalt  }
0x7a: {  	_ =	shalt  }
0x7b: {  	_ =	shalt  }
0x7c: {  	_ =	shalt  }
0x7d: {  	_ =	shalt  }
0x7e: {  	_ =	shalt  }
0x7f: {  	_ =	shalt  }
0x80: {  	_ =	shalt  }
0x81: {  	_ =	shalt  }
0x82: {  	_ =	shalt  }
0x83: {  	_ =	shalt  }
0x84: {  	_ =	shalt  }
0x85: {  	_ =	shalt  }
0x86: {  	_ =	shalt  }
0x87: {  	_ =	shalt  }
.Lfunc_end0:
.L_simem_size_0:
called_computation_lowered:
.L_overlay_start_0:
0x88: {  	s0 =	sld [smem:$0x3FD9]  }
0x89: {  	s1 =	sld [smem:$0x3FFE];
	_ =	sdelay $0x3  }
0x8a: {  	s0 =	sadd.s32 s1, s0  }
0x8b: {  	[smem:$0x3FC0] =	sst s0  }
0x8c: {  	_ = 	snop  }
0x8d: {  	s0 =	sld [smem:$0x3FC2]  }
0x8e: {  	s16 =	sld [smem:$0x3FD0];
	(tm) =	ssettm $0x1  }
0x8f: {  	s2 =	sld [smem:$0x3FFB];
	_ =	sdelay $0x3  }
0x90: {  	_ =	strace s2  }
0x91: {  	s2 =	sld [smem:$0x3FFC];
	_ =	sdelay $0x3  }
0x92: {  	_ =	strace s2  }
0x93: {  	s2 =	sld [smem:$0x3FFD];
	_ =	sdelay $0x3  }
0x94: {  	_ =	strace s2  }
0x95: {  	_ =	strace $0x8FFFFFFF  }
0x96: {  	s17 =	sld [smem:$0x3FDB];
	_ =	sdelay $0x1  }
0x97: {  	s3 =	simm.s32 $_scs_section_size  }
0x98: {  	s4 =	simm.s32 $_size__tile_overlayer_lowered;
	s5 =	simm.s32 $_tile_overlayer_lowered  }
0x99: {  	s20 =	simm.s32 $0x1BFF;
	s19 =	sshll.u32 s5, $0x1;
	s2 =	sadd.s32 s3, s17  }
0x9a: {  	s6 =	simm.s32 $0x0;
	s18 =	sshll.u32 s4, $0x1;
	s4 =	sadd.s32 s19, s2  }
0x9b: {  	[timem:s6], [sflag:s20] =	dma.local [hbm:s4], s18  }
0x9c: {  	_ =	swait.ge [sflag:s20], s18  }
0x9d: {  	s3 =	ssub.s32 $0x0, s18;
	[sflag:s20] =	ssyncset.done $0x0  }
0x9e: {  	[sflag:s20] =	ssyncadd.s32 s3;
	_ =	sdelay $0x1  }
0x9f: {  	s21 =	simm.s32 $0x1B8B  }
0xa0: {  	_ =	swait.ge [sflag:s21], $0x1  }
0xa1: {  	[sflag:s21] =	ssyncset.done $0x0  }
0xa2: {  	s23 =	simm.s32 $0x1B8E;
	s22 =	sld [smem:$0x3FFE];
	[sflag:s21] =	ssyncadd.s32 $0xFFFFFFFF  }
0xa3: {  	s24 =	simm.s32 $execute0_lowered;
	[smem:$0x3FD2] =	sst s23  }
0xa4: {  	s4 =	sshll.u32 s24, $0x1;
	_ =	strace $0x80000046;
	[dreg:$0x1] =	wrdreg $0xFFFFFFFF  }
0xa5: {  	s25 =	simm.s32 $_size_execute0_lowered;
	s2 =	sadd.s32 s2, s4;
	[dreg:$0x0] =	wrdreg $0x0  }
0xa6: {  	s4 =	sshll.u32 s25, $0x1;
	[dreg:$0x2] =	wrdreg s2  }
0xa7: {  	[dreg:$0x3] =	wrdreg s4  }
0xa8: {  	[dreg:$0x4] =	wrdreg $0xC0  }
0xa9: {  	_ =	task [dreg:s6], $0x5FFFF  }
0xaa: {  	[dreg:$0x1] =	wrdreg $0xFFFFFFFF  }
0xab: {  	[dreg:$0x0] =	wrdreg $0x60  }
0xac: {  	[dreg:$0x2] =	wrdreg s22  }
0xad: {  	[dreg:$0x3] =	wrdreg s0  }
0xae: {  	[dreg:$0x4] =	wrdreg s16  }
0xaf: {  	[dreg:$0x5] =	wrdreg $0x9  }
0xb0: {  	_ =	task.clear_ibuf [dreg:s6], $0x6FFFF;
	_ =	strace $0x90000046  }
0xb1: {  	s26 =	simm.s32 $0x9;
	_ =	strace $0x80000048  }
0xb2: {  	_ =	swait.ge [sflag:s26], $0x1  }
0xb3: {  	[sflag:s26] =	ssyncadd.s32 $0xFFFFFFFF  }
0xb4: {  	_ =	strace $0x90000048  }
0xb5: {  	_ =	sfence  }
0xb6: {  	s28 =	sld [smem:$0x0];
	_ =	sdelay $0x1  }
0xb7: {  	s29 =	srdreg.scid  }
0xb8: {  	s30 =	sshll.u32 s29, $0xD;
	s31 =	sshrl.u32 s29, $0x2  }
0xb9: {  	s1 =	sand.u32 $0x1, s29;
	s2 =	sand.u32 $0x4000, s30;
	s0 =	sadd.s32 s31, s28  }
0xba: {  	s1 =	sor.u32 s2, s1;
	s0 =	sshll.u32 s0, $0x11  }
0xbb: {  	s0 =	sor.u32 s0, s1  }
0xbc: {  	s0 =	sadd.s32 $0x8F2B, s0  }
0xbd: {  	[sflag:s0] =	ssyncadd.remote.s32 $0x1  }
0xbe: {  	_ =	sfence.sel $0xFFFF  }
0xbf: {  	[dreg:$0x0] =	wrdreg $0xFFFFFFFF;
	(pc) =	sbr.abs _section_cstart, $3  }
0xc0: {  	[dreg:$0x1] =	wrdreg $0xFFFFFFFF  }
0xc1: {  	_ =	task.clear_ibuf [dreg:s6], $0x2FFFF;
	_ =	strace $0x9FFFFFFF  }
0xc2: {  	(tm) =	ssettm $0x7FFFFFFF  }
0xc3: {  	_ =	shalt  }
tec
execute0_lowered:
.L_overlay_start_1:
0x0: {  	(tag) =	ssettag $0x1  }
0x1: {  	s4 =	rddreg [dreg:$0x0]  }
0x2: {  	s3 =	rddreg [dreg:$0x1]  }
0x3: {  	s1 =	rddreg [dreg:$0x2];
	s2 =	simm.s32 $0x0  }
0x4: {  	[smem:$0x7FF] =	sst s2  }
0x5: {  	s0 =	rddreg [dreg:$0x3];
	v0 =	vimm.f32 $3.000000000e+00;
	_ =	strace $0x80000047  }
0x6: {  	(erf) = vrcp.f32 v0;
	_ =	sdelay $0x7  }
0x7: {  	s6 =	simm.s32 $0x7A80;
	s30 =	simm.s32 $0x1;
	s5 =	sadd.s32 $0x9600, s4  }
0x8: {  	[tilespmem:s6], [sflag:$0x1] =	stream.linear.gather [hbm4b:s5+s2], $0x80, $0x38;
	v0 =	vpop (erf);
	[tilespmem:$0x8D80] =	vst v63  }
0x9: {  	s2 =	stileid.u32;
	_ =	swait.ge [sflag:s30], $0x80  }
0xa: {  	p0 =	seq.s32 s2, $0xF;
	[sflag:s30] =	ssyncset.done $0x0  }
0xb: {  	s5 =	sadd.s32 @p0 $0x2DF0, s4;
	s6 =	simm.s32 @p0 $0x0;
	[sflag:s30] =	ssyncadd.s32 $0xFFFFFF80  }
0xc: {  	[tilespmem:s6], [sflag:$0x1] =	stream.linear.gather @p0 [hbm4b:s5+s6], $0x1720, $0x38;
	[tilespmem:$0x8D80] =	vst v63  }
0xd: {  	s5 =	simm.s32 @p0 $0x1  }
0xe: {  	_ =	swait.ge @p0 [sflag:s5], $0x1720  }
0xf: {  	s7 =	sadd.s32 $0x3200, s4;
	[sflag:s5] =	ssyncset.done @p0 $0x0  }
0x10: {  	s8 =	sadd.s32 @p0 $0x2DF0, s7;
	s9 =	simm.s32 @p0 $0x1880;
	[sflag:s5] =	ssyncadd.s32 @p0 $0xFFFFE8E0  }
0x11: {  	[tilespmem:s9], [sflag:$0x1] =	stream.linear.gather @p0 [hbm4b:s8+s6], $0x1720, $0x38;
	[tilespmem:$0x8D80] =	vst v63  }
0x12: {  	_ =	swait.ge @p0 [sflag:s5], $0x1720  }
0x13: {  	s8 =	sadd.s32 $0x6400, s4;
	[sflag:s5] =	ssyncset.done @p0 $0x0  }
0x14: {  	s10 =	simm.s32 @p0 $0x3100;
	s9 =	sadd.s32 @p0 $0x2DF0, s8;
	[sflag:s5] =	ssyncadd.s32 @p0 $0xFFFFE8E0  }
0x15: {  	[tilespmem:s10], [sflag:$0x1] =	stream.linear.gather @p0 [hbm4b:s9+s6], $0x1720, $0x38;
	[tilespmem:$0x8D80] =	vst v63  }
0x16: {  	_ =	swait.ge @p0 [sflag:s5], $0x1720  }
0x17: {  	[sflag:s5] =	ssyncset.done @p0 $0x0  }
0x18: {  	s9 =	sadd.s32 @p0 $0x2DF0, s3;
	s10 =	simm.s32 @p0 $0x4980;
	[sflag:s5] =	ssyncadd.s32 @p0 $0xFFFFE8E0  }
0x19: {  	[tilespmem:s10], [sflag:$0x1] =	stream.linear.gather @p0 [hbm4b:s9+s6], $0x1720, $0x38;
	[tilespmem:$0x8D80] =	vst v63  }
0x1a: {  	s6 =	smul.u32 @!p0 $0x310, s2;
	_ =	swait.ge @p0 [sflag:s5], $0x1720  }
0x1b: {  	[sflag:s5] =	ssyncset.done @p0 $0x0  }
0x1c: {  	s9 =	simm.s32 @!p0 $0x0;
	[sflag:s5] =	ssyncadd.s32 @p0 $0xFFFFE8E0;
	s5 =	sadd.s32 @!p0 s4, s6  }
0x1d: {  	[tilespmem:s9], [sflag:$0x1] =	stream.linear.gather @!p0 [hbm4b:s5+s9], $0x1880, $0x38;
	[tilespmem:$0x8D80] =	vst v63  }
0x1e: {  	s5 =	simm.s32 @!p0 $0x1  }
0x1f: {  	_ =	swait.ge @!p0 [sflag:s5], $0x1880  }
0x20: {  	[sflag:s5] =	ssyncset.done @!p0 $0x0  }
0x21: {  	s10 =	simm.s32 @!p0 $0x1880;
	s7 =	sadd.s32 @!p0 s7, s6;
	[sflag:s5] =	ssyncadd.s32 @!p0 $0xFFFFE780  }
0x22: {  	[tilespmem:s10], [sflag:$0x1] =	stream.linear.gather @!p0 [hbm4b:s7+s9], $0x1880, $0x38;
	[tilespmem:$0x8D80] =	vst v63  }
0x23: {  	_ =	swait.ge @!p0 [sflag:s5], $0x1880  }
0x24: {  	[sflag:s5] =	ssyncset.done @!p0 $0x0  }
0x25: {  	s7 =	sadd.s32 @!p0 s8, s6;
	s8 =	simm.s32 @!p0 $0x3100;
	[sflag:s5] =	ssyncadd.s32 @!p0 $0xFFFFE780  }
0x26: {  	[tilespmem:s8], [sflag:$0x1] =	stream.linear.gather @!p0 [hbm4b:s7+s9], $0x1880, $0x38;
	[tilespmem:$0x8D80] =	vst v63  }
0x27: {  	_ =	swait.ge @!p0 [sflag:s5], $0x1880  }
0x28: {  	[sflag:s5] =	ssyncset.done @!p0 $0x0  }
0x29: {  	s3 =	sadd.s32 @!p0 s3, s6;
	s6 =	simm.s32 @!p0 $0x4980;
	[sflag:s5] =	ssyncadd.s32 @!p0 $0xFFFFE780  }
0x2a: {  	[tilespmem:s6], [sflag:$0x1] =	stream.linear.gather @!p0 [hbm4b:s3+s9], $0x1880, $0x38;
	[tilespmem:$0x8D80] =	vst v63  }
0x2b: {  	_ =	swait.ge @!p0 [sflag:s5], $0x1880  }
0x2c: {  	[sflag:s5] =	ssyncset.done @!p0 $0x0  }
0x2d: {  	[sflag:s5] =	ssyncadd.s32 @!p0 $0xFFFFE780  }
0x2e: {  	v1 =	vld [tilespmem:$0x7A80];
	_ =	sdelay $0x3  }
0x2f: {  	vm0 =	vmmov $0x1  }
0x30: {  	vm11 =	vcmask $0x308;
	v2 =	vnsel vm0, $0x0, v1  }
0x31: {  	vm12 =	vcmask $0x70C;
	(xrf2) =	vadd.scan.msk.f32 $0xffff, v2;
	v2 =	vsel vm11, $0x0, v1  }
0x32: {  	vm13 =	vcmask $0xB10;
	(xrf2) =	vadd.scan.msk.f32 $0xffff, v2;
	v2 =	vsel vm12, $0x0, v1  }
0x33: {  	vm14 =	vcmask $0xF14;
	(xrf2) =	vadd.scan.msk.f32 $0xffff, v2;
	v2 =	vsel vm13, $0x0, v1  }
0x34: {  	vm15 =	vcmask $0x1318;
	(xrf2) =	vadd.scan.msk.f32 $0xffff, v2;
	v2 =	vsel vm14, $0x0, v1  }
0x35: {  	v1 =	vsel vm15, $0x0, v1;
	(xrf2) =	vadd.scan.msk.f32 $0xffff, v2  }
0x36: {  	(xrf2) =	vadd.scan.msk.f32 $0xffff, v1;
	_ =	sdelay $0x4  }
0x37: {  	s3 =	simm.s32 $0x0;
	v1, _, _ =	vpop (xrf2)  }
0x38: {  	v3 =	vld [tilespmem:s3+$0x0];
	v2, _, _ =	vpop (xrf2)  }
0x39: {  	v8 =	vld [tilespmem:s3+$0x1880];
	v7, _, _ =	vpop (xrf2)  }
0x3a: {  	v9 =	vld [tilespmem:s3+$0x3100];
	v4, _, _ =	vpop (xrf2)  }
0x3b: {  	v5, _, _ =	vpop (xrf2)  }
0x3c: {  	v4 =	vbroadcast v4, $0xF;
	v6, _, _ =	vpop (xrf2);
	v5 =	vbroadcast v5, $0xF  }
0x3d: {  	v6 =	vbroadcast v6, $0xF  }
0x3e: {  	v3 =	vsub.f32 v4, v3;
	v8 =	vsub.f32 v5, v8  }
0x3f: {  	v1 =	vbroadcast v1, $0xF;
	v9 =	vsub.f32 v6, v9  }
0x40: {  	s6 =	simm.s32 $0x10;
	v2 =	vbroadcast v2, $0xF;
	v3 =	vand.u32 $0x7FFFFFFF, v3;
	v8 =	vand.u32 $0x7FFFFFFF, v8  }
0x41: {  	v11 =	vld [tilespmem:s6+$0x0];
	v10 =	vsub.f32 $0.0e+00, v3;
	v9 =	vand.u32 $0x7FFFFFFF, v9;
	v8 =	vsub.f32 $0.0e+00, v8  }
0x42: {  	v12 =	vld [tilespmem:s6+$0x1880];
	v3 =	vbroadcast v7, $0xF;
	v9 =	vsub.f32 $0.0e+00, v9  }
0x43: {  	v10 =	vmul.f32 v10, v1;
	v8 =	vmul.f32 v8, v2  }
0x44: {  	v9 =	vmul.f32 v9, v3  }
0x45: {  	v7 =	vld [tilespmem:s6+$0x3100];
	v13 =	vmax.f32 v10, v8  }
0x46: {  	v11 =	vsub.f32 v4, v11;
	v13 =	vmax.f32 v13, v9  }
0x47: {  	v12 =	vsub.f32 v5, v12;
	v10 =	vsub.f32 v10, v13  }
0x48: {  	v9 =	vsub.f32 v9, v13  }
0x49: {  	v11 =	vand.u32 $0x7FFFFFFF, v11;
	v12 =	vand.u32 $0x7FFFFFFF, v12;
	v10 =	vmul.f32 $1.442695020e+00, v10  }
0x4a: {  	v7 =	vsub.f32 v6, v7;
	v8 =	vsub.f32 v8, v13;
	v9 =	vmul.f32 $1.442695020e+00, v9  }
0x4b: {  	s7 =	simm.s32 $0x20;
	v11 =	vsub.f32 $0.0e+00, v11;
	v12 =	vsub.f32 $0.0e+00, v12;
	(erf) = vpow2.f32 v10  }
0x4c: {  	v7 =	vand.u32 $0x7FFFFFFF, v7;
	v13 =	vld [tilespmem:s7+$0x1880];
	v8 =	vmul.f32 $1.442695020e+00, v8;
	(erf) = vpow2.f32 v9  }
0x4d: {  	v11 =	vmul.f32 v11, v1;
	v7 =	vsub.f32 $0.0e+00, v7;
	v10 =	vld [tilespmem:s7+$0x3100]  }
0x4e: {  	v12 =	vmul.f32 v12, v2;
	v9 =	vld [tilespmem:s7+$0x0];
	(erf) = vpow2.f32 v8  }
0x4f: {  	v7 =	vmul.f32 v7, v3  }
0x50: {  	v8 =	vmax.f32 v11, v12  }
0x51: {  	v13 =	vsub.f32 v5, v13;
	v8 =	vmax.f32 v8, v7  }
0x52: {  	v11 =	vsub.f32 v11, v8;
	v7 =	vsub.f32 v7, v8  }
0x53: {  	v13 =	vand.u32 $0x7FFFFFFF, v13;
	v10 =	vsub.f32 v6, v10;
	v9 =	vsub.f32 v4, v9  }
0x54: {  	v8 =	vsub.f32 v12, v8;
	v13 =	vsub.f32 $0.0e+00, v13;
	v11 =	vmul.f32 $1.442695020e+00, v11;
	v17 =	vpop (erf)  }
0x55: {  	v12 =	vmul.f32 $1.442695020e+00, v7;
	v10 =	vand.u32 $0x7FFFFFFF, v10;
	v9 =	vand.u32 $0x7FFFFFFF, v9;
	v18 =	vpop (erf)  }
0x56: {  	s8 =	simm.s32 $0x30;
	v9 =	vsub.f32 $0.0e+00, v9;
	(erf) = vpow2.f32 v11;
	v11 =	vadd.f32 v18, v17  }
0x57: {  	v14 =	vld [tilespmem:s8+$0x3100];
	v8 =	vmul.f32 $1.442695020e+00, v8;
	v10 =	vsub.f32 $0.0e+00, v10;
	v7 =	vpop (erf);
	(erf) = vpow2.f32 v12  }
0x58: {  	v15 =	vld [tilespmem:s8+$0x0];
	v13 =	vmul.f32 v13, v2;
	v9 =	vmul.f32 v9, v1;
	v11 =	vadd.f32 v11, v7  }
0x59: {  	v12 =	vld [tilespmem:s8+$0x1880];
	(erf) = vpow2.f32 v8;
	v8 =	vmul.f32 v10, v3  }
0x5a: {  	v10 =	vmax.f32 v9, v13;
	(erf) = vrcp.f32 v11  }
0x5b: {  	v10 =	vmax.f32 v10, v8  }
0x5c: {  	v11 =	vsub.f32 v6, v14;
	v9 =	vsub.f32 v9, v10  }
0x5d: {  	v14 =	vsub.f32 v4, v15;
	v15 =	vsub.f32 v8, v10  }
0x5e: {  	v10 =	vsub.f32 v13, v10;
	v12 =	vsub.f32 v5, v12  }
0x5f: {  	v11 =	vand.u32 $0x7FFFFFFF, v11;
	v14 =	vand.u32 $0x7FFFFFFF, v14;
	v16 =	vmul.f32 $1.442695020e+00, v9;
	v8 =	vpop (erf)  }
0x60: {  	v20 =	vmul.f32 $1.442695020e+00, v10;
	v13 =	vsub.f32 $0.0e+00, v14;
	v14 =	vmul.f32 $1.442695020e+00, v15;
	v9 =	vpop (erf)  }
0x61: {  	s9 =	simm.s32 $0x40;
	v12 =	vand.u32 $0x7FFFFFFF, v12;
	(erf) = vpow2.f32 v16;
	v16 =	vadd.f32 v9, v8  }
0x62: {  	v19 =	vld [tilespmem:s9+$0x3100];
	v12 =	vsub.f32 $0.0e+00, v12;
	v10 =	vpop (erf);
	(erf) = vpow2.f32 v14  }
0x63: {  	v21 =	vsub.f32 $0.0e+00, v11;
	(erf) = vpow2.f32 v20;
	v20 =	vadd.f32 v16, v10;
	v16 =	vld [tilespmem:s9+$0x0];
	v11 =	vpop (erf)  }
0x64: {  	v14 =	vmul.f32 v12, v2;
	v12 =	vmul.f32 v11, v17;
	v17 =	vld [tilespmem:s9+$0x1880];
	_ =	sdelay $0x1  }
0x65: {  	s31 =	sshll.u32 s2, $0x5;
	s4 =	sadd.s32 $0x9800, s4;
	v15 =	vmul.f32 v13, v1;
	v13 =	vmul.f32 v11, v18  }
0x66: {  	s10 =	simm.s32 $0x140;
	s5 =	sadd.s32 s4, s31;
	v19 =	vsub.f32 v6, v19;
	v18 =	vmul.f32 v21, v3;
	(erf) = vrcp.f32 v20  }
.LBB2_1:
0x67: {  	p0 =	sne.s32 s10, $0x61C0;
	v20 =	vmax.f32 v15, v14;
	v12 =	vadd.f32 v13, v12;
	v11 =	vmul.f32 v11, v7;
	v7 =	vmovc v10  }
0x68: {  	v10 =	vsub.f32 v4, v16;
	v13 =	vsub.f32 v5, v17;
	v16 =	vmax.f32 v20, v18  }
0x69: {  	v19 =	vand.u32 $0x7FFFFFFF, v19;
	v15 =	vsub.f32 v15, v16;
	v11 =	vadd.f32 v12, v11  }
0x6a: {  	v10 =	vand.u32 $0x7FFFFFFF, v10;
	v12 =	vand.u32 $0x7FFFFFFF, v13;
	v13 =	vsub.f32 v18, v16  }
0x6b: {  	s11 =	sshra.s32 s10, $0x2;
	v14 =	vsub.f32 v14, v16;
	v15 =	vmul.f32 $1.442695020e+00, v15;
	v18 =	vpop (erf);
	v11 =	vmul.f32 v11, v0  }
0x6c: {  	v21 =	vsub.f32 $0.0e+00, v10;
	v12 =	vsub.f32 $0.0e+00, v12;
	v20 =	vld [tilespmem:s11+$0x3100];
	v13 =	vmul.f32 $1.442695020e+00, v13;
	v22 =	vpop (erf)  }
.Ltmp0:
0x6d: {  	v23 =	vmul.f32 $1.442695020e+00, v14;
	v16 =	vld [tilespmem:s11+$0x0];
	(erf) = vpow2.f32 v15;
	v24 =	vadd.f32 v22, v18;
	v10 =	vpop (erf);
	[tilespmem:s3+$0x6200] =	vst v11;
	s3 =	smov.u32 s6;
	s6 =	smov.u32 s7;
	(pc) =	sbr.rel @p0 .LBB2_1-.Ltmp0, $4  }
0x6e: {  	v15 =	vmul.f32 v21, v1;
	v21 =	vsub.f32 $0.0e+00, v19;
	s7 =	smov.u32 s8;
	s8 =	smov.u32 s9;
	s9 =	smov.u32 s11;
	v17 =	vld [tilespmem:s11+$0x1880];
	(erf) = vpow2.f32 v13  }
0x6f: {  	v14 =	vmul.f32 v12, v2;
	(erf) = vpow2.f32 v23;
	v23 =	vadd.f32 v24, v10;
	v11 =	vpop (erf)  }
0x70: {  	v12 =	vmul.f32 v11, v8;
	v13 =	vmul.f32 v11, v9;
	v8 =	vmovc v18;
	v9 =	vmov v22  }
0x71: {  	s10 =	sadd.s32 $0x40, s10;
	v18 =	vmul.f32 v21, v3;
	v19 =	vsub.f32 v6, v20;
	(erf) = vrcp.f32 v23  }
0x72: {  	_ = 	snop  }
0x73: {  	v4 =	vsub.f32 v4, v16;
	v5 =	vsub.f32 v5, v17;
	_ =	sdelay $0x1  }
0x74: {  	v6 =	vmax.f32 v15, v14;
	v4 =	vand.u32 $0x7FFFFFFF, v4;
	v5 =	vand.u32 $0x7FFFFFFF, v5  }
0x75: {  	v40 =	vand.u32 $0x7FFFFFFF, v19;
	v4 =	vsub.f32 $0.0e+00, v4;
	v5 =	vsub.f32 $0.0e+00, v5  }
0x76: {  	v6 =	vmax.f32 v6, v18;
	v16 =	vsub.f32 $0.0e+00, v40  }
0x77: {  	v41 =	vsub.f32 v15, v6;
	v1 =	vmul.f32 v4, v1;
	v2 =	vmul.f32 v5, v2  }
0x78: {  	v42 =	vsub.f32 v18, v6;
	v43 =	vpop (erf);
	v3 =	vmul.f32 v16, v3  }
0x79: {  	v6 =	vsub.f32 v14, v6;
	v15 =	vmul.f32 $1.442695020e+00, v41;
	v44 =	vpop (erf);
	v45 =	vmax.f32 v1, v2  }
0x7a: {  	v4 =	vmul.f32 $1.442695020e+00, v42;
	v46 =	vadd.f32 v44, v43;
	v16 =	vmax.f32 v45, v3  }
0x7b: {  	v6 =	vmul.f32 $1.442695020e+00, v6;
	(erf) = vpow2.f32 v15;
	v47 =	vpop (erf);
	v1 =	vsub.f32 v1, v16  }
0x7c: {  	(erf) = vpow2.f32 v4;
	v48 =	vadd.f32 v46, v47;
	v3 =	vsub.f32 v3, v16  }
0x7d: {  	(erf) = vpow2.f32 v6;
	v2 =	vsub.f32 v2, v16;
	v1 =	vmul.f32 $1.442695020e+00, v1  }
0x7e: {  	(erf) = vrcp.f32 v48;
	v3 =	vmul.f32 $1.442695020e+00, v3  }
0x7f: {  	(erf) = vpow2.f32 v1;
	v1 =	vmul.f32 $1.442695020e+00, v2  }
0x80: {  	(erf) = vpow2.f32 v3;
	_ =	sdelay $0x1  }
0x81: {  	(erf) = vpow2.f32 v1  }
0x82: {  	v1 =	vpop (erf)  }
0x83: {  	v2 =	vpop (erf)  }
0x84: {  	v3 =	vpop (erf)  }
0x85: {  	v49 =	vpop (erf)  }
0x86: {  	v50 =	vpop (erf)  }
0x87: {  	v51 =	vpop (erf)  }
0x88: {  	v52 =	vadd.f32 v3, v2;
	v53 =	vpop (erf)  }
0x89: {  	v54 =	vadd.f32 v53, v51  }
0x8a: {  	v17 =	vadd.f32 v52, v49;
	v20 =	vpop (erf)  }
0x8b: {  	v19 =	vadd.f32 v54, v20  }
0x8c: {  	(erf) = vrcp.f32 v17  }
0x8d: {  	(erf) = vrcp.f32 v19  }
0x8e: {  	v12 =	vadd.f32 v13, v12;
	v7 =	vmul.f32 v11, v7;
	_ =	sdelay $0x1  }
0x8f: {  	v7 =	vadd.f32 v12, v7;
	_ =	sdelay $0x1  }
0x90: {  	v7 =	vmul.f32 v7, v0  }
0x91: {  	v8 =	vmul.f32 v1, v8;
	v9 =	vmul.f32 v1, v9  }
0x92: {  	v1 =	vmul.f32 v1, v10;
	v5 =	vmul.f32 v50, v43  }
0x93: {  	v55 =	vmul.f32 v50, v44;
	v6 =	vmul.f32 v50, v47;
	v56 =	vpop (erf)  }
0x94: {  	v8 =	vadd.f32 v9, v8;
	v2 =	vmul.f32 v56, v2;
	v3 =	vmul.f32 v56, v3;
	v57 =	vpop (erf)  }
0x95: {  	v5 =	vadd.f32 v55, v5;
	v58 =	vmul.f32 v57, v51;
	v59 =	vmul.f32 v57, v53  }
0x96: {  	v1 =	vadd.f32 v8, v1;
	v2 =	vadd.f32 v3, v2;
	v3 =	vmul.f32 v56, v49  }
0x97: {  	v60 =	vadd.f32 v5, v6;
	v62 =	vmul.f32 v57, v20;
	v61 =	vadd.f32 v59, v58  }
0x98: {  	v1 =	vmul.f32 v1, v0;
	v2 =	vadd.f32 v2, v3  }
0x99: {  	[tilespmem:s3+$0x6200] =	vst v7;
	v3 =	vmul.f32 v60, v0;
	v63 =	vadd.f32 v61, v62  }
0x9a: {  	[tilespmem:s6+$0x6200] =	vst v1;
	v1 =	vmul.f32 v2, v0  }
0x9b: {  	[tilespmem:s7+$0x6200] =	vst v3;
	v0 =	vmul.f32 v63, v0  }
0x9c: {  	p0 =	sne.s32 s2, $0xF;
	[tilespmem:s8+$0x6200] =	vst v1  }
0x9d: {  	[tilespmem:s9+$0x6200] =	vst v0;
	v0 =	vimm.f32 @!p0 $-Inf  }
0x9e: {  	[tilespmem:$0x7920] =	vst @!p0 v0  }
0x9f: {  	[tilespmem:$0x7930] =	vst @!p0 v0  }
0xa0: {  	[tilespmem:$0x7940] =	vst @!p0 v0  }
0xa1: {  	[tilespmem:$0x7950] =	vst @!p0 v0  }
0xa2: {  	[tilespmem:$0x7960] =	vst @!p0 v0  }
0xa3: {  	[tilespmem:$0x7970] =	vst @!p0 v0  }
0xa4: {  	[tilespmem:$0x7980] =	vst @!p0 v0  }
0xa5: {  	[tilespmem:$0x7990] =	vst @!p0 v0  }
0xa6: {  	[tilespmem:$0x79A0] =	vst @!p0 v0  }
0xa7: {  	[tilespmem:$0x79B0] =	vst @!p0 v0  }
0xa8: {  	[tilespmem:$0x79C0] =	vst @!p0 v0  }
0xa9: {  	[tilespmem:$0x79D0] =	vst @!p0 v0  }
0xaa: {  	[tilespmem:$0x79E0] =	vst @!p0 v0  }
0xab: {  	[tilespmem:$0x79F0] =	vst @!p0 v0  }
0xac: {  	[tilespmem:$0x7A00] =	vst @!p0 v0  }
0xad: {  	[tilespmem:$0x7A10] =	vst @!p0 v0  }
0xae: {  	[tilespmem:$0x7A20] =	vst @!p0 v0  }
0xaf: {  	[tilespmem:$0x7A30] =	vst @!p0 v0  }
0xb0: {  	[tilespmem:$0x7A40] =	vst @!p0 v0  }
0xb1: {  	[tilespmem:$0x7A50] =	vst @!p0 v0  }
0xb2: {  	[tilespmem:$0x7A60] =	vst @!p0 v0  }
0xb3: {  	s31 =	simm.s32 $0x0;
	[tilespmem:$0x7A70] =	vst @!p0 v0  }
0xb4: {  	v0 =	vld [tilespmem:s31+$0x6200]  }
0xb5: {  	s3 =	simm.s32 $0x80;
	v1 =	vimm.f32 $-Inf;
	v2 =	vld [tilespmem:s31+$0x6210]  }
.LBB2_3:
0xb6: {  	p0 =	sne.s32 s3, $0x6180  }
.Ltmp1:
0xb7: {  	_ = 	snop;
	(pc) =	sbr.rel @p0 .LBB2_3-.Ltmp1, $4  }
0xb8: {  	_ = 	snop  }
0xb9: {  	s6 =	sshra.s32 s3, $0x2;
	s3 =	sadd.s32 $0x80, s3;
	v1 =	vmax.f32 v1, v0  }
0xba: {  	v0 =	vld [tilespmem:s6+$0x6200];
	v1 =	vmax.f32 v1, v2  }
0xbb: {  	v2 =	vld [tilespmem:s6+$0x6210]  }
0xbc: {  	_ =	sdelay $0x2  }
0xbd: {  	v0 =	vmax.f32 v1, v0  }
0xbe: {  	v0 =	vmax.f32 v0, v2  }
0xbf: {  	(xrf0) =	vmax.scan.msk.f32 $0xffff, v0;
	_ =	sdelay $0x5  }
0xc0: {  	v0, _, _ =	vpop (xrf0)  }
0xc1: {  	(v2sf) =	vpush v0, $0xF;
	_ =	sdelay $0xe  }
0xc2: {  	s7 =	simm.s32 $0x0;
	v1 =	vimm.s32 $0x0;
	s6 =	spop (v2sf)  }
.LBB2_5:
0xc3: {  	s8 =	simm.s32 $0x0  }
0xc4: {  	v2 =	vld [tilespmem:s8+$0x6210]  }
0xc5: {  	v3 =	vld [tilespmem:s8+$0x6200];
	_ =	sdelay $0x1  }
0xc6: {  	s3 =	smov.u32 s7;
	v0 =	vmov s6;
	v4 =	vimm.f32 $-Inf;
	s7 =	simm.s32 $0x80;
	v5 =	vimm.s32 $0x0  }
.LBB2_6:
0xc7: {  	p0 =	sne.s32 s7, $0x6180  }
.Ltmp2:
0xc8: {  	s8 =	sshra.s32 s7, $0x2;
	vm0 =	vlt.f32 v2, v0;
	v6 =	vmov v2;
	(pc) =	sbr.rel @p0 .LBB2_6-.Ltmp2, $4  }
0xc9: {  	s7 =	sadd.s32 $0x80, s7;
	v2 =	vld [tilespmem:s8+$0x6210];
	vm1 =	veq.f32 v3, v0;
	vm2 =	vlt.f32 v3, v0;
	v7 =	vmax.f32 v4, v3  }
0xca: {  	v3 =	vld [tilespmem:s8+$0x6200];
	v8 =	vsel vm1, $0x1, v1;
	vm1 =	veq.f32 v6, v0;
	v4 =	vsel vm2, v7, v4  }
0xcb: {  	v5 =	vadd.s32 v8, v5;
	v7 =	vsel vm1, $0x1, v1;
	v6 =	vmax.f32 v4, v6  }
0xcc: {  	v5 =	vadd.s32 v7, v5;
	v4 =	vsel vm0, v6, v4  }
0xcd: {  	_ =	sdelay $0x1  }
0xce: {  	vm0 =	veq.f32 v3, v0  }
0xcf: {  	vm14 =	veq.f32 v2, v0;
	v6 =	vsel vm0, $0x1, v1  }
0xd0: {  	v62 =	vsel vm14, $0x1, v1;
	v5 =	vadd.s32 v6, v5  }
0xd1: {  	v63 =	vadd.s32 v62, v5  }
0xd2: {  	vm1 =	vlt.f32 v3, v0;
	v3 =	vmax.f32 v4, v3;
	(xrf0) =	vadd.scan.msk.s32 $0xffff, v63  }
0xd3: {  	v3 =	vsel vm1, v3, v4  }
0xd4: {  	vm15 =	vlt.f32 v2, v0;
	v2 =	vmax.f32 v3, v2  }
0xd5: {  	v2 =	vsel vm15, v2, v3;
	_ =	sdelay $0x1  }
0xd6: {  	(xrf0) =	vmax.scan.msk.f32 $0xffff, v2  }
0xd7: {  	v2, _, _ =	vpop (xrf0)  }
0xd8: {  	(v2sf) =	vpush v2, $0xF;
	_ =	sdelay $0x3  }
0xd9: {  	v2, _, _ =	vpop (xrf0)  }
0xda: {  	(v2sf) =	vpush v2, $0xF;
	_ =	sdelay $0x9  }
0xdb: {  	s7 =	spop (v2sf)  }
0xdc: {  	s7 =	sadd.s32 s3, s7  }
0xdd: {  	p1 =	slt.s32 s7, $0x40  }
.Ltmp3:
0xde: {  	_ = 	snop;
	(pc) =	sbr.rel @p1 .LBB2_5-.Ltmp3, $4  }
0xdf: {  	_ = 	snop  }
0xe0: {  	s8 =	spop (v2sf);
	p0 =	sgt.s32 s7, $0x3F  }
0xe1: {  	s8 =	smov.u32 @p0 s6  }
0xe2: {  	s7 =	smov.u32 @p0 s3;
	s6 =	smov.u32 s8  }
0xe3: {  	s6 =	simm.s32 $0x0  }
0xe4: {  	v2 =	vld [tilespmem:s6+$0x6200];
	_ =	sdelay $0x4  }
0xe5: {  	v1 =	vimm.f32 $0.0e+00;
	vm0 =	vge.f32 v2, v0  }
0xe6: {  	v3 =	vsel vm0, $0x3F800000, v1  }
0xe7: {  	(xrf0) =	vmax.scan.msk.f32 $0xffff, v3;
	_ =	sdelay $0x5  }
0xe8: {  	v3, _, _ =	vpop (xrf0)  }
0xe9: {  	(v2sf) =	vpush v3, $0xF;
	_ =	sdelay $0xe  }
0xea: {  	s31 =	spop (v2sf)  }
0xeb: {  	p0 =	sgt.f32 s31, $0.0e+00;
	_ =	sdelay $0x1  }
0xec: {  	vm0 =	veq.f32 @p0 v2, v0;
	v3 =	vimm.s32 @p0 $0x0  }
0xed: {  	v4 =	vsel @p0 vm0, $0x1, v3  }
0xee: {  	(xrf0) =	vadd.scan.msk.s32 @p0 $0xffff, v4;
	_ =	sdelay $0x5  }
0xef: {  	s3 =	ssub.s32 $0x40, s3;
	v4, _, _ =	vpop @p0 (xrf0)  }
0xf0: {  	vm1 =	vle.s32 @p0 v4, s3  }
0xf1: {  	vm2 =	vgt.f32 @p0 v2, v0;
	vm0 =	vmand @p0 vm0, vm1  }
0xf2: {  	vm1 =	vmor @p0 vm2, vm0;
	v4 =	vsel @p0 vm0, $0x1, v3  }
0xf3: {  	v3 =	vsel @p0 vm1, $0x1, v3;
	(xrf0) =	vadd.scan.msk.s32 @p0 $0xffff, v4  }
0xf4: {  	(xrf0) =	vadd.scan.msk.s32 @p0 $0xffff, v3;
	_ =	sdelay $0x1  }
0xf5: {  	s6 =	simm.s32 $0x0  }
0xf6: {  	v3 =	vmov @p0 s6  }
0xf7: {  	v3 =	vadd.s32 @p0 $0xFFFFFFFF, v3  }
0xf8: {  	v3 =	vbroadcast @p0 v3, $0x0;
	v4, _, _ =	vpop @p0 (xrf0)  }
0xf9: {  	v5, _, _ =	vpop @p0 (xrf0);
	(v2sf) =	vpush @p0 v4, $0xF  }
0xfa: {  	s7 =	simm.s32 @p0 $0x0;
	(v2sf) =	vpush @p0 v5, $0xF;
	v3 =	vadd.s32 @p0 v5, v3  }
0xfb: {  	v4 =	vld @p0 [tilespmem:s7+$0x4980];
	_ =	sdelay $0x2  }
0xfc: {  	s7 =	simm.s32 @p0 $0x7B00  }
0xfd: {  	[tilespmem:v3+s7+$0x0] =	vst.idx.msk @p0 vm1, v2;
	s7 =	simm.s32 @p0 $0x7B80  }
0xfe: {  	s8 =	simm.s32 $0x10;
	[tilespmem:v3+s7+$0x0] =	vst.idx.msk @p0 vm1, v4  }
0xff: {  	v2 =	vld [tilespmem:s8+$0x6200];
	_ =	sdelay $0x4  }
0x100: {  	vm15 =	vge.f32 v2, v0  }
0x101: {  	v3 =	vsel vm15, $0x3F800000, v1  }
0x102: {  	s8 =	spop @p0 (v2sf);
	(xrf0) =	vmax.scan.msk.f32 $0xffff, v3  }
0x103: {  	s7 =	simm.s32 $0x40;
	s10 =	ssub.s32 @p0 s3, s8;
	s9 =	spop @p0 (v2sf)  }
0x104: {  	s8 =	simm.s32 $0x80;
	s9 =	sadd.s32 @p0 $0x0, s9;
	s3 =	smov.u32 @p0 s10  }
.LBB2_9:
0x105: {  	s6 =	smov.u32 @p0 s9;
	s9 =	smov.u32 s8;
	s8 =	sadd.s32 $0x40, s8  }
0x106: {  	p1 =	sne.s32 s8, $0x6200;
	_ =	sdelay $0x1  }
0x107: {  	v3, _, _ =	vpop (xrf0)  }
0x108: {  	(v2sf) =	vpush v3, $0xF;
	_ =	sdelay $0xe  }
0x109: {  	s10 =	spop (v2sf)  }
0x10a: {  	p0 =	sgt.f32 s10, $0.0e+00;
	_ =	sdelay $0x1  }
0x10b: {  	s10 =	sshra.s32 @p0 s7, $0x2;
	vm0 =	vgt.f32 @p0 v2, v0;
	vm1 =	veq.f32 @p0 v2, v0;
	v3 =	vimm.s32 @p0 $0x0;
	s7 =	smov.u32 s9  }
0x10c: {  	v5 =	vmov @p0 s6;
	v4 =	vsel @p0 vm1, $0x1, v3  }
0x10d: {  	v5 =	vadd.s32 @p0 $0xFFFFFFFF, v5;
	(xrf0) =	vadd.scan.msk.s32 @p0 $0xffff, v4  }
0x10e: {  	v4 =	vbroadcast @p0 v5, $0x0;
	_ =	sdelay $0x4  }
0x10f: {  	v5, _, _ =	vpop @p0 (xrf0)  }
0x110: {  	vm2 =	vle.s32 @p0 v5, s3  }
0x111: {  	vm1 =	vmand @p0 vm1, vm2  }
0x112: {  	vm0 =	vmor @p0 vm0, vm1;
	v5 =	vsel @p0 vm1, $0x1, v3  }
0x113: {  	v3 =	vsel @p0 vm0, $0x1, v3;
	(xrf0) =	vadd.scan.msk.s32 @p0 $0xffff, v5  }
0x114: {  	(xrf0) =	vadd.scan.msk.s32 @p0 $0xffff, v3;
	_ =	sdelay $0x4  }
0x115: {  	v3, _, _ =	vpop @p0 (xrf0)  }
0x116: {  	v5, _, _ =	vpop @p0 (xrf0);
	(v2sf) =	vpush @p0 v3, $0xF  }
0x117: {  	v3 =	vadd.s32 @p0 v5, v4;
	(v2sf) =	vpush @p0 v5, $0xF  }
0x118: {  	v4 =	vld @p0 [tilespmem:s10+$0x4980];
	_ =	sdelay $0x2  }
0x119: {  	s9 =	simm.s32 @p0 $0x7B00  }
0x11a: {  	[tilespmem:v3+s9+$0x0] =	vst.idx.msk @p0 vm0, v2;
	s9 =	simm.s32 @p0 $0x7B80  }
0x11b: {  	s10 =	sshra.s32 s7, $0x2;
	[tilespmem:v3+s9+$0x0] =	vst.idx.msk @p0 vm0, v4  }
0x11c: {  	v2 =	vld [tilespmem:s10+$0x6200];
	_ =	sdelay $0x4  }
.Ltmp4:
0x11d: {  	vm0 =	vge.f32 v2, v0;
	(pc) =	sbr.rel @p1 .LBB2_9-.Ltmp4, $4  }
0x11e: {  	v3 =	vsel vm0, $0x3F800000, v1  }
0x11f: {  	(xrf0) =	vmax.scan.msk.f32 $0xffff, v3;
	s9 =	spop @p0 (v2sf)  }
0x120: {  	s10 =	ssub.s32 @p0 s3, s9;
	s9 =	spop @p0 (v2sf)  }
0x121: {  	s9 =	sadd.s32 @p0 s6, s9;
	s3 =	smov.u32 @p0 s10  }
0x122: {  	_ =	sdelay $0x2  }
0x123: {  	v1, _, _ =	vpop (xrf0)  }
0x124: {  	(v2sf) =	vpush v1, $0xF;
	_ =	sdelay $0xe  }
0x125: {  	s8 =	spop (v2sf)  }
0x126: {  	p1 =	sgt.f32 s8, $0.0e+00;
	_ =	sdelay $0x1  }
0x127: {  	vm0 =	veq.f32 @p1 v2, v0;
	v1 =	vimm.s32 @p1 $0x0  }
0x128: {  	v3 =	vsel @p1 vm0, $0x1, v1  }
0x129: {  	(xrf0) =	vadd.scan.msk.s32 @p1 $0xffff, v3;
	_ =	sdelay $0x5  }
0x12a: {  	v3, _, _ =	vpop @p1 (xrf0)  }
0x12b: {  	vm1 =	vle.s32 @p1 v3, s3  }
0x12c: {  	vm2 =	vgt.f32 @p1 v2, v0;
	vm0 =	vmand @p1 vm0, vm1  }
0x12d: {  	vm1 =	vmor @p1 vm2, vm0;
	v0 =	vsel @p1 vm0, $0x1, v1  }
0x12e: {  	v1 =	vsel @p1 vm1, $0x1, v1;
	(xrf0) =	vadd.scan.msk.s32 @p1 $0xffff, v0  }
0x12f: {  	(xrf0) =	vadd.scan.msk.s32 @p1 $0xffff, v1;
	_ =	sdelay $0x1  }
0x130: {  	s6 =	smov.u32 @p0 s9  }
0x131: {  	v0 =	vmov @p1 s6  }
0x132: {  	v0 =	vadd.s32 @p1 $0xFFFFFFFF, v0  }
0x133: {  	v0 =	vbroadcast @p1 v0, $0x0;
	v1, _, _ =	vpop @p1 (xrf0)  }
0x134: {  	v3, _, _ =	vpop @p1 (xrf0)  }
0x135: {  	s3 =	sshra.s32 @p1 s7, $0x2;
	v0 =	vadd.s32 @p1 v3, v0  }
0x136: {  	v4 =	vld @p1 [tilespmem:s3+$0x4980];
	_ =	sdelay $0x2  }
0x137: {  	s3 =	simm.s32 @p1 $0x7B00  }
0x138: {  	[tilespmem:v0+s3+$0x0] =	vst.idx.msk @p1 vm1, v2;
	s3 =	simm.s32 @p1 $0x7B80  }
0x139: {  	v63 =	vimm.f32 $0.0e+00;
	(v2sf) =	vpush @p1 v1, $0xF;
	[tilespmem:v0+s3+$0x0] =	vst.idx.msk @p1 vm1, v4  }
0x13a: {  	[tilespmem:$0x7C80] =	vst v63  }
0x13b: {  	[tilespmem:$0x7C90] =	vst v63  }
0x13c: {  	(v2sf) =	vpush @p1 v3, $0xF;
	[tilespmem:$0x7CA0] =	vst v63  }
0x13d: {  	v0 =	vld [tilespmem:$0x7B00];
	[tilespmem:$0x7CB0] =	vst v63  }
0x13e: {  	v2 =	vld [tilespmem:$0x7B80];
	[tilespmem:$0x7CC0] =	vst v63  }
0x13f: {  	v4 =	vld [tilespmem:$0x7B10];
	[tilespmem:$0x7CD0] =	vst v63  }
0x140: {  	v5 =	vld [tilespmem:$0x7B90];
	[tilespmem:$0x7CE0] =	vst v63  }
0x141: {  	v6 =	vld [tilespmem:$0x7B20];
	[tilespmem:$0x7CF0] =	vst v63  }
0x142: {  	v60 =	vld [tilespmem:$0x7BA0];
	[tilespmem:$0x7C00] =	vst v0  }
0x143: {  	v61 =	vld [tilespmem:$0x7B30];
	[tilespmem:$0x7C40] =	vst v2  }
0x144: {  	v62 =	vld [tilespmem:$0x7BB0];
	[tilespmem:$0x7C10] =	vst v4  }
0x145: {  	[tilespmem:$0x7C50] =	vst v5  }
0x146: {  	[tilespmem:$0x7C20] =	vst v6  }
0x147: {  	[tilespmem:$0x7C60] =	vst v60  }
0x148: {  	[tilespmem:$0x7C30] =	vst v61;
	s3 =	spop @p1 (v2sf)  }
0x149: {  	s31 =	simm.s32 $0x7C00;
	[tilespmem:$0x7C70] =	vst v62;
	s3 =	simm.s32 $0x0  }
0x14a: {  	[hbm4b:s5+s3] =	stream.linear.scatter [tilespmem:s31], [sflag:$0x1], $0x100, $0x38;
	[tilespmem:$0x8D80] =	vst v63  }
0x14b: {  	s5 =	spop @p1 (v2sf)  }
0x14c: {  	s5 =	simm.s32 $0x1  }
0x14d: {  	_ =	swait.ge [sflag:s5], $0x100  }
0x14e: {  	[sflag:s5] =	ssyncset.done $0x0  }
0x14f: {  	[sflag:s5] =	ssyncadd.s32 $0xFFFFFF00  }
0x150: {  	p0 =	sne.s32 s2, $0x0;
	[bflag:$0x0] =	sbarrier.arrive $0xFFFF  }
0x151: {  	_ =	sfence.sel @p0 $0x180000  }
0x152: {  	[bflag:$0x0] =	sbarrier.arrive @p0 $0xFFFF  }
0x153: {  	_ =	strace @p0 $0x90000047  }
0x154: {  	[bflag:$0x2] =	sbarrier.arrive @p0 $0xFFFF  }
0x155: {  	_ =	shalt @p0  }
.LBB2_11:
0x156: {  	s2 =	simm.s32 $0x7D00  }
0x157: {  	[tilespmem:s2], [sflag:$0x1] =	stream.linear.gather [hbm4b:s4+s3], $0x1000, $0x38;
	[tilespmem:$0x8D80] =	vst v63  }
0x158: {  	_ =	swait.ge [sflag:s5], $0x1000  }
0x159: {  	[sflag:s5] =	ssyncset.done $0x0  }
0x15a: {  	[sflag:s5] =	ssyncadd.s32 $0xFFFFF000  }
0x15b: {  	v29 =	vld [tilespmem:$0x7D00]  }
0x15c: {  	v63 =	vld [tilespmem:$0x7D10]  }
0x15d: {  	v62 =	vld [tilespmem:$0x7D20]  }
0x15e: {  	v50 =	vld [tilespmem:$0x7D30]  }
0x15f: {  	v49 =	vld [tilespmem:$0x7E00]  }
0x160: {  	v48 =	vld [tilespmem:$0x7E10]  }
0x161: {  	v43 =	vld [tilespmem:$0x7E20];
	v0 =	vmax.f32 v29, v63  }
0x162: {  	v36 =	vld [tilespmem:$0x7E30];
	v0 =	vmax.f32 v0, v62  }
0x163: {  	v32 =	vld [tilespmem:$0x7F00];
	v0 =	vmax.f32 v0, v50  }
0x164: {  	v24 =	vld [tilespmem:$0x7F10];
	v0 =	vmax.f32 v0, v49  }
0x165: {  	v22 =	vld [tilespmem:$0x7F20];
	v0 =	vmax.f32 v0, v48  }
0x166: {  	v21 =	vld [tilespmem:$0x7F30];
	v0 =	vmax.f32 v0, v43  }
0x167: {  	v2 =	vld [tilespmem:$0x8000];
	v0 =	vmax.f32 v0, v36  }
0x168: {  	v1 =	vld [tilespmem:$0x8010];
	v0 =	vmax.f32 v0, v32  }
0x169: {  	v5 =	vld [tilespmem:$0x8020];
	v0 =	vmax.f32 v0, v24  }
0x16a: {  	v4 =	vld [tilespmem:$0x8030];
	v0 =	vmax.f32 v0, v22  }
0x16b: {  	v3 =	vld [tilespmem:$0x8100];
	v0 =	vmax.f32 v0, v21  }
0x16c: {  	v51 =	vld [tilespmem:$0x8110];
	v0 =	vmax.f32 v0, v2  }
0x16d: {  	v52 =	vld [tilespmem:$0x8120];
	v0 =	vmax.f32 v0, v1  }
0x16e: {  	v53 =	vld [tilespmem:$0x8130];
	v0 =	vmax.f32 v0, v5  }
0x16f: {  	v54 =	vld [tilespmem:$0x8200];
	v0 =	vmax.f32 v0, v4  }
0x170: {  	v55 =	vld [tilespmem:$0x8210];
	v0 =	vmax.f32 v0, v3  }
0x171: {  	v56 =	vld [tilespmem:$0x8220];
	v0 =	vmax.f32 v0, v51  }
0x172: {  	v57 =	vld [tilespmem:$0x8230];
	v0 =	vmax.f32 v0, v52  }
0x173: {  	v58 =	vld [tilespmem:$0x8300];
	v0 =	vmax.f32 v0, v53  }
0x174: {  	v59 =	vld [tilespmem:$0x8310];
	v0 =	vmax.f32 v0, v54  }
0x175: {  	v60 =	vld [tilespmem:$0x8320];
	v0 =	vmax.f32 v0, v55  }
0x176: {  	v61 =	vld [tilespmem:$0x8330];
	v0 =	vmax.f32 v0, v56  }
0x177: {  	v8 =	vld [tilespmem:$0x8400];
	v0 =	vmax.f32 v0, v57  }
0x178: {  	v9 =	vld [tilespmem:$0x8410];
	v0 =	vmax.f32 v0, v58  }
0x179: {  	v10 =	vld [tilespmem:$0x8420];
	v0 =	vmax.f32 v0, v59  }
0x17a: {  	v11 =	vld [tilespmem:$0x8430];
	v0 =	vmax.f32 v0, v60  }
0x17b: {  	v12 =	vld [tilespmem:$0x8500];
	v0 =	vmax.f32 v0, v61  }
0x17c: {  	v13 =	vld [tilespmem:$0x8510];
	v0 =	vmax.f32 v0, v8  }
0x17d: {  	v14 =	vld [tilespmem:$0x8520];
	v0 =	vmax.f32 v0, v9  }
0x17e: {  	v15 =	vld [tilespmem:$0x8530];
	v0 =	vmax.f32 v0, v10  }
0x17f: {  	v16 =	vld [tilespmem:$0x8600];
	v0 =	vmax.f32 v0, v11  }
0x180: {  	v17 =	vld [tilespmem:$0x8610];
	v0 =	vmax.f32 v0, v12  }
0x181: {  	v18 =	vld [tilespmem:$0x8620];
	v0 =	vmax.f32 v0, v13  }
0x182: {  	v19 =	vld [tilespmem:$0x8630];
	v0 =	vmax.f32 v0, v14  }
0x183: {  	v33 =	vld [tilespmem:$0x8700];
	[tilespmem:$0x1FCC0] =	vst v2;
	v0 =	vmax.f32 v0, v15  }
0x184: {  	v34 =	vld [tilespmem:$0x8710];
	[tilespmem:$0x1FCD0] =	vst v1;
	v0 =	vmax.f32 v0, v16  }
0x185: {  	v35 =	vld [tilespmem:$0x8720];
	[tilespmem:$0x1FCE0] =	vst v5;
	v0 =	vmax.f32 v0, v17  }
0x186: {  	v37 =	vld [tilespmem:$0x8730];
	[tilespmem:$0x1FCF0] =	vst v4;
	v0 =	vmax.f32 v0, v18  }
0x187: {  	v38 =	vld [tilespmem:$0x8800];
	[tilespmem:$0x1FD00] =	vst v3;
	v0 =	vmax.f32 v0, v19  }
0x188: {  	v39 =	vld [tilespmem:$0x8810];
	[tilespmem:$0x1FD10] =	vst v51;
	v0 =	vmax.f32 v0, v33  }
0x189: {  	v40 =	vld [tilespmem:$0x8820];
	[tilespmem:$0x1FD20] =	vst v52;
	v0 =	vmax.f32 v0, v34  }
0x18a: {  	v41 =	vld [tilespmem:$0x8830];
	[tilespmem:$0x1FD30] =	vst v53;
	v0 =	vmax.f32 v0, v35  }
0x18b: {  	v42 =	vld [tilespmem:$0x8900];
	[tilespmem:$0x1FD40] =	vst v54;
	v0 =	vmax.f32 v0, v37  }
0x18c: {  	v44 =	vld [tilespmem:$0x8910];
	[tilespmem:$0x1FD50] =	vst v55;
	v0 =	vmax.f32 v0, v38  }
0x18d: {  	v45 =	vld [tilespmem:$0x8920];
	[tilespmem:$0x1FD60] =	vst v56;
	v0 =	vmax.f32 v0, v39  }
0x18e: {  	v46 =	vld [tilespmem:$0x8930];
	[tilespmem:$0x1FD70] =	vst v57;
	v0 =	vmax.f32 v0, v40  }
0x18f: {  	v47 =	vld [tilespmem:$0x8A00];
	[tilespmem:$0x1FD80] =	vst v58;
	v0 =	vmax.f32 v0, v41  }
0x190: {  	[tilespmem:$0x1FD90] =	vst v59;
	v51 =	vld [tilespmem:$0x8A10];
	v0 =	vmax.f32 v0, v42  }
0x191: {  	[tilespmem:$0x1FDA0] =	vst v60;
	v52 =	vld [tilespmem:$0x8A20];
	v0 =	vmax.f32 v0, v44  }
0x192: {  	[tilespmem:$0x1FDB0] =	vst v61;
	v53 =	vld [tilespmem:$0x8A30];
	v0 =	vmax.f32 v0, v45  }
0x193: {  	[tilespmem:$0x1FDC0] =	vst v8;
	v54 =	vld [tilespmem:$0x8B00];
	v0 =	vmax.f32 v0, v46  }
0x194: {  	[tilespmem:$0x1FDD0] =	vst v9;
	v55 =	vld [tilespmem:$0x8B10];
	v0 =	vmax.f32 v0, v47  }
0x195: {  	[tilespmem:$0x1FDE0] =	vst v10;
	v56 =	vld [tilespmem:$0x8B20];
	v0 =	vmax.f32 v0, v51  }
0x196: {  	[tilespmem:$0x1FDF0] =	vst v11;
	v57 =	vld [tilespmem:$0x8B30];
	v0 =	vmax.f32 v0, v52  }
0x197: {  	[tilespmem:$0x1FE00] =	vst v12;
	v58 =	vld [tilespmem:$0x8C00];
	v0 =	vmax.f32 v0, v53  }
0x198: {  	[tilespmem:$0x1FE10] =	vst v13;
	v59 =	vld [tilespmem:$0x8C10];
	v0 =	vmax.f32 v0, v54  }
0x199: {  	[tilespmem:$0x1FE20] =	vst v14;
	v60 =	vld [tilespmem:$0x8C20];
	v0 =	vmax.f32 v0, v55  }
0x19a: {  	[tilespmem:$0x1FE30] =	vst v15;
	v61 =	vld [tilespmem:$0x8C30];
	v0 =	vmax.f32 v0, v56  }
0x19b: {  	[tilespmem:$0x1FE40] =	vst v16;
	v0 =	vmax.f32 v0, v57  }
0x19c: {  	[tilespmem:$0x1FE50] =	vst v17;
	v0 =	vmax.f32 v0, v58  }
0x19d: {  	[tilespmem:$0x1FE60] =	vst v18;
	v0 =	vmax.f32 v0, v59  }
0x19e: {  	[tilespmem:$0x1FE70] =	vst v19;
	v0 =	vmax.f32 v0, v60  }
0x19f: {  	[tilespmem:$0x1FE80] =	vst v33;
	v0 =	vmax.f32 v0, v61  }
0x1a0: {  	[tilespmem:$0x1FE90] =	vst v34;
	(xrf0) =	vmax.scan.msk.f32 $0xffff, v0  }
0x1a1: {  	[tilespmem:$0x1FEA0] =	vst v35  }
0x1a2: {  	[tilespmem:$0x1FEB0] =	vst v37  }
0x1a3: {  	[tilespmem:$0x1FEC0] =	vst v38  }
0x1a4: {  	[tilespmem:$0x1FED0] =	vst v39  }
0x1a5: {  	[tilespmem:$0x1FEE0] =	vst v40  }
0x1a6: {  	[tilespmem:$0x1FEF0] =	vst v41;
	v0, _, _ =	vpop (xrf0)  }
0x1a7: {  	[tilespmem:$0x1FF00] =	vst v42;
	(v2sf) =	vpush v0, $0xF  }
0x1a8: {  	[tilespmem:$0x1FF10] =	vst v44  }
0x1a9: {  	[tilespmem:$0x1FF20] =	vst v45  }
0x1aa: {  	[tilespmem:$0x1FF30] =	vst v46  }
0x1ab: {  	[tilespmem:$0x1FF40] =	vst v47  }
0x1ac: {  	[tilespmem:$0x1FF50] =	vst v51  }
0x1ad: {  	[tilespmem:$0x1FF60] =	vst v52  }
0x1ae: {  	[tilespmem:$0x1FF70] =	vst v53  }
0x1af: {  	[tilespmem:$0x1FF80] =	vst v54  }
0x1b0: {  	[tilespmem:$0x1FF90] =	vst v55  }
0x1b1: {  	[tilespmem:$0x1FFA0] =	vst v56  }
0x1b2: {  	[tilespmem:$0x1FFB0] =	vst v57  }
0x1b3: {  	[tilespmem:$0x1FFC0] =	vst v58  }
0x1b4: {  	[tilespmem:$0x1FFD0] =	vst v59  }
0x1b5: {  	[tilespmem:$0x1FFE0] =	vst v60  }
0x1b6: {  	[tilespmem:$0x1FFF0] =	vst v61;
	v45 =	vimm.s32 $0x0;
	s5 =	spop (v2sf)  }
.LBB2_12:
0x1b7: {  	vm10 =	vlt.f32 v63, s5  }
0x1b8: {  	v0 =	vnsel vm10, $0xFF800000, v63  }
0x1b9: {  	vm11 =	vlt.f32 v29, s5;
	v2 =	vmax.f32 v29, v0  }
0x1ba: {  	v0 =	vsel vm11, v2, v0  }
0x1bb: {  	vm14 =	vlt.f32 v62, s5;
	v2 =	vmax.f32 v0, v62  }
0x1bc: {  	v0 =	vsel vm14, v2, v0  }
0x1bd: {  	vm4 =	vlt.f32 v50, s5;
	v2 =	vmax.f32 v0, v50  }
0x1be: {  	v0 =	vsel vm4, v2, v0  }
0x1bf: {  	vm6 =	vlt.f32 v49, s5;
	v2 =	vmax.f32 v0, v49  }
0x1c0: {  	v0 =	vsel vm6, v2, v0  }
0x1c1: {  	vm8 =	vlt.f32 v48, s5;
	v2 =	vmax.f32 v0, v48  }
0x1c2: {  	v0 =	vsel vm8, v2, v0  }
0x1c3: {  	vm10 =	vlt.f32 v43, s5;
	v2 =	vmax.f32 v0, v43  }
0x1c4: {  	vm12 =	veq.f32 v62, s5;
	v0 =	vsel vm10, v2, v0  }
0x1c5: {  	v12 =	vsel vm12, $0x1, v45;
	vm12 =	vlt.f32 v36, s5;
	v2 =	vmax.f32 v0, v36  }
0x1c6: {  	vm0 =	veq.f32 v29, s5;
	vm1 =	veq.f32 v63, s5;
	v0 =	vsel vm12, v2, v0  }
0x1c7: {  	vm13 =	veq.f32 v50, s5;
	vm14 =	vlt.f32 v32, s5;
	v2 =	vmax.f32 v0, v32  }
0x1c8: {  	vm15 =	veq.f32 v49, s5;
	vm5 =	veq.f32 v48, s5;
	v0 =	vsel vm14, v2, v0  }
0x1c9: {  	vm7 =	veq.f32 v43, s5;
	vm4 =	vlt.f32 v24, s5;
	v2 =	vmax.f32 v0, v24  }
0x1ca: {  	vm9 =	veq.f32 v36, s5;
	v3 =	vld [tilespmem:$0x1FCC0];
	v46 =	vsel vm0, $0x1, v45;
	v0 =	vsel vm4, v2, v0  }
0x1cb: {  	v47 =	vsel vm1, $0x1, v45;
	vm6 =	vlt.f32 v22, s5;
	v2 =	vmax.f32 v0, v22  }
0x1cc: {  	v14 =	vsel vm13, $0x1, v45;
	v13 =	vsel vm15, $0x1, v45;
	v0 =	vsel vm6, v2, v0  }
0x1cd: {  	v4 =	vld [tilespmem:$0x1FCD0];
	v51 =	vsel vm5, $0x1, v45;
	vm8 =	vlt.f32 v21, s5;
	v2 =	vmax.f32 v0, v21  }
0x1ce: {  	v52 =	vsel vm7, $0x1, v45;
	vm13 =	veq.f32 v24, s5;
	v0 =	vsel vm8, v2, v0  }
0x1cf: {  	vm7 =	veq.f32 v3, s5;
	vm10 =	vlt.f32 v3, s5;
	v2 =	vmax.f32 v0, v3;
	v3 =	vld [tilespmem:$0x1FCE0]  }
0x1d0: {  	v5 =	vld [tilespmem:$0x1FCF0];
	v53 =	vsel vm9, $0x1, v45;
	v1 =	vadd.s32 v47, v46;
	v6 =	vsel vm13, $0x1, v45  }
0x1d1: {  	v1 =	vadd.s32 v12, v1;
	vm11 =	veq.f32 v32, s5;
	v0 =	vsel vm10, v2, v0  }
0x1d2: {  	v1 =	vadd.s32 v14, v1;
	vm12 =	vlt.f32 v4, s5;
	v2 =	vmax.f32 v0, v4  }
0x1d3: {  	v40 =	vsel vm11, $0x1, v45;
	vm9 =	veq.f32 v4, s5;
	v0 =	vsel vm12, v2, v0  }
0x1d4: {  	v4 =	vld [tilespmem:$0x1FD00];
	vm11 =	veq.f32 v3, s5;
	vm14 =	vlt.f32 v3, s5;
	v3 =	vmax.f32 v0, v3  }
0x1d5: {  	v1 =	vadd.s32 v13, v1;
	vm13 =	veq.f32 v5, s5;
	v0 =	vsel vm14, v3, v0  }
0x1d6: {  	v1 =	vadd.s32 v51, v1;
	vm4 =	vlt.f32 v5, s5;
	v3 =	vmax.f32 v0, v5;
	v5 =	vld [tilespmem:$0x1FD10]  }
0x1d7: {  	vm15 =	veq.f32 v22, s5;
	vm5 =	veq.f32 v21, s5;
	v1 =	vadd.s32 v52, v1  }
0x1d8: {  	v7 =	vsel vm15, $0x1, v45;
	v1 =	vadd.s32 v53, v1;
	v0 =	vsel vm4, v3, v0  }
0x1d9: {  	vm15 =	veq.f32 v4, s5;
	vm6 =	vlt.f32 v4, s5;
	v3 =	vmax.f32 v0, v4;
	v4 =	vld [tilespmem:$0x1FD20]  }
0x1da: {  	v44 =	vsel vm5, $0x1, v45;
	v1 =	vadd.s32 v40, v1;
	v0 =	vsel vm6, v3, v0  }
0x1db: {  	vm5 =	veq.f32 v5, s5;
	vm8 =	vlt.f32 v5, s5;
	v3 =	vmax.f32 v0, v5;
	v5 =	vld [tilespmem:$0x1FD30]  }
0x1dc: {  	v1 =	vadd.s32 v6, v1  }
0x1dd: {  	v39 =	vsel vm7, $0x1, v45;
	v1 =	vadd.s32 v7, v1;
	v3 =	vsel vm8, v3, v0  }
0x1de: {  	v8 =	vld [tilespmem:$0x1FD40];
	vm7 =	veq.f32 v4, s5;
	vm10 =	vlt.f32 v4, s5;
	v4 =	vmax.f32 v3, v4  }
0x1df: {  	v38 =	vsel vm9, $0x1, v45;
	v1 =	vadd.s32 v44, v1;
	v3 =	vsel vm10, v4, v3  }
0x1e0: {  	vm9 =	veq.f32 v5, s5;
	vm12 =	vlt.f32 v5, s5;
	v4 =	vmax.f32 v3, v5;
	v5 =	vld [tilespmem:$0x1FD50]  }
0x1e1: {  	v1 =	vadd.s32 v39, v1  }
0x1e2: {  	v1 =	vadd.s32 v38, v1;
	v37 =	vsel vm11, $0x1, v45;
	v3 =	vsel vm12, v4, v3  }
0x1e3: {  	vm11 =	veq.f32 v8, s5;
	vm14 =	vlt.f32 v8, s5;
	v4 =	vmax.f32 v3, v8;
	v8 =	vld [tilespmem:$0x1FD60]  }
0x1e4: {  	v2 =	vadd.s32 v37, v1;
	v1 =	vsel vm13, $0x1, v45;
	v3 =	vsel vm14, v4, v3  }
0x1e5: {  	vm13 =	veq.f32 v5, s5;
	vm4 =	vlt.f32 v5, s5;
	v4 =	vmax.f32 v3, v5;
	v5 =	vld [tilespmem:$0x1FD70];
	_ =	sdelay $0x1  }
0x1e6: {  	v30 =	vsel vm15, $0x1, v45;
	v3 =	vsel vm4, v4, v3  }
0x1e7: {  	vm15 =	veq.f32 v8, s5;
	vm6 =	vlt.f32 v8, s5;
	v4 =	vmax.f32 v3, v8;
	v8 =	vld [tilespmem:$0x1FD80]  }
0x1e8: {  	v31 =	vsel vm5, $0x1, v45;
	v3 =	vsel vm6, v4, v3  }
0x1e9: {  	vm5 =	veq.f32 v5, s5;
	vm8 =	vlt.f32 v5, s5;
	v4 =	vmax.f32 v3, v5;
	v5 =	vld [tilespmem:$0x1FD90];
	_ =	sdelay $0x1  }
0x1ea: {  	v33 =	vsel vm7, $0x1, v45;
	v3 =	vsel vm8, v4, v3  }
0x1eb: {  	vm7 =	veq.f32 v8, s5;
	vm10 =	vlt.f32 v8, s5;
	v4 =	vmax.f32 v3, v8;
	v8 =	vld [tilespmem:$0x1FDA0]  }
0x1ec: {  	v0 =	vsel vm9, $0x1, v45;
	v3 =	vsel vm10, v4, v3  }
0x1ed: {  	vm9 =	veq.f32 v5, s5;
	vm12 =	vlt.f32 v5, s5;
	v4 =	vmax.f32 v3, v5;
	v5 =	vld [tilespmem:$0x1FDB0];
	_ =	sdelay $0x1  }
0x1ee: {  	v55 =	vsel vm11, $0x1, v45;
	v2 =	vadd.s32 v1, v2;
	v3 =	vsel vm12, v4, v3  }
0x1ef: {  	vm11 =	veq.f32 v8, s5;
	vm14 =	vlt.f32 v8, s5;
	v4 =	vmax.f32 v3, v8;
	v8 =	vld [tilespmem:$0x1FDC0]  }
0x1f0: {  	v2 =	vadd.s32 v30, v2;
	v25 =	vsel vm13, $0x1, v45;
	v3 =	vsel vm14, v4, v3  }
0x1f1: {  	vm13 =	veq.f32 v5, s5;
	vm4 =	vlt.f32 v5, s5;
	v4 =	vmax.f32 v3, v5;
	v5 =	vld [tilespmem:$0x1FDD0]  }
0x1f2: {  	v2 =	vadd.s32 v31, v2  }
0x1f3: {  	v2 =	vadd.s32 v33, v2;
	v57 =	vsel vm15, $0x1, v45;
	v3 =	vsel vm4, v4, v3  }
0x1f4: {  	vm15 =	veq.f32 v8, s5;
	vm6 =	vlt.f32 v8, s5;
	v4 =	vmax.f32 v3, v8;
	v8 =	vld [tilespmem:$0x1FDE0]  }
0x1f5: {  	v2 =	vadd.s32 v0, v2;
	v56 =	vsel vm5, $0x1, v45;
	v3 =	vsel vm6, v4, v3  }
0x1f6: {  	vm5 =	veq.f32 v5, s5;
	vm8 =	vlt.f32 v5, s5;
	v4 =	vmax.f32 v3, v5;
	v5 =	vld [tilespmem:$0x1FDF0]  }
0x1f7: {  	v2 =	vadd.s32 v55, v2  }
0x1f8: {  	v2 =	vadd.s32 v25, v2;
	v41 =	vsel vm7, $0x1, v45;
	v3 =	vsel vm8, v4, v3  }
0x1f9: {  	vm7 =	veq.f32 v8, s5;
	vm10 =	vlt.f32 v8, s5;
	v4 =	vmax.f32 v3, v8;
	v8 =	vld [tilespmem:$0x1FE00]  }
0x1fa: {  	v2 =	vadd.s32 v57, v2;
	v42 =	vsel vm9, $0x1, v45;
	v3 =	vsel vm10, v4, v3  }
0x1fb: {  	vm9 =	veq.f32 v5, s5;
	vm12 =	vlt.f32 v5, s5;
	v4 =	vmax.f32 v3, v5;
	v5 =	vld [tilespmem:$0x1FE10]  }
0x1fc: {  	v2 =	vadd.s32 v56, v2  }
0x1fd: {  	v2 =	vadd.s32 v41, v2;
	v34 =	vsel vm11, $0x1, v45;
	v3 =	vsel vm12, v4, v3  }
0x1fe: {  	vm11 =	veq.f32 v8, s5;
	vm14 =	vlt.f32 v8, s5;
	v4 =	vmax.f32 v3, v8;
	v8 =	vld [tilespmem:$0x1FE20]  }
0x1ff: {  	v2 =	vadd.s32 v42, v2;
	v35 =	vsel vm13, $0x1, v45;
	v3 =	vsel vm14, v4, v3  }
0x200: {  	vm13 =	veq.f32 v5, s5;
	vm4 =	vlt.f32 v5, s5;
	v4 =	vmax.f32 v3, v5;
	v5 =	vld [tilespmem:$0x1FE30]  }
0x201: {  	v2 =	vadd.s32 v34, v2  }
0x202: {  	v9 =	vld [tilespmem:$0x1FE40];
	v2 =	vadd.s32 v35, v2;
	v3 =	vsel vm4, v4, v3  }
0x203: {  	v23 =	vsel vm15, $0x1, v45;
	vm6 =	vlt.f32 v8, s5;
	v4 =	vmax.f32 v3, v8  }
0x204: {  	v2 =	vadd.s32 v23, v2;
	v27 =	vsel vm5, $0x1, v45;
	v3 =	vsel vm6, v4, v3  }
0x205: {  	vm5 =	veq.f32 v5, s5;
	vm8 =	vlt.f32 v5, s5;
	v4 =	vmax.f32 v3, v5;
	v5 =	vld [tilespmem:$0x1FE50]  }
0x206: {  	v11 =	vld [tilespmem:$0x1FE60];
	v2 =	vadd.s32 v27, v2  }
0x207: {  	v26 =	vsel vm7, $0x1, v45;
	vm10 =	vlt.f32 v9, s5;
	v3 =	vsel vm8, v4, v3  }
0x208: {  	v2 =	vadd.s32 v26, v2;
	v28 =	vsel vm9, $0x1, v45;
	v4 =	vmax.f32 v3, v9  }
0x209: {  	vm7 =	veq.f32 v9, s5;
	v2 =	vadd.s32 v28, v2;
	v3 =	vsel vm10, v4, v3  }
0x20a: {  	vm9 =	veq.f32 v5, s5;
	vm12 =	vlt.f32 v5, s5;
	v4 =	vmax.f32 v3, v5;
	v5 =	vld [tilespmem:$0x1FE70]  }
0x20b: {  	v20 =	vld [tilespmem:$0x1FE80];
	v16 =	vsel vm11, $0x1, v45;
	vm11 =	veq.f32 v11, s5;
	vm14 =	vlt.f32 v11, s5  }
0x20c: {  	v2 =	vadd.s32 v16, v2;
	v10 =	vsel vm11, $0x1, v45;
	v3 =	vsel vm12, v4, v3  }
0x20d: {  	v15 =	vld [tilespmem:$0x1FE90];
	v18 =	vsel vm13, $0x1, v45;
	vm15 =	veq.f32 v8, s5;
	v4 =	vmax.f32 v3, v11  }
0x20e: {  	v2 =	vadd.s32 v18, v2;
	v17 =	vsel vm15, $0x1, v45;
	v3 =	vsel vm14, v4, v3  }
0x20f: {  	vm13 =	veq.f32 v5, s5;
	vm4 =	vlt.f32 v5, s5;
	v5 =	vmax.f32 v3, v5  }
0x210: {  	vm15 =	veq.f32 v20, s5;
	vm6 =	vlt.f32 v20, s5;
	v3 =	vsel vm4, v5, v3  }
0x211: {  	v2 =	vadd.s32 v17, v2;
	v19 =	vsel vm5, $0x1, v45;
	v54 =	vmax.f32 v3, v20;
	v20 =	vld [tilespmem:$0x1FEA0]  }
0x212: {  	v8 =	vsel vm7, $0x1, v45;
	vm5 =	veq.f32 v15, s5;
	v2 =	vadd.s32 v19, v2  }
0x213: {  	v2 =	vadd.s32 v8, v2;
	v9 =	vsel vm9, $0x1, v45;
	v3 =	vsel vm6, v54, v3  }
0x214: {  	vm8 =	vlt.f32 v15, s5;
	v2 =	vadd.s32 v9, v2;
	v58 =	vmax.f32 v3, v15  }
0x215: {  	v2 =	vadd.s32 v10, v2;
	v11 =	vsel vm13, $0x1, v45;
	v15 =	vld [tilespmem:$0x1FEB0];
	v58 =	vsel vm8, v58, v3  }
0x216: {  	vm7 =	veq.f32 v20, s5;
	vm10 =	vlt.f32 v20, s5;
	v59 =	vmax.f32 v58, v20;
	v20 =	vld [tilespmem:$0x1FEC0]  }
0x217: {  	v4 =	vsel vm15, $0x1, v45;
	v2 =	vadd.s32 v11, v2  }
0x218: {  	v5 =	vsel vm5, $0x1, v45;
	v2 =	vadd.s32 v4, v2  }
0x219: {  	v61 =	vadd.s32 v5, v2;
	v2 =	vsel vm7, $0x1, v45  }
0x21a: {  	v59 =	vsel vm10, v59, v58;
	v54 =	vadd.s32 v2, v61;
	vm9 =	veq.f32 v15, s5  }
0x21b: {  	vm12 =	vlt.f32 v15, s5;
	v3 =	vsel vm9, $0x1, v45;
	vm11 =	veq.f32 v20, s5  }
0x21c: {  	v60 =	vmax.f32 v59, v15;
	v54 =	vadd.s32 v3, v54;
	v15 =	vsel vm11, $0x1, v45  }
0x21d: {  	[tilespmem:$0x1FBB0] =	vst v15;
	v54 =	vadd.s32 v15, v54;
	v15 =	vld [tilespmem:$0x1FED0];
	_ =	sdelay $0x4  }
0x21e: {  	v58 =	vld [tilespmem:$0x1FEF0];
	v60 =	vsel vm12, v60, v59;
	vm13 =	veq.f32 v15, s5  }
0x21f: {  	v59 =	vld [tilespmem:$0x1FF00];
	vm14 =	vlt.f32 v20, s5;
	v61 =	vmax.f32 v60, v20;
	v20 =	vsel vm13, $0x1, v45  }
0x220: {  	[tilespmem:$0x1FBC0] =	vst v20;
	v54 =	vadd.s32 v20, v54;
	v20 =	vld [tilespmem:$0x1FEE0];
	_ =	sdelay $0x2  }
0x221: {  	v60 =	vsel vm14, v61, v60;
	vm5 =	veq.f32 v58, s5  }
0x222: {  	vm8 =	vlt.f32 v58, s5;
	vm4 =	vlt.f32 v15, s5;
	v15 =	vmax.f32 v60, v15  }
0x223: {  	vm7 =	veq.f32 v59, s5;
	v15 =	vsel vm4, v15, v60;
	vm15 =	veq.f32 v20, s5  }
0x224: {  	vm6 =	vlt.f32 v20, s5;
	v20 =	vmax.f32 v15, v20;
	v61 =	vsel vm15, $0x1, v45  }
0x225: {  	v60 =	vsel vm5, $0x1, v45;
	v15 =	vsel vm6, v20, v15;
	v54 =	vadd.s32 v61, v54  }
0x226: {  	v20 =	vadd.s32 v60, v54;
	v54 =	vmax.f32 v15, v58;
	v58 =	vsel vm7, $0x1, v45  }
0x227: {  	[tilespmem:$0x1FBD0] =	vst v58;
	v20 =	vadd.s32 v58, v20;
	v58 =	vld [tilespmem:$0x1FF10];
	_ =	sdelay $0x4  }
0x228: {  	v15 =	vsel vm8, v54, v15;
	vm9 =	veq.f32 v58, s5  }
0x229: {  	vm10 =	vlt.f32 v59, s5;
	v54 =	vmax.f32 v15, v59;
	v59 =	vsel vm9, $0x1, v45  }
0x22a: {  	[tilespmem:$0x1FBE0] =	vst v59;
	v20 =	vadd.s32 v59, v20;
	v59 =	vld [tilespmem:$0x1FF20];
	_ =	sdelay $0x4  }
0x22b: {  	v15 =	vsel vm10, v54, v15;
	vm11 =	veq.f32 v59, s5  }
0x22c: {  	vm12 =	vlt.f32 v58, s5;
	v54 =	vmax.f32 v15, v58;
	v58 =	vsel vm11, $0x1, v45  }
0x22d: {  	[tilespmem:$0x1FBF0] =	vst v58;
	v20 =	vadd.s32 v58, v20;
	v58 =	vld [tilespmem:$0x1FF30];
	_ =	sdelay $0x4  }
0x22e: {  	v15 =	vsel vm12, v54, v15;
	vm13 =	veq.f32 v58, s5  }
0x22f: {  	vm14 =	vlt.f32 v59, s5;
	v54 =	vmax.f32 v15, v59;
	v59 =	vsel vm13, $0x1, v45  }
0x230: {  	[tilespmem:$0x1FC00] =	vst v59;
	v20 =	vadd.s32 v59, v20;
	v59 =	vld [tilespmem:$0x1FF40];
	_ =	sdelay $0x4  }
0x231: {  	v15 =	vsel vm14, v54, v15;
	vm15 =	veq.f32 v59, s5  }
0x232: {  	vm4 =	vlt.f32 v58, s5;
	v54 =	vmax.f32 v15, v58;
	v58 =	vsel vm15, $0x1, v45  }
0x233: {  	[tilespmem:$0x1FC10] =	vst v58;
	v20 =	vadd.s32 v58, v20;
	v58 =	vld [tilespmem:$0x1FF50];
	_ =	sdelay $0x4  }
0x234: {  	v15 =	vsel vm4, v54, v15;
	vm5 =	veq.f32 v58, s5  }
0x235: {  	vm6 =	vlt.f32 v59, s5;
	v54 =	vmax.f32 v15, v59;
	v59 =	vsel vm5, $0x1, v45  }
0x236: {  	[tilespmem:$0x1FC20] =	vst v59;
	v20 =	vadd.s32 v59, v20;
	v59 =	vld [tilespmem:$0x1FF60];
	_ =	sdelay $0x4  }
0x237: {  	v15 =	vsel vm6, v54, v15;
	vm7 =	veq.f32 v59, s5  }
0x238: {  	vm8 =	vlt.f32 v58, s5;
	v54 =	vmax.f32 v15, v58;
	v58 =	vsel vm7, $0x1, v45  }
0x239: {  	[tilespmem:$0x1FC30] =	vst v58;
	v20 =	vadd.s32 v58, v20;
	v58 =	vld [tilespmem:$0x1FF70];
	_ =	sdelay $0x4  }
0x23a: {  	v15 =	vsel vm8, v54, v15;
	vm9 =	veq.f32 v58, s5  }
0x23b: {  	vm10 =	vlt.f32 v59, s5;
	v54 =	vmax.f32 v15, v59;
	v59 =	vsel vm9, $0x1, v45  }
0x23c: {  	[tilespmem:$0x1FC40] =	vst v59;
	v20 =	vadd.s32 v59, v20;
	v59 =	vld [tilespmem:$0x1FF80];
	_ =	sdelay $0x4  }
0x23d: {  	v15 =	vsel vm10, v54, v15;
	vm11 =	veq.f32 v59, s5  }
0x23e: {  	vm12 =	vlt.f32 v58, s5;
	v54 =	vmax.f32 v15, v58;
	v58 =	vsel vm11, $0x1, v45  }
0x23f: {  	[tilespmem:$0x1FC50] =	vst v58;
	v20 =	vadd.s32 v58, v20;
	v58 =	vld [tilespmem:$0x1FF90];
	_ =	sdelay $0x4  }
0x240: {  	v15 =	vsel vm12, v54, v15;
	vm13 =	veq.f32 v58, s5  }
0x241: {  	vm14 =	vlt.f32 v59, s5;
	v54 =	vmax.f32 v15, v59;
	v59 =	vsel vm13, $0x1, v45  }
0x242: {  	[tilespmem:$0x1FC60] =	vst v59;
	v20 =	vadd.s32 v59, v20;
	v59 =	vld [tilespmem:$0x1FFA0];
	_ =	sdelay $0x4  }
0x243: {  	v15 =	vsel vm14, v54, v15;
	vm15 =	veq.f32 v59, s5  }
0x244: {  	vm4 =	vlt.f32 v58, s5;
	v54 =	vmax.f32 v15, v58;
	v58 =	vsel vm15, $0x1, v45  }
0x245: {  	[tilespmem:$0x1FC70] =	vst v58;
	v20 =	vadd.s32 v58, v20;
	v58 =	vld [tilespmem:$0x1FFB0];
	_ =	sdelay $0x4  }
0x246: {  	v15 =	vsel vm4, v54, v15;
	vm5 =	veq.f32 v58, s5  }
0x247: {  	vm6 =	vlt.f32 v59, s5;
	v54 =	vmax.f32 v15, v59;
	v59 =	vsel vm5, $0x1, v45  }
0x248: {  	[tilespmem:$0x1FC80] =	vst v59;
	v20 =	vadd.s32 v59, v20;
	v59 =	vld [tilespmem:$0x1FFC0];
	_ =	sdelay $0x4  }
0x249: {  	v15 =	vsel vm6, v54, v15;
	vm7 =	veq.f32 v59, s5  }
0x24a: {  	vm8 =	vlt.f32 v58, s5;
	v54 =	vmax.f32 v15, v58;
	v58 =	vsel vm7, $0x1, v45  }
0x24b: {  	[tilespmem:$0x1FC90] =	vst v58;
	v20 =	vadd.s32 v58, v20;
	v58 =	vld [tilespmem:$0x1FFD0];
	_ =	sdelay $0x4  }
0x24c: {  	v15 =	vsel vm8, v54, v15;
	vm9 =	veq.f32 v58, s5  }
0x24d: {  	vm10 =	vlt.f32 v59, s5;
	v54 =	vmax.f32 v15, v59;
	v59 =	vsel vm9, $0x1, v45  }
0x24e: {  	[tilespmem:$0x1FCA0] =	vst v59;
	v20 =	vadd.s32 v59, v20;
	v59 =	vld [tilespmem:$0x1FFE0];
	_ =	sdelay $0x4  }
0x24f: {  	v15 =	vsel vm10, v54, v15;
	vm11 =	veq.f32 v59, s5  }
0x250: {  	vm12 =	vlt.f32 v58, s5;
	v54 =	vmax.f32 v15, v58;
	v58 =	vsel vm11, $0x1, v45  }
0x251: {  	[tilespmem:$0x1FCB0] =	vst v58;
	v20 =	vadd.s32 v58, v20;
	v58 =	vld [tilespmem:$0x1FFF0];
	_ =	sdelay $0x4  }
0x252: {  	v15 =	vsel vm12, v54, v15;
	vm13 =	veq.f32 v58, s5  }
0x253: {  	vm14 =	vlt.f32 v59, s5;
	v54 =	vmax.f32 v15, v59;
	v59 =	vsel vm13, $0x1, v45  }
0x254: {  	v20 =	vadd.s32 v59, v20  }
0x255: {  	(xrf0) =	vadd.scan.msk.s32 $0xffff, v20  }
0x256: {  	v15 =	vsel vm14, v54, v15  }
0x257: {  	vm15 =	vlt.f32 v58, s5;
	v20 =	vmax.f32 v15, v58  }
0x258: {  	v15 =	vsel vm15, v20, v15;
	_ =	sdelay $0x2  }
0x259: {  	(xrf0) =	vmax.scan.msk.f32 $0xffff, v15;
	v15, _, _ =	vpop (xrf0)  }
0x25a: {  	(v2sf) =	vpush v15, $0xF;
	_ =	sdelay $0x4  }
0x25b: {  	v15, _, _ =	vpop (xrf0)  }
0x25c: {  	(v2sf) =	vpush v15, $0xF;
	_ =	sdelay $0x8  }
0x25d: {  	s31 =	spop (v2sf)  }
0x25e: {  	s2 =	smov.u32 s3;
	s3 =	sadd.s32 s3, s31  }
0x25f: {  	p1 =	slt.s32 s3, $0x40  }
.Ltmp5:
0x260: {  	_ = 	snop;
	(pc) =	sbr.rel @p1 .LBB2_12-.Ltmp5, $3  }
0x261: {  	_ =	sdelay $0x1  }
0x262: {  	s4 =	smov.u32 s5;
	s5 =	spop (v2sf);
	p0 =	sgt.s32 s3, $0x3F  }
0x263: {  	s5 =	smov.u32 @p0 s4;
	s3 =	smov.u32 @p0 s2  }
0x264: {  	(xrf0) =	vadd.scan.msk.s32 $0xffff, v46  }
0x265: {  	(xrf0) =	vadd.scan.msk.s32 $0xffff, v47  }
0x266: {  	(xrf0) =	vadd.scan.msk.s32 $0xffff, v12  }
0x267: {  	(xrf0) =	vadd.scan.msk.s32 $0xffff, v14;
	_ =	sdelay $0x2  }
0x268: {  	v14, _, _ =	vpop (xrf0)  }
0x269: {  	(v2sf) =	vpush v14, $0xF;
	v15, _, _ =	vpop (xrf0)  }
0x26a: {  	(v2sf) =	vpush v15, $0xF;
	v20, _, _ =	vpop (xrf0)  }
0x26b: {  	(v2sf) =	vpush v20, $0xF;
	v45, _, _ =	vpop (xrf0)  }
0x26c: {  	(v2sf) =	vpush v45, $0xF;
	_ =	sdelay $0x5  }
0x26d: {  	v47 =	vsub.f32 $1.000000000e+00, v29;
	(xrf0) =	vadd.scan.msk.s32 $0xffff, v13  }
0x26e: {  	(xrf0) =	vadd.scan.msk.s32 $0xffff, v51  }
0x26f: {  	v12 =	vadd.f32 $9.999999970e-07, v47;
	(xrf0) =	vadd.scan.msk.s32 $0xffff, v52  }
0x270: {  	v51 =	vsub.f32 $1.000000000e+00, v63  }
0x271: {  	v58 =	vmov s4;
	(erf) = vrcp.f32 v12;
	(xrf0) =	vadd.scan.msk.s32 $0xffff, v53  }
0x272: {  	vm0 =	veq.f32 v29, v58;
	v52 =	vadd.f32 $9.999999970e-07, v51  }
0x273: {  	vm1 =	vgt.f32 v29, v58;
	vm3 =	veq.f32 v63, v58;
	vm4 =	vgt.f32 v63, v58;
	v13, _, _ =	vpop (xrf0);
	s3 =	spop (v2sf)  }
0x274: {  	s2 =	ssub.s32 $0x40, s2;
	v53 =	vsub.f32 $1.000000000e+00, v62;
	(erf) = vrcp.f32 v52;
	v46, _, _ =	vpop (xrf0);
	(v2sf) =	vpush v13, $0xF;
	s5 =	spop (v2sf)  }
0x275: {  	p0 =	sgt.s32 s2, $0x0;
	vm11 =	veq.f32 v62, v58;
	vm12 =	vgt.f32 v62, v58;
	v51, _, _ =	vpop (xrf0);
	(v2sf) =	vpush v46, $0xF;
	s7 =	sadd.s32 s5, s3;
	s18 =	spop (v2sf)  }
0x276: {  	v47 =	vadd.f32 $9.999999970e-07, v53;
	v52 =	vbroadcast v14, $0xF;
	s5 =	smov.u32 s2;
	(v2sf) =	vpush v51, $0xF;
	s6 =	sadd.s32 s18, s7;
	s19 =	spop (v2sf)  }
0x277: {  	vm15 =	veq.f32 v50, v58;
	vm8 =	vgt.f32 v50, v58;
	vm6 =	veq.f32 v32, v58;
	s5 =	simm.s32 @!p0 $0x0;
	s3 =	sadd.s32 s19, s6;
	v12, _, _ =	vpop (xrf0)  }
0x278: {  	v54 =	vadd.s32 v15, v52;
	p0 =	slt.s32 s3, s5;
	(erf) = vrcp.f32 v47;
	v29 =	vld [tilespmem:$0x7D40];
	v47 =	vsub.f32 $1.000000000e+00, v50  }
0x279: {  	v52 =	vsub.f32 $1.000000000e+00, v49;
	v20 =	vadd.s32 s7, v20;
	(v2sf) =	vpush v12, $0xF;
	v15 =	vld [tilespmem:$0x7D50];
	s5 =	smov.u32 @p0 s3  }
0x27a: {  	vm2 =	vle.s32 v14, s5;
	vm5 =	vle.s32 v54, s5;
	v14 =	vpop (erf);
	v47 =	vadd.f32 $9.999999970e-07, v47  }
0x27b: {  	vm13 =	vle.s32 v20, s5;
	vm0 =	vmand vm0, vm2;
	v63 =	vadd.f32 $0.0e+00, v14  }
0x27c: {  	vm9 =	vmand vm3, vm5;
	vm14 =	vmand vm11, vm13;
	vm0 =	vmor vm1, vm0  }
0x27d: {  	v53 =	vpop (erf);
	vm10 =	vmor vm4, vm9;
	v14 =	vmul.f32 v29, v14;
	v29 =	vnsel vm0, $0x0, v63  }
0x27e: {  	v54 =	vld [tilespmem:$0x7D60];
	v63 =	vnsel vm10, $0x0, v53;
	v15 =	vmul.f32 v15, v53;
	v53 =	vadd.f32 $9.999999970e-07, v52  }
0x27f: {  	(xrf0) =	vadd.scan.msk.s32 $0xffff, v40;
	(erf) = vrcp.f32 v47;
	v52 =	vsub.f32 $1.000000000e+00, v48;
	v14 =	vadd.f32 $0.0e+00, v14  }
0x280: {  	(xrf0) =	vadd.scan.msk.s32 $0xffff, v6;
	vm11 =	vgt.f32 v49, v58;
	v29 =	vadd.f32 v63, v29;
	v15 =	vnsel vm10, $0x0, v15  }
0x281: {  	(xrf0) =	vadd.scan.msk.s32 $0xffff, v7;
	v7 =	vadd.f32 $9.999999970e-07, v52;
	vm10 =	veq.f32 v49, v58;
	v14 =	vnsel vm0, $0x0, v14  }
0x282: {  	v62 =	vpop (erf);
	vm0 =	vmor vm12, vm14;
	(erf) = vrcp.f32 v53;
	vm14 =	veq.f32 v48, v58  }
0x283: {  	v63 =	vmul.f32 v54, v62;
	v14 =	vadd.f32 v15, v14;
	v54 =	vsub.f32 $1.000000000e+00, v43  }
0x284: {  	v53 =	vld [tilespmem:$0x7D70];
	v20 =	vnsel vm0, $0x0, v62;
	v62 =	vadd.s32 s6, v45;
	(erf) = vrcp.f32 v7  }
0x285: {  	(xrf0) =	vadd.scan.msk.s32 $0xffff, v44;
	v40, _, _ =	vpop (xrf0);
	s20 =	spop (v2sf);
	v15 =	vadd.f32 v29, v20;
	vm9 =	vle.s32 v62, s5;
	v20 =	vadd.f32 $9.999999970e-07, v54  }
0x286: {  	(v2sf) =	vpush v40, $0xF;
	s21 =	spop (v2sf);
	v47 =	vnsel vm0, $0x0, v63;
	vm0 =	vmand vm15, vm9  }
0x287: {  	s4 =	ssub.s32 s2, s3;
	s7 =	sadd.s32 s21, s20;
	s22 =	spop (v2sf);
	vm15 =	vgt.f32 v48, v58;
	vm9 =	veq.f32 v43, v58;
	v14 =	vadd.f32 v47, v14  }
0x288: {  	p0 =	sgt.s32 s4, $0x0;
	v49 =	vld [tilespmem:$0x7E40];
	s23 =	sadd.s32 s22, s7;
	vm0 =	vmor vm8, vm0;
	v47 =	vadd.s32 s7, v51;
	v63 =	vpop (erf);
	(erf) = vrcp.f32 v20;
	s24 =	spop (v2sf)  }
0x289: {  	s4 =	simm.s32 @!p0 $0x0;
	v50 =	vmul.f32 v53, v63;
	v29 =	vnsel vm0, $0x0, v63;
	v53 =	vsub.f32 $1.000000000e+00, v36;
	s6 =	sadd.s32 s24, s23;
	v20, _, _ =	vpop (xrf0)  }
0x28a: {  	v12 =	vadd.s32 s23, v12;
	v15 =	vadd.f32 v15, v29;
	p0 =	slt.s32 s6, s4;
	(v2sf) =	vpush v20, $0xF;
	v45, _, _ =	vpop (xrf0)  }
0x28b: {  	v44 =	vnsel vm0, $0x0, v50;
	v62 =	vadd.f32 $9.999999970e-07, v53;
	s4 =	smov.u32 @p0 s6;
	(v2sf) =	vpush v45, $0xF;
	v6, _, _ =	vpop (xrf0)  }
0x28c: {  	v52 =	vpop (erf);
	v14 =	vadd.f32 v44, v14;
	v44 =	vbroadcast v40, $0xF;
	vm12 =	vle.s32 v13, s4  }
0x28d: {  	(v2sf) =	vpush v6, $0xF;
	v7 =	vmul.f32 v49, v52;
	v13 =	vbroadcast v13, $0xF  }
0x28e: {  	(erf) = vrcp.f32 v62;
	v62 =	vsub.f32 $1.000000000e+00, v24;
	vm13 =	vmand vm10, vm12  }
0x28f: {  	v63 =	vld [tilespmem:$0x7E50];
	vm10 =	vgt.f32 v43, v58;
	vm0 =	vmor vm11, vm13;
	v13 =	vadd.s32 v46, v13  }
0x290: {  	v46 =	vsub.f32 $1.000000000e+00, v32;
	vm11 =	vle.s32 v47, s4;
	vm13 =	vle.s32 v12, s4  }
0x291: {  	v47 =	vsub.f32 $1.000000000e+00, v21;
	v54 =	vnsel vm0, $0x0, v52;
	v7 =	vnsel vm0, $0x0, v7  }
0x292: {  	vm8 =	vle.s32 v13, s4;
	vm12 =	vmand vm9, vm11;
	vm11 =	vgt.f32 v24, v58  }
0x293: {  	v48 =	vpop (erf);
	v15 =	vadd.f32 v15, v54;
	v7 =	vadd.f32 v7, v14;
	vm0 =	vmand vm14, vm8  }
0x294: {  	v49 =	vld [tilespmem:$0x7E60];
	v13 =	vadd.f32 $9.999999970e-07, v46;
	v14 =	vmul.f32 v63, v48;
	vm1 =	vmor vm10, vm12  }
0x295: {  	v51 =	vld [tilespmem:$0x7E70];
	vm14 =	veq.f32 v36, v58;
	v63 =	vsub.f32 $1.000000000e+00, v22;
	vm0 =	vmor vm15, vm0  }
0x296: {  	(xrf0) =	vadd.scan.msk.s32 $0xffff, v39;
	v50 =	vpop (erf);
	vm8 =	vgt.f32 v32, v58;
	v29 =	vnsel vm0, $0x0, v48;
	(erf) = vrcp.f32 v13  }
0x297: {  	vm10 =	veq.f32 v24, v58;
	v52 =	vnsel vm1, $0x0, v50;
	v15 =	vadd.f32 v15, v29  }
0x298: {  	(xrf0) =	vadd.scan.msk.s32 $0xffff, v38;
	vm15 =	vgt.f32 v36, v58;
	v36 =	vadd.f32 $9.999999970e-07, v47;
	v14 =	vnsel vm0, $0x0, v14  }
0x299: {  	v13 =	vmul.f32 v49, v50;
	v53 =	vadd.f32 v15, v52;
	v54 =	vpop (erf);
	v15 =	vadd.f32 $9.999999970e-07, v62  }
0x29a: {  	(xrf0) =	vadd.scan.msk.s32 $0xffff, v37;
	v37 =	vld [tilespmem:$0x7F40];
	vm0 =	vmand vm14, vm13;
	v39 =	vadd.f32 $9.999999970e-07, v63;
	v29 =	vmul.f32 v51, v54  }
0x29b: {  	(xrf0) =	vadd.scan.msk.s32 $0xffff, v1;
	s25 =	spop (v2sf);
	vm13 =	veq.f32 v22, v58;
	v63 =	vld [tilespmem:$0x1FCC0];
	v7 =	vadd.f32 v14, v7;
	(erf) = vrcp.f32 v15  }
0x29c: {  	s3 =	sadd.s32 s6, s3;
	vm14 =	vgt.f32 v22, v58;
	vm0 =	vmor vm15, vm0;
	v13 =	vnsel vm1, $0x0, v13;
	v14, _, _ =	vpop (xrf0);
	s26 =	spop (v2sf)  }
0x29d: {  	s5 =	ssub.s32 s2, s3;
	v7 =	vadd.f32 v13, v7;
	v12 =	vnsel vm0, $0x0, v54;
	(v2sf) =	vpush v14, $0xF;
	s28 =	sadd.s32 s26, s25;
	s29 =	spop (v2sf)  }
0x29e: {  	p0 =	sgt.s32 s5, $0x0;
	v12 =	vadd.f32 v53, v12;
	v38 =	vnsel vm0, $0x0, v29;
	(erf) = vrcp.f32 v39;
	v29, _, _ =	vpop (xrf0);
	s30 =	sadd.s32 s29, s28;
	s31 =	spop (v2sf)  }
0x29f: {  	s5 =	simm.s32 @!p0 $0x0;
	v15 =	vadd.s32 v20, v44;
	v7 =	vadd.f32 v38, v7;
	v43 =	vpop (erf);
	(v2sf) =	vpush v29, $0xF;
	s4 =	sadd.s32 s31, s30  }
0x2a0: {  	v48 =	vld [tilespmem:$0x7F50];
	(erf) = vrcp.f32 v36;
	v36 =	vsub.f32 $1.000000000e+00, v63;
	v46 =	vmul.f32 v37, v43;
	v37, _, _ =	vpop (xrf0);
	p0 =	slt.s32 s4, s5  }
0x2a1: {  	v49 =	vadd.s32 s28, v45;
	v6 =	vadd.s32 s30, v6;
	(v2sf) =	vpush v37, $0xF;
	v1, _, _ =	vpop (xrf0);
	s5 =	smov.u32 @p0 s4  }
0x2a2: {  	v39 =	vadd.f32 $9.999999970e-07, v36;
	(v2sf) =	vpush v1, $0xF;
	vm7 =	vle.s32 v40, s5  }
0x2a3: {  	v51 =	vld [tilespmem:$0x7F60];
	vm9 =	vle.s32 v15, s5;
	vm12 =	vle.s32 v49, s5;
	vm0 =	vmand vm6, vm7  }
0x2a4: {  	v50 =	vpop (erf);
	vm1 =	vmand vm13, vm12;
	vm6 =	vle.s32 v6, s5;
	vm7 =	veq.f32 v21, v58  }
0x2a5: {  	(erf) = vrcp.f32 v39;
	vm0 =	vmor vm8, vm0;
	v20 =	vmul.f32 v48, v50  }
0x2a6: {  	v40 =	vld [tilespmem:$0x1FCD0];
	vm15 =	vmor vm14, vm1;
	vm8 =	vgt.f32 v21, v58;
	vm1 =	vmand vm7, vm6  }
0x2a7: {  	v53 =	vpop (erf);
	v13 =	vnsel vm0, $0x0, v43;
	v32 =	vnsel vm0, $0x0, v46;
	vm0 =	vmand vm10, vm9  }
0x2a8: {  	v62 =	vld [tilespmem:$0x7F70];
	v54 =	vnsel vm15, $0x0, v53;
	v38 =	vmul.f32 v51, v53;
	vm9 =	vmor vm8, vm1  }
0x2a9: {  	(xrf0) =	vadd.scan.msk.s32 $0xffff, v30;
	v48 =	vld [tilespmem:$0x1FCE0];
	vm10 =	veq.f32 v63, v58;
	v51 =	vbroadcast v14, $0xF;
	v12 =	vadd.f32 v12, v13  }
0x2aa: {  	v7 =	vadd.f32 v32, v7;
	vm0 =	vmor vm11, vm0;
	vm11 =	vgt.f32 v63, v58  }
0x2ab: {  	(xrf0) =	vadd.scan.msk.s32 $0xffff, v31;
	v53 =	vld [tilespmem:$0x1FCF0];
	v13 =	vnsel vm0, $0x0, v50;
	v52 =	vnsel vm0, $0x0, v20;
	v43 =	vsub.f32 $1.000000000e+00, v40  }
0x2ac: {  	(xrf0) =	vadd.scan.msk.s32 $0xffff, v33;
	v44 =	vnsel vm15, $0x0, v38;
	v45 =	vpop (erf);
	vm13 =	veq.f32 v40, v58;
	v12 =	vadd.f32 v12, v13  }
0x2ad: {  	(xrf0) =	vadd.scan.msk.s32 $0xffff, v0;
	v50 =	vld [tilespmem:$0x8040];
	v7 =	vadd.f32 v52, v7;
	v46 =	vmul.f32 v62, v45;
	v15 =	vadd.f32 $9.999999970e-07, v43  }
0x2ae: {  	v38 =	vld [tilespmem:$0x1FD00];
	v6 =	vnsel vm9, $0x0, v45;
	v49 =	vsub.f32 $1.000000000e+00, v48;
	vm7 =	veq.f32 v48, v58  }
0x2af: {  	vm8 =	vgt.f32 v48, v58;
	v48 =	vld [tilespmem:$0x1FD10];
	v12 =	vadd.f32 v12, v54;
	v0 =	vadd.f32 v44, v7;
	v13, _, _ =	vpop (xrf0)  }
0x2b0: {  	s8 =	spop (v2sf);
	v47 =	vnsel vm9, $0x0, v46;
	v54 =	vsub.f32 $1.000000000e+00, v53;
	(v2sf) =	vpush v13, $0xF;
	v52 =	vpop (erf)  }
0x2b1: {  	s3 =	sadd.s32 s4, s3;
	(erf) = vrcp.f32 v15;
	v6 =	vadd.f32 v12, v6;
	v7 =	vadd.f32 v47, v0;
	s9 =	spop (v2sf);
	v15, _, _ =	vpop (xrf0)  }
0x2b2: {  	s4 =	ssub.s32 s2, s3;
	vm14 =	vgt.f32 v40, v58;
	v12 =	vadd.f32 $9.999999970e-07, v49;
	v22 =	vadd.f32 $9.999999970e-07, v54;
	s10 =	sadd.s32 s9, s8;
	v21, _, _ =	vpop (xrf0);
	s11 =	spop (v2sf)  }
0x2b3: {  	p0 =	sgt.s32 s4, $0x0;
	v39 =	vsub.f32 $1.000000000e+00, v38;
	v62 =	vmul.f32 v50, v52;
	(v2sf) =	vpush v15, $0xF;
	v0, _, _ =	vpop (xrf0);
	(xrf0) =	vadd.scan.msk.s32 $0xffff, v55;
	v55 =	vld [tilespmem:$0x1FD20];
	s5 =	sadd.s32 s11, s10;
	s12 =	spop (v2sf)  }
0x2b4: {  	s4 =	simm.s32 @!p0 $0x0;
	(erf) = vrcp.f32 v12;
	v12 =	vadd.s32 v29, v51;
	v49 =	vsub.f32 $1.000000000e+00, v48;
	s6 =	sadd.s32 s12, s5  }
0x2b5: {  	(v2sf) =	vpush v21, $0xF;
	(erf) = vrcp.f32 v22;
	v40 =	vadd.s32 s10, v37;
	p0 =	slt.s32 s6, s4  }
0x2b6: {  	(v2sf) =	vpush v0, $0xF;
	(xrf0) =	vadd.scan.msk.s32 $0xffff, v25;
	v50 =	vadd.f32 $9.999999970e-07, v49;
	v1 =	vadd.s32 s5, v1;
	s4 =	smov.u32 @p0 s6  }
0x2b7: {  	v37 =	vld [tilespmem:$0x1FD40];
	(xrf0) =	vadd.scan.msk.s32 $0xffff, v57;
	vm12 =	vle.s32 v14, s4;
	vm15 =	vle.s32 v12, s4;
	vm9 =	vle.s32 v40, s4  }
0x2b8: {  	(xrf0) =	vadd.scan.msk.s32 $0xffff, v56;
	v56 =	vsub.f32 $1.000000000e+00, v55;
	vm0 =	vmand vm10, vm12;
	vm5 =	vmand vm13, vm15  }
0x2b9: {  	v33 =	vld [tilespmem:$0x8060];
	vm10 =	vmand vm7, vm9;
	vm12 =	vgt.f32 v53, v58;
	vm13 =	vle.s32 v1, s4  }
0x2ba: {  	v63 =	vld [tilespmem:$0x8050];
	vm15 =	vgt.f32 v38, v58;
	vm7 =	vgt.f32 v48, v58;
	vm0 =	vmor vm11, vm0  }
0x2bb: {  	vm6 =	vmor vm14, vm5;
	vm11 =	veq.f32 v53, v58;
	vm14 =	veq.f32 v38, v58  }
0x2bc: {  	v47 =	vld [tilespmem:$0x8070];
	v32 =	vpop (erf);
	v25 =	vadd.f32 $9.999999970e-07, v56;
	v38 =	vsub.f32 $1.000000000e+00, v37;
	v14 =	vnsel vm0, $0x0, v52  }
0x2bd: {  	v12 =	vnsel vm0, $0x0, v62;
	v36 =	vnsel vm6, $0x0, v32;
	vm0 =	vmor vm8, vm10  }
0x2be: {  	v43 =	vpop (erf);
	vm10 =	veq.f32 v55, v58;
	v7 =	vadd.f32 v12, v7;
	v12 =	vadd.f32 $9.999999970e-07, v39  }
0x2bf: {  	v62 =	vld [tilespmem:$0x1FD30];
	v6 =	vadd.f32 v6, v14;
	v14 =	vmul.f32 v63, v32;
	v44 =	vmul.f32 v33, v43  }
0x2c0: {  	v45 =	vnsel vm0, $0x0, v43;
	v51 =	vpop (erf);
	v39 =	vadd.f32 $9.999999970e-07, v38;
	(erf) = vrcp.f32 v12  }
0x2c1: {  	v52 =	vmul.f32 v47, v51;
	v6 =	vadd.f32 v6, v36;
	v14 =	vnsel vm6, $0x0, v14  }
0x2c2: {  	v46 =	vnsel vm0, $0x0, v44;
	s13 =	spop (v2sf);
	vm0 =	vmand vm11, vm13;
	vm11 =	vgt.f32 v55, v58  }
0x2c3: {  	s3 =	sadd.s32 s6, s3;
	v55 =	vld [tilespmem:$0x1FD60];
	v7 =	vadd.f32 v14, v7;
	(erf) = vrcp.f32 v50;
	vm0 =	vmor vm12, vm0;
	s14 =	spop (v2sf)  }
0x2c4: {  	s5 =	ssub.s32 s2, s3;
	v6 =	vadd.f32 v6, v45;
	v12, _, _ =	vpop (xrf0);
	v54 =	vnsel vm0, $0x0, v51;
	v63 =	vsub.f32 $1.000000000e+00, v62;
	v51 =	vld [tilespmem:$0x1FD50];
	s7 =	sadd.s32 s14, s13;
	s15 =	spop (v2sf)  }
0x2c5: {  	p0 =	sgt.s32 s5, $0x0;
	vm6 =	veq.f32 v48, v58;
	v7 =	vadd.f32 v46, v7;
	(v2sf) =	vpush v12, $0xF;
	v22, _, _ =	vpop (xrf0);
	s16 =	sadd.s32 s15, s7;
	s17 =	spop (v2sf)  }
0x2c6: {  	s5 =	simm.s32 @!p0 $0x0;
	v53 =	vld [tilespmem:$0x8140];
	v14 =	vnsel vm0, $0x0, v52;
	(v2sf) =	vpush v22, $0xF;
	v29, _, _ =	vpop (xrf0);
	v6 =	vadd.f32 v6, v54;
	s6 =	sadd.s32 s17, s16  }
0x2c7: {  	(v2sf) =	vpush v29, $0xF;
	v1, _, _ =	vpop (xrf0);
	v7 =	vadd.f32 v14, v7;
	v40 =	vadd.s32 s7, v21;
	p0 =	slt.s32 s6, s5  }
0x2c8: {  	v56 =	vsub.f32 $1.000000000e+00, v55;
	(v2sf) =	vpush v1, $0xF;
	v0 =	vadd.s32 s16, v0;
	s5 =	smov.u32 @p0 s6  }
0x2c9: {  	v36 =	vld [tilespmem:$0x8150];
	v52 =	vsub.f32 $1.000000000e+00, v51;
	vm5 =	vle.s32 v13, s5;
	v57 =	vpop (erf);
	(erf) = vrcp.f32 v25  }
0x2ca: {  	v13 =	vbroadcast v13, $0xF;
	vm9 =	vle.s32 v40, s5;
	vm13 =	vle.s32 v0, s5  }
0x2cb: {  	v0 =	vadd.f32 $9.999999970e-07, v52;
	vm0 =	vmand vm14, vm5;
	v20 =	vmul.f32 v53, v57  }
0x2cc: {  	vm1 =	vmand vm10, vm9;
	vm14 =	veq.f32 v62, v58;
	vm9 =	veq.f32 v51, v58  }
0x2cd: {  	v43 =	vpop (erf);
	vm10 =	vgt.f32 v51, v58;
	vm0 =	vmor vm15, vm0;
	v13 =	vadd.s32 v15, v13  }
0x2ce: {  	(xrf0) =	vadd.scan.msk.s32 $0xffff, v41;
	v45 =	vmul.f32 v36, v43;
	vm12 =	vmor vm11, vm1;
	v14 =	vnsel vm0, $0x0, v57  }
0x2cf: {  	vm8 =	vle.s32 v13, s5;
	v6 =	vadd.f32 v6, v14;
	v14 =	vadd.f32 $9.999999970e-07, v63  }
0x2d0: {  	v44 =	vld [tilespmem:$0x8160];
	(xrf0) =	vadd.scan.msk.s32 $0xffff, v42;
	vm15 =	vgt.f32 v62, v58;
	v20 =	vnsel vm0, $0x0, v20;
	vm0 =	vmand vm6, vm8  }
0x2d1: {  	(xrf0) =	vadd.scan.msk.s32 $0xffff, v34;
	vm6 =	veq.f32 v37, v58;
	vm8 =	vgt.f32 v37, v58;
	v37 =	vld [tilespmem:$0x1FD70];
	(erf) = vrcp.f32 v14  }
0x2d2: {  	(xrf0) =	vadd.scan.msk.s32 $0xffff, v35;
	vm5 =	vmand vm14, vm13;
	v62 =	vadd.f32 $9.999999970e-07, v56;
	vm0 =	vmor vm7, vm0  }
0x2d3: {  	v7 =	vadd.f32 v20, v7;
	v13 =	vnsel vm0, $0x0, v43;
	(erf) = vrcp.f32 v39  }
0x2d4: {  	v34, _, _ =	vpop (xrf0);
	vm13 =	vgt.f32 v55, v58;
	v46 =	vnsel vm0, $0x0, v45;
	v6 =	vadd.f32 v6, v13;
	s18 =	spop (v2sf)  }
0x2d5: {  	s3 =	sadd.s32 s6, s3;
	v7 =	vadd.f32 v46, v7;
	(erf) = vrcp.f32 v0;
	v47 =	vpop (erf);
	(v2sf) =	vpush v34, $0xF;
	s19 =	spop (v2sf)  }
0x2d6: {  	v49 =	vld [tilespmem:$0x8170];
	v35, _, _ =	vpop (xrf0);
	s5 =	ssub.s32 s2, s3;
	v38 =	vsub.f32 $1.000000000e+00, v37;
	v48 =	vnsel vm12, $0x0, v47;
	v50 =	vmul.f32 v44, v47;
	s7 =	sadd.s32 s19, s18;
	s20 =	spop (v2sf)  }
0x2d7: {  	v52 =	vld [tilespmem:$0x1FD90];
	v24, _, _ =	vpop (xrf0);
	p0 =	sgt.s32 s5, $0x0;
	vm0 =	vmor vm15, vm5;
	(v2sf) =	vpush v35, $0xF;
	v6 =	vadd.f32 v6, v48;
	s21 =	sadd.s32 s20, s7;
	s22 =	spop (v2sf)  }
0x2d8: {  	v63 =	vld [tilespmem:$0x8240];
	s5 =	simm.s32 @!p0 $0x0;
	v20, _, _ =	vpop (xrf0);
	(v2sf) =	vpush v24, $0xF;
	v39 =	vadd.f32 $9.999999970e-07, v38;
	v13 =	vnsel vm12, $0x0, v50;
	s4 =	sadd.s32 s22, s21  }
0x2d9: {  	(v2sf) =	vpush v20, $0xF;
	vm12 =	veq.f32 v55, v58;
	v41 =	vadd.s32 s7, v29;
	p0 =	slt.s32 s4, s5  }
0x2da: {  	v40 =	vld [tilespmem:$0x8250];
	v7 =	vadd.f32 v13, v7;
	v1 =	vadd.s32 s21, v1;
	v53 =	vpop (erf);
	s5 =	smov.u32 @p0 s4;
	(erf) = vrcp.f32 v62  }
0x2db: {  	v54 =	vmul.f32 v49, v53;
	v13 =	vnsel vm0, $0x0, v53;
	vm7 =	vle.s32 v12, s5  }
0x2dc: {  	v33 =	vpop (erf);
	v12 =	vbroadcast v12, $0xF;
	(erf) = vrcp.f32 v39;
	vm14 =	vle.s32 v41, s5  }
0x2dd: {  	v53 =	vsub.f32 $1.000000000e+00, v52;
	v6 =	vadd.f32 v6, v13;
	v14 =	vmul.f32 v63, v33  }
0x2de: {  	v32 =	vld [tilespmem:$0x1FDB0];
	v44 =	vpop (erf);
	vm4 =	vmand vm12, vm14;
	v57 =	vnsel vm0, $0x0, v54;
	vm0 =	vmand vm6, vm7  }
0x2df: {  	v12 =	vadd.s32 v22, v12;
	v21 =	vmul.f32 v40, v44;
	vm6 =	veq.f32 v37, v58  }
0x2e0: {  	vm7 =	vgt.f32 v37, v58;
	v54 =	vadd.f32 $9.999999970e-07, v53;
	v0 =	vadd.f32 v57, v7  }
0x2e1: {  	v49 =	vld [tilespmem:$0x1FD80];
	vm0 =	vmor vm8, vm0;
	vm11 =	vle.s32 v12, s5;
	vm8 =	vle.s32 v1, s5  }
0x2e2: {  	v7 =	vbroadcast v34, $0xF;
	v36 =	vnsel vm0, $0x0, v33;
	vm1 =	vmand vm9, vm11  }
0x2e3: {  	v63 =	vld [tilespmem:$0x1FDA0];
	v43 =	vnsel vm0, $0x0, v14;
	vm0 =	vmand vm6, vm8;
	v33 =	vsub.f32 $1.000000000e+00, v32  }
0x2e4: {  	vm11 =	veq.f32 v52, v58;
	vm8 =	veq.f32 v32, v58;
	v6 =	vadd.f32 v6, v36  }
0x2e5: {  	(xrf0) =	vadd.scan.msk.s32 $0xffff, v23;
	v40 =	vld [tilespmem:$0x1FDC0];
	vm15 =	vmor vm10, vm1;
	v0 =	vadd.f32 v43, v0;
	vm1 =	vmor vm13, vm4  }
0x2e6: {  	v42 =	vld [tilespmem:$0x8260];
	(xrf0) =	vadd.scan.msk.s32 $0xffff, v27;
	v50 =	vsub.f32 $1.000000000e+00, v49;
	vm0 =	vmor vm7, vm0;
	vm9 =	veq.f32 v49, v58  }
0x2e7: {  	(xrf0) =	vadd.scan.msk.s32 $0xffff, v26;
	vm10 =	vgt.f32 v49, v58;
	vm13 =	vgt.f32 v52, v58;
	v7 =	vadd.s32 v35, v7  }
0x2e8: {  	(xrf0) =	vadd.scan.msk.s32 $0xffff, v28;
	v48 =	vld [tilespmem:$0x8270];
	v14 =	vnsel vm15, $0x0, v44;
	v46 =	vnsel vm15, $0x0, v21;
	v28 =	vsub.f32 $1.000000000e+00, v63  }
0x2e9: {  	v53 =	vld [tilespmem:$0x1FDE0];
	v23 =	vadd.f32 $9.999999970e-07, v33;
	vm5 =	veq.f32 v63, v58;
	v6 =	vadd.f32 v6, v14  }
0x2ea: {  	vm6 =	vgt.f32 v63, v58;
	v51 =	vadd.f32 $9.999999970e-07, v50;
	v41 =	vsub.f32 $1.000000000e+00, v40;
	v45 =	vpop (erf)  }
0x2eb: {  	v0 =	vadd.f32 v46, v0;
	v47 =	vnsel vm1, $0x0, v45;
	v12 =	vmul.f32 v42, v45  }
0x2ec: {  	v50 =	vld [tilespmem:$0x1FDD0];
	(erf) = vrcp.f32 v51;
	v55 =	vpop (erf);
	v43 =	vadd.f32 $9.999999970e-07, v41;
	v6 =	vadd.f32 v6, v47  }
0x2ed: {  	v27 =	vld [tilespmem:$0x1FDF0];
	s23 =	spop (v2sf);
	v14, _, _ =	vpop (xrf0);
	v56 =	vmul.f32 v48, v55;
	(erf) = vrcp.f32 v54;
	v57 =	vnsel vm0, $0x0, v55  }
0x2ee: {  	s3 =	sadd.s32 s4, s3;
	s24 =	spop (v2sf);
	(v2sf) =	vpush v14, $0xF;
	v15, _, _ =	vpop (xrf0);
	v54 =	vsub.f32 $1.000000000e+00, v53;
	v12 =	vnsel vm1, $0x0, v12  }
0x2ef: {  	s6 =	ssub.s32 s2, s3;
	s5 =	sadd.s32 s24, s23;
	s25 =	spop (v2sf);
	v29 =	vbroadcast v14, $0xF;
	(v2sf) =	vpush v15, $0xF;
	v0 =	vadd.f32 v12, v0  }
0x2f0: {  	p0 =	sgt.s32 s6, $0x0;
	v41 =	vld [tilespmem:$0x1FE00];
	s26 =	sadd.s32 s25, s5;
	s28 =	spop (v2sf);
	v22, _, _ =	vpop (xrf0);
	v42 =	vadd.s32 s5, v24;
	v1 =	vadd.f32 v6, v57;
	v12 =	vadd.f32 $9.999999970e-07, v28  }
0x2f1: {  	s6 =	simm.s32 @!p0 $0x0;
	v62 =	vnsel vm0, $0x0, v56;
	s4 =	sadd.s32 s28, s26;
	(v2sf) =	vpush v22, $0xF;
	v51 =	vsub.f32 $1.000000000e+00, v50  }
0x2f2: {  	v44 =	vadd.s32 s26, v20;
	v56 =	vadd.f32 $9.999999970e-07, v54;
	v28 =	vsub.f32 $1.000000000e+00, v27;
	p0 =	slt.s32 s4, s6  }
0x2f3: {  	v6 =	vadd.f32 v62, v0;
	(erf) = vrcp.f32 v12;
	s6 =	smov.u32 @p0 s4;
	v55 =	vadd.f32 $9.999999970e-07, v51  }
0x2f4: {  	v30 =	vld [tilespmem:$0x8340];
	vm12 =	vle.s32 v34, s6;
	vm14 =	vle.s32 v7, s6;
	vm4 =	vle.s32 v42, s6;
	v0, _, _ =	vpop (xrf0)  }
0x2f5: {  	v31 =	vld [tilespmem:$0x8350];
	(xrf0) =	vadd.scan.msk.s32 $0xffff, v16;
	vm7 =	vle.s32 v44, s6;
	v42 =	vsub.f32 $1.000000000e+00, v41;
	(v2sf) =	vpush v0, $0xF  }
0x2f6: {  	vm0 =	vmand vm9, vm12;
	vm15 =	vmand vm11, vm14;
	vm9 =	vgt.f32 v32, v58  }
0x2f7: {  	vm1 =	vmand vm8, vm7;
	vm11 =	veq.f32 v40, v58;
	vm12 =	vgt.f32 v40, v58  }
0x2f8: {  	vm8 =	vgt.f32 v50, v58;
	vm0 =	vmor vm10, vm0;
	v34 =	vpop (erf);
	(erf) = vrcp.f32 v23  }
0x2f9: {  	vm10 =	vmor vm9, vm1;
	v35 =	vmul.f32 v30, v34;
	v36 =	vnsel vm0, $0x0, v34;
	v37 =	vpop (erf)  }
0x2fa: {  	v39 =	vld [tilespmem:$0x8360];
	(xrf0) =	vadd.scan.msk.s32 $0xffff, v18;
	(erf) = vrcp.f32 v43;
	v43 =	vadd.f32 $9.999999970e-07, v42;
	v12 =	vmul.f32 v31, v37  }
0x2fb: {  	v44 =	vld [tilespmem:$0x1FE10];
	v57, _, _ =	vpop (xrf0);
	v1 =	vadd.f32 v1, v36;
	(erf) = vrcp.f32 v55;
	v31 =	vadd.f32 $9.999999970e-07, v28  }
0x2fc: {  	v55 =	vbroadcast v57, $0xF;
	v13 =	vnsel vm0, $0x0, v35;
	vm0 =	vmor vm13, vm15  }
0x2fd: {  	(xrf0) =	vadd.scan.msk.s32 $0xffff, v17;
	vm15 =	veq.f32 v50, v58;
	v6 =	vadd.f32 v13, v6;
	v38 =	vnsel vm0, $0x0, v37  }
0x2fe: {  	v12 =	vnsel vm0, $0x0, v12;
	vm0 =	vmand vm5, vm4;
	v1 =	vadd.f32 v1, v38  }
0x2ff: {  	v47 =	vld [tilespmem:$0x8370];
	vm0 =	vmor vm6, vm0;
	v45 =	vpop (erf);
	(erf) = vrcp.f32 v56;
	v6 =	vadd.f32 v12, v6  }
0x300: {  	v62 =	vld [tilespmem:$0x8440];
	(xrf0) =	vadd.scan.msk.s32 $0xffff, v19;
	v63, _, _ =	vpop (xrf0);
	v46 =	vmul.f32 v39, v45;
	v7 =	vnsel vm0, $0x0, v45;
	v45 =	vsub.f32 $1.000000000e+00, v44  }
0x301: {  	v32 =	vld [tilespmem:$0x8450];
	s29 =	spop (v2sf);
	v1 =	vadd.f32 v1, v7;
	(v2sf) =	vpush v57, $0xF;
	v49 =	vpop (erf);
	(erf) = vrcp.f32 v31  }
0x302: {  	s3 =	sadd.s32 s4, s3;
	s30 =	spop (v2sf);
	v48 =	vnsel vm0, $0x0, v46;
	(v2sf) =	vpush v63, $0xF;
	v52 =	vnsel vm10, $0x0, v49  }
0x303: {  	s4 =	ssub.s32 s2, s3;
	v25, _, _ =	vpop (xrf0);
	vm6 =	vgt.f32 v27, v58;
	s31 =	sadd.s32 s30, s29;
	s6 =	spop (v2sf);
	v6 =	vadd.f32 v48, v6;
	v1 =	vadd.f32 v1, v52;
	v52 =	vld [tilespmem:$0x1FE20]  }
0x304: {  	p0 =	sgt.s32 s4, $0x0;
	(v2sf) =	vpush v25, $0xF;
	s8 =	sadd.s32 s6, s31;
	v12 =	vmul.f32 v47, v49;
	v26 =	vpop (erf);
	(erf) = vrcp.f32 v43;
	s9 =	spop (v2sf)  }
0x305: {  	s4 =	simm.s32 @!p0 $0x0;
	v33 =	vadd.s32 s31, v22;
	v7 =	vmul.f32 v62, v26;
	v35 =	vpop (erf);
	v0 =	vadd.s32 s8, v0;
	s5 =	sadd.s32 s9, s8  }
0x306: {  	v40 =	vld [tilespmem:$0x8470];
	v18, _, _ =	vpop (xrf0);
	v12 =	vnsel vm10, $0x0, v12;
	vm10 =	veq.f32 v53, v58;
	v36 =	vmul.f32 v32, v35;
	p0 =	slt.s32 s5, s4  }
0x307: {  	v6 =	vadd.f32 v12, v6;
	v12 =	vadd.s32 v15, v29;
	(v2sf) =	vpush v18, $0xF;
	s4 =	smov.u32 @p0 s5  }
0x308: {  	v54 =	vld [tilespmem:$0x8540];
	vm4 =	veq.f32 v52, v58;
	vm5 =	vgt.f32 v52, v58;
	vm13 =	vle.s32 v14, s4  }
0x309: {  	v32 =	vld [tilespmem:$0x1FE50];
	v37 =	vpop (erf);
	vm9 =	vle.s32 v12, s4;
	vm7 =	vle.s32 v0, s4;
	v0 =	vadd.f32 $9.999999970e-07, v45  }
0x30a: {  	v46 =	vpop (erf);
	vm14 =	vmand vm11, vm13;
	vm11 =	vgt.f32 v53, v58;
	vm1 =	vmand vm15, vm9  }
0x30b: {  	(xrf0) =	vadd.scan.msk.s32 $0xffff, v8;
	vm15 =	veq.f32 v27, v58;
	v47 =	vmul.f32 v40, v46;
	v53 =	vsub.f32 $1.000000000e+00, v52  }
0x30c: {  	(xrf0) =	vadd.scan.msk.s32 $0xffff, v9;
	vm9 =	vgt.f32 v41, v58;
	vm0 =	vmor vm12, vm14;
	vm12 =	vle.s32 v33, s4  }
0x30d: {  	v34 =	vld [tilespmem:$0x8460];
	(xrf0) =	vadd.scan.msk.s32 $0xffff, v10;
	v17 =	vpop (erf);
	vm13 =	vmor vm8, vm1;
	(erf) = vrcp.f32 v0;
	vm8 =	veq.f32 v41, v58  }
0x30e: {  	(xrf0) =	vadd.scan.msk.s32 $0xffff, v11;
	v43 =	vld [tilespmem:$0x1FE70];
	v11 =	vmul.f32 v54, v17;
	v33 =	vsub.f32 $1.000000000e+00, v32;
	v30 =	vnsel vm0, $0x0, v26  }
0x30f: {  	v7 =	vnsel vm0, $0x0, v7;
	vm14 =	vmand vm10, vm12;
	v12 =	vnsel vm13, $0x0, v35  }
0x310: {  	v38 =	vnsel vm13, $0x0, v36;
	vm0 =	vmand vm15, vm7;
	v9 =	vadd.f32 $9.999999970e-07, v53  }
0x311: {  	vm12 =	vgt.f32 v44, v58;
	v1 =	vadd.f32 v1, v30;
	v6 =	vadd.f32 v7, v6  }
0x312: {  	v50, _, _ =	vpop (xrf0);
	vm1 =	vmor vm11, vm14;
	v7 =	vmul.f32 v34, v37;
	s10 =	spop (v2sf);
	vm0 =	vmor vm6, vm0  }
0x313: {  	v51, _, _ =	vpop (xrf0);
	v53 =	vld [tilespmem:$0x1FE80];
	(v2sf) =	vpush v50, $0xF;
	vm11 =	veq.f32 v44, v58;
	v44 =	vsub.f32 $1.000000000e+00, v43;
	s11 =	spop (v2sf)  }
0x314: {  	v39 =	vnsel vm1, $0x0, v37;
	(v2sf) =	vpush v51, $0xF;
	(erf) = vrcp.f32 v9;
	v37 =	vld [tilespmem:$0x1FE60];
	s12 =	sadd.s32 s11, s10  }
0x315: {  	v10, _, _ =	vpop (xrf0);
	v1 =	vadd.f32 v1, v12;
	v6 =	vadd.f32 v38, v6;
	v22 =	vadd.s32 s12, v25;
	v25 =	vld [tilespmem:$0x1FE40]  }
0x316: {  	v56 =	vld [tilespmem:$0x8550];
	s3 =	sadd.s32 s5, s3;
	v0, _, _ =	vpop (xrf0);
	(xrf0) =	vadd.scan.msk.s32 $0xffff, v4;
	v48 =	vnsel vm0, $0x0, v46;
	v7 =	vnsel vm1, $0x0, v7;
	s13 =	spop (v2sf);
	(v2sf) =	vpush v10, $0xF  }
0x317: {  	s4 =	ssub.s32 s2, s3;
	v49 =	vnsel vm0, $0x0, v47;
	(xrf0) =	vadd.scan.msk.s32 $0xffff, v5;
	v1 =	vadd.f32 v1, v39;
	v6 =	vadd.f32 v7, v6  }
0x318: {  	p0 =	sgt.s32 s4, $0x0;
	v12 =	vadd.s32 v63, v55;
	(xrf0) =	vadd.scan.msk.s32 $0xffff, v2;
	v2 =	vadd.f32 $9.999999970e-07, v33;
	s14 =	sadd.s32 s13, s12;
	v54 =	vsub.f32 $1.000000000e+00, v53;
	s15 =	spop (v2sf)  }
0x319: {  	v23 =	vld [tilespmem:$0x8560];
	s4 =	simm.s32 @!p0 $0x0;
	v7 =	vbroadcast v50, $0xF;
	v1 =	vadd.f32 v1, v48;
	v6 =	vadd.f32 v49, v6;
	s5 =	sadd.s32 s15, s14  }
0x31a: {  	v27 =	vadd.s32 s14, v18;
	v38 =	vsub.f32 $1.000000000e+00, v37;
	v20 =	vpop (erf);
	v26 =	vsub.f32 $1.000000000e+00, v25;
	p0 =	slt.s32 s5, s4  }
0x31b: {  	v7 =	vadd.s32 v51, v7;
	(v2sf) =	vpush v0, $0xF;
	v21 =	vmul.f32 v56, v20;
	s4 =	smov.u32 @p0 s5  }
0x31c: {  	v42 =	vadd.f32 $9.999999970e-07, v38;
	v29 =	vadd.f32 $9.999999970e-07, v26;
	vm10 =	vle.s32 v57, s4  }
0x31d: {  	v28 =	vpop (erf);
	vm13 =	vle.s32 v12, s4;
	vm15 =	vle.s32 v22, s4;
	vm7 =	vle.s32 v27, s4  }
0x31e: {  	v57 =	vld [tilespmem:$0x1FE30];
	v30 =	vmul.f32 v23, v28;
	vm0 =	vmand vm8, vm10;
	vm14 =	vmand vm11, vm13  }
0x31f: {  	vm10 =	veq.f32 v25, v58;
	vm0 =	vmor vm9, vm0;
	vm1 =	vmor vm12, vm14  }
0x320: {  	v26 =	vld [tilespmem:$0x1FEA0];
	vm12 =	vgt.f32 v25, v58;
	vm14 =	veq.f32 v37, v58;
	v12 =	vnsel vm0, $0x0, v17  }
0x321: {  	v11 =	vnsel vm0, $0x0, v11;
	v9 =	vnsel vm1, $0x0, v20;
	v24 =	vnsel vm1, $0x0, v21  }
0x322: {  	vm0 =	vmand vm4, vm15;
	vm15 =	veq.f32 v32, v58;
	v1 =	vadd.f32 v1, v12  }
0x323: {  	v39, _, _ =	vpop (xrf0);
	vm4 =	vgt.f32 v32, v58;
	v6 =	vadd.f32 v11, v6;
	v62 =	vsub.f32 $1.000000000e+00, v57  }
0x324: {  	vm0 =	vmor vm5, vm0;
	s16 =	spop (v2sf);
	(v2sf) =	vpush v39, $0xF;
	v11 =	vadd.f32 $9.999999970e-07, v44  }
0x325: {  	v40, _, _ =	vpop (xrf0);
	v27 =	vsub.f32 $1.000000000e+00, v26;
	vm6 =	veq.f32 v57, v58;
	v63 =	vadd.f32 $9.999999970e-07, v62  }
0x326: {  	v5 =	vnsel vm0, $0x0, v28;
	vm8 =	vgt.f32 v57, v58;
	s17 =	spop (v2sf);
	(v2sf) =	vpush v40, $0xF  }
0x327: {  	v34 =	vnsel vm0, $0x0, v30;
	v1 =	vadd.f32 v1, v9;
	(erf) = vrcp.f32 v63  }
0x328: {  	v33 =	vld [tilespmem:$0x1FEB0];
	s3 =	sadd.s32 s5, s3;
	v6 =	vadd.f32 v24, v6;
	vm1 =	vmand vm6, vm7;
	v12, _, _ =	vpop (xrf0);
	vm6 =	vgt.f32 v37, v58  }
0x329: {  	s4 =	ssub.s32 s2, s3;
	s18 =	sadd.s32 s17, s16;
	s19 =	spop (v2sf);
	v9 =	vadd.f32 $9.999999970e-07, v54;
	vm7 =	veq.f32 v53, v58;
	(v2sf) =	vpush v12, $0xF;
	v63 =	vld [tilespmem:$0x1FE90]  }
0x32a: {  	p0 =	sgt.s32 s4, $0x0;
	vm9 =	vmor vm8, vm1;
	s5 =	sadd.s32 s19, s18;
	v52 =	vadd.s32 s18, v10;
	(erf) = vrcp.f32 v29;
	s20 =	spop (v2sf)  }
0x32b: {  	(xrf0) =	vadd.scan.msk.s32 $0xffff, v3;
	s4 =	simm.s32 @!p0 $0x0;
	v3 =	vadd.f32 v34, v6;
	v6 =	vbroadcast v39, $0xF;
	(erf) = vrcp.f32 v2;
	s6 =	sadd.s32 s20, s5  }
0x32c: {  	v31 =	vld [tilespmem:$0x8570];
	vm8 =	veq.f32 v43, v58;
	v10 =	vadd.f32 $9.999999970e-07, v27;
	v1 =	vadd.f32 v1, v5;
	p0 =	slt.s32 s6, s4  }
0x32d: {  	v55 =	vld [tilespmem:$0x1FBB0];
	v0 =	vadd.s32 s5, v0;
	v34 =	vsub.f32 $1.000000000e+00, v33;
	v2 =	vadd.s32 v40, v6;
	s4 =	smov.u32 @p0 s6  }
0x32e: {  	v41 =	vld [tilespmem:$0x8640];
	v19 =	vsub.f32 $1.000000000e+00, v63;
	vm11 =	vle.s32 v50, s4;
	vm5 =	vle.s32 v52, s4  }
0x32f: {  	v57 =	vld [tilespmem:$0x1FBC0];
	vm13 =	vle.s32 v7, s4;
	vm0 =	vmand vm10, vm11;
	vm1 =	vmand vm14, vm5  }
0x330: {  	v46 =	vld [tilespmem:$0x8650];
	v22 =	vadd.f32 $9.999999970e-07, v19;
	vm10 =	vgt.f32 v43, v58;
	v35 =	vpop (erf);
	(erf) = vrcp.f32 v42  }
0x331: {  	vm14 =	veq.f32 v63, v58;
	vm5 =	vgt.f32 v26, v58;
	v36 =	vnsel vm9, $0x0, v35  }
0x332: {  	vm0 =	vmor vm12, vm0;
	vm1 =	vmor vm6, vm1;
	v5 =	vadd.f32 v1, v36;
	v1, _, _ =	vpop (xrf0);
	(xrf0) =	vadd.scan.msk.s32 $0xffff, v55  }
0x333: {  	v20 =	vld [tilespmem:$0x8670];
	v4 =	vmul.f32 v31, v35;
	v45 =	vpop (erf);
	(erf) = vrcp.f32 v11;
	(v2sf) =	vpush v1, $0xF  }
0x334: {  	v50 =	vld [tilespmem:$0x8660];
	vm12 =	vgt.f32 v53, v58;
	s21 =	spop (v2sf);
	v47 =	vmul.f32 v41, v45;
	v49 =	vpop (erf);
	v36 =	vadd.f32 $9.999999970e-07, v34;
	(xrf0) =	vadd.scan.msk.s32 $0xffff, v57  }
0x335: {  	s22 =	spop (v2sf);
	v41 =	vld [tilespmem:$0x1FEC0];
	v4 =	vnsel vm9, $0x0, v4;
	v51 =	vmul.f32 v46, v49;
	vm9 =	vle.s32 v0, s4;
	(xrf0) =	vadd.scan.msk.s32 $0xffff, v61  }
0x336: {  	s23 =	sadd.s32 s22, s21;
	v46 =	vld [tilespmem:$0x1FBD0];
	v3 =	vadd.f32 v4, v3;
	v4 =	vnsel vm0, $0x0, v45;
	v48 =	vnsel vm0, $0x0, v47  }
0x337: {  	vm0 =	vmand vm15, vm13;
	vm15 =	vgt.f32 v63, v58;
	v44 =	vadd.s32 s23, v12;
	v47 =	vld [tilespmem:$0x1FBE0]  }
0x338: {  	v57 =	vld [tilespmem:$0x1FEE0];
	s24 =	spop (v2sf);
	v4 =	vadd.f32 v5, v4;
	vm0 =	vmor vm4, vm0;
	vm4 =	veq.f32 v26, v58;
	v23, _, _ =	vpop (xrf0)  }
0x339: {  	s5 =	sadd.s32 s24, s23;
	v3 =	vadd.f32 v48, v3;
	v5 =	vnsel vm0, $0x0, v49;
	v56 =	vnsel vm0, $0x0, v51;
	v62 =	vpop (erf)  }
0x33a: {  	(xrf0) =	vadd.scan.msk.s32 $0xffff, v60;
	v1 =	vadd.s32 s5, v1;
	(erf) = vrcp.f32 v9;
	(v2sf) =	vpush v23, $0xF;
	v24, _, _ =	vpop (xrf0)  }
0x33b: {  	v4 =	vadd.f32 v4, v5;
	(erf) = vrcp.f32 v22;
	(v2sf) =	vpush v24, $0xF;
	v28, _, _ =	vpop (xrf0);
	(xrf0) =	vadd.scan.msk.s32 $0xffff, v46  }
0x33c: {  	v42 =	vsub.f32 $1.000000000e+00, v41;
	v3 =	vadd.f32 v56, v3;
	v7 =	vmul.f32 v50, v62;
	v21 =	vpop (erf);
	(xrf0) =	vadd.scan.msk.s32 $0xffff, v47  }
0x33d: {  	v60 =	vsub.f32 $1.000000000e+00, v57;
	v8 =	vnsel vm1, $0x0, v62;
	v50 =	vld [tilespmem:$0x1FED0];
	v5 =	vmul.f32 v20, v21  }
0x33e: {  	(v2sf) =	vpush v28, $0xF;
	v20 =	vld [tilespmem:$0x1FEF0];
	v7 =	vnsel vm1, $0x0, v7;
	vm1 =	vmand vm8, vm9  }
0x33f: {  	v29 =	vld [tilespmem:$0x8740];
	v6 =	vadd.f32 $9.999999970e-07, v42;
	v4 =	vadd.f32 v4, v8;
	vm1 =	vmor vm10, vm1  }
0x340: {  	s3 =	sadd.s32 s6, s3;
	v31 =	vld [tilespmem:$0x8750];
	v0, _, _ =	vpop (xrf0);
	vm9 =	vgt.f32 v33, v58;
	v3 =	vadd.f32 v7, v3;
	v25 =	vnsel vm1, $0x0, v21  }
0x341: {  	s4 =	ssub.s32 s2, s3;
	v49 =	vld [tilespmem:$0x1FBF0];
	v7 =	vbroadcast v23, $0xF;
	v5 =	vnsel vm1, $0x0, v5;
	v4 =	vadd.f32 v4, v25;
	v61, _, _ =	vpop (xrf0)  }
0x342: {  	p0 =	sgt.s32 s4, $0x0;
	vm10 =	veq.f32 v41, v58;
	v3 =	vadd.f32 v5, v3;
	v51 =	vsub.f32 $1.000000000e+00, v50;
	v62, _, _ =	vpop (xrf0);
	s25 =	spop (v2sf)  }
0x343: {  	s4 =	simm.s32 @!p0 $0x0;
	v7 =	vadd.s32 v24, v7;
	v21 =	vsub.f32 $1.000000000e+00, v20;
	v9 =	vbroadcast v61, $0xF;
	v30 =	vpop (erf);
	s7 =	sadd.s32 s25, s5  }
0x344: {  	(v2sf) =	vpush v0, $0xF;
	(erf) = vrcp.f32 v10;
	v35 =	vmul.f32 v29, v30;
	v37 =	vpop (erf);
	p0 =	slt.s32 s7, s4  }
0x345: {  	(erf) = vrcp.f32 v36;
	v9 =	vadd.s32 v62, v9;
	v38 =	vmul.f32 v31, v37;
	s4 =	smov.u32 @p0 s7  }
0x346: {  	(xrf0) =	vadd.scan.msk.s32 $0xffff, v49;
	vm11 =	vle.s32 v39, s4;
	vm13 =	vle.s32 v2, s4;
	vm6 =	vle.s32 v44, s4  }
0x347: {  	vm8 =	vle.s32 v1, s4;
	v1 =	vadd.f32 $9.999999970e-07, v51;
	vm0 =	vmand vm7, vm11  }
0x348: {  	vm1 =	vmand vm14, vm13;
	vm7 =	veq.f32 v33, v58;
	vm0 =	vmor vm12, vm0  }
0x349: {  	v52 =	vld [tilespmem:$0x1FC00];
	s26 =	spop (v2sf);
	(v2sf) =	vpush v61, $0xF;
	vm12 =	vgt.f32 v41, v58;
	v32 =	vnsel vm0, $0x0, v30  }
0x34a: {  	v5 =	vnsel vm0, $0x0, v35;
	vm0 =	vmor vm15, vm1;
	s28 =	spop (v2sf);
	(v2sf) =	vpush v62, $0xF  }
0x34b: {  	v39 =	vld [tilespmem:$0x8760];
	vm15 =	veq.f32 v50, v58;
	v4 =	vadd.f32 v4, v32;
	v3 =	vadd.f32 v5, v3  }
0x34c: {  	v48 =	vld [tilespmem:$0x8770];
	v63, _, _ =	vpop (xrf0);
	v40 =	vnsel vm0, $0x0, v37;
	v43 =	vnsel vm0, $0x0, v38;
	vm0 =	vmand vm4, vm6  }
0x34d: {  	v47 =	vld [tilespmem:$0x1FF20];
	s30 =	spop (v2sf);
	(v2sf) =	vpush v63, $0xF;
	vm4 =	vgt.f32 v50, v58;
	v45 =	vpop (erf);
	(erf) = vrcp.f32 v6  }
0x34e: {  	(xrf0) =	vadd.scan.msk.s32 $0xffff, v52;
	v52 =	vld [tilespmem:$0x1FF30];
	s29 =	sadd.s32 s28, s26;
	vm0 =	vmor vm5, vm0;
	v6 =	vadd.f32 $9.999999970e-07, v60;
	vm5 =	veq.f32 v57, v58  }
0x34f: {  	v32 =	vld [tilespmem:$0x1FF00];
	v25 =	vadd.s32 s29, v28;
	v4 =	vadd.f32 v4, v40;
	v3 =	vadd.f32 v43, v3  }
0x350: {  	v38 =	vld [tilespmem:$0x1FF10];
	s5 =	sadd.s32 s30, s29;
	v2 =	vmul.f32 v39, v45;
	v5 =	vnsel vm0, $0x0, v45;
	v53 =	vpop (erf);
	(erf) = vrcp.f32 v1  }
0x351: {  	v28 =	vld [tilespmem:$0x1FC10];
	v0 =	vadd.s32 s5, v0;
	v55 =	vmul.f32 v48, v53;
	(erf) = vrcp.f32 v6  }
0x352: {  	s3 =	sadd.s32 s7, s3;
	v6 =	vadd.f32 $9.999999970e-07, v21;
	v48 =	vsub.f32 $1.000000000e+00, v47;
	v2 =	vnsel vm0, $0x0, v2  }
0x353: {  	s4 =	ssub.s32 s2, s3;
	vm0 =	vmand vm7, vm8;
	v4 =	vadd.f32 v4, v5;
	vm7 =	vgt.f32 v57, v58  }
0x354: {  	v56 =	vld [tilespmem:$0x8840];
	p0 =	sgt.s32 s4, $0x0;
	vm0 =	vmor vm9, vm0;
	v2 =	vadd.f32 v2, v3;
	v33 =	vsub.f32 $1.000000000e+00, v32;
	s31 =	spop (v2sf)  }
0x355: {  	v31 =	vld [tilespmem:$0x1FC20];
	s4 =	simm.s32 @!p0 $0x0;
	v39 =	vsub.f32 $1.000000000e+00, v38;
	v11 =	vadd.f32 $9.999999970e-07, v48;
	v54 =	vnsel vm0, $0x0, v53;
	s6 =	sadd.s32 s31, s5  }
0x356: {  	v22 =	vld [tilespmem:$0x8850];
	v18, _, _ =	vpop (xrf0);
	vm9 =	veq.f32 v20, v58;
	(xrf0) =	vadd.scan.msk.s32 $0xffff, v28;
	v53 =	vsub.f32 $1.000000000e+00, v52;
	v3 =	vadd.f32 v4, v54;
	p0 =	slt.s32 s6, s4  }
0x357: {  	v34 =	vld [tilespmem:$0x1FC30];
	(v2sf) =	vpush v18, $0xF;
	v4 =	vnsel vm0, $0x0, v55;
	v36 =	vadd.f32 $9.999999970e-07, v33;
	s4 =	smov.u32 @p0 s6  }
0x358: {  	v2 =	vadd.f32 v4, v2;
	v19 =	vpop (erf);
	(erf) = vrcp.f32 v6;
	vm11 =	vle.s32 v23, s4  }
0x359: {  	v37 =	vld [tilespmem:$0x1FC40];
	v5 =	vmul.f32 v56, v19;
	vm14 =	vle.s32 v7, s4;
	vm6 =	vle.s32 v25, s4  }
0x35a: {  	(xrf0) =	vadd.scan.msk.s32 $0xffff, v31;
	v24 =	vpop (erf);
	(erf) = vrcp.f32 v36;
	vm1 =	vmand vm10, vm11;
	vm0 =	vmand vm15, vm14  }
0x35b: {  	v27 =	vld [tilespmem:$0x8860];
	v26 =	vmul.f32 v22, v24;
	vm10 =	vle.s32 v0, s4;
	vm11 =	vgt.f32 v20, v58  }
0x35c: {  	v17 =	vld [tilespmem:$0x1FC60];
	(xrf0) =	vadd.scan.msk.s32 $0xffff, v34;
	v0 =	vadd.f32 $9.999999970e-07, v39;
	v43, _, _ =	vpop (xrf0);
	vm15 =	vgt.f32 v32, v58;
	vm13 =	vmor vm12, vm1  }
0x35d: {  	v12 =	vld [tilespmem:$0x1FC50];
	vm0 =	vmor vm4, vm0;
	vm1 =	vmand vm5, vm6;
	s7 =	spop (v2sf);
	(v2sf) =	vpush v43, $0xF  }
0x35e: {  	v49 =	vld [tilespmem:$0x8940];
	(xrf0) =	vadd.scan.msk.s32 $0xffff, v37;
	vm4 =	veq.f32 v38, v58;
	vm6 =	vgt.f32 v38, v58;
	v13 =	vnsel vm13, $0x0, v19  }
0x35f: {  	v62 =	vld [tilespmem:$0x1FF40];
	v30 =	vpop (erf);
	v23 =	vnsel vm13, $0x0, v5;
	v4 =	vnsel vm0, $0x0, v24;
	v29 =	vnsel vm0, $0x0, v26  }
0x360: {  	v50 =	vld [tilespmem:$0x8950];
	v45, _, _ =	vpop (xrf0);
	vm8 =	vmor vm7, vm1;
	v5 =	vmul.f32 v27, v30;
	vm1 =	vmand vm9, vm10  }
0x361: {  	v22 =	vld [tilespmem:$0x1FF50];
	s8 =	spop (v2sf);
	(erf) = vrcp.f32 v0;
	(v2sf) =	vpush v45, $0xF;
	vm13 =	veq.f32 v32, v58  }
0x362: {  	v40 =	vld [tilespmem:$0x8870];
	v46, _, _ =	vpop (xrf0);
	vm9 =	veq.f32 v47, v58;
	vm10 =	vgt.f32 v47, v58;
	(xrf0) =	vadd.scan.msk.s32 $0xffff, v12;
	v3 =	vadd.f32 v3, v13  }
0x363: {  	v26 =	vld [tilespmem:$0x1FF60];
	v2 =	vadd.f32 v23, v2;
	v35 =	vnsel vm8, $0x0, v30;
	vm12 =	vmor vm11, vm1;
	s9 =	sadd.s32 s8, s7;
	s10 =	spop (v2sf)  }
0x364: {  	v20 =	vld [tilespmem:$0x1FC80];
	(v2sf) =	vpush v46, $0xF;
	v42 =	vnsel vm8, $0x0, v5;
	s4 =	sadd.s32 s10, s9;
	v0, _, _ =	vpop (xrf0);
	(xrf0) =	vadd.scan.msk.s32 $0xffff, v17;
	v3 =	vadd.f32 v3, v4  }
0x365: {  	v5 =	vbroadcast v43, $0xF;
	v2 =	vadd.f32 v29, v2;
	v1 =	vadd.s32 s4, v18;
	v18 =	vld [tilespmem:$0x1FC70]  }
0x366: {  	vm11 =	veq.f32 v62, v58;
	v23 =	vsub.f32 $1.000000000e+00, v22;
	v3 =	vadd.f32 v3, v35;
	v41 =	vpop (erf);
	v35 =	vld [tilespmem:$0x1FF70]  }
0x367: {  	s3 =	sadd.s32 s6, s3;
	v5 =	vadd.s32 v45, v5;
	v44 =	vnsel vm12, $0x0, v41;
	v6 =	vmul.f32 v40, v41;
	v51 =	vpop (erf);
	v41 =	vld [tilespmem:$0x1FF80]  }
0x368: {  	s5 =	ssub.s32 s2, s3;
	v2 =	vadd.f32 v42, v2;
	(erf) = vrcp.f32 v11;
	v27 =	vsub.f32 $1.000000000e+00, v26;
	v28, _, _ =	vpop (xrf0)  }
0x369: {  	p0 =	sgt.s32 s5, $0x0;
	v3 =	vadd.f32 v3, v44;
	v54 =	vmul.f32 v49, v51;
	v11 =	vbroadcast v28, $0xF;
	s11 =	spop (v2sf)  }
0x36a: {  	s5 =	simm.s32 @!p0 $0x0;
	v31 =	vadd.f32 $9.999999970e-07, v27;
	(v2sf) =	vpush v0, $0xF;
	v6 =	vnsel vm12, $0x0, v6;
	(xrf0) =	vadd.scan.msk.s32 $0xffff, v18;
	v29, _, _ =	vpop (xrf0);
	s7 =	sadd.s32 s11, s4  }
0x36b: {  	vm12 =	veq.f32 v52, v58;
	v2 =	vadd.f32 v6, v2;
	v56 =	vpop (erf);
	(xrf0) =	vadd.scan.msk.s32 $0xffff, v20;
	v20 =	vadd.s32 v29, v11;
	p0 =	slt.s32 s7, s5  }
0x36c: {  	v10 =	vmul.f32 v50, v56;
	v36 =	vsub.f32 $1.000000000e+00, v35;
	s5 =	smov.u32 @p0 s7;
	v42 =	vsub.f32 $1.000000000e+00, v41  }
0x36d: {  	vm14 =	vle.s32 v61, s5;
	vm5 =	vle.s32 v9, s5;
	v9 =	vadd.f32 $9.999999970e-07, v53  }
0x36e: {  	v61 =	vadd.s32 s9, v63;
	v63 =	vsub.f32 $1.000000000e+00, v62;
	v39 =	vadd.f32 $9.999999970e-07, v36  }
0x36f: {  	v57 =	vld [tilespmem:$0x8960];
	vm1 =	vmand vm13, vm14;
	vm8 =	vle.s32 v61, s5;
	vm13 =	vle.s32 v1, s5  }
0x370: {  	vm14 =	vgt.f32 v52, v58;
	v8 =	vadd.f32 $9.999999970e-07, v42;
	vm0 =	vmor vm15, vm1  }
0x371: {  	vm1 =	vmand vm4, vm5;
	(erf) = vrcp.f32 v9;
	v16 =	vadd.f32 $9.999999970e-07, v63  }
0x372: {  	s12 =	spop (v2sf);
	(v2sf) =	vpush v28, $0xF;
	vm4 =	vgt.f32 v62, v58;
	vm5 =	veq.f32 v22, v58  }
0x373: {  	v15 =	vpop (erf);
	v55 =	vnsel vm0, $0x0, v51;
	v6 =	vnsel vm0, $0x0, v54;
	vm7 =	vmor vm6, vm1  }
0x374: {  	vm1 =	vmand vm9, vm8;
	v9 =	vmul.f32 v57, v15;
	s13 =	spop (v2sf);
	(v2sf) =	vpush v29, $0xF  }
0x375: {  	vm8 =	veq.f32 v26, v58;
	v3 =	vadd.f32 v3, v55;
	v7 =	vnsel vm7, $0x0, v56  }
0x376: {  	v47 =	vld [tilespmem:$0x1FC90];
	v32, _, _ =	vpop (xrf0);
	v2 =	vadd.f32 v6, v2;
	v60 =	vnsel vm7, $0x0, v10;
	(erf) = vrcp.f32 v16  }
0x377: {  	v52 =	vld [tilespmem:$0x1FF90];
	vm1 =	vmor vm10, vm1;
	s14 =	spop (v2sf);
	(v2sf) =	vpush v32, $0xF;
	vm7 =	vgt.f32 v22, v58  }
0x378: {  	v21 =	vld [tilespmem:$0x8970];
	vm10 =	vgt.f32 v26, v58;
	v19 =	vnsel vm1, $0x0, v9;
	v9 =	vadd.f32 $9.999999970e-07, v23  }
0x379: {  	s3 =	sadd.s32 s7, s3;
	s7 =	sadd.s32 s13, s12;
	v6 =	vnsel vm1, $0x0, v15;
	vm1 =	vmand vm12, vm13;
	v2 =	vadd.f32 v60, v2;
	v60 =	vld [tilespmem:$0x1FFA0]  }
0x37a: {  	v49 =	vld [tilespmem:$0x1FCA0];
	s15 =	sadd.s32 s14, s7;
	v4 =	vadd.s32 s7, v46;
	v3 =	vadd.f32 v3, v7;
	(erf) = vrcp.f32 v9  }
0x37b: {  	v30 =	vld [tilespmem:$0x8A40];
	s4 =	ssub.s32 s2, s3;
	vm12 =	veq.f32 v35, v58;
	vm1 =	vmor vm14, vm1;
	v0 =	vadd.s32 s15, v0  }
0x37c: {  	p0 =	sgt.s32 s4, $0x0;
	(xrf0) =	vadd.scan.msk.s32 $0xffff, v47;
	v53 =	vsub.f32 $1.000000000e+00, v52;
	vm14 =	vgt.f32 v35, v58;
	v3 =	vadd.f32 v3, v6;
	s16 =	spop (v2sf);
	v24 =	vpop (erf)  }
0x37d: {  	s4 =	simm.s32 @!p0 $0x0;
	v1, _, _ =	vpop (xrf0);
	v2 =	vadd.f32 v19, v2;
	(erf) = vrcp.f32 v31;
	s6 =	sadd.s32 s16, s15;
	v6 =	vmul.f32 v21, v24  }
0x37e: {  	v51 =	vld [tilespmem:$0x1FCB0];
	(v2sf) =	vpush v1, $0xF;
	v61 =	vsub.f32 $1.000000000e+00, v60;
	v25 =	vnsel vm1, $0x0, v24;
	p0 =	slt.s32 s6, s4  }
0x37f: {  	v38 =	vld [tilespmem:$0x8A50];
	(xrf0) =	vadd.scan.msk.s32 $0xffff, v49;
	v3 =	vadd.f32 v3, v25;
	v33 =	vpop (erf);
	(erf) = vrcp.f32 v39;
	s4 =	smov.u32 @p0 s6;
	v6 =	vnsel vm1, $0x0, v6  }
0x380: {  	v21 =	vld [tilespmem:$0x1FFB0];
	v37 =	vmul.f32 v30, v33;
	vm15 =	vle.s32 v43, s4;
	v2 =	vadd.f32 v6, v2  }
0x381: {  	vm6 =	vle.s32 v5, s4;
	vm9 =	vle.s32 v4, s4;
	vm13 =	vle.s32 v0, s4  }
0x382: {  	v40 =	vld [tilespmem:$0x8A60];
	v55, _, _ =	vpop (xrf0);
	v0 =	vadd.f32 $9.999999970e-07, v53;
	vm0 =	vmand vm11, vm15;
	vm1 =	vmand vm5, vm6  }
0x383: {  	(xrf0) =	vadd.scan.msk.s32 $0xffff, v51;
	v43 =	vpop (erf);
	(erf) = vrcp.f32 v8;
	vm11 =	veq.f32 v41, v58;
	vm6 =	veq.f32 v52, v58  }
0x384: {  	vm0 =	vmor vm4, vm0;
	v45 =	vmul.f32 v38, v43;
	s17 =	spop (v2sf);
	(v2sf) =	vpush v55, $0xF  }
0x385: {  	v57, _, _ =	vpop (xrf0);
	vm4 =	vgt.f32 v41, v58;
	v22 =	vsub.f32 $1.000000000e+00, v21;
	v34 =	vnsel vm0, $0x0, v33  }
0x386: {  	v46 =	vpop (erf);
	v6 =	vnsel vm0, $0x0, v37;
	vm0 =	vmor vm7, vm1;
	vm1 =	vmand vm8, vm9  }
0x387: {  	v48 =	vmul.f32 v40, v46;
	s18 =	spop (v2sf);
	(v2sf) =	vpush v57, $0xF;
	vm7 =	vgt.f32 v52, v58  }
0x388: {  	vm8 =	veq.f32 v60, v58;
	v3 =	vadd.f32 v3, v34;
	v2 =	vadd.f32 v6, v2  }
0x389: {  	v62, _, _ =	vpop (xrf0);
	v38 =	vld [tilespmem:$0x1FFE0];
	v44 =	vnsel vm0, $0x0, v43;
	v4 =	vnsel vm0, $0x0, v45;
	vm1 =	vmor vm10, vm1  }
0x38a: {  	v50 =	vld [tilespmem:$0x8A70];
	(xrf0) =	vadd.scan.msk.s32 $0xffff, v59;
	s20 =	spop (v2sf);
	(v2sf) =	vpush v62, $0xF;
	v23 =	vadd.f32 $9.999999970e-07, v22;
	vm10 =	vgt.f32 v60, v58  }
0x38b: {  	v33 =	vld [tilespmem:$0x1FFD0];
	s19 =	sadd.s32 s18, s17;
	v5 =	vnsel vm1, $0x0, v46;
	v6 =	vnsel vm1, $0x0, v48;
	vm1 =	vmand vm12, vm13  }
0x38c: {  	v27 =	vadd.s32 s19, v32;
	vm12 =	veq.f32 v21, v58;
	v3 =	vadd.f32 v3, v44  }
0x38d: {  	s3 =	sadd.s32 s6, s3;
	v43 =	vld [tilespmem:$0x1FFF0];
	s5 =	sadd.s32 s20, s19;
	v2 =	vadd.f32 v4, v2;
	vm1 =	vmor vm14, vm1;
	v54 =	vpop (erf);
	(erf) = vrcp.f32 v0  }
0x38e: {  	s4 =	ssub.s32 s2, s3;
	v1 =	vadd.s32 s5, v1;
	v0 =	vadd.f32 $9.999999970e-07, v61;
	v39 =	vsub.f32 $1.000000000e+00, v38  }
0x38f: {  	v59 =	vld [tilespmem:$0x8B40];
	p0 =	sgt.s32 s4, $0x0;
	vm14 =	vgt.f32 v21, v58;
	v3 =	vadd.f32 v3, v5;
	v2 =	vadd.f32 v6, v2;
	s21 =	spop (v2sf)  }
0x390: {  	v63, _, _ =	vpop (xrf0);
	s4 =	simm.s32 @!p0 $0x0;
	v56 =	vnsel vm1, $0x0, v54;
	v4 =	vmul.f32 v50, v54;
	v34 =	vsub.f32 $1.000000000e+00, v33;
	s6 =	sadd.s32 s21, s5  }
0x391: {  	v5 =	vbroadcast v55, $0xF;
	(erf) = vrcp.f32 v0;
	(v2sf) =	vpush v63, $0xF;
	p0 =	slt.s32 s6, s4  }
0x392: {  	v19 =	vld [tilespmem:$0x8B50];
	v44 =	vsub.f32 $1.000000000e+00, v43;
	v3 =	vadd.f32 v3, v56;
	v4 =	vnsel vm1, $0x0, v4;
	s4 =	smov.u32 @p0 s6  }
0x393: {  	v17 =	vpop (erf);
	v37 =	vadd.f32 $9.999999970e-07, v34;
	v49 =	vadd.s32 v57, v5;
	vm15 =	vle.s32 v28, s4;
	v28 =	vld [tilespmem:$0x1FFC0]  }
0x394: {  	v2 =	vadd.f32 v4, v2;
	v0 =	vmul.f32 v59, v17;
	v46 =	vadd.f32 $9.999999970e-07, v44  }
0x395: {  	vm5 =	vle.s32 v20, s4;
	vm9 =	vle.s32 v27, s4;
	vm13 =	vle.s32 v1, s4  }
0x396: {  	v1 =	vadd.f32 $9.999999970e-07, v39;
	vm0 =	vmand vm11, vm15;
	v24 =	vpop (erf);
	(erf) = vrcp.f32 v23  }
0x397: {  	v26 =	vld [tilespmem:$0x8B60];
	vm1 =	vmand vm8, vm9;
	vm8 =	vgt.f32 v33, v58;
	vm0 =	vmor vm4, vm0  }
0x398: {  	v25 =	vmul.f32 v19, v24;
	vm11 =	vmor vm10, vm1;
	v29 =	vsub.f32 $1.000000000e+00, v28  }
0x399: {  	vm10 =	veq.f32 v38, v58;
	v18 =	vnsel vm0, $0x0, v17;
	v0 =	vnsel vm0, $0x0, v0  }
0x39a: {  	vm0 =	vmand vm6, vm5;
	vm6 =	veq.f32 v33, v58;
	v9 =	vadd.f32 $9.999999970e-07, v29  }
0x39b: {  	v31 =	vpop (erf);
	v3 =	vadd.f32 v3, v18;
	v0 =	vadd.f32 v0, v2;
	vm0 =	vmor vm7, vm0  }
0x39c: {  	s22 =	spop (v2sf);
	v32 =	vnsel vm11, $0x0, v31;
	v35 =	vmul.f32 v26, v31;
	(erf) = vrcp.f32 v9  }
0x39d: {  	v36 =	vld [tilespmem:$0x8B70];
	s23 =	spop (v2sf);
	v2 =	vnsel vm0, $0x0, v24;
	v30 =	vnsel vm0, $0x0, v25;
	vm0 =	vmand vm12, vm13  }
0x39e: {  	s3 =	sadd.s32 s3, s6;
	s25 =	sadd.s32 s23, s22;
	vm15 =	veq.f32 v28, v58;
	vm5 =	vgt.f32 v28, v58;
	(erf) = vrcp.f32 v37  }
0x39f: {  	s2 =	ssub.s32 s2, s3;
	s24 =	spop (v2sf);
	v54 =	vadd.s32 s25, v62;
	v2 =	vadd.f32 v3, v2;
	(erf) = vrcp.f32 v1  }
0x3a0: {  	p0 =	sgt.s32 s2, $0x0;
	s26 =	sadd.s32 s24, s25;
	vm13 =	veq.f32 v43, v58;
	v0 =	vadd.f32 v30, v0;
	v3 =	vnsel vm11, $0x0, v35;
	s28 =	spop (v2sf)  }
0x3a1: {  	v42 =	vld [tilespmem:$0x8C40];
	s2 =	simm.s32 @!p0 $0x0;
	vm0 =	vmor vm14, vm0;
	v6 =	vadd.s32 s26, v63;
	v2 =	vadd.f32 v2, v32;
	v40 =	vpop (erf);
	s5 =	sadd.s32 s28, s26  }
0x3a2: {  	v0 =	vadd.f32 v3, v0;
	v3 =	vmul.f32 v36, v40;
	(erf) = vrcp.f32 v46;
	p0 =	slt.s32 s5, s2  }
0x3a3: {  	v47 =	vld [tilespmem:$0x8C50];
	vm11 =	vgt.f32 v38, v58;
	vm14 =	vgt.f32 v43, v58;
	v41 =	vnsel vm0, $0x0, v40;
	s2 =	smov.u32 @p0 s5  }
0x3a4: {  	v52 =	vld [tilespmem:$0x8C60];
	v2 =	vadd.f32 v2, v41;
	v45 =	vnsel vm0, $0x0, v3;
	vm4 =	vle.s32 v55, s2  }
0x3a5: {  	v0 =	vadd.f32 v45, v0;
	vm7 =	vle.s32 v49, s2;
	vm0 =	vmand vm15, vm4;
	v48 =	vpop (erf)  }
0x3a6: {  	vm9 =	vle.s32 v54, s2;
	vm0 =	vmor vm5, vm0;
	v4 =	vmul.f32 v42, v48  }
0x3a7: {  	v56 =	vld [tilespmem:$0x8C70];
	vm12 =	vle.s32 v6, s2;
	vm1 =	vmand vm6, vm7;
	v1 =	vnsel vm0, $0x0, v48;
	v51 =	vpop (erf)  }
0x3a8: {  	v1 =	vadd.f32 v2, v1;
	v53 =	vmul.f32 v47, v51;
	v57 =	vpop (erf);
	v50 =	vnsel vm0, $0x0, v4  }
0x3a9: {  	vm0 =	vmor vm8, vm1;
	v4 =	vmul.f32 v52, v57;
	v0 =	vadd.f32 v50, v0  }
0x3aa: {  	v55 =	vnsel vm0, $0x0, v51;
	v5 =	vnsel vm0, $0x0, v53;
	vm0 =	vmand vm10, vm9  }
0x3ab: {  	vm1 =	vmand vm13, vm12;
	v59 =	vpop (erf);
	vm0 =	vmor vm11, vm0;
	v0 =	vadd.f32 v5, v0  }
0x3ac: {  	v3 =	vmul.f32 v56, v59;
	v1 =	vadd.f32 v1, v55;
	v60 =	vnsel vm0, $0x0, v4  }
0x3ad: {  	vm15 =	vmor vm14, vm1;
	v61 =	vnsel vm0, $0x0, v57;
	v0 =	vadd.f32 v60, v0  }
0x3ae: {  	v62 =	vnsel vm15, $0x0, v3;
	v1 =	vadd.f32 v1, v61  }
0x3af: {  	v63 =	vnsel vm15, $0x0, v59;
	v0 =	vadd.f32 v62, v0  }
0x3b0: {  	v1 =	vadd.f32 v1, v63  }
0x3b1: {  	(xrf2) =	vadd.scan.msk.f32 $0xffff, v0  }
0x3b2: {  	(xrf2) =	vadd.scan.msk.f32 $0xffff, v1;
	_ =	sdelay $0x8  }
0x3b3: {  	v0, _, _ =	vpop (xrf2)  }
0x3b4: {  	v1, _, _ =	vpop (xrf2)  }
0x3b5: {  	v1 =	vbroadcast v1, $0xF;
	_ =	sdelay $0x1  }
0x3b6: {  	(erf) = vrcp.f32 v1;
	_ =	sdelay $0x7  }
0x3b7: {  	v0 =	vbroadcast v0, $0xF  }
0x3b8: {  	v1 =	vpop (erf)  }
0x3b9: {  	v0 =	vmul.f32 v0, v1;
	_ =	sdelay $0x1  }
0x3ba: {  	s29 =	simm.s32 $0x0;
	s30 =	simm.s32 $0x8D00;
	s31 =	simm.s32 $0x1;
	[tilespmem:$0x8D00] =	vst v0  }
0x3bb: {  	[hbm4b:s1+s29] =	stream.linear.scatter [tilespmem:s30], [sflag:$0x1], $0x80, $0x38;
	[tilespmem:$0x8D80] =	vst v63  }
0x3bc: {  	_ =	swait.ge [sflag:s31], $0x80  }
0x3bd: {  	[sflag:s31] =	ssyncset.done $0x0  }
0x3be: {  	[sflag:s31] =	ssyncadd.s32 $0xFFFFFF80  }
0x3bf: {  	_ =	sfence.sel $0x180000  }
0x3c0: {  	[bflag:$0x0] =	sbarrier.arrive $0xFFFF  }
0x3c1: {  	_ =	strace $0x90000047  }
0x3c2: {  	s0 =	sadd.s32 $0x100000, s0;
	[bflag:$0x2] =	sbarrier.arrive $0xFFFF  }
0x3c3: {  	[sflag:s0] =	ssyncadd.tile.s32 $0x1;
	_ =	shalt  }
.Lfunc_end2:
_tile_overlayer_lowered:
.L_overlay_start_2:
0x3c4: {  	(tag) =	ssettag $0x2  }
0x3c5: {  	s0 =	rddreg [dreg:$0x0];
	s2 =	stileid.u32  }
0x3c6: {  	s1 =	rddreg [dreg:$0x1];
	p0 =	sne.s32 s2, $0x0  }
0x3c7: {  	s3 =	rddreg [dreg:$0x2];
	[bflag:$0x3] =	sbarrier.arrive $0xFFFF;
	s2 =	simm.s32 @!p0 $0x1C01  }
0x3c8: {  	[timem:s3], [sflag:s2] =	dma.local @!p0 [hbm:s0], s1  }
0x3c9: {  	s0 =	simm.s32 @!p0 $0x1  }
0x3ca: {  	_ =	swait.ge @!p0 [sflag:s0], s1  }
0x3cb: {  	s1 =	ssub.s32 @!p0 $0x0, s1;
	[sflag:s0] =	ssyncset.done @!p0 $0x0  }
0x3cc: {  	[sflag:s0] =	ssyncadd.s32 @!p0 s1  }
0x3cd: {  	[bflag:$0x3] =	sbarrier.arrive $0xFFFF  }
0x3ce: {  	_ =	shalt  }

</sc_bundles>
